<compile_context>
chip_gen: v7x
topology: tpu7x:2x2x1
jax: 0.10.2.dev20260603
libtpu: 0.0.44.dev20260713+nightly
codegen_flags: <defaults>
</compile_context>

<pallas_src>
import jax
import jax.numpy as jnp
from jax import lax
from jax.experimental import pallas as pl
from jax.experimental.pallas import tpu as pltpu
from jax.experimental.pallas import tpu_sc as plsc

N = 10000
E = 320000
D = 128
H = 128
WPAD = 144
NC = 2
NS = 16
NW = NC * NS
EW = E // NW
CH = 64
NCHUNK = EW // CH
TAIL = EW - NCHUNK * CH
CE = 256
NCE = -(-EW // CE)
RPT = N // NS

_TAKE_DNUMS = lax.GatherDimensionNumbers(
    offset_dims=(), collapsed_slice_dims=(0,), start_index_map=(0,))


def _take16(x, idx):
    return lax.gather(x, idx[:, None], _TAKE_DNUMS, slice_sizes=(1,),
                      mode=lax.GatherScatterMode.PROMISE_IN_BOUNDS)


_MESH = plsc.VectorSubcoreMesh(
    core_axis_name="c", subcore_axis_name="s", num_cores=NC, num_subcores=NS)
_SC_PARAMS = pltpu.CompilerParams(
    use_tc_tiling_on_sc=False, needs_layout_passes=False)


def _make_sc_scatter(W):

    def body(table, src, dst, out0, out1, srcb, dstb, gb0, gb1, acc,
             sg0, sg1, sa0, sa1):
        c = lax.axis_index("c")
        s = lax.axis_index("s")
        wid = c * NS + s

        def zrow(r, _):
            for cb in range(W // 16):
                gb0[r, pl.ds(cb * 16, 16)] = jnp.zeros((16,), jnp.float32)
            return 0
        lax.fori_loop(0, CH, zrow, 0)
        for kz in range(RPT // CH):
            pltpu.sync_copy(gb0, acc.at[pl.ds(s * RPT + kz * CH, CH)])
        pltpu.sync_copy(gb0.at[pl.ds(0, RPT % CH)],
                        acc.at[pl.ds(s * RPT + (RPT // CH) * CH, RPT % CH)])

        pltpu.sync_copy(src.at[pl.ds(wid * EW, EW)], srcb)
        pltpu.sync_copy(dst.at[pl.ds(wid * EW, EW)], dstb)
        plsc.subcore_barrier()

        bufs = ((gb0, sg0, sa0), (gb1, sg1, sa1))

        def gidx(k):
            return srcb.at[pl.ds(k * CH, CH)]

        def aidx(k):
            return dstb.at[pl.ds(k * CH, CH)]

        pltpu.async_copy(table.at[gidx(0)], gb0, sg0)

        def pair(p, _):
            for b in range(2):
                k = p * 2 + b
                buf, sg, sa = bufs[b]
                obuf, osg, osa = bufs[1 - b]
                pltpu.make_async_copy(table.at[gidx(k)], buf, sg).wait()
                @pl.when(k >= 1)
                def _():
                    pltpu.make_async_copy(obuf, acc.at[aidx(k - 1)], osa).wait()
                @pl.when(k + 1 < NCHUNK)
                def _():
                    pltpu.async_copy(table.at[gidx(k + 1)], obuf, osg)
                pltpu.async_copy(buf, acc.at[aidx(k)], sa, add=True)
            return 0
        lax.fori_loop(0, NCHUNK // 2, pair, 0)
        tb = NCHUNK * CH
        pltpu.sync_copy(table.at[srcb.at[pl.ds(tb, TAIL)]],
                        gb0.at[pl.ds(0, TAIL)])
        pltpu.sync_copy(gb0.at[pl.ds(0, TAIL)],
                        acc.at[dstb.at[pl.ds(tb, TAIL)]], add=True)
        pltpu.make_async_copy(gb1, acc.at[aidx(NCHUNK - 1)], sa1).wait()
        plsc.subcore_barrier()

        rows = pl.ds(s * RPT, RPT)

        @pl.when(c == 0)
        def _():
            pltpu.sync_copy(acc.at[rows], out0.at[rows])

        @pl.when(c == 1)
        def _():
            pltpu.sync_copy(acc.at[rows], out1.at[rows])

    sds = jax.ShapeDtypeStruct((N, W), jnp.float32)
    return pl.kernel(
        body,
        out_type=(sds, sds),
        mesh=_MESH,
        compiler_params=_SC_PARAMS,
        scratch_types=[
            pltpu.VMEM((EW,), jnp.int32),
            pltpu.VMEM((EW,), jnp.int32),
            pltpu.VMEM((CH, W), jnp.float32),
            pltpu.VMEM((CH, W), jnp.float32),
            pltpu.VMEM_SHARED((N, W), jnp.float32),
            pltpu.SemaphoreType.DMA,
            pltpu.SemaphoreType.DMA,
            pltpu.SemaphoreType.DMA,
            pltpu.SemaphoreType.DMA,
        ],
    )


_sc_scatter_144 = _make_sc_scatter(WPAD)
_sc_scatter_128 = _make_sc_scatter(H)


def _edge_body(psrc, pdst, src, dst, ew, par, out,
               srcb, dstb, wb, bS0, bS1, bD0, bD1,
               pvbuf, ob0, ob1,
               ss0, ss1, sd0, sd1, so0, so1):
    c = lax.axis_index("c")
    s = lax.axis_index("s")
    wid = c * NS + s
    pltpu.sync_copy(par, pvbuf)
    ebase = wid * EW
    pltpu.sync_copy(src.at[pl.ds(ebase, EW)], srcb)
    pltpu.sync_copy(dst.at[pl.ds(ebase, EW)], dstb)
    pltpu.sync_copy(ew.at[pl.ds(ebase, EW)], wb)
    lanes = lax.iota(jnp.int32, 16)

    def off(k):
        return jnp.minimum(k * CE, EW - CE)

    def sidx(k):
        return srcb.at[pl.ds(off(k), CE)]

    def didx(k):
        return dstb.at[pl.ds(off(k), CE)]

    av = [pvbuf[pl.ds(c * 16, 16)] for c in range(4)]
    bv = [pvbuf[pl.ds(64 + c * 16, 16)] for c in range(4)]
    cv = [pvbuf[pl.ds(128 + c * 16, 16)] for c in range(4)]
    bev = pvbuf[pl.ds(192, 16)]
    perms = [lanes ^ dd for dd in (8, 4, 2, 1)]

    bufs = ((bS0, bD0, ob0, ss0, sd0, so0), (bS1, bD1, ob1, ss1, sd1, so1))
    pltpu.async_copy(psrc.at[sidx(0)], bS0, ss0)
    pltpu.async_copy(pdst.at[didx(0)], bD0, sd0)

    def pair(p, _):
        for b in range(2):
            k = p * 2 + b
            bS, bD, ob, ss, sd, so = bufs[b]
            oS, oD, oob, oss, osd, oso = bufs[1 - b]
            pltpu.make_async_copy(psrc.at[sidx(k)], bS, ss).wait()
            pltpu.make_async_copy(pdst.at[didx(k)], bD, sd).wait()

            @pl.when(k + 1 < NCE)
            def _():
                pltpu.async_copy(psrc.at[sidx(k + 1)], oS, oss)
                pltpu.async_copy(pdst.at[didx(k + 1)], oD, osd)

            @pl.when(k >= 2)
            def _():
                pltpu.make_async_copy(ob, out.at[pl.ds(off(k - 2) + ebase, CE)],
                                      so).wait()
            ko = off(k)

            def grp(g, _):
                gb = g * 16
                w16 = wb[pl.ds(ko + gb, 16)]
                s16 = srcb[pl.ds(ko + gb, 16)]
                d16 = dstb[pl.ds(ko + gb, 16)]
                res = bev
                for el in range(16):
                    e = gb + el
                    wv = jnp.full((16,), w16[el], jnp.float32)
                    p16 = None
                    for cc in range(4):
                        gs = bS[e, pl.ds(cc * 16, 16)]
                        gd = bD[e, pl.ds(cc * 16, 16)]
                        t = jnp.maximum((gs + gd) + (wv * av[cc] + bv[cc]), 0.0)
                        tc = t * cv[cc]
                        p16 = tc if p16 is None else p16 + tc
                    for pm in perms:
                        p16 = p16 + _take16(p16, pm)
                    res = jnp.where(lanes == el, p16, res)
                logit = jnp.where(s16 == d16, jnp.float32(-1e9), res)
                ob[pl.ds(gb, 16)] = logit
                return 0
            lax.fori_loop(0, CE // 16, grp, 0)
            pltpu.async_copy(ob, out.at[pl.ds(ko + ebase, CE)], so)
        return 0
    lax.fori_loop(0, NCE // 2, pair, 0)
    pltpu.make_async_copy(ob0, out.at[pl.ds(off(NCE - 2) + ebase, CE)], so0).wait()
    pltpu.make_async_copy(ob1, out.at[pl.ds(off(NCE - 1) + ebase, CE)], so1).wait()


_sc_edge = pl.kernel(
    _edge_body,
    out_type=jax.ShapeDtypeStruct((E,), jnp.float32),
    mesh=_MESH,
    compiler_params=_SC_PARAMS,
    scratch_types=[
        pltpu.VMEM((EW,), jnp.int32),
        pltpu.VMEM((EW,), jnp.int32),
        pltpu.VMEM((EW,), jnp.float32),
        pltpu.VMEM((CE, 64), jnp.float32),
        pltpu.VMEM((CE, 64), jnp.float32),
        pltpu.VMEM((CE, 64), jnp.float32),
        pltpu.VMEM((CE, 64), jnp.float32),
        pltpu.VMEM((256,), jnp.float32),
        pltpu.VMEM((CE,), jnp.float32),
        pltpu.VMEM((CE,), jnp.float32),
        pltpu.SemaphoreType.DMA,
        pltpu.SemaphoreType.DMA,
        pltpu.SemaphoreType.DMA,
        pltpu.SemaphoreType.DMA,
        pltpu.SemaphoreType.DMA,
        pltpu.SemaphoreType.DMA,
    ],
)


BR = 1000


def _tc1_body(x, p0, p1, w1s, w1n, b1, h1, deg):
    d = jnp.clip(p0[:, 128:129] + p1[:, 128:129], 1.0, None)
    agg = (p0[:, :128] + p1[:, :128]) / d
    h = x[...] @ w1s[...] + agg @ w1n[...] + b1[...]
    h1[...] = jnp.maximum(h, 0.0)
    deg[...] = d


def _tc1(x, p0, p1, w1s, w1n, b1):
    return pl.pallas_call(
        _tc1_body,
        grid=(N // BR,),
        in_specs=[
            pl.BlockSpec((BR, D), lambda i: (i, 0)),
            pl.BlockSpec((BR, WPAD), lambda i: (i, 0)),
            pl.BlockSpec((BR, WPAD), lambda i: (i, 0)),
            pl.BlockSpec((D, H), lambda i: (0, 0)),
            pl.BlockSpec((D, H), lambda i: (0, 0)),
            pl.BlockSpec((1, H), lambda i: (0, 0)),
        ],
        out_specs=[
            pl.BlockSpec((BR, H), lambda i: (i, 0)),
            pl.BlockSpec((BR, 1), lambda i: (i, 0)),
        ],
        out_shape=[
            jax.ShapeDtypeStruct((N, H), jnp.float32),
            jax.ShapeDtypeStruct((N, 1), jnp.float32),
        ],
    )(x, p0, p1, w1s, w1n, b1)


def _tc2_body(h1, q0, q1, deg, w2s, w2n, b2, we1a, we1b,
              wb1, bb1, wb2, bb2, wk1, bk1, wk2, bk2,
              psrc, pdst, bx, kc, ks):
    agg = (q0[...] + q1[...]) / deg[...]
    h2 = jnp.maximum(h1[...] @ w2s[...] + agg @ w2n[...] + b2[...], 0.0)
    psrc[...] = h2 @ we1a[...]
    pdst[...] = h2 @ we1b[...]
    tb = jnp.maximum(h2 @ wb1[...] + bb1[...], 0.0)
    bx[...] = tb @ wb2[...] + bb2[...]
    tk = jnp.maximum(h2 @ wk1[...] + bk1[...], 0.0)
    kl = tk @ wk2[...] + bk2[...]
    kcv = 1.0 + 7.0 * jax.nn.sigmoid(kl)
    kd = jnp.clip(jnp.round(kcv), 1.0, 8.0)
    kc[...] = kcv
    ks[...] = kcv + (kd - kcv)


def _tc2(h1, q0, q1, deg, pr):
    full = lambda a, b: pl.BlockSpec((a, b), lambda i: (0, 0))
    row = lambda b: pl.BlockSpec((BR, b), lambda i: (i, 0))
    return pl.pallas_call(
        _tc2_body,
        grid=(N // BR,),
        in_specs=[
            row(H), row(H), row(H), row(1),
            full(H, H), full(H, H), full(1, H),
            full(H, 64), full(H, 64),
            full(H, 64), full(1, 64), full(64, 2), full(1, 2),
            full(H, 32), full(1, 32), full(32, 1), full(1, 1),
        ],
        out_specs=[row(64), row(64), row(2), row(1), row(1)],
        out_shape=[
            jax.ShapeDtypeStruct((N, 64), jnp.float32),
            jax.ShapeDtypeStruct((N, 64), jnp.float32),
            jax.ShapeDtypeStruct((N, 2), jnp.float32),
            jax.ShapeDtypeStruct((N, 1), jnp.float32),
            jax.ShapeDtypeStruct((N, 1), jnp.float32),
        ],
    )(h1, q0, q1, deg, pr['W2s'], pr['W2n'], pr['b2'].reshape(1, H),
      pr['We1'][:H], pr['We1'][H:2 * H],
      pr['Wb1'], pr['bb1'].reshape(1, 64), pr['Wb2'], pr['bb2'].reshape(1, 2),
      pr['Wk1'], pr['bk1'].reshape(1, 32), pr['Wk2'], pr['bk2'].reshape(1, 1))


def kernel(x, edge_index, edge_weight, params):
    src = edge_index[0].astype(jnp.int32)
    dst = edge_index[1].astype(jnp.int32)
    xpad = jnp.concatenate(
        [x, jnp.ones((N, 1), jnp.float32),
         jnp.zeros((N, WPAD - D - 1), jnp.float32)], axis=1)

    p0, p1 = _sc_scatter_144(xpad, src, dst)
    h1, deg = _tc1(x, p0, p1, params['W1s'], params['W1n'],
                   params['b1'].reshape(1, H))
    q0, q1 = _sc_scatter_128(h1, src, dst)
    psrc, pdst, bx, kc, ks = _tc2(h1, q0, q1, deg, params)

    par = jnp.concatenate([
        params['We1'][2 * H],
        params['be1'],
        params['We2'][:, 0],
        jnp.broadcast_to(params['be2'], (64,)),
    ]).astype(jnp.float32)
    logits = _sc_edge(psrc, pdst, src, dst, edge_weight, par)

    return (logits, bx, kc[:, 0], ks[:, 0])

# --- scband reference (transcript-rebuilt; emitter-appended) ---
"""Pipeline reference for scband-amgedge-policy-68676527063441 (READ-ONLY COPY).

The authoritative reference and input builder live on the scoring server;
editing this copy changes nothing except your own understanding.
"""

import jax, jax.numpy as jnp
import numpy as np

N = 10000
E = 320000
D = 128
H = 128
B_EXTRA = 2
K_MIN = 1.0
K_MAX = 8.0


def _lin(key, fan_in, fan_out):
    kw, kb = jax.random.split(key)
    W = jax.random.normal(kw, (fan_in, fan_out), jnp.float32) * (1.0 / np.sqrt(fan_in))
    b = jnp.zeros((fan_out,), jnp.float32)
    return W, b


def setup_inputs(seed: int = 0) -> dict:
    key = jax.random.key(seed)
    ks = jax.random.split(key, 12)
    x = jax.random.normal(ks[0], (N, D), jnp.float32)
    edge_index = jax.random.randint(ks[1], (2, E), 0, N)
    edge_weight = jax.random.normal(ks[2], (E,), jnp.float32)
    params = {}
    # backbone: 2-layer mean-aggregation message passing
    params['W1s'], params['b1'] = _lin(ks[3], D, H)
    params['W1n'], _ = _lin(ks[4], D, H)
    params['W2s'], params['b2'] = _lin(ks[5], H, H)
    params['W2n'], _ = _lin(ks[6], H, H)
    # edge MLP on concat([h_src, h_dst, edge_weight]) -> feat_dim = 2H + 1
    params['We1'], params['be1'] = _lin(ks[7], 2 * H + 1, 64)
    params['We2'], params['be2'] = _lin(ks[8], 64, 1)
    # B head: H -> 64 -> B_extra
    params['Wb1'], params['bb1'] = _lin(ks[9], H, 64)
    params['Wb2'], params['bb2'] = _lin(ks[10], 64, B_EXTRA)
    # k head: H -> 32 -> 1
    kk = jax.random.split(ks[11], 2)
    params['Wk1'], params['bk1'] = _lin(kk[0], H, 32)
    params['Wk2'], params['bk2'] = _lin(kk[1], 32, 1)
    return {'x': x, 'edge_index': edge_index, 'edge_weight': edge_weight, 'params': params}


def reference(x, edge_index, edge_weight, params):
    n = x.shape[0]
    src = edge_index[0]
    dst = edge_index[1]
    ones = jnp.ones((src.shape[0],), jnp.float32)
    deg = jax.ops.segment_sum(ones, dst, num_segments=n)
    deg = jnp.clip(deg, 1.0, None)[:, None]
    # backbone layer 1 (gather messages from src, scatter-mean to dst)
    agg1 = jax.ops.segment_sum(jnp.take(x, src, axis=0), dst, num_segments=n) / deg
    h = jax.nn.relu(x @ params['W1s'] + agg1 @ params['W1n'] + params['b1'])
    # backbone layer 2
    agg2 = jax.ops.segment_sum(jnp.take(h, src, axis=0), dst, num_segments=n) / deg
    h = jax.nn.relu(h @ params['W2s'] + agg2 @ params['W2n'] + params['b2'])
    # edge feature encoder: [h_src, h_dst, edge_weight]
    edge_feat = jnp.concatenate([jnp.take(h, src, axis=0), jnp.take(h, dst, axis=0), edge_weight[:, None]], axis=-1)
    # edge MLP -> logits
    e = jax.nn.relu(edge_feat @ params['We1'] + params['be1'])
    logits = (e @ params['We2'] + params['be2'])[:, 0]
    diag = src == dst
    logits = jnp.where(diag, -1000000000.0, logits)
    # B head
    B_extra = jax.nn.relu(h @ params['Wb1'] + params['bb1']) @ params['Wb2'] + params['bb2']
    # k head (temperature = 1.0)
    k_logits = (jax.nn.relu(h @ params['Wk1'] + params['bk1']) @ params['Wk2'] + params['bk2'])[:, 0]
    k_continuous = K_MIN + (K_MAX - K_MIN) * jax.nn.sigmoid(k_logits / 1.0)
    k_discrete = jnp.clip(jnp.round(k_continuous), K_MIN, K_MAX)
    k_ste = k_continuous + jax.lax.stop_gradient(k_discrete - k_continuous)
    return (logits, B_extra, k_continuous, k_ste)

if __name__ == "__main__":
    import jax
    _d = setup_inputs()
    print(jax.jit(kernel)(*tuple(_d.values())))

</pallas_src>

<mosaic_0001>
#map = affine_map<(d0, d1) -> (0, 0)>
#map1 = affine_map<(d0, d1) -> (0)>
module attributes {stable_mosaic.version = 14 : i64} {
  func.func @body(%arg0: i32, %arg1: i32, %arg2: memref<10000x128xf32, #tpu.memory_space<hbm>>, %arg3: memref<320000xi32, #tpu.memory_space<hbm>>, %arg4: memref<320000xi32, #tpu.memory_space<hbm>>, %arg5: memref<10000x128xf32, #tpu.memory_space<hbm>>, %arg6: memref<10000x128xf32, #tpu.memory_space<hbm>>, %arg7: memref<10000xi32, #tpu.memory_space<vmem>>, %arg8: memref<10000xi32, #tpu.memory_space<vmem>>, %arg9: memref<64x128xf32, #tpu.memory_space<vmem>>, %arg10: memref<64x128xf32, #tpu.memory_space<vmem>>, %arg11: memref<10000x128xf32, #tpu.memory_space<vmem_shared>>, %arg12: memref<!tpu.dma_semaphore, #tpu.memory_space<semaphore_mem>>, %arg13: memref<!tpu.dma_semaphore, #tpu.memory_space<semaphore_mem>>, %arg14: memref<!tpu.dma_semaphore, #tpu.memory_space<semaphore_mem>>, %arg15: memref<!tpu.dma_semaphore, #tpu.memory_space<semaphore_mem>>) attributes {dimension_semantics = [#tpu.dimension_semantics<core_parallel>, #tpu.dimension_semantics<subcore_parallel>], iteration_bounds = array<i64: 2, 16>, scalar_prefetch = 0 : i64, scratch_operands = 9 : i64, tpu.core_type = #tpu.core_type<sc_vector_subcore>, window_params = [{transform_indices = #map}, {transform_indices = #map1}, {transform_indices = #map1}, {transform_indices = #map}, {transform_indices = #map}]} {
    %mul3A = arith.constant 16 : i32
    %mul3A_0 = arith.muli %arg0, %mul3A : i32
    %add3A = arith.addi %mul3A_0, %arg1 : i32
    %scan3A = arith.constant 0 : i32
    %scan3A_1 = arith.constant 0 : i32
    %scan3A_2 = arith.constant 64 : i32
    %scan3A_3 = arith.addi %scan3A_1, %scan3A_2 : i32
    %scan3A_4 = arith.constant 1 : i32
    %scan3A_5 = scf.for %scan3A_76 = %scan3A_1 to %scan3A_3 step %scan3A_4 iter_args(%scan3A_77 = %scan3A) -> (i32)  : i32 {
      %broadcast_in_dim3A = arith.constant 0.000000e+00 : f32
      %broadcast_in_dim3A_78 = vector.broadcast %broadcast_in_dim3A : f32 to vector<16xf32>
      %swap3A = arith.index_cast %scan3A_76 : i32 to index
      %swap3A_79 = arith.constant 0 : index
      %swap3A_80 = tpu.vector_load %arg9[%swap3A, %swap3A_79] {strides = array<i32>} : memref<64x128xf32, #tpu.memory_space<vmem>>, vector<16xf32>,
      tpu.vector_store %arg9[%swap3A, %swap3A_79], %broadcast_in_dim3A_78 {strides = array<i32>} : memref<64x128xf32, #tpu.memory_space<vmem>>, vector<16xf32>,
      %broadcast_in_dim3A_81 = arith.constant 0.000000e+00 : f32
      %broadcast_in_dim3A_82 = vector.broadcast %broadcast_in_dim3A_81 : f32 to vector<16xf32>
      %swap3A_83 = arith.index_cast %scan3A_76 : i32 to index
      %swap3A_84 = arith.constant 16 : index
      %swap3A_85 = tpu.vector_load %arg9[%swap3A_83, %swap3A_84] {strides = array<i32>} : memref<64x128xf32, #tpu.memory_space<vmem>>, vector<16xf32>,
      tpu.vector_store %arg9[%swap3A_83, %swap3A_84], %broadcast_in_dim3A_82 {strides = array<i32>} : memref<64x128xf32, #tpu.memory_space<vmem>>, vector<16xf32>,
      %broadcast_in_dim3A_86 = arith.constant 0.000000e+00 : f32
      %broadcast_in_dim3A_87 = vector.broadcast %broadcast_in_dim3A_86 : f32 to vector<16xf32>
      %swap3A_88 = arith.index_cast %scan3A_76 : i32 to index
      %swap3A_89 = arith.constant 32 : index
      %swap3A_90 = tpu.vector_load %arg9[%swap3A_88, %swap3A_89] {strides = array<i32>} : memref<64x128xf32, #tpu.memory_space<vmem>>, vector<16xf32>,
      tpu.vector_store %arg9[%swap3A_88, %swap3A_89], %broadcast_in_dim3A_87 {strides = array<i32>} : memref<64x128xf32, #tpu.memory_space<vmem>>, vector<16xf32>,
      %broadcast_in_dim3A_91 = arith.constant 0.000000e+00 : f32
      %broadcast_in_dim3A_92 = vector.broadcast %broadcast_in_dim3A_91 : f32 to vector<16xf32>
      %swap3A_93 = arith.index_cast %scan3A_76 : i32 to index
      %swap3A_94 = arith.constant 48 : index
      %swap3A_95 = tpu.vector_load %arg9[%swap3A_93, %swap3A_94] {strides = array<i32>} : memref<64x128xf32, #tpu.memory_space<vmem>>, vector<16xf32>,
      tpu.vector_store %arg9[%swap3A_93, %swap3A_94], %broadcast_in_dim3A_92 {strides = array<i32>} : memref<64x128xf32, #tpu.memory_space<vmem>>, vector<16xf32>,
      %broadcast_in_dim3A_96 = arith.constant 0.000000e+00 : f32
      %broadcast_in_dim3A_97 = vector.broadcast %broadcast_in_dim3A_96 : f32 to vector<16xf32>
      %swap3A_98 = arith.index_cast %scan3A_76 : i32 to index
      %swap3A_99 = arith.constant 64 : index
      %swap3A_100 = tpu.vector_load %arg9[%swap3A_98, %swap3A_99] {strides = array<i32>} : memref<64x128xf32, #tpu.memory_space<vmem>>, vector<16xf32>,
      tpu.vector_store %arg9[%swap3A_98, %swap3A_99], %broadcast_in_dim3A_97 {strides = array<i32>} : memref<64x128xf32, #tpu.memory_space<vmem>>, vector<16xf32>,
      %broadcast_in_dim3A_101 = arith.constant 0.000000e+00 : f32
      %broadcast_in_dim3A_102 = vector.broadcast %broadcast_in_dim3A_101 : f32 to vector<16xf32>
      %swap3A_103 = arith.index_cast %scan3A_76 : i32 to index
      %swap3A_104 = arith.constant 80 : index
      %swap3A_105 = tpu.vector_load %arg9[%swap3A_103, %swap3A_104] {strides = array<i32>} : memref<64x128xf32, #tpu.memory_space<vmem>>, vector<16xf32>,
      tpu.vector_store %arg9[%swap3A_103, %swap3A_104], %broadcast_in_dim3A_102 {strides = array<i32>} : memref<64x128xf32, #tpu.memory_space<vmem>>, vector<16xf32>,
      %broadcast_in_dim3A_106 = arith.constant 0.000000e+00 : f32
      %broadcast_in_dim3A_107 = vector.broadcast %broadcast_in_dim3A_106 : f32 to vector<16xf32>
      %swap3A_108 = arith.index_cast %scan3A_76 : i32 to index
      %swap3A_109 = arith.constant 96 : index
      %swap3A_110 = tpu.vector_load %arg9[%swap3A_108, %swap3A_109] {strides = array<i32>} : memref<64x128xf32, #tpu.memory_space<vmem>>, vector<16xf32>,
      tpu.vector_store %arg9[%swap3A_108, %swap3A_109], %broadcast_in_dim3A_107 {strides = array<i32>} : memref<64x128xf32, #tpu.memory_space<vmem>>, vector<16xf32>,
      %broadcast_in_dim3A_111 = arith.constant 0.000000e+00 : f32
      %broadcast_in_dim3A_112 = vector.broadcast %broadcast_in_dim3A_111 : f32 to vector<16xf32>
      %swap3A_113 = arith.index_cast %scan3A_76 : i32 to index
      %swap3A_114 = arith.constant 112 : index
      %swap3A_115 = tpu.vector_load %arg9[%swap3A_113, %swap3A_114] {strides = array<i32>} : memref<64x128xf32, #tpu.memory_space<vmem>>, vector<16xf32>,
      tpu.vector_store %arg9[%swap3A_113, %swap3A_114], %broadcast_in_dim3A_112 {strides = array<i32>} : memref<64x128xf32, #tpu.memory_space<vmem>>, vector<16xf32>,
      %scan3A_116 = arith.constant 0 : i32
      scf.yield %scan3A_116 : i32
    }
    %scan3A_6 = arith.constant 64 : i32
    %mul3A_7 = arith.constant 625 : i32
    %mul3A_8 = arith.muli %arg1, %mul3A_7 : i32
    %add3A_9 = arith.constant 0 : i32
    %add3A_10 = arith.addi %mul3A_8, %add3A_9 : i32
    "tpu.region"() ({
      %run_scoped3A = tpu.sem_alloc : memref<!tpu.dma_semaphore, #tpu.memory_space<semaphore_mem>>
      %dma_start3A_76 = arith.constant 0 : i32
      %dma_start3A_77 = tpu.memref_slice %arg11[%add3A_10, %dma_start3A_76] : memref<10000x128xf32, #tpu.memory_space<vmem_shared>> -> memref<64x128xf32, #tpu.memory_space<vmem_shared>>
      %dma_start3A_78 = arith.constant 0 : i32
      %dma_start3A_79 = tpu.memref_slice %arg11[%add3A_10, %dma_start3A_78] : memref<10000x128xf32, #tpu.memory_space<vmem_shared>> -> memref<64x128xf32, #tpu.memory_space<vmem_shared>>
      tpu.enqueue_dma source(%arg9 : memref<64x128xf32, #tpu.memory_space<vmem>>) target(%dma_start3A_79 : memref<64x128xf32, #tpu.memory_space<vmem_shared>>) target_semaphore(%run_scoped3A : memref<!tpu.dma_semaphore, #tpu.memory_space<semaphore_mem>>)
      %dma_wait3A_80 = arith.constant 0 : i32
      %dma_wait3A_81 = tpu.memref_slice %arg11[%add3A_10, %dma_wait3A_80] : memref<10000x128xf32, #tpu.memory_space<vmem_shared>> -> memref<64x128xf32, #tpu.memory_space<vmem_shared>>
      %dma_wait3A_82 = arith.constant 0 : i32
      %dma_wait3A_83 = tpu.memref_slice %arg11[%add3A_10, %dma_wait3A_82] : memref<10000x128xf32, #tpu.memory_space<vmem_shared>> -> memref<64x128xf32, #tpu.memory_space<vmem_shared>>
      tpu.wait_dma2 semaphore(%run_scoped3A : memref<!tpu.dma_semaphore, #tpu.memory_space<semaphore_mem>>) src(%arg9 : memref<64x128xf32, #tpu.memory_space<vmem>>) dst(%dma_wait3A_83 : memref<64x128xf32, #tpu.memory_space<vmem_shared>>)
      tpu.yield
    }) : () -> ()
    %mul3A_11 = arith.constant 625 : i32
    %mul3A_12 = arith.muli %arg1, %mul3A_11 : i32
    %add3A_13 = arith.constant 64 : i32
    %add3A_14 = arith.addi %mul3A_12, %add3A_13 : i32
    "tpu.region"() ({
      %run_scoped3A = tpu.sem_alloc : memref<!tpu.dma_semaphore, #tpu.memory_space<semaphore_mem>>
      %dma_start3A_76 = arith.constant 0 : i32
      %dma_start3A_77 = tpu.memref_slice %arg11[%add3A_14, %dma_start3A_76] : memref<10000x128xf32, #tpu.memory_space<vmem_shared>> -> memref<64x128xf32, #tpu.memory_space<vmem_shared>>
      %dma_start3A_78 = arith.constant 0 : i32
      %dma_start3A_79 = tpu.memref_slice %arg11[%add3A_14, %dma_start3A_78] : memref<10000x128xf32, #tpu.memory_space<vmem_shared>> -> memref<64x128xf32, #tpu.memory_space<vmem_shared>>
      tpu.enqueue_dma source(%arg9 : memref<64x128xf32, #tpu.memory_space<vmem>>) target(%dma_start3A_79 : memref<64x128xf32, #tpu.memory_space<vmem_shared>>) target_semaphore(%run_scoped3A : memref<!tpu.dma_semaphore, #tpu.memory_space<semaphore_mem>>)
      %dma_wait3A_80 = arith.constant 0 : i32
      %dma_wait3A_81 = tpu.memref_slice %arg11[%add3A_14, %dma_wait3A_80] : memref<10000x128xf32, #tpu.memory_space<vmem_shared>> -> memref<64x128xf32, #tpu.memory_space<vmem_shared>>
      %dma_wait3A_82 = arith.constant 0 : i32
      %dma_wait3A_83 = tpu.memref_slice %arg11[%add3A_14, %dma_wait3A_82] : memref<10000x128xf32, #tpu.memory_space<vmem_shared>> -> memref<64x128xf32, #tpu.memory_space<vmem_shared>>
      tpu.wait_dma2 semaphore(%run_scoped3A : memref<!tpu.dma_semaphore, #tpu.memory_space<semaphore_mem>>) src(%arg9 : memref<64x128xf32, #tpu.memory_space<vmem>>) dst(%dma_wait3A_83 : memref<64x128xf32, #tpu.memory_space<vmem_shared>>)
      tpu.yield
    }) : () -> ()
    %mul3A_15 = arith.constant 625 : i32
    %mul3A_16 = arith.muli %arg1, %mul3A_15 : i32
    %add3A_17 = arith.constant 128 : i32
    %add3A_18 = arith.addi %mul3A_16, %add3A_17 : i32
    "tpu.region"() ({
      %run_scoped3A = tpu.sem_alloc : memref<!tpu.dma_semaphore, #tpu.memory_space<semaphore_mem>>
      %dma_start3A_76 = arith.constant 0 : i32
      %dma_start3A_77 = tpu.memref_slice %arg11[%add3A_18, %dma_start3A_76] : memref<10000x128xf32, #tpu.memory_space<vmem_shared>> -> memref<64x128xf32, #tpu.memory_space<vmem_shared>>
      %dma_start3A_78 = arith.constant 0 : i32
      %dma_start3A_79 = tpu.memref_slice %arg11[%add3A_18, %dma_start3A_78] : memref<10000x128xf32, #tpu.memory_space<vmem_shared>> -> memref<64x128xf32, #tpu.memory_space<vmem_shared>>
      tpu.enqueue_dma source(%arg9 : memref<64x128xf32, #tpu.memory_space<vmem>>) target(%dma_start3A_79 : memref<64x128xf32, #tpu.memory_space<vmem_shared>>) target_semaphore(%run_scoped3A : memref<!tpu.dma_semaphore, #tpu.memory_space<semaphore_mem>>)
      %dma_wait3A_80 = arith.constant 0 : i32
      %dma_wait3A_81 = tpu.memref_slice %arg11[%add3A_18, %dma_wait3A_80] : memref<10000x128xf32, #tpu.memory_space<vmem_shared>> -> memref<64x128xf32, #tpu.memory_space<vmem_shared>>
      %dma_wait3A_82 = arith.constant 0 : i32
      %dma_wait3A_83 = tpu.memref_slice %arg11[%add3A_18, %dma_wait3A_82] : memref<10000x128xf32, #tpu.memory_space<vmem_shared>> -> memref<64x128xf32, #tpu.memory_space<vmem_shared>>
      tpu.wait_dma2 semaphore(%run_scoped3A : memref<!tpu.dma_semaphore, #tpu.memory_space<semaphore_mem>>) src(%arg9 : memref<64x128xf32, #tpu.memory_space<vmem>>) dst(%dma_wait3A_83 : memref<64x128xf32, #tpu.memory_space<vmem_shared>>)
      tpu.yield
    }) : () -> ()
    %mul3A_19 = arith.constant 625 : i32
    %mul3A_20 = arith.muli %arg1, %mul3A_19 : i32
    %add3A_21 = arith.constant 192 : i32
    %add3A_22 = arith.addi %mul3A_20, %add3A_21 : i32
    "tpu.region"() ({
      %run_scoped3A = tpu.sem_alloc : memref<!tpu.dma_semaphore, #tpu.memory_space<semaphore_mem>>
      %dma_start3A_76 = arith.constant 0 : i32
      %dma_start3A_77 = tpu.memref_slice %arg11[%add3A_22, %dma_start3A_76] : memref<10000x128xf32, #tpu.memory_space<vmem_shared>> -> memref<64x128xf32, #tpu.memory_space<vmem_shared>>
      %dma_start3A_78 = arith.constant 0 : i32
      %dma_start3A_79 = tpu.memref_slice %arg11[%add3A_22, %dma_start3A_78] : memref<10000x128xf32, #tpu.memory_space<vmem_shared>> -> memref<64x128xf32, #tpu.memory_space<vmem_shared>>
      tpu.enqueue_dma source(%arg9 : memref<64x128xf32, #tpu.memory_space<vmem>>) target(%dma_start3A_79 : memref<64x128xf32, #tpu.memory_space<vmem_shared>>) target_semaphore(%run_scoped3A : memref<!tpu.dma_semaphore, #tpu.memory_space<semaphore_mem>>)
      %dma_wait3A_80 = arith.constant 0 : i32
      %dma_wait3A_81 = tpu.memref_slice %arg11[%add3A_22, %dma_wait3A_80] : memref<10000x128xf32, #tpu.memory_space<vmem_shared>> -> memref<64x128xf32, #tpu.memory_space<vmem_shared>>
      %dma_wait3A_82 = arith.constant 0 : i32
      %dma_wait3A_83 = tpu.memref_slice %arg11[%add3A_22, %dma_wait3A_82] : memref<10000x128xf32, #tpu.memory_space<vmem_shared>> -> memref<64x128xf32, #tpu.memory_space<vmem_shared>>
      tpu.wait_dma2 semaphore(%run_scoped3A : memref<!tpu.dma_semaphore, #tpu.memory_space<semaphore_mem>>) src(%arg9 : memref<64x128xf32, #tpu.memory_space<vmem>>) dst(%dma_wait3A_83 : memref<64x128xf32, #tpu.memory_space<vmem_shared>>)
      tpu.yield
    }) : () -> ()
    %mul3A_23 = arith.constant 625 : i32
    %mul3A_24 = arith.muli %arg1, %mul3A_23 : i32
    %add3A_25 = arith.constant 256 : i32
    %add3A_26 = arith.addi %mul3A_24, %add3A_25 : i32
    "tpu.region"() ({
      %run_scoped3A = tpu.sem_alloc : memref<!tpu.dma_semaphore, #tpu.memory_space<semaphore_mem>>
      %dma_start3A_76 = arith.constant 0 : i32
      %dma_start3A_77 = tpu.memref_slice %arg11[%add3A_26, %dma_start3A_76] : memref<10000x128xf32, #tpu.memory_space<vmem_shared>> -> memref<64x128xf32, #tpu.memory_space<vmem_shared>>
      %dma_start3A_78 = arith.constant 0 : i32
      %dma_start3A_79 = tpu.memref_slice %arg11[%add3A_26, %dma_start3A_78] : memref<10000x128xf32, #tpu.memory_space<vmem_shared>> -> memref<64x128xf32, #tpu.memory_space<vmem_shared>>
      tpu.enqueue_dma source(%arg9 : memref<64x128xf32, #tpu.memory_space<vmem>>) target(%dma_start3A_79 : memref<64x128xf32, #tpu.memory_space<vmem_shared>>) target_semaphore(%run_scoped3A : memref<!tpu.dma_semaphore, #tpu.memory_space<semaphore_mem>>)
      %dma_wait3A_80 = arith.constant 0 : i32
      %dma_wait3A_81 = tpu.memref_slice %arg11[%add3A_26, %dma_wait3A_80] : memref<10000x128xf32, #tpu.memory_space<vmem_shared>> -> memref<64x128xf32, #tpu.memory_space<vmem_shared>>
      %dma_wait3A_82 = arith.constant 0 : i32
      %dma_wait3A_83 = tpu.memref_slice %arg11[%add3A_26, %dma_wait3A_82] : memref<10000x128xf32, #tpu.memory_space<vmem_shared>> -> memref<64x128xf32, #tpu.memory_space<vmem_shared>>
      tpu.wait_dma2 semaphore(%run_scoped3A : memref<!tpu.dma_semaphore, #tpu.memory_space<semaphore_mem>>) src(%arg9 : memref<64x128xf32, #tpu.memory_space<vmem>>) dst(%dma_wait3A_83 : memref<64x128xf32, #tpu.memory_space<vmem_shared>>)
      tpu.yield
    }) : () -> ()
    %mul3A_27 = arith.constant 625 : i32
    %mul3A_28 = arith.muli %arg1, %mul3A_27 : i32
    %add3A_29 = arith.constant 320 : i32
    %add3A_30 = arith.addi %mul3A_28, %add3A_29 : i32
    "tpu.region"() ({
      %run_scoped3A = tpu.sem_alloc : memref<!tpu.dma_semaphore, #tpu.memory_space<semaphore_mem>>
      %dma_start3A_76 = arith.constant 0 : i32
      %dma_start3A_77 = tpu.memref_slice %arg11[%add3A_30, %dma_start3A_76] : memref<10000x128xf32, #tpu.memory_space<vmem_shared>> -> memref<64x128xf32, #tpu.memory_space<vmem_shared>>
      %dma_start3A_78 = arith.constant 0 : i32
      %dma_start3A_79 = tpu.memref_slice %arg11[%add3A_30, %dma_start3A_78] : memref<10000x128xf32, #tpu.memory_space<vmem_shared>> -> memref<64x128xf32, #tpu.memory_space<vmem_shared>>
      tpu.enqueue_dma source(%arg9 : memref<64x128xf32, #tpu.memory_space<vmem>>) target(%dma_start3A_79 : memref<64x128xf32, #tpu.memory_space<vmem_shared>>) target_semaphore(%run_scoped3A : memref<!tpu.dma_semaphore, #tpu.memory_space<semaphore_mem>>)
      %dma_wait3A_80 = arith.constant 0 : i32
      %dma_wait3A_81 = tpu.memref_slice %arg11[%add3A_30, %dma_wait3A_80] : memref<10000x128xf32, #tpu.memory_space<vmem_shared>> -> memref<64x128xf32, #tpu.memory_space<vmem_shared>>
      %dma_wait3A_82 = arith.constant 0 : i32
      %dma_wait3A_83 = tpu.memref_slice %arg11[%add3A_30, %dma_wait3A_82] : memref<10000x128xf32, #tpu.memory_space<vmem_shared>> -> memref<64x128xf32, #tpu.memory_space<vmem_shared>>
      tpu.wait_dma2 semaphore(%run_scoped3A : memref<!tpu.dma_semaphore, #tpu.memory_space<semaphore_mem>>) src(%arg9 : memref<64x128xf32, #tpu.memory_space<vmem>>) dst(%dma_wait3A_83 : memref<64x128xf32, #tpu.memory_space<vmem_shared>>)
      tpu.yield
    }) : () -> ()
    %mul3A_31 = arith.constant 625 : i32
    %mul3A_32 = arith.muli %arg1, %mul3A_31 : i32
    %add3A_33 = arith.constant 384 : i32
    %add3A_34 = arith.addi %mul3A_32, %add3A_33 : i32
    "tpu.region"() ({
      %run_scoped3A = tpu.sem_alloc : memref<!tpu.dma_semaphore, #tpu.memory_space<semaphore_mem>>
      %dma_start3A_76 = arith.constant 0 : i32
      %dma_start3A_77 = tpu.memref_slice %arg11[%add3A_34, %dma_start3A_76] : memref<10000x128xf32, #tpu.memory_space<vmem_shared>> -> memref<64x128xf32, #tpu.memory_space<vmem_shared>>
      %dma_start3A_78 = arith.constant 0 : i32
      %dma_start3A_79 = tpu.memref_slice %arg11[%add3A_34, %dma_start3A_78] : memref<10000x128xf32, #tpu.memory_space<vmem_shared>> -> memref<64x128xf32, #tpu.memory_space<vmem_shared>>
      tpu.enqueue_dma source(%arg9 : memref<64x128xf32, #tpu.memory_space<vmem>>) target(%dma_start3A_79 : memref<64x128xf32, #tpu.memory_space<vmem_shared>>) target_semaphore(%run_scoped3A : memref<!tpu.dma_semaphore, #tpu.memory_space<semaphore_mem>>)
      %dma_wait3A_80 = arith.constant 0 : i32
      %dma_wait3A_81 = tpu.memref_slice %arg11[%add3A_34, %dma_wait3A_80] : memref<10000x128xf32, #tpu.memory_space<vmem_shared>> -> memref<64x128xf32, #tpu.memory_space<vmem_shared>>
      %dma_wait3A_82 = arith.constant 0 : i32
      %dma_wait3A_83 = tpu.memref_slice %arg11[%add3A_34, %dma_wait3A_82] : memref<10000x128xf32, #tpu.memory_space<vmem_shared>> -> memref<64x128xf32, #tpu.memory_space<vmem_shared>>
      tpu.wait_dma2 semaphore(%run_scoped3A : memref<!tpu.dma_semaphore, #tpu.memory_space<semaphore_mem>>) src(%arg9 : memref<64x128xf32, #tpu.memory_space<vmem>>) dst(%dma_wait3A_83 : memref<64x128xf32, #tpu.memory_space<vmem_shared>>)
      tpu.yield
    }) : () -> ()
    %mul3A_35 = arith.constant 625 : i32
    %mul3A_36 = arith.muli %arg1, %mul3A_35 : i32
    %add3A_37 = arith.constant 448 : i32
    %add3A_38 = arith.addi %mul3A_36, %add3A_37 : i32
    "tpu.region"() ({
      %run_scoped3A = tpu.sem_alloc : memref<!tpu.dma_semaphore, #tpu.memory_space<semaphore_mem>>
      %dma_start3A_76 = arith.constant 0 : i32
      %dma_start3A_77 = tpu.memref_slice %arg11[%add3A_38, %dma_start3A_76] : memref<10000x128xf32, #tpu.memory_space<vmem_shared>> -> memref<64x128xf32, #tpu.memory_space<vmem_shared>>
      %dma_start3A_78 = arith.constant 0 : i32
      %dma_start3A_79 = tpu.memref_slice %arg11[%add3A_38, %dma_start3A_78] : memref<10000x128xf32, #tpu.memory_space<vmem_shared>> -> memref<64x128xf32, #tpu.memory_space<vmem_shared>>
      tpu.enqueue_dma source(%arg9 : memref<64x128xf32, #tpu.memory_space<vmem>>) target(%dma_start3A_79 : memref<64x128xf32, #tpu.memory_space<vmem_shared>>) target_semaphore(%run_scoped3A : memref<!tpu.dma_semaphore, #tpu.memory_space<semaphore_mem>>)
      %dma_wait3A_80 = arith.constant 0 : i32
      %dma_wait3A_81 = tpu.memref_slice %arg11[%add3A_38, %dma_wait3A_80] : memref<10000x128xf32, #tpu.memory_space<vmem_shared>> -> memref<64x128xf32, #tpu.memory_space<vmem_shared>>
      %dma_wait3A_82 = arith.constant 0 : i32
      %dma_wait3A_83 = tpu.memref_slice %arg11[%add3A_38, %dma_wait3A_82] : memref<10000x128xf32, #tpu.memory_space<vmem_shared>> -> memref<64x128xf32, #tpu.memory_space<vmem_shared>>
      tpu.wait_dma2 semaphore(%run_scoped3A : memref<!tpu.dma_semaphore, #tpu.memory_space<semaphore_mem>>) src(%arg9 : memref<64x128xf32, #tpu.memory_space<vmem>>) dst(%dma_wait3A_83 : memref<64x128xf32, #tpu.memory_space<vmem_shared>>)
      tpu.yield
    }) : () -> ()
    %mul3A_39 = arith.constant 625 : i32
    %mul3A_40 = arith.muli %arg1, %mul3A_39 : i32
    %add3A_41 = arith.constant 512 : i32
    %add3A_42 = arith.addi %mul3A_40, %add3A_41 : i32
    "tpu.region"() ({
      %run_scoped3A = tpu.sem_alloc : memref<!tpu.dma_semaphore, #tpu.memory_space<semaphore_mem>>
      %dma_start3A_76 = arith.constant 0 : i32
      %dma_start3A_77 = tpu.memref_slice %arg11[%add3A_42, %dma_start3A_76] : memref<10000x128xf32, #tpu.memory_space<vmem_shared>> -> memref<64x128xf32, #tpu.memory_space<vmem_shared>>
      %dma_start3A_78 = arith.constant 0 : i32
      %dma_start3A_79 = tpu.memref_slice %arg11[%add3A_42, %dma_start3A_78] : memref<10000x128xf32, #tpu.memory_space<vmem_shared>> -> memref<64x128xf32, #tpu.memory_space<vmem_shared>>
      tpu.enqueue_dma source(%arg9 : memref<64x128xf32, #tpu.memory_space<vmem>>) target(%dma_start3A_79 : memref<64x128xf32, #tpu.memory_space<vmem_shared>>) target_semaphore(%run_scoped3A : memref<!tpu.dma_semaphore, #tpu.memory_space<semaphore_mem>>)
      %dma_wait3A_80 = arith.constant 0 : i32
      %dma_wait3A_81 = tpu.memref_slice %arg11[%add3A_42, %dma_wait3A_80] : memref<10000x128xf32, #tpu.memory_space<vmem_shared>> -> memref<64x128xf32, #tpu.memory_space<vmem_shared>>
      %dma_wait3A_82 = arith.constant 0 : i32
      %dma_wait3A_83 = tpu.memref_slice %arg11[%add3A_42, %dma_wait3A_82] : memref<10000x128xf32, #tpu.memory_space<vmem_shared>> -> memref<64x128xf32, #tpu.memory_space<vmem_shared>>
      tpu.wait_dma2 semaphore(%run_scoped3A : memref<!tpu.dma_semaphore, #tpu.memory_space<semaphore_mem>>) src(%arg9 : memref<64x128xf32, #tpu.memory_space<vmem>>) dst(%dma_wait3A_83 : memref<64x128xf32, #tpu.memory_space<vmem_shared>>)
      tpu.yield
    }) : () -> ()
    %mul3A_43 = arith.constant 625 : i32
    %mul3A_44 = arith.muli %arg1, %mul3A_43 : i32
    %add3A_45 = arith.constant 576 : i32
    %add3A_46 = arith.addi %mul3A_44, %add3A_45 : i32
    "tpu.region"() ({
      %run_scoped3A = tpu.sem_alloc : memref<!tpu.dma_semaphore, #tpu.memory_space<semaphore_mem>>
      %dma_start3A_76 = arith.constant 0 : i32
      %dma_start3A_77 = arith.constant 0 : i32
      %dma_start3A_78 = tpu.memref_slice %arg9[%dma_start3A_76, %dma_start3A_77] : memref<64x128xf32, #tpu.memory_space<vmem>> -> memref<49x128xf32, #tpu.memory_space<vmem>>
      %dma_start3A_79 = arith.constant 0 : i32
      %dma_start3A_80 = tpu.memref_slice %arg11[%add3A_46, %dma_start3A_79] : memref<10000x128xf32, #tpu.memory_space<vmem_shared>> -> memref<49x128xf32, #tpu.memory_space<vmem_shared>>
      %dma_start3A_81 = arith.constant 0 : i32
      %dma_start3A_82 = tpu.memref_slice %arg11[%add3A_46, %dma_start3A_81] : memref<10000x128xf32, #tpu.memory_space<vmem_shared>> -> memref<49x128xf32, #tpu.memory_space<vmem_shared>>
      %dma_start3A_83 = arith.constant 0 : i32
      %dma_start3A_84 = arith.constant 0 : i32
      %dma_start3A_85 = tpu.memref_slice %arg9[%dma_start3A_83, %dma_start3A_84] : memref<64x128xf32, #tpu.memory_space<vmem>> -> memref<49x128xf32, #tpu.memory_space<vmem>>
      tpu.enqueue_dma source(%dma_start3A_85 : memref<49x128xf32, #tpu.memory_space<vmem>>) target(%dma_start3A_82 : memref<49x128xf32, #tpu.memory_space<vmem_shared>>) target_semaphore(%run_scoped3A : memref<!tpu.dma_semaphore, #tpu.memory_space<semaphore_mem>>)
      %dma_wait3A_86 = arith.constant 0 : i32
      %dma_wait3A_87 = arith.constant 0 : i32
      %dma_wait3A_88 = tpu.memref_slice %arg9[%dma_wait3A_86, %dma_wait3A_87] : memref<64x128xf32, #tpu.memory_space<vmem>> -> memref<49x128xf32, #tpu.memory_space<vmem>>
      %dma_wait3A_89 = arith.constant 0 : i32
      %dma_wait3A_90 = tpu.memref_slice %arg11[%add3A_46, %dma_wait3A_89] : memref<10000x128xf32, #tpu.memory_space<vmem_shared>> -> memref<49x128xf32, #tpu.memory_space<vmem_shared>>
      %dma_wait3A_91 = arith.constant 0 : i32
      %dma_wait3A_92 = tpu.memref_slice %arg11[%add3A_46, %dma_wait3A_91] : memref<10000x128xf32, #tpu.memory_space<vmem_shared>> -> memref<49x128xf32, #tpu.memory_space<vmem_shared>>
      %dma_wait3A_93 = arith.constant 0 : i32
      %dma_wait3A_94 = arith.constant 0 : i32
      %dma_wait3A_95 = tpu.memref_slice %arg9[%dma_wait3A_93, %dma_wait3A_94] : memref<64x128xf32, #tpu.memory_space<vmem>> -> memref<49x128xf32, #tpu.memory_space<vmem>>
      tpu.wait_dma2 semaphore(%run_scoped3A : memref<!tpu.dma_semaphore, #tpu.memory_space<semaphore_mem>>) src(%dma_wait3A_95 : memref<49x128xf32, #tpu.memory_space<vmem>>) dst(%dma_wait3A_92 : memref<49x128xf32, #tpu.memory_space<vmem_shared>>)
      tpu.yield
    }) : () -> ()
    %mul3A_47 = arith.constant 10000 : i32
    %mul3A_48 = arith.muli %add3A, %mul3A_47 : i32
    "tpu.region"() ({
      %run_scoped3A = tpu.sem_alloc : memref<!tpu.dma_semaphore, #tpu.memory_space<semaphore_mem>>
      %dma_start3A_76 = tpu.memref_slice %arg3[%mul3A_48] : memref<320000xi32, #tpu.memory_space<hbm>> -> memref<10000xi32, #tpu.memory_space<hbm>>
      %dma_start3A_77 = tpu.memref_slice %arg3[%mul3A_48] : memref<320000xi32, #tpu.memory_space<hbm>> -> memref<10000xi32, #tpu.memory_space<hbm>>
      tpu.enqueue_dma source(%dma_start3A_77 : memref<10000xi32, #tpu.memory_space<hbm>>) target(%arg7 : memref<10000xi32, #tpu.memory_space<vmem>>) target_semaphore(%run_scoped3A : memref<!tpu.dma_semaphore, #tpu.memory_space<semaphore_mem>>)
      %dma_wait3A_78 = tpu.memref_slice %arg3[%mul3A_48] : memref<320000xi32, #tpu.memory_space<hbm>> -> memref<10000xi32, #tpu.memory_space<hbm>>
      %dma_wait3A_79 = tpu.memref_slice %arg3[%mul3A_48] : memref<320000xi32, #tpu.memory_space<hbm>> -> memref<10000xi32, #tpu.memory_space<hbm>>
      tpu.wait_dma2 semaphore(%run_scoped3A : memref<!tpu.dma_semaphore, #tpu.memory_space<semaphore_mem>>) src(%dma_wait3A_79 : memref<10000xi32, #tpu.memory_space<hbm>>) dst(%arg7 : memref<10000xi32, #tpu.memory_space<vmem>>)
      tpu.yield
    }) : () -> ()
    %mul3A_49 = arith.constant 10000 : i32
    %mul3A_50 = arith.muli %add3A, %mul3A_49 : i32
    "tpu.region"() ({
      %run_scoped3A = tpu.sem_alloc : memref<!tpu.dma_semaphore, #tpu.memory_space<semaphore_mem>>
      %dma_start3A_76 = tpu.memref_slice %arg4[%mul3A_50] : memref<320000xi32, #tpu.memory_space<hbm>> -> memref<10000xi32, #tpu.memory_space<hbm>>
      %dma_start3A_77 = tpu.memref_slice %arg4[%mul3A_50] : memref<320000xi32, #tpu.memory_space<hbm>> -> memref<10000xi32, #tpu.memory_space<hbm>>
      tpu.enqueue_dma source(%dma_start3A_77 : memref<10000xi32, #tpu.memory_space<hbm>>) target(%arg8 : memref<10000xi32, #tpu.memory_space<vmem>>) target_semaphore(%run_scoped3A : memref<!tpu.dma_semaphore, #tpu.memory_space<semaphore_mem>>)
      %dma_wait3A_78 = tpu.memref_slice %arg4[%mul3A_50] : memref<320000xi32, #tpu.memory_space<hbm>> -> memref<10000xi32, #tpu.memory_space<hbm>>
      %dma_wait3A_79 = tpu.memref_slice %arg4[%mul3A_50] : memref<320000xi32, #tpu.memory_space<hbm>> -> memref<10000xi32, #tpu.memory_space<hbm>>
      tpu.wait_dma2 semaphore(%run_scoped3A : memref<!tpu.dma_semaphore, #tpu.memory_space<semaphore_mem>>) src(%dma_wait3A_79 : memref<10000xi32, #tpu.memory_space<hbm>>) dst(%arg8 : memref<10000xi32, #tpu.memory_space<vmem>>)
      tpu.yield
    }) : () -> ()
    %barrier3A = arith.constant 0 : index
    tpu.barrier barrier_id(%barrier3A)
    %dma_start3A = arith.constant 0 : i32
    %dma_start3A_51 = tpu.memref_slice %arg7[%dma_start3A] : memref<10000xi32, #tpu.memory_space<vmem>> -> memref<64xi32, #tpu.memory_space<vmem>>
    %dma_start3A_52 = arith.constant 0 : i32
    %dma_start3A_53 = arith.constant 0 : i32
    %dma_start3A_54 = tpu.memref_slice %arg2[%dma_start3A_52, %dma_start3A_53] : memref<10000x128xf32, #tpu.memory_space<hbm>> -> memref<10000x128xf32, #tpu.memory_space<hbm>>
    tpu.enqueue_indirect_dma source(%dma_start3A_54 : memref<10000x128xf32, #tpu.memory_space<hbm>>) target(%arg9 : memref<64x128xf32, #tpu.memory_space<vmem>>) offsets(%dma_start3A_51 : memref<64xi32, #tpu.memory_space<vmem>>) semaphore(%arg12 : memref<!tpu.dma_semaphore, #tpu.memory_space<semaphore_mem>>)
    %scan3A_55 = arith.constant 0 : i32
    %scan3A_56 = arith.constant 0 : i32
    %scan3A_57 = arith.constant 78 : i32
    %scan3A_58 = arith.addi %scan3A_56, %scan3A_57 : i32
    %scan3A_59 = arith.constant 1 : i32
    %scan3A_60 = scf.for %scan3A_76 = %scan3A_56 to %scan3A_58 step %scan3A_59 iter_args(%scan3A_77 = %scan3A_55) -> (i32)  : i32 {
      %mul3A_78 = arith.constant 2 : i32
      %mul3A_79 = arith.muli %scan3A_76, %mul3A_78 : i32
      %add3A_80 = arith.constant 0 : i32
      %add3A_81 = arith.addi %mul3A_79, %add3A_80 : i32
      %mul3A_82 = arith.constant 64 : i32
      %mul3A_83 = arith.muli %add3A_81, %mul3A_82 : i32
      %dma_wait3A_84 = tpu.memref_slice %arg7[%mul3A_83] : memref<10000xi32, #tpu.memory_space<vmem>> -> memref<64xi32, #tpu.memory_space<vmem>>
      %dma_wait3A_85 = arith.constant 0 : i32
      %dma_wait3A_86 = arith.constant 0 : i32
      %dma_wait3A_87 = tpu.memref_slice %arg2[%dma_wait3A_85, %dma_wait3A_86] : memref<10000x128xf32, #tpu.memory_space<hbm>> -> memref<10000x128xf32, #tpu.memory_space<hbm>>
      tpu.wait_indirect_dma semaphore(%arg12 : memref<!tpu.dma_semaphore, #tpu.memory_space<semaphore_mem>>) src(%dma_wait3A_87 : memref<10000x128xf32, #tpu.memory_space<hbm>>) dst(%arg9 : memref<64x128xf32, #tpu.memory_space<vmem>>)
      %ge3A = arith.constant 1 : i32
      %ge3A_88 = arith.cmpi sge, %add3A_81, %ge3A : i32
      %convert_element_type3A_89 = arith.extui %ge3A_88 : i1 to i32
      %cond3A_90 = arith.constant 0 : i32
      %cond3A_91 = arith.cmpi ne, %convert_element_type3A_89, %cond3A_90 : i32
      scf.if %cond3A_91 {
        %sub3A = arith.constant 1 : i32
        %sub3A_133 = arith.subi %add3A_81, %sub3A : i32
        %mul3A_134 = arith.constant 64 : i32
        %mul3A_135 = arith.muli %sub3A_133, %mul3A_134 : i32
        %dma_wait3A_136 = tpu.memref_slice %arg8[%mul3A_135] : memref<10000xi32, #tpu.memory_space<vmem>> -> memref<64xi32, #tpu.memory_space<vmem>>
        %dma_wait3A_137 = arith.constant 0 : i32
        %dma_wait3A_138 = arith.constant 0 : i32
        %dma_wait3A_139 = tpu.memref_slice %arg11[%dma_wait3A_137, %dma_wait3A_138] : memref<10000x128xf32, #tpu.memory_space<vmem_shared>> -> memref<10000x128xf32, #tpu.memory_space<vmem_shared>>
        tpu.wait_indirect_dma semaphore(%arg15 : memref<!tpu.dma_semaphore, #tpu.memory_space<semaphore_mem>>) src(%arg10 : memref<64x128xf32, #tpu.memory_space<vmem>>) dst(%dma_wait3A_139 : memref<10000x128xf32, #tpu.memory_space<vmem_shared>>)
      } else {
      }
      %add3A_92 = arith.constant 1 : i32
      %add3A_93 = arith.addi %add3A_81, %add3A_92 : i32
      %lt3A = arith.constant 156 : i32
      %lt3A_94 = arith.cmpi slt, %add3A_93, %lt3A : i32
      %convert_element_type3A_95 = arith.extui %lt3A_94 : i1 to i32
      %cond3A_96 = arith.constant 0 : i32
      %cond3A_97 = arith.cmpi ne, %convert_element_type3A_95, %cond3A_96 : i32
      scf.if %cond3A_97 {
        %add3A_133 = arith.constant 1 : i32
        %add3A_134 = arith.addi %add3A_81, %add3A_133 : i32
        %mul3A_135 = arith.constant 64 : i32
        %mul3A_136 = arith.muli %add3A_134, %mul3A_135 : i32
        %dma_start3A_137 = tpu.memref_slice %arg7[%mul3A_136] : memref<10000xi32, #tpu.memory_space<vmem>> -> memref<64xi32, #tpu.memory_space<vmem>>
        %dma_start3A_138 = arith.constant 0 : i32
        %dma_start3A_139 = arith.constant 0 : i32
        %dma_start3A_140 = tpu.memref_slice %arg2[%dma_start3A_138, %dma_start3A_139] : memref<10000x128xf32, #tpu.memory_space<hbm>> -> memref<10000x128xf32, #tpu.memory_space<hbm>>
        tpu.enqueue_indirect_dma source(%dma_start3A_140 : memref<10000x128xf32, #tpu.memory_space<hbm>>) target(%arg10 : memref<64x128xf32, #tpu.memory_space<vmem>>) offsets(%dma_start3A_137 : memref<64xi32, #tpu.memory_space<vmem>>) semaphore(%arg13 : memref<!tpu.dma_semaphore, #tpu.memory_space<semaphore_mem>>)
      } else {
      }
      %mul3A_98 = arith.constant 64 : i32
      %mul3A_99 = arith.muli %add3A_81, %mul3A_98 : i32
      %dma_start3A_100 = tpu.memref_slice %arg8[%mul3A_99] : memref<10000xi32, #tpu.memory_space<vmem>> -> memref<64xi32, #tpu.memory_space<vmem>>
      %dma_start3A_101 = arith.constant 0 : i32
      %dma_start3A_102 = arith.constant 0 : i32
      %dma_start3A_103 = tpu.memref_slice %arg11[%dma_start3A_101, %dma_start3A_102] : memref<10000x128xf32, #tpu.memory_space<vmem_shared>> -> memref<10000x128xf32, #tpu.memory_space<vmem_shared>>
      tpu.enqueue_indirect_dma source(%arg9 : memref<64x128xf32, #tpu.memory_space<vmem>>) target(%dma_start3A_103 : memref<10000x128xf32, #tpu.memory_space<vmem_shared>>) offsets(%dma_start3A_100 : memref<64xi32, #tpu.memory_space<vmem>>) semaphore(%arg14 : memref<!tpu.dma_semaphore, #tpu.memory_space<semaphore_mem>>) {add = true}
      %mul3A_104 = arith.constant 2 : i32
      %mul3A_105 = arith.muli %scan3A_76, %mul3A_104 : i32
      %add3A_106 = arith.constant 1 : i32
      %add3A_107 = arith.addi %mul3A_105, %add3A_106 : i32
      %mul3A_108 = arith.constant 64 : i32
      %mul3A_109 = arith.muli %add3A_107, %mul3A_108 : i32
      %dma_wait3A_110 = tpu.memref_slice %arg7[%mul3A_109] : memref<10000xi32, #tpu.memory_space<vmem>> -> memref<64xi32, #tpu.memory_space<vmem>>
      %dma_wait3A_111 = arith.constant 0 : i32
      %dma_wait3A_112 = arith.constant 0 : i32
      %dma_wait3A_113 = tpu.memref_slice %arg2[%dma_wait3A_111, %dma_wait3A_112] : memref<10000x128xf32, #tpu.memory_space<hbm>> -> memref<10000x128xf32, #tpu.memory_space<hbm>>
      tpu.wait_indirect_dma semaphore(%arg13 : memref<!tpu.dma_semaphore, #tpu.memory_space<semaphore_mem>>) src(%dma_wait3A_113 : memref<10000x128xf32, #tpu.memory_space<hbm>>) dst(%arg10 : memref<64x128xf32, #tpu.memory_space<vmem>>)
      %ge3A_114 = arith.constant 1 : i32
      %ge3A_115 = arith.cmpi sge, %add3A_107, %ge3A_114 : i32
      %convert_element_type3A_116 = arith.extui %ge3A_115 : i1 to i32
      %cond3A_117 = arith.constant 0 : i32
      %cond3A_118 = arith.cmpi ne, %convert_element_type3A_116, %cond3A_117 : i32
      scf.if %cond3A_118 {
        %sub3A = arith.constant 1 : i32
        %sub3A_133 = arith.subi %add3A_107, %sub3A : i32
        %mul3A_134 = arith.constant 64 : i32
        %mul3A_135 = arith.muli %sub3A_133, %mul3A_134 : i32
        %dma_wait3A_136 = tpu.memref_slice %arg8[%mul3A_135] : memref<10000xi32, #tpu.memory_space<vmem>> -> memref<64xi32, #tpu.memory_space<vmem>>
        %dma_wait3A_137 = arith.constant 0 : i32
        %dma_wait3A_138 = arith.constant 0 : i32
        %dma_wait3A_139 = tpu.memref_slice %arg11[%dma_wait3A_137, %dma_wait3A_138] : memref<10000x128xf32, #tpu.memory_space<vmem_shared>> -> memref<10000x128xf32, #tpu.memory_space<vmem_shared>>
        tpu.wait_indirect_dma semaphore(%arg14 : memref<!tpu.dma_semaphore, #tpu.memory_space<semaphore_mem>>) src(%arg9 : memref<64x128xf32, #tpu.memory_space<vmem>>) dst(%dma_wait3A_139 : memref<10000x128xf32, #tpu.memory_space<vmem_shared>>)
      } else {
      }
      %add3A_119 = arith.constant 1 : i32
      %add3A_120 = arith.addi %add3A_107, %add3A_119 : i32
      %lt3A_121 = arith.constant 156 : i32
      %lt3A_122 = arith.cmpi slt, %add3A_120, %lt3A_121 : i32
      %convert_element_type3A_123 = arith.extui %lt3A_122 : i1 to i32
      %cond3A_124 = arith.constant 0 : i32
      %cond3A_125 = arith.cmpi ne, %convert_element_type3A_123, %cond3A_124 : i32
      scf.if %cond3A_125 {
        %add3A_133 = arith.constant 1 : i32
        %add3A_134 = arith.addi %add3A_107, %add3A_133 : i32
        %mul3A_135 = arith.constant 64 : i32
        %mul3A_136 = arith.muli %add3A_134, %mul3A_135 : i32
        %dma_start3A_137 = tpu.memref_slice %arg7[%mul3A_136] : memref<10000xi32, #tpu.memory_space<vmem>> -> memref<64xi32, #tpu.memory_space<vmem>>
        %dma_start3A_138 = arith.constant 0 : i32
        %dma_start3A_139 = arith.constant 0 : i32
        %dma_start3A_140 = tpu.memref_slice %arg2[%dma_start3A_138, %dma_start3A_139] : memref<10000x128xf32, #tpu.memory_space<hbm>> -> memref<10000x128xf32, #tpu.memory_space<hbm>>
        tpu.enqueue_indirect_dma source(%dma_start3A_140 : memref<10000x128xf32, #tpu.memory_space<hbm>>) target(%arg9 : memref<64x128xf32, #tpu.memory_space<vmem>>) offsets(%dma_start3A_137 : memref<64xi32, #tpu.memory_space<vmem>>) semaphore(%arg12 : memref<!tpu.dma_semaphore, #tpu.memory_space<semaphore_mem>>)
      } else {
      }
      %mul3A_126 = arith.constant 64 : i32
      %mul3A_127 = arith.muli %add3A_107, %mul3A_126 : i32
      %dma_start3A_128 = tpu.memref_slice %arg8[%mul3A_127] : memref<10000xi32, #tpu.memory_space<vmem>> -> memref<64xi32, #tpu.memory_space<vmem>>
      %dma_start3A_129 = arith.constant 0 : i32
      %dma_start3A_130 = arith.constant 0 : i32
      %dma_start3A_131 = tpu.memref_slice %arg11[%dma_start3A_129, %dma_start3A_130] : memref<10000x128xf32, #tpu.memory_space<vmem_shared>> -> memref<10000x128xf32, #tpu.memory_space<vmem_shared>>
      tpu.enqueue_indirect_dma source(%arg10 : memref<64x128xf32, #tpu.memory_space<vmem>>) target(%dma_start3A_131 : memref<10000x128xf32, #tpu.memory_space<vmem_shared>>) offsets(%dma_start3A_128 : memref<64xi32, #tpu.memory_space<vmem>>) semaphore(%arg15 : memref<!tpu.dma_semaphore, #tpu.memory_space<semaphore_mem>>) {add = true}
      %scan3A_132 = arith.constant 0 : i32
      scf.yield %scan3A_132 : i32
    }
    %scan3A_61 = arith.constant 78 : i32
    "tpu.region"() ({
      %run_scoped3A = tpu.sem_alloc : memref<!tpu.dma_semaphore, #tpu.memory_space<semaphore_mem>>
      %dma_start3A_76 = arith.constant 0 : i32
      %dma_start3A_77 = arith.constant 0 : i32
      %dma_start3A_78 = tpu.memref_slice %arg9[%dma_start3A_76, %dma_start3A_77] : memref<64x128xf32, #tpu.memory_space<vmem>> -> memref<16x128xf32, #tpu.memory_space<vmem>>
      %dma_start3A_79 = arith.constant 9984 : i32
      %dma_start3A_80 = tpu.memref_slice %arg7[%dma_start3A_79] : memref<10000xi32, #tpu.memory_space<vmem>> -> memref<16xi32, #tpu.memory_space<vmem>>
      %dma_start3A_81 = arith.constant 0 : i32
      %dma_start3A_82 = arith.constant 0 : i32
      %dma_start3A_83 = tpu.memref_slice %arg2[%dma_start3A_81, %dma_start3A_82] : memref<10000x128xf32, #tpu.memory_space<hbm>> -> memref<10000x128xf32, #tpu.memory_space<hbm>>
      tpu.enqueue_indirect_dma source(%dma_start3A_83 : memref<10000x128xf32, #tpu.memory_space<hbm>>) target(%dma_start3A_78 : memref<16x128xf32, #tpu.memory_space<vmem>>) offsets(%dma_start3A_80 : memref<16xi32, #tpu.memory_space<vmem>>) semaphore(%run_scoped3A : memref<!tpu.dma_semaphore, #tpu.memory_space<semaphore_mem>>)
      %dma_wait3A_84 = arith.constant 0 : i32
      %dma_wait3A_85 = arith.constant 0 : i32
      %dma_wait3A_86 = tpu.memref_slice %arg9[%dma_wait3A_84, %dma_wait3A_85] : memref<64x128xf32, #tpu.memory_space<vmem>> -> memref<16x128xf32, #tpu.memory_space<vmem>>
      %dma_wait3A_87 = arith.constant 9984 : i32
      %dma_wait3A_88 = tpu.memref_slice %arg7[%dma_wait3A_87] : memref<10000xi32, #tpu.memory_space<vmem>> -> memref<16xi32, #tpu.memory_space<vmem>>
      %dma_wait3A_89 = arith.constant 0 : i32
      %dma_wait3A_90 = arith.constant 0 : i32
      %dma_wait3A_91 = tpu.memref_slice %arg2[%dma_wait3A_89, %dma_wait3A_90] : memref<10000x128xf32, #tpu.memory_space<hbm>> -> memref<10000x128xf32, #tpu.memory_space<hbm>>
      tpu.wait_indirect_dma semaphore(%run_scoped3A : memref<!tpu.dma_semaphore, #tpu.memory_space<semaphore_mem>>) src(%dma_wait3A_91 : memref<10000x128xf32, #tpu.memory_space<hbm>>) dst(%dma_wait3A_86 : memref<16x128xf32, #tpu.memory_space<vmem>>)
      tpu.yield
    }) : () -> ()
    "tpu.region"() ({
      %run_scoped3A = tpu.sem_alloc : memref<!tpu.dma_semaphore, #tpu.memory_space<semaphore_mem>>
      %dma_start3A_76 = arith.constant 0 : i32
      %dma_start3A_77 = arith.constant 0 : i32
      %dma_start3A_78 = tpu.memref_slice %arg9[%dma_start3A_76, %dma_start3A_77] : memref<64x128xf32, #tpu.memory_space<vmem>> -> memref<16x128xf32, #tpu.memory_space<vmem>>
      %dma_start3A_79 = arith.constant 9984 : i32
      %dma_start3A_80 = tpu.memref_slice %arg8[%dma_start3A_79] : memref<10000xi32, #tpu.memory_space<vmem>> -> memref<16xi32, #tpu.memory_space<vmem>>
      %dma_start3A_81 = arith.constant 0 : i32
      %dma_start3A_82 = arith.constant 0 : i32
      %dma_start3A_83 = tpu.memref_slice %arg11[%dma_start3A_81, %dma_start3A_82] : memref<10000x128xf32, #tpu.memory_space<vmem_shared>> -> memref<10000x128xf32, #tpu.memory_space<vmem_shared>>
      tpu.enqueue_indirect_dma source(%dma_start3A_78 : memref<16x128xf32, #tpu.memory_space<vmem>>) target(%dma_start3A_83 : memref<10000x128xf32, #tpu.memory_space<vmem_shared>>) offsets(%dma_start3A_80 : memref<16xi32, #tpu.memory_space<vmem>>) semaphore(%run_scoped3A : memref<!tpu.dma_semaphore, #tpu.memory_space<semaphore_mem>>) {add = true}
      %dma_wait3A_84 = arith.constant 0 : i32
      %dma_wait3A_85 = arith.constant 0 : i32
      %dma_wait3A_86 = tpu.memref_slice %arg9[%dma_wait3A_84, %dma_wait3A_85] : memref<64x128xf32, #tpu.memory_space<vmem>> -> memref<16x128xf32, #tpu.memory_space<vmem>>
      %dma_wait3A_87 = arith.constant 9984 : i32
      %dma_wait3A_88 = tpu.memref_slice %arg8[%dma_wait3A_87] : memref<10000xi32, #tpu.memory_space<vmem>> -> memref<16xi32, #tpu.memory_space<vmem>>
      %dma_wait3A_89 = arith.constant 0 : i32
      %dma_wait3A_90 = arith.constant 0 : i32
      %dma_wait3A_91 = tpu.memref_slice %arg11[%dma_wait3A_89, %dma_wait3A_90] : memref<10000x128xf32, #tpu.memory_space<vmem_shared>> -> memref<10000x128xf32, #tpu.memory_space<vmem_shared>>
      tpu.wait_indirect_dma semaphore(%run_scoped3A : memref<!tpu.dma_semaphore, #tpu.memory_space<semaphore_mem>>) src(%dma_wait3A_86 : memref<16x128xf32, #tpu.memory_space<vmem>>) dst(%dma_wait3A_91 : memref<10000x128xf32, #tpu.memory_space<vmem_shared>>)
      tpu.yield
    }) : () -> ()
    %dma_wait3A = arith.constant 9920 : i32
    %dma_wait3A_62 = tpu.memref_slice %arg8[%dma_wait3A] : memref<10000xi32, #tpu.memory_space<vmem>> -> memref<64xi32, #tpu.memory_space<vmem>>
    %dma_wait3A_63 = arith.constant 0 : i32
    %dma_wait3A_64 = arith.constant 0 : i32
    %dma_wait3A_65 = tpu.memref_slice %arg11[%dma_wait3A_63, %dma_wait3A_64] : memref<10000x128xf32, #tpu.memory_space<vmem_shared>> -> memref<10000x128xf32, #tpu.memory_space<vmem_shared>>
    tpu.wait_indirect_dma semaphore(%arg15 : memref<!tpu.dma_semaphore, #tpu.memory_space<semaphore_mem>>) src(%arg10 : memref<64x128xf32, #tpu.memory_space<vmem>>) dst(%dma_wait3A_65 : memref<10000x128xf32, #tpu.memory_space<vmem_shared>>)
    %barrier3A_66 = arith.constant 0 : index
    tpu.barrier barrier_id(%barrier3A_66)
    %mul3A_67 = arith.constant 625 : i32
    %mul3A_68 = arith.muli %arg1, %mul3A_67 : i32
    %eq3A = arith.constant 0 : i32
    %eq3A_69 = arith.cmpi eq, %arg0, %eq3A : i32
    %convert_element_type3A = arith.extui %eq3A_69 : i1 to i32
    %cond3A = arith.constant 0 : i32
    %cond3A_70 = arith.cmpi ne, %convert_element_type3A, %cond3A : i32
    scf.if %cond3A_70 {
      "tpu.region"() ({
        %run_scoped3A = tpu.sem_alloc : memref<!tpu.dma_semaphore, #tpu.memory_space<semaphore_mem>>
        %dma_start3A_76 = arith.constant 0 : i32
        %dma_start3A_77 = tpu.memref_slice %arg5[%mul3A_68, %dma_start3A_76] : memref<10000x128xf32, #tpu.memory_space<hbm>> -> memref<625x128xf32, #tpu.memory_space<hbm>>
        %dma_start3A_78 = arith.constant 0 : i32
        %dma_start3A_79 = tpu.memref_slice %arg11[%mul3A_68, %dma_start3A_78] : memref<10000x128xf32, #tpu.memory_space<vmem_shared>> -> memref<625x128xf32, #tpu.memory_space<vmem_shared>>
        tpu.enqueue_dma source(%dma_start3A_79 : memref<625x128xf32, #tpu.memory_space<vmem_shared>>) target(%dma_start3A_77 : memref<625x128xf32, #tpu.memory_space<hbm>>) target_semaphore(%run_scoped3A : memref<!tpu.dma_semaphore, #tpu.memory_space<semaphore_mem>>)
        %dma_wait3A_80 = arith.constant 0 : i32
        %dma_wait3A_81 = tpu.memref_slice %arg5[%mul3A_68, %dma_wait3A_80] : memref<10000x128xf32, #tpu.memory_space<hbm>> -> memref<625x128xf32, #tpu.memory_space<hbm>>
        %dma_wait3A_82 = arith.constant 0 : i32
        %dma_wait3A_83 = tpu.memref_slice %arg11[%mul3A_68, %dma_wait3A_82] : memref<10000x128xf32, #tpu.memory_space<vmem_shared>> -> memref<625x128xf32, #tpu.memory_space<vmem_shared>>
        tpu.wait_dma2 semaphore(%run_scoped3A : memref<!tpu.dma_semaphore, #tpu.memory_space<semaphore_mem>>) src(%dma_wait3A_83 : memref<625x128xf32, #tpu.memory_space<vmem_shared>>) dst(%dma_wait3A_81 : memref<625x128xf32, #tpu.memory_space<hbm>>)
        tpu.yield
      }) : () -> ()
    } else {
    }
    %eq3A_71 = arith.constant 1 : i32
    %eq3A_72 = arith.cmpi eq, %arg0, %eq3A_71 : i32
    %convert_element_type3A_73 = arith.extui %eq3A_72 : i1 to i32
    %cond3A_74 = arith.constant 0 : i32
    %cond3A_75 = arith.cmpi ne, %convert_element_type3A_73, %cond3A_74 : i32
    scf.if %cond3A_75 {
      "tpu.region"() ({
        %run_scoped3A = tpu.sem_alloc : memref<!tpu.dma_semaphore, #tpu.memory_space<semaphore_mem>>
        %dma_start3A_76 = arith.constant 0 : i32
        %dma_start3A_77 = tpu.memref_slice %arg6[%mul3A_68, %dma_start3A_76] : memref<10000x128xf32, #tpu.memory_space<hbm>> -> memref<625x128xf32, #tpu.memory_space<hbm>>
        %dma_start3A_78 = arith.constant 0 : i32
        %dma_start3A_79 = tpu.memref_slice %arg11[%mul3A_68, %dma_start3A_78] : memref<10000x128xf32, #tpu.memory_space<vmem_shared>> -> memref<625x128xf32, #tpu.memory_space<vmem_shared>>
        tpu.enqueue_dma source(%dma_start3A_79 : memref<625x128xf32, #tpu.memory_space<vmem_shared>>) target(%dma_start3A_77 : memref<625x128xf32, #tpu.memory_space<hbm>>) target_semaphore(%run_scoped3A : memref<!tpu.dma_semaphore, #tpu.memory_space<semaphore_mem>>)
        %dma_wait3A_80 = arith.constant 0 : i32
        %dma_wait3A_81 = tpu.memref_slice %arg6[%mul3A_68, %dma_wait3A_80] : memref<10000x128xf32, #tpu.memory_space<hbm>> -> memref<625x128xf32, #tpu.memory_space<hbm>>
        %dma_wait3A_82 = arith.constant 0 : i32
        %dma_wait3A_83 = tpu.memref_slice %arg11[%mul3A_68, %dma_wait3A_82] : memref<10000x128xf32, #tpu.memory_space<vmem_shared>> -> memref<625x128xf32, #tpu.memory_space<vmem_shared>>
        tpu.wait_dma2 semaphore(%run_scoped3A : memref<!tpu.dma_semaphore, #tpu.memory_space<semaphore_mem>>) src(%dma_wait3A_83 : memref<625x128xf32, #tpu.memory_space<vmem_shared>>) dst(%dma_wait3A_81 : memref<625x128xf32, #tpu.memory_space<hbm>>)
        tpu.yield
      }) : () -> ()
    } else {
    }
    return
  }
}

#map = affine_map<(d0, d1) -> (0, 0)>
#map1 = affine_map<(d0, d1) -> (0)>
module attributes {stable_mosaic.version = 14 : i64} {
  func.func @body(%arg0: i32, %arg1: i32, %arg2: memref<10000x144xf32, #tpu.memory_space<hbm>>, %arg3: memref<320000xi32, #tpu.memory_space<hbm>>, %arg4: memref<320000xi32, #tpu.memory_space<hbm>>, %arg5: memref<10000x144xf32, #tpu.memory_space<hbm>>, %arg6: memref<10000x144xf32, #tpu.memory_space<hbm>>, %arg7: memref<10000xi32, #tpu.memory_space<vmem>>, %arg8: memref<10000xi32, #tpu.memory_space<vmem>>, %arg9: memref<64x144xf32, #tpu.memory_space<vmem>>, %arg10: memref<64x144xf32, #tpu.memory_space<vmem>>, %arg11: memref<10000x144xf32, #tpu.memory_space<vmem_shared>>, %arg12: memref<!tpu.dma_semaphore, #tpu.memory_space<semaphore_mem>>, %arg13: memref<!tpu.dma_semaphore, #tpu.memory_space<semaphore_mem>>, %arg14: memref<!tpu.dma_semaphore, #tpu.memory_space<semaphore_mem>>, %arg15: memref<!tpu.dma_semaphore, #tpu.memory_space<semaphore_mem>>) attributes {dimension_semantics = [#tpu.dimension_semantics<core_parallel>, #tpu.dimension_semantics<subcore_parallel>], iteration_bounds = array<i64: 2, 16>, scalar_prefetch = 0 : i64, scratch_operands = 9 : i64, tpu.core_type = #tpu.core_type<sc_vector_subcore>, window_params = [{transform_indices = #map}, {transform_indices = #map1}, {transform_indices = #map1}, {transform_indices = #map}, {transform_indices = #map}]} {
    %mul3A = arith.constant 16 : i32
    %mul3A_0 = arith.muli %arg0, %mul3A : i32
    %add3A = arith.addi %mul3A_0, %arg1 : i32
    %scan3A = arith.constant 0 : i32
    %scan3A_1 = arith.constant 0 : i32
    %scan3A_2 = arith.constant 64 : i32
    %scan3A_3 = arith.addi %scan3A_1, %scan3A_2 : i32
    %scan3A_4 = arith.constant 1 : i32
    %scan3A_5 = scf.for %scan3A_76 = %scan3A_1 to %scan3A_3 step %scan3A_4 iter_args(%scan3A_77 = %scan3A) -> (i32)  : i32 {
      %broadcast_in_dim3A = arith.constant 0.000000e+00 : f32
      %broadcast_in_dim3A_78 = vector.broadcast %broadcast_in_dim3A : f32 to vector<16xf32>
      %swap3A = arith.index_cast %scan3A_76 : i32 to index
      %swap3A_79 = arith.constant 0 : index
      %swap3A_80 = tpu.vector_load %arg9[%swap3A, %swap3A_79] {strides = array<i32>} : memref<64x144xf32, #tpu.memory_space<vmem>>, vector<16xf32>,
      tpu.vector_store %arg9[%swap3A, %swap3A_79], %broadcast_in_dim3A_78 {strides = array<i32>} : memref<64x144xf32, #tpu.memory_space<vmem>>, vector<16xf32>,
      %broadcast_in_dim3A_81 = arith.constant 0.000000e+00 : f32
      %broadcast_in_dim3A_82 = vector.broadcast %broadcast_in_dim3A_81 : f32 to vector<16xf32>
      %swap3A_83 = arith.index_cast %scan3A_76 : i32 to index
      %swap3A_84 = arith.constant 16 : index
      %swap3A_85 = tpu.vector_load %arg9[%swap3A_83, %swap3A_84] {strides = array<i32>} : memref<64x144xf32, #tpu.memory_space<vmem>>, vector<16xf32>,
      tpu.vector_store %arg9[%swap3A_83, %swap3A_84], %broadcast_in_dim3A_82 {strides = array<i32>} : memref<64x144xf32, #tpu.memory_space<vmem>>, vector<16xf32>,
      %broadcast_in_dim3A_86 = arith.constant 0.000000e+00 : f32
      %broadcast_in_dim3A_87 = vector.broadcast %broadcast_in_dim3A_86 : f32 to vector<16xf32>
      %swap3A_88 = arith.index_cast %scan3A_76 : i32 to index
      %swap3A_89 = arith.constant 32 : index
      %swap3A_90 = tpu.vector_load %arg9[%swap3A_88, %swap3A_89] {strides = array<i32>} : memref<64x144xf32, #tpu.memory_space<vmem>>, vector<16xf32>,
      tpu.vector_store %arg9[%swap3A_88, %swap3A_89], %broadcast_in_dim3A_87 {strides = array<i32>} : memref<64x144xf32, #tpu.memory_space<vmem>>, vector<16xf32>,
      %broadcast_in_dim3A_91 = arith.constant 0.000000e+00 : f32
      %broadcast_in_dim3A_92 = vector.broadcast %broadcast_in_dim3A_91 : f32 to vector<16xf32>
      %swap3A_93 = arith.index_cast %scan3A_76 : i32 to index
      %swap3A_94 = arith.constant 48 : index
      %swap3A_95 = tpu.vector_load %arg9[%swap3A_93, %swap3A_94] {strides = array<i32>} : memref<64x144xf32, #tpu.memory_space<vmem>>, vector<16xf32>,
      tpu.vector_store %arg9[%swap3A_93, %swap3A_94], %broadcast_in_dim3A_92 {strides = array<i32>} : memref<64x144xf32, #tpu.memory_space<vmem>>, vector<16xf32>,
      %broadcast_in_dim3A_96 = arith.constant 0.000000e+00 : f32
      %broadcast_in_dim3A_97 = vector.broadcast %broadcast_in_dim3A_96 : f32 to vector<16xf32>
      %swap3A_98 = arith.index_cast %scan3A_76 : i32 to index
      %swap3A_99 = arith.constant 64 : index
      %swap3A_100 = tpu.vector_load %arg9[%swap3A_98, %swap3A_99] {strides = array<i32>} : memref<64x144xf32, #tpu.memory_space<vmem>>, vector<16xf32>,
      tpu.vector_store %arg9[%swap3A_98, %swap3A_99], %broadcast_in_dim3A_97 {strides = array<i32>} : memref<64x144xf32, #tpu.memory_space<vmem>>, vector<16xf32>,
      %broadcast_in_dim3A_101 = arith.constant 0.000000e+00 : f32
      %broadcast_in_dim3A_102 = vector.broadcast %broadcast_in_dim3A_101 : f32 to vector<16xf32>
      %swap3A_103 = arith.index_cast %scan3A_76 : i32 to index
      %swap3A_104 = arith.constant 80 : index
      %swap3A_105 = tpu.vector_load %arg9[%swap3A_103, %swap3A_104] {strides = array<i32>} : memref<64x144xf32, #tpu.memory_space<vmem>>, vector<16xf32>,
      tpu.vector_store %arg9[%swap3A_103, %swap3A_104], %broadcast_in_dim3A_102 {strides = array<i32>} : memref<64x144xf32, #tpu.memory_space<vmem>>, vector<16xf32>,
      %broadcast_in_dim3A_106 = arith.constant 0.000000e+00 : f32
      %broadcast_in_dim3A_107 = vector.broadcast %broadcast_in_dim3A_106 : f32 to vector<16xf32>
      %swap3A_108 = arith.index_cast %scan3A_76 : i32 to index
      %swap3A_109 = arith.constant 96 : index
      %swap3A_110 = tpu.vector_load %arg9[%swap3A_108, %swap3A_109] {strides = array<i32>} : memref<64x144xf32, #tpu.memory_space<vmem>>, vector<16xf32>,
      tpu.vector_store %arg9[%swap3A_108, %swap3A_109], %broadcast_in_dim3A_107 {strides = array<i32>} : memref<64x144xf32, #tpu.memory_space<vmem>>, vector<16xf32>,
      %broadcast_in_dim3A_111 = arith.constant 0.000000e+00 : f32
      %broadcast_in_dim3A_112 = vector.broadcast %broadcast_in_dim3A_111 : f32 to vector<16xf32>
      %swap3A_113 = arith.index_cast %scan3A_76 : i32 to index
      %swap3A_114 = arith.constant 112 : index
      %swap3A_115 = tpu.vector_load %arg9[%swap3A_113, %swap3A_114] {strides = array<i32>} : memref<64x144xf32, #tpu.memory_space<vmem>>, vector<16xf32>,
      tpu.vector_store %arg9[%swap3A_113, %swap3A_114], %broadcast_in_dim3A_112 {strides = array<i32>} : memref<64x144xf32, #tpu.memory_space<vmem>>, vector<16xf32>,
      %broadcast_in_dim3A_116 = arith.constant 0.000000e+00 : f32
      %broadcast_in_dim3A_117 = vector.broadcast %broadcast_in_dim3A_116 : f32 to vector<16xf32>
      %swap3A_118 = arith.index_cast %scan3A_76 : i32 to index
      %swap3A_119 = arith.constant 128 : index
      %swap3A_120 = tpu.vector_load %arg9[%swap3A_118, %swap3A_119] {strides = array<i32>} : memref<64x144xf32, #tpu.memory_space<vmem>>, vector<16xf32>,
      tpu.vector_store %arg9[%swap3A_118, %swap3A_119], %broadcast_in_dim3A_117 {strides = array<i32>} : memref<64x144xf32, #tpu.memory_space<vmem>>, vector<16xf32>,
      %scan3A_121 = arith.constant 0 : i32
      scf.yield %scan3A_121 : i32
    }
    %scan3A_6 = arith.constant 64 : i32
    %mul3A_7 = arith.constant 625 : i32
    %mul3A_8 = arith.muli %arg1, %mul3A_7 : i32
    %add3A_9 = arith.constant 0 : i32
    %add3A_10 = arith.addi %mul3A_8, %add3A_9 : i32
    "tpu.region"() ({
      %run_scoped3A = tpu.sem_alloc : memref<!tpu.dma_semaphore, #tpu.memory_space<semaphore_mem>>
      %dma_start3A_76 = arith.constant 0 : i32
      %dma_start3A_77 = tpu.memref_slice %arg11[%add3A_10, %dma_start3A_76] : memref<10000x144xf32, #tpu.memory_space<vmem_shared>> -> memref<64x144xf32, #tpu.memory_space<vmem_shared>>
      %dma_start3A_78 = arith.constant 0 : i32
      %dma_start3A_79 = tpu.memref_slice %arg11[%add3A_10, %dma_start3A_78] : memref<10000x144xf32, #tpu.memory_space<vmem_shared>> -> memref<64x144xf32, #tpu.memory_space<vmem_shared>>
      tpu.enqueue_dma source(%arg9 : memref<64x144xf32, #tpu.memory_space<vmem>>) target(%dma_start3A_79 : memref<64x144xf32, #tpu.memory_space<vmem_shared>>) target_semaphore(%run_scoped3A : memref<!tpu.dma_semaphore, #tpu.memory_space<semaphore_mem>>)
      %dma_wait3A_80 = arith.constant 0 : i32
      %dma_wait3A_81 = tpu.memref_slice %arg11[%add3A_10, %dma_wait3A_80] : memref<10000x144xf32, #tpu.memory_space<vmem_shared>> -> memref<64x144xf32, #tpu.memory_space<vmem_shared>>
      %dma_wait3A_82 = arith.constant 0 : i32
      %dma_wait3A_83 = tpu.memref_slice %arg11[%add3A_10, %dma_wait3A_82] : memref<10000x144xf32, #tpu.memory_space<vmem_shared>> -> memref<64x144xf32, #tpu.memory_space<vmem_shared>>
      tpu.wait_dma2 semaphore(%run_scoped3A : memref<!tpu.dma_semaphore, #tpu.memory_space<semaphore_mem>>) src(%arg9 : memref<64x144xf32, #tpu.memory_space<vmem>>) dst(%dma_wait3A_83 : memref<64x144xf32, #tpu.memory_space<vmem_shared>>)
      tpu.yield
    }) : () -> ()
    %mul3A_11 = arith.constant 625 : i32
    %mul3A_12 = arith.muli %arg1, %mul3A_11 : i32
    %add3A_13 = arith.constant 64 : i32
    %add3A_14 = arith.addi %mul3A_12, %add3A_13 : i32
    "tpu.region"() ({
      %run_scoped3A = tpu.sem_alloc : memref<!tpu.dma_semaphore, #tpu.memory_space<semaphore_mem>>
      %dma_start3A_76 = arith.constant 0 : i32
      %dma_start3A_77 = tpu.memref_slice %arg11[%add3A_14, %dma_start3A_76] : memref<10000x144xf32, #tpu.memory_space<vmem_shared>> -> memref<64x144xf32, #tpu.memory_space<vmem_shared>>
      %dma_start3A_78 = arith.constant 0 : i32
      %dma_start3A_79 = tpu.memref_slice %arg11[%add3A_14, %dma_start3A_78] : memref<10000x144xf32, #tpu.memory_space<vmem_shared>> -> memref<64x144xf32, #tpu.memory_space<vmem_shared>>
      tpu.enqueue_dma source(%arg9 : memref<64x144xf32, #tpu.memory_space<vmem>>) target(%dma_start3A_79 : memref<64x144xf32, #tpu.memory_space<vmem_shared>>) target_semaphore(%run_scoped3A : memref<!tpu.dma_semaphore, #tpu.memory_space<semaphore_mem>>)
      %dma_wait3A_80 = arith.constant 0 : i32
      %dma_wait3A_81 = tpu.memref_slice %arg11[%add3A_14, %dma_wait3A_80] : memref<10000x144xf32, #tpu.memory_space<vmem_shared>> -> memref<64x144xf32, #tpu.memory_space<vmem_shared>>
      %dma_wait3A_82 = arith.constant 0 : i32
      %dma_wait3A_83 = tpu.memref_slice %arg11[%add3A_14, %dma_wait3A_82] : memref<10000x144xf32, #tpu.memory_space<vmem_shared>> -> memref<64x144xf32, #tpu.memory_space<vmem_shared>>
      tpu.wait_dma2 semaphore(%run_scoped3A : memref<!tpu.dma_semaphore, #tpu.memory_space<semaphore_mem>>) src(%arg9 : memref<64x144xf32, #tpu.memory_space<vmem>>) dst(%dma_wait3A_83 : memref<64x144xf32, #tpu.memory_space<vmem_shared>>)
      tpu.yield
    }) : () -> ()
    %mul3A_15 = arith.constant 625 : i32
    %mul3A_16 = arith.muli %arg1, %mul3A_15 : i32
    %add3A_17 = arith.constant 128 : i32
    %add3A_18 = arith.addi %mul3A_16, %add3A_17 : i32
    "tpu.region"() ({
      %run_scoped3A = tpu.sem_alloc : memref<!tpu.dma_semaphore, #tpu.memory_space<semaphore_mem>>
      %dma_start3A_76 = arith.constant 0 : i32
      %dma_start3A_77 = tpu.memref_slice %arg11[%add3A_18, %dma_start3A_76] : memref<10000x144xf32, #tpu.memory_space<vmem_shared>> -> memref<64x144xf32, #tpu.memory_space<vmem_shared>>
      %dma_start3A_78 = arith.constant 0 : i32
      %dma_start3A_79 = tpu.memref_slice %arg11[%add3A_18, %dma_start3A_78] : memref<10000x144xf32, #tpu.memory_space<vmem_shared>> -> memref<64x144xf32, #tpu.memory_space<vmem_shared>>
      tpu.enqueue_dma source(%arg9 : memref<64x144xf32, #tpu.memory_space<vmem>>) target(%dma_start3A_79 : memref<64x144xf32, #tpu.memory_space<vmem_shared>>) target_semaphore(%run_scoped3A : memref<!tpu.dma_semaphore, #tpu.memory_space<semaphore_mem>>)
      %dma_wait3A_80 = arith.constant 0 : i32
      %dma_wait3A_81 = tpu.memref_slice %arg11[%add3A_18, %dma_wait3A_80] : memref<10000x144xf32, #tpu.memory_space<vmem_shared>> -> memref<64x144xf32, #tpu.memory_space<vmem_shared>>
      %dma_wait3A_82 = arith.constant 0 : i32
      %dma_wait3A_83 = tpu.memref_slice %arg11[%add3A_18, %dma_wait3A_82] : memref<10000x144xf32, #tpu.memory_space<vmem_shared>> -> memref<64x144xf32, #tpu.memory_space<vmem_shared>>
      tpu.wait_dma2 semaphore(%run_scoped3A : memref<!tpu.dma_semaphore, #tpu.memory_space<semaphore_mem>>) src(%arg9 : memref<64x144xf32, #tpu.memory_space<vmem>>) dst(%dma_wait3A_83 : memref<64x144xf32, #tpu.memory_space<vmem_shared>>)
      tpu.yield
    }) : () -> ()
    %mul3A_19 = arith.constant 625 : i32
    %mul3A_20 = arith.muli %arg1, %mul3A_19 : i32
    %add3A_21 = arith.constant 192 : i32
    %add3A_22 = arith.addi %mul3A_20, %add3A_21 : i32
    "tpu.region"() ({
      %run_scoped3A = tpu.sem_alloc : memref<!tpu.dma_semaphore, #tpu.memory_space<semaphore_mem>>
      %dma_start3A_76 = arith.constant 0 : i32
      %dma_start3A_77 = tpu.memref_slice %arg11[%add3A_22, %dma_start3A_76] : memref<10000x144xf32, #tpu.memory_space<vmem_shared>> -> memref<64x144xf32, #tpu.memory_space<vmem_shared>>
      %dma_start3A_78 = arith.constant 0 : i32
      %dma_start3A_79 = tpu.memref_slice %arg11[%add3A_22, %dma_start3A_78] : memref<10000x144xf32, #tpu.memory_space<vmem_shared>> -> memref<64x144xf32, #tpu.memory_space<vmem_shared>>
      tpu.enqueue_dma source(%arg9 : memref<64x144xf32, #tpu.memory_space<vmem>>) target(%dma_start3A_79 : memref<64x144xf32, #tpu.memory_space<vmem_shared>>) target_semaphore(%run_scoped3A : memref<!tpu.dma_semaphore, #tpu.memory_space<semaphore_mem>>)
      %dma_wait3A_80 = arith.constant 0 : i32
      %dma_wait3A_81 = tpu.memref_slice %arg11[%add3A_22, %dma_wait3A_80] : memref<10000x144xf32, #tpu.memory_space<vmem_shared>> -> memref<64x144xf32, #tpu.memory_space<vmem_shared>>
      %dma_wait3A_82 = arith.constant 0 : i32
      %dma_wait3A_83 = tpu.memref_slice %arg11[%add3A_22, %dma_wait3A_82] : memref<10000x144xf32, #tpu.memory_space<vmem_shared>> -> memref<64x144xf32, #tpu.memory_space<vmem_shared>>
      tpu.wait_dma2 semaphore(%run_scoped3A : memref<!tpu.dma_semaphore, #tpu.memory_space<semaphore_mem>>) src(%arg9 : memref<64x144xf32, #tpu.memory_space<vmem>>) dst(%dma_wait3A_83 : memref<64x144xf32, #tpu.memory_space<vmem_shared>>)
      tpu.yield
    }) : () -> ()
    %mul3A_23 = arith.constant 625 : i32
    %mul3A_24 = arith.muli %arg1, %mul3A_23 : i32
    %add3A_25 = arith.constant 256 : i32
    %add3A_26 = arith.addi %mul3A_24, %add3A_25 : i32
    "tpu.region"() ({
      %run_scoped3A = tpu.sem_alloc : memref<!tpu.dma_semaphore, #tpu.memory_space<semaphore_mem>>
      %dma_start3A_76 = arith.constant 0 : i32
      %dma_start3A_77 = tpu.memref_slice %arg11[%add3A_26, %dma_start3A_76] : memref<10000x144xf32, #tpu.memory_space<vmem_shared>> -> memref<64x144xf32, #tpu.memory_space<vmem_shared>>
      %dma_start3A_78 = arith.constant 0 : i32
      %dma_start3A_79 = tpu.memref_slice %arg11[%add3A_26, %dma_start3A_78] : memref<10000x144xf32, #tpu.memory_space<vmem_shared>> -> memref<64x144xf32, #tpu.memory_space<vmem_shared>>
      tpu.enqueue_dma source(%arg9 : memref<64x144xf32, #tpu.memory_space<vmem>>) target(%dma_start3A_79 : memref<64x144xf32, #tpu.memory_space<vmem_shared>>) target_semaphore(%run_scoped3A : memref<!tpu.dma_semaphore, #tpu.memory_space<semaphore_mem>>)
      %dma_wait3A_80 = arith.constant 0 : i32
      %dma_wait3A_81 = tpu.memref_slice %arg11[%add3A_26, %dma_wait3A_80] : memref<10000x144xf32, #tpu.memory_space<vmem_shared>> -> memref<64x144xf32, #tpu.memory_space<vmem_shared>>
      %dma_wait3A_82 = arith.constant 0 : i32
      %dma_wait3A_83 = tpu.memref_slice %arg11[%add3A_26, %dma_wait3A_82] : memref<10000x144xf32, #tpu.memory_space<vmem_shared>> -> memref<64x144xf32, #tpu.memory_space<vmem_shared>>
      tpu.wait_dma2 semaphore(%run_scoped3A : memref<!tpu.dma_semaphore, #tpu.memory_space<semaphore_mem>>) src(%arg9 : memref<64x144xf32, #tpu.memory_space<vmem>>) dst(%dma_wait3A_83 : memref<64x144xf32, #tpu.memory_space<vmem_shared>>)
      tpu.yield
    }) : () -> ()
    %mul3A_27 = arith.constant 625 : i32
    %mul3A_28 = arith.muli %arg1, %mul3A_27 : i32
    %add3A_29 = arith.constant 320 : i32
    %add3A_30 = arith.addi %mul3A_28, %add3A_29 : i32
    "tpu.region"() ({
      %run_scoped3A = tpu.sem_alloc : memref<!tpu.dma_semaphore, #tpu.memory_space<semaphore_mem>>
      %dma_start3A_76 = arith.constant 0 : i32
      %dma_start3A_77 = tpu.memref_slice %arg11[%add3A_30, %dma_start3A_76] : memref<10000x144xf32, #tpu.memory_space<vmem_shared>> -> memref<64x144xf32, #tpu.memory_space<vmem_shared>>
      %dma_start3A_78 = arith.constant 0 : i32
      %dma_start3A_79 = tpu.memref_slice %arg11[%add3A_30, %dma_start3A_78] : memref<10000x144xf32, #tpu.memory_space<vmem_shared>> -> memref<64x144xf32, #tpu.memory_space<vmem_shared>>
      tpu.enqueue_dma source(%arg9 : memref<64x144xf32, #tpu.memory_space<vmem>>) target(%dma_start3A_79 : memref<64x144xf32, #tpu.memory_space<vmem_shared>>) target_semaphore(%run_scoped3A : memref<!tpu.dma_semaphore, #tpu.memory_space<semaphore_mem>>)
      %dma_wait3A_80 = arith.constant 0 : i32
      %dma_wait3A_81 = tpu.memref_slice %arg11[%add3A_30, %dma_wait3A_80] : memref<10000x144xf32, #tpu.memory_space<vmem_shared>> -> memref<64x144xf32, #tpu.memory_space<vmem_shared>>
      %dma_wait3A_82 = arith.constant 0 : i32
      %dma_wait3A_83 = tpu.memref_slice %arg11[%add3A_30, %dma_wait3A_82] : memref<10000x144xf32, #tpu.memory_space<vmem_shared>> -> memref<64x144xf32, #tpu.memory_space<vmem_shared>>
      tpu.wait_dma2 semaphore(%run_scoped3A : memref<!tpu.dma_semaphore, #tpu.memory_space<semaphore_mem>>) src(%arg9 : memref<64x144xf32, #tpu.memory_space<vmem>>) dst(%dma_wait3A_83 : memref<64x144xf32, #tpu.memory_space<vmem_shared>>)
      tpu.yield
    }) : () -> ()
    %mul3A_31 = arith.constant 625 : i32
    %mul3A_32 = arith.muli %arg1, %mul3A_31 : i32
    %add3A_33 = arith.constant 384 : i32
    %add3A_34 = arith.addi %mul3A_32, %add3A_33 : i32
    "tpu.region"() ({
      %run_scoped3A = tpu.sem_alloc : memref<!tpu.dma_semaphore, #tpu.memory_space<semaphore_mem>>
      %dma_start3A_76 = arith.constant 0 : i32
      %dma_start3A_77 = tpu.memref_slice %arg11[%add3A_34, %dma_start3A_76] : memref<10000x144xf32, #tpu.memory_space<vmem_shared>> -> memref<64x144xf32, #tpu.memory_space<vmem_shared>>
      %dma_start3A_78 = arith.constant 0 : i32
      %dma_start3A_79 = tpu.memref_slice %arg11[%add3A_34, %dma_start3A_78] : memref<10000x144xf32, #tpu.memory_space<vmem_shared>> -> memref<64x144xf32, #tpu.memory_space<vmem_shared>>
      tpu.enqueue_dma source(%arg9 : memref<64x144xf32, #tpu.memory_space<vmem>>) target(%dma_start3A_79 : memref<64x144xf32, #tpu.memory_space<vmem_shared>>) target_semaphore(%run_scoped3A : memref<!tpu.dma_semaphore, #tpu.memory_space<semaphore_mem>>)
      %dma_wait3A_80 = arith.constant 0 : i32
      %dma_wait3A_81 = tpu.memref_slice %arg11[%add3A_34, %dma_wait3A_80] : memref<10000x144xf32, #tpu.memory_space<vmem_shared>> -> memref<64x144xf32, #tpu.memory_space<vmem_shared>>
      %dma_wait3A_82 = arith.constant 0 : i32
      %dma_wait3A_83 = tpu.memref_slice %arg11[%add3A_34, %dma_wait3A_82] : memref<10000x144xf32, #tpu.memory_space<vmem_shared>> -> memref<64x144xf32, #tpu.memory_space<vmem_shared>>
      tpu.wait_dma2 semaphore(%run_scoped3A : memref<!tpu.dma_semaphore, #tpu.memory_space<semaphore_mem>>) src(%arg9 : memref<64x144xf32, #tpu.memory_space<vmem>>) dst(%dma_wait3A_83 : memref<64x144xf32, #tpu.memory_space<vmem_shared>>)
      tpu.yield
    }) : () -> ()
    %mul3A_35 = arith.constant 625 : i32
    %mul3A_36 = arith.muli %arg1, %mul3A_35 : i32
    %add3A_37 = arith.constant 448 : i32
    %add3A_38 = arith.addi %mul3A_36, %add3A_37 : i32
    "tpu.region"() ({
      %run_scoped3A = tpu.sem_alloc : memref<!tpu.dma_semaphore, #tpu.memory_space<semaphore_mem>>
      %dma_start3A_76 = arith.constant 0 : i32
      %dma_start3A_77 = tpu.memref_slice %arg11[%add3A_38, %dma_start3A_76] : memref<10000x144xf32, #tpu.memory_space<vmem_shared>> -> memref<64x144xf32, #tpu.memory_space<vmem_shared>>
      %dma_start3A_78 = arith.constant 0 : i32
      %dma_start3A_79 = tpu.memref_slice %arg11[%add3A_38, %dma_start3A_78] : memref<10000x144xf32, #tpu.memory_space<vmem_shared>> -> memref<64x144xf32, #tpu.memory_space<vmem_shared>>
      tpu.enqueue_dma source(%arg9 : memref<64x144xf32, #tpu.memory_space<vmem>>) target(%dma_start3A_79 : memref<64x144xf32, #tpu.memory_space<vmem_shared>>) target_semaphore(%run_scoped3A : memref<!tpu.dma_semaphore, #tpu.memory_space<semaphore_mem>>)
      %dma_wait3A_80 = arith.constant 0 : i32
      %dma_wait3A_81 = tpu.memref_slice %arg11[%add3A_38, %dma_wait3A_80] : memref<10000x144xf32, #tpu.memory_space<vmem_shared>> -> memref<64x144xf32, #tpu.memory_space<vmem_shared>>
      %dma_wait3A_82 = arith.constant 0 : i32
      %dma_wait3A_83 = tpu.memref_slice %arg11[%add3A_38, %dma_wait3A_82] : memref<10000x144xf32, #tpu.memory_space<vmem_shared>> -> memref<64x144xf32, #tpu.memory_space<vmem_shared>>
      tpu.wait_dma2 semaphore(%run_scoped3A : memref<!tpu.dma_semaphore, #tpu.memory_space<semaphore_mem>>) src(%arg9 : memref<64x144xf32, #tpu.memory_space<vmem>>) dst(%dma_wait3A_83 : memref<64x144xf32, #tpu.memory_space<vmem_shared>>)
      tpu.yield
    }) : () -> ()
    %mul3A_39 = arith.constant 625 : i32
    %mul3A_40 = arith.muli %arg1, %mul3A_39 : i32
    %add3A_41 = arith.constant 512 : i32
    %add3A_42 = arith.addi %mul3A_40, %add3A_41 : i32
    "tpu.region"() ({
      %run_scoped3A = tpu.sem_alloc : memref<!tpu.dma_semaphore, #tpu.memory_space<semaphore_mem>>
      %dma_start3A_76 = arith.constant 0 : i32
      %dma_start3A_77 = tpu.memref_slice %arg11[%add3A_42, %dma_start3A_76] : memref<10000x144xf32, #tpu.memory_space<vmem_shared>> -> memref<64x144xf32, #tpu.memory_space<vmem_shared>>
      %dma_start3A_78 = arith.constant 0 : i32
      %dma_start3A_79 = tpu.memref_slice %arg11[%add3A_42, %dma_start3A_78] : memref<10000x144xf32, #tpu.memory_space<vmem_shared>> -> memref<64x144xf32, #tpu.memory_space<vmem_shared>>
      tpu.enqueue_dma source(%arg9 : memref<64x144xf32, #tpu.memory_space<vmem>>) target(%dma_start3A_79 : memref<64x144xf32, #tpu.memory_space<vmem_shared>>) target_semaphore(%run_scoped3A : memref<!tpu.dma_semaphore, #tpu.memory_space<semaphore_mem>>)
      %dma_wait3A_80 = arith.constant 0 : i32
      %dma_wait3A_81 = tpu.memref_slice %arg11[%add3A_42, %dma_wait3A_80] : memref<10000x144xf32, #tpu.memory_space<vmem_shared>> -> memref<64x144xf32, #tpu.memory_space<vmem_shared>>
      %dma_wait3A_82 = arith.constant 0 : i32
      %dma_wait3A_83 = tpu.memref_slice %arg11[%add3A_42, %dma_wait3A_82] : memref<10000x144xf32, #tpu.memory_space<vmem_shared>> -> memref<64x144xf32, #tpu.memory_space<vmem_shared>>
      tpu.wait_dma2 semaphore(%run_scoped3A : memref<!tpu.dma_semaphore, #tpu.memory_space<semaphore_mem>>) src(%arg9 : memref<64x144xf32, #tpu.memory_space<vmem>>) dst(%dma_wait3A_83 : memref<64x144xf32, #tpu.memory_space<vmem_shared>>)
      tpu.yield
    }) : () -> ()
    %mul3A_43 = arith.constant 625 : i32
    %mul3A_44 = arith.muli %arg1, %mul3A_43 : i32
    %add3A_45 = arith.constant 576 : i32
    %add3A_46 = arith.addi %mul3A_44, %add3A_45 : i32
    "tpu.region"() ({
      %run_scoped3A = tpu.sem_alloc : memref<!tpu.dma_semaphore, #tpu.memory_space<semaphore_mem>>
      %dma_start3A_76 = arith.constant 0 : i32
      %dma_start3A_77 = arith.constant 0 : i32
      %dma_start3A_78 = tpu.memref_slice %arg9[%dma_start3A_76, %dma_start3A_77] : memref<64x144xf32, #tpu.memory_space<vmem>> -> memref<49x144xf32, #tpu.memory_space<vmem>>
      %dma_start3A_79 = arith.constant 0 : i32
      %dma_start3A_80 = tpu.memref_slice %arg11[%add3A_46, %dma_start3A_79] : memref<10000x144xf32, #tpu.memory_space<vmem_shared>> -> memref<49x144xf32, #tpu.memory_space<vmem_shared>>
      %dma_start3A_81 = arith.constant 0 : i32
      %dma_start3A_82 = tpu.memref_slice %arg11[%add3A_46, %dma_start3A_81] : memref<10000x144xf32, #tpu.memory_space<vmem_shared>> -> memref<49x144xf32, #tpu.memory_space<vmem_shared>>
      %dma_start3A_83 = arith.constant 0 : i32
      %dma_start3A_84 = arith.constant 0 : i32
      %dma_start3A_85 = tpu.memref_slice %arg9[%dma_start3A_83, %dma_start3A_84] : memref<64x144xf32, #tpu.memory_space<vmem>> -> memref<49x144xf32, #tpu.memory_space<vmem>>
      tpu.enqueue_dma source(%dma_start3A_85 : memref<49x144xf32, #tpu.memory_space<vmem>>) target(%dma_start3A_82 : memref<49x144xf32, #tpu.memory_space<vmem_shared>>) target_semaphore(%run_scoped3A : memref<!tpu.dma_semaphore, #tpu.memory_space<semaphore_mem>>)
      %dma_wait3A_86 = arith.constant 0 : i32
      %dma_wait3A_87 = arith.constant 0 : i32
      %dma_wait3A_88 = tpu.memref_slice %arg9[%dma_wait3A_86, %dma_wait3A_87] : memref<64x144xf32, #tpu.memory_space<vmem>> -> memref<49x144xf32, #tpu.memory_space<vmem>>
      %dma_wait3A_89 = arith.constant 0 : i32
      %dma_wait3A_90 = tpu.memref_slice %arg11[%add3A_46, %dma_wait3A_89] : memref<10000x144xf32, #tpu.memory_space<vmem_shared>> -> memref<49x144xf32, #tpu.memory_space<vmem_shared>>
      %dma_wait3A_91 = arith.constant 0 : i32
      %dma_wait3A_92 = tpu.memref_slice %arg11[%add3A_46, %dma_wait3A_91] : memref<10000x144xf32, #tpu.memory_space<vmem_shared>> -> memref<49x144xf32, #tpu.memory_space<vmem_shared>>
      %dma_wait3A_93 = arith.constant 0 : i32
      %dma_wait3A_94 = arith.constant 0 : i32
      %dma_wait3A_95 = tpu.memref_slice %arg9[%dma_wait3A_93, %dma_wait3A_94] : memref<64x144xf32, #tpu.memory_space<vmem>> -> memref<49x144xf32, #tpu.memory_space<vmem>>
      tpu.wait_dma2 semaphore(%run_scoped3A : memref<!tpu.dma_semaphore, #tpu.memory_space<semaphore_mem>>) src(%dma_wait3A_95 : memref<49x144xf32, #tpu.memory_space<vmem>>) dst(%dma_wait3A_92 : memref<49x144xf32, #tpu.memory_space<vmem_shared>>)
      tpu.yield
    }) : () -> ()
    %mul3A_47 = arith.constant 10000 : i32
    %mul3A_48 = arith.muli %add3A, %mul3A_47 : i32
    "tpu.region"() ({
      %run_scoped3A = tpu.sem_alloc : memref<!tpu.dma_semaphore, #tpu.memory_space<semaphore_mem>>
      %dma_start3A_76 = tpu.memref_slice %arg3[%mul3A_48] : memref<320000xi32, #tpu.memory_space<hbm>> -> memref<10000xi32, #tpu.memory_space<hbm>>
      %dma_start3A_77 = tpu.memref_slice %arg3[%mul3A_48] : memref<320000xi32, #tpu.memory_space<hbm>> -> memref<10000xi32, #tpu.memory_space<hbm>>
      tpu.enqueue_dma source(%dma_start3A_77 : memref<10000xi32, #tpu.memory_space<hbm>>) target(%arg7 : memref<10000xi32, #tpu.memory_space<vmem>>) target_semaphore(%run_scoped3A : memref<!tpu.dma_semaphore, #tpu.memory_space<semaphore_mem>>)
      %dma_wait3A_78 = tpu.memref_slice %arg3[%mul3A_48] : memref<320000xi32, #tpu.memory_space<hbm>> -> memref<10000xi32, #tpu.memory_space<hbm>>
      %dma_wait3A_79 = tpu.memref_slice %arg3[%mul3A_48] : memref<320000xi32, #tpu.memory_space<hbm>> -> memref<10000xi32, #tpu.memory_space<hbm>>
      tpu.wait_dma2 semaphore(%run_scoped3A : memref<!tpu.dma_semaphore, #tpu.memory_space<semaphore_mem>>) src(%dma_wait3A_79 : memref<10000xi32, #tpu.memory_space<hbm>>) dst(%arg7 : memref<10000xi32, #tpu.memory_space<vmem>>)
      tpu.yield
    }) : () -> ()
    %mul3A_49 = arith.constant 10000 : i32
    %mul3A_50 = arith.muli %add3A, %mul3A_49 : i32
    "tpu.region"() ({
      %run_scoped3A = tpu.sem_alloc : memref<!tpu.dma_semaphore, #tpu.memory_space<semaphore_mem>>
      %dma_start3A_76 = tpu.memref_slice %arg4[%mul3A_50] : memref<320000xi32, #tpu.memory_space<hbm>> -> memref<10000xi32, #tpu.memory_space<hbm>>
      %dma_start3A_77 = tpu.memref_slice %arg4[%mul3A_50] : memref<320000xi32, #tpu.memory_space<hbm>> -> memref<10000xi32, #tpu.memory_space<hbm>>
      tpu.enqueue_dma source(%dma_start3A_77 : memref<10000xi32, #tpu.memory_space<hbm>>) target(%arg8 : memref<10000xi32, #tpu.memory_space<vmem>>) target_semaphore(%run_scoped3A : memref<!tpu.dma_semaphore, #tpu.memory_space<semaphore_mem>>)
      %dma_wait3A_78 = tpu.memref_slice %arg4[%mul3A_50] : memref<320000xi32, #tpu.memory_space<hbm>> -> memref<10000xi32, #tpu.memory_space<hbm>>
      %dma_wait3A_79 = tpu.memref_slice %arg4[%mul3A_50] : memref<320000xi32, #tpu.memory_space<hbm>> -> memref<10000xi32, #tpu.memory_space<hbm>>
      tpu.wait_dma2 semaphore(%run_scoped3A : memref<!tpu.dma_semaphore, #tpu.memory_space<semaphore_mem>>) src(%dma_wait3A_79 : memref<10000xi32, #tpu.memory_space<hbm>>) dst(%arg8 : memref<10000xi32, #tpu.memory_space<vmem>>)
      tpu.yield
    }) : () -> ()
    %barrier3A = arith.constant 0 : index
    tpu.barrier barrier_id(%barrier3A)
    %dma_start3A = arith.constant 0 : i32
    %dma_start3A_51 = tpu.memref_slice %arg7[%dma_start3A] : memref<10000xi32, #tpu.memory_space<vmem>> -> memref<64xi32, #tpu.memory_space<vmem>>
    %dma_start3A_52 = arith.constant 0 : i32
    %dma_start3A_53 = arith.constant 0 : i32
    %dma_start3A_54 = tpu.memref_slice %arg2[%dma_start3A_52, %dma_start3A_53] : memref<10000x144xf32, #tpu.memory_space<hbm>> -> memref<10000x144xf32, #tpu.memory_space<hbm>>
    tpu.enqueue_indirect_dma source(%dma_start3A_54 : memref<10000x144xf32, #tpu.memory_space<hbm>>) target(%arg9 : memref<64x144xf32, #tpu.memory_space<vmem>>) offsets(%dma_start3A_51 : memref<64xi32, #tpu.memory_space<vmem>>) semaphore(%arg12 : memref<!tpu.dma_semaphore, #tpu.memory_space<semaphore_mem>>)
    %scan3A_55 = arith.constant 0 : i32
    %scan3A_56 = arith.constant 0 : i32
    %scan3A_57 = arith.constant 78 : i32
    %scan3A_58 = arith.addi %scan3A_56, %scan3A_57 : i32
    %scan3A_59 = arith.constant 1 : i32
    %scan3A_60 = scf.for %scan3A_76 = %scan3A_56 to %scan3A_58 step %scan3A_59 iter_args(%scan3A_77 = %scan3A_55) -> (i32)  : i32 {
      %mul3A_78 = arith.constant 2 : i32
      %mul3A_79 = arith.muli %scan3A_76, %mul3A_78 : i32
      %add3A_80 = arith.constant 0 : i32
      %add3A_81 = arith.addi %mul3A_79, %add3A_80 : i32
      %mul3A_82 = arith.constant 64 : i32
      %mul3A_83 = arith.muli %add3A_81, %mul3A_82 : i32
      %dma_wait3A_84 = tpu.memref_slice %arg7[%mul3A_83] : memref<10000xi32, #tpu.memory_space<vmem>> -> memref<64xi32, #tpu.memory_space<vmem>>
      %dma_wait3A_85 = arith.constant 0 : i32
      %dma_wait3A_86 = arith.constant 0 : i32
      %dma_wait3A_87 = tpu.memref_slice %arg2[%dma_wait3A_85, %dma_wait3A_86] : memref<10000x144xf32, #tpu.memory_space<hbm>> -> memref<10000x144xf32, #tpu.memory_space<hbm>>
      tpu.wait_indirect_dma semaphore(%arg12 : memref<!tpu.dma_semaphore, #tpu.memory_space<semaphore_mem>>) src(%dma_wait3A_87 : memref<10000x144xf32, #tpu.memory_space<hbm>>) dst(%arg9 : memref<64x144xf32, #tpu.memory_space<vmem>>)
      %ge3A = arith.constant 1 : i32
      %ge3A_88 = arith.cmpi sge, %add3A_81, %ge3A : i32
      %convert_element_type3A_89 = arith.extui %ge3A_88 : i1 to i32
      %cond3A_90 = arith.constant 0 : i32
      %cond3A_91 = arith.cmpi ne, %convert_element_type3A_89, %cond3A_90 : i32
      scf.if %cond3A_91 {
        %sub3A = arith.constant 1 : i32
        %sub3A_133 = arith.subi %add3A_81, %sub3A : i32
        %mul3A_134 = arith.constant 64 : i32
        %mul3A_135 = arith.muli %sub3A_133, %mul3A_134 : i32
        %dma_wait3A_136 = tpu.memref_slice %arg8[%mul3A_135] : memref<10000xi32, #tpu.memory_space<vmem>> -> memref<64xi32, #tpu.memory_space<vmem>>
        %dma_wait3A_137 = arith.constant 0 : i32
        %dma_wait3A_138 = arith.constant 0 : i32
        %dma_wait3A_139 = tpu.memref_slice %arg11[%dma_wait3A_137, %dma_wait3A_138] : memref<10000x144xf32, #tpu.memory_space<vmem_shared>> -> memref<10000x144xf32, #tpu.memory_space<vmem_shared>>
        tpu.wait_indirect_dma semaphore(%arg15 : memref<!tpu.dma_semaphore, #tpu.memory_space<semaphore_mem>>) src(%arg10 : memref<64x144xf32, #tpu.memory_space<vmem>>) dst(%dma_wait3A_139 : memref<10000x144xf32, #tpu.memory_space<vmem_shared>>)
      } else {
      }
      %add3A_92 = arith.constant 1 : i32
      %add3A_93 = arith.addi %add3A_81, %add3A_92 : i32
      %lt3A = arith.constant 156 : i32
      %lt3A_94 = arith.cmpi slt, %add3A_93, %lt3A : i32
      %convert_element_type3A_95 = arith.extui %lt3A_94 : i1 to i32
      %cond3A_96 = arith.constant 0 : i32
      %cond3A_97 = arith.cmpi ne, %convert_element_type3A_95, %cond3A_96 : i32
      scf.if %cond3A_97 {
        %add3A_133 = arith.constant 1 : i32
        %add3A_134 = arith.addi %add3A_81, %add3A_133 : i32
        %mul3A_135 = arith.constant 64 : i32
        %mul3A_136 = arith.muli %add3A_134, %mul3A_135 : i32
        %dma_start3A_137 = tpu.memref_slice %arg7[%mul3A_136] : memref<10000xi32, #tpu.memory_space<vmem>> -> memref<64xi32, #tpu.memory_space<vmem>>
        %dma_start3A_138 = arith.constant 0 : i32
        %dma_start3A_139 = arith.constant 0 : i32
        %dma_start3A_140 = tpu.memref_slice %arg2[%dma_start3A_138, %dma_start3A_139] : memref<10000x144xf32, #tpu.memory_space<hbm>> -> memref<10000x144xf32, #tpu.memory_space<hbm>>
        tpu.enqueue_indirect_dma source(%dma_start3A_140 : memref<10000x144xf32, #tpu.memory_space<hbm>>) target(%arg10 : memref<64x144xf32, #tpu.memory_space<vmem>>) offsets(%dma_start3A_137 : memref<64xi32, #tpu.memory_space<vmem>>) semaphore(%arg13 : memref<!tpu.dma_semaphore, #tpu.memory_space<semaphore_mem>>)
      } else {
      }
      %mul3A_98 = arith.constant 64 : i32
      %mul3A_99 = arith.muli %add3A_81, %mul3A_98 : i32
      %dma_start3A_100 = tpu.memref_slice %arg8[%mul3A_99] : memref<10000xi32, #tpu.memory_space<vmem>> -> memref<64xi32, #tpu.memory_space<vmem>>
      %dma_start3A_101 = arith.constant 0 : i32
      %dma_start3A_102 = arith.constant 0 : i32
      %dma_start3A_103 = tpu.memref_slice %arg11[%dma_start3A_101, %dma_start3A_102] : memref<10000x144xf32, #tpu.memory_space<vmem_shared>> -> memref<10000x144xf32, #tpu.memory_space<vmem_shared>>
      tpu.enqueue_indirect_dma source(%arg9 : memref<64x144xf32, #tpu.memory_space<vmem>>) target(%dma_start3A_103 : memref<10000x144xf32, #tpu.memory_space<vmem_shared>>) offsets(%dma_start3A_100 : memref<64xi32, #tpu.memory_space<vmem>>) semaphore(%arg14 : memref<!tpu.dma_semaphore, #tpu.memory_space<semaphore_mem>>) {add = true}
      %mul3A_104 = arith.constant 2 : i32
      %mul3A_105 = arith.muli %scan3A_76, %mul3A_104 : i32
      %add3A_106 = arith.constant 1 : i32
      %add3A_107 = arith.addi %mul3A_105, %add3A_106 : i32
      %mul3A_108 = arith.constant 64 : i32
      %mul3A_109 = arith.muli %add3A_107, %mul3A_108 : i32
      %dma_wait3A_110 = tpu.memref_slice %arg7[%mul3A_109] : memref<10000xi32, #tpu.memory_space<vmem>> -> memref<64xi32, #tpu.memory_space<vmem>>
      %dma_wait3A_111 = arith.constant 0 : i32
      %dma_wait3A_112 = arith.constant 0 : i32
      %dma_wait3A_113 = tpu.memref_slice %arg2[%dma_wait3A_111, %dma_wait3A_112] : memref<10000x144xf32, #tpu.memory_space<hbm>> -> memref<10000x144xf32, #tpu.memory_space<hbm>>
      tpu.wait_indirect_dma semaphore(%arg13 : memref<!tpu.dma_semaphore, #tpu.memory_space<semaphore_mem>>) src(%dma_wait3A_113 : memref<10000x144xf32, #tpu.memory_space<hbm>>) dst(%arg10 : memref<64x144xf32, #tpu.memory_space<vmem>>)
      %ge3A_114 = arith.constant 1 : i32
      %ge3A_115 = arith.cmpi sge, %add3A_107, %ge3A_114 : i32
      %convert_element_type3A_116 = arith.extui %ge3A_115 : i1 to i32
      %cond3A_117 = arith.constant 0 : i32
      %cond3A_118 = arith.cmpi ne, %convert_element_type3A_116, %cond3A_117 : i32
      scf.if %cond3A_118 {
        %sub3A = arith.constant 1 : i32
        %sub3A_133 = arith.subi %add3A_107, %sub3A : i32
        %mul3A_134 = arith.constant 64 : i32
        %mul3A_135 = arith.muli %sub3A_133, %mul3A_134 : i32
        %dma_wait3A_136 = tpu.memref_slice %arg8[%mul3A_135] : memref<10000xi32, #tpu.memory_space<vmem>> -> memref<64xi32, #tpu.memory_space<vmem>>
        %dma_wait3A_137 = arith.constant 0 : i32
        %dma_wait3A_138 = arith.constant 0 : i32
        %dma_wait3A_139 = tpu.memref_slice %arg11[%dma_wait3A_137, %dma_wait3A_138] : memref<10000x144xf32, #tpu.memory_space<vmem_shared>> -> memref<10000x144xf32, #tpu.memory_space<vmem_shared>>
        tpu.wait_indirect_dma semaphore(%arg14 : memref<!tpu.dma_semaphore, #tpu.memory_space<semaphore_mem>>) src(%arg9 : memref<64x144xf32, #tpu.memory_space<vmem>>) dst(%dma_wait3A_139 : memref<10000x144xf32, #tpu.memory_space<vmem_shared>>)
      } else {
      }
      %add3A_119 = arith.constant 1 : i32
      %add3A_120 = arith.addi %add3A_107, %add3A_119 : i32
      %lt3A_121 = arith.constant 156 : i32
      %lt3A_122 = arith.cmpi slt, %add3A_120, %lt3A_121 : i32
      %convert_element_type3A_123 = arith.extui %lt3A_122 : i1 to i32
      %cond3A_124 = arith.constant 0 : i32
      %cond3A_125 = arith.cmpi ne, %convert_element_type3A_123, %cond3A_124 : i32
      scf.if %cond3A_125 {
        %add3A_133 = arith.constant 1 : i32
        %add3A_134 = arith.addi %add3A_107, %add3A_133 : i32
        %mul3A_135 = arith.constant 64 : i32
        %mul3A_136 = arith.muli %add3A_134, %mul3A_135 : i32
        %dma_start3A_137 = tpu.memref_slice %arg7[%mul3A_136] : memref<10000xi32, #tpu.memory_space<vmem>> -> memref<64xi32, #tpu.memory_space<vmem>>
        %dma_start3A_138 = arith.constant 0 : i32
        %dma_start3A_139 = arith.constant 0 : i32
        %dma_start3A_140 = tpu.memref_slice %arg2[%dma_start3A_138, %dma_start3A_139] : memref<10000x144xf32, #tpu.memory_space<hbm>> -> memref<10000x144xf32, #tpu.memory_space<hbm>>
        tpu.enqueue_indirect_dma source(%dma_start3A_140 : memref<10000x144xf32, #tpu.memory_space<hbm>>) target(%arg9 : memref<64x144xf32, #tpu.memory_space<vmem>>) offsets(%dma_start3A_137 : memref<64xi32, #tpu.memory_space<vmem>>) semaphore(%arg12 : memref<!tpu.dma_semaphore, #tpu.memory_space<semaphore_mem>>)
      } else {
      }
      %mul3A_126 = arith.constant 64 : i32
      %mul3A_127 = arith.muli %add3A_107, %mul3A_126 : i32
      %dma_start3A_128 = tpu.memref_slice %arg8[%mul3A_127] : memref<10000xi32, #tpu.memory_space<vmem>> -> memref<64xi32, #tpu.memory_space<vmem>>
      %dma_start3A_129 = arith.constant 0 : i32
      %dma_start3A_130 = arith.constant 0 : i32
      %dma_start3A_131 = tpu.memref_slice %arg11[%dma_start3A_129, %dma_start3A_130] : memref<10000x144xf32, #tpu.memory_space<vmem_shared>> -> memref<10000x144xf32, #tpu.memory_space<vmem_shared>>
      tpu.enqueue_indirect_dma source(%arg10 : memref<64x144xf32, #tpu.memory_space<vmem>>) target(%dma_start3A_131 : memref<10000x144xf32, #tpu.memory_space<vmem_shared>>) offsets(%dma_start3A_128 : memref<64xi32, #tpu.memory_space<vmem>>) semaphore(%arg15 : memref<!tpu.dma_semaphore, #tpu.memory_space<semaphore_mem>>) {add = true}
      %scan3A_132 = arith.constant 0 : i32
      scf.yield %scan3A_132 : i32
    }
    %scan3A_61 = arith.constant 78 : i32
    "tpu.region"() ({
      %run_scoped3A = tpu.sem_alloc : memref<!tpu.dma_semaphore, #tpu.memory_space<semaphore_mem>>
      %dma_start3A_76 = arith.constant 0 : i32
      %dma_start3A_77 = arith.constant 0 : i32
      %dma_start3A_78 = tpu.memref_slice %arg9[%dma_start3A_76, %dma_start3A_77] : memref<64x144xf32, #tpu.memory_space<vmem>> -> memref<16x144xf32, #tpu.memory_space<vmem>>
      %dma_start3A_79 = arith.constant 9984 : i32
      %dma_start3A_80 = tpu.memref_slice %arg7[%dma_start3A_79] : memref<10000xi32, #tpu.memory_space<vmem>> -> memref<16xi32, #tpu.memory_space<vmem>>
      %dma_start3A_81 = arith.constant 0 : i32
      %dma_start3A_82 = arith.constant 0 : i32
      %dma_start3A_83 = tpu.memref_slice %arg2[%dma_start3A_81, %dma_start3A_82] : memref<10000x144xf32, #tpu.memory_space<hbm>> -> memref<10000x144xf32, #tpu.memory_space<hbm>>
      tpu.enqueue_indirect_dma source(%dma_start3A_83 : memref<10000x144xf32, #tpu.memory_space<hbm>>) target(%dma_start3A_78 : memref<16x144xf32, #tpu.memory_space<vmem>>) offsets(%dma_start3A_80 : memref<16xi32, #tpu.memory_space<vmem>>) semaphore(%run_scoped3A : memref<!tpu.dma_semaphore, #tpu.memory_space<semaphore_mem>>)
      %dma_wait3A_84 = arith.constant 0 : i32
      %dma_wait3A_85 = arith.constant 0 : i32
      %dma_wait3A_86 = tpu.memref_slice %arg9[%dma_wait3A_84, %dma_wait3A_85] : memref<64x144xf32, #tpu.memory_space<vmem>> -> memref<16x144xf32, #tpu.memory_space<vmem>>
      %dma_wait3A_87 = arith.constant 9984 : i32
      %dma_wait3A_88 = tpu.memref_slice %arg7[%dma_wait3A_87] : memref<10000xi32, #tpu.memory_space<vmem>> -> memref<16xi32, #tpu.memory_space<vmem>>
      %dma_wait3A_89 = arith.constant 0 : i32
      %dma_wait3A_90 = arith.constant 0 : i32
      %dma_wait3A_91 = tpu.memref_slice %arg2[%dma_wait3A_89, %dma_wait3A_90] : memref<10000x144xf32, #tpu.memory_space<hbm>> -> memref<10000x144xf32, #tpu.memory_space<hbm>>
      tpu.wait_indirect_dma semaphore(%run_scoped3A : memref<!tpu.dma_semaphore, #tpu.memory_space<semaphore_mem>>) src(%dma_wait3A_91 : memref<10000x144xf32, #tpu.memory_space<hbm>>) dst(%dma_wait3A_86 : memref<16x144xf32, #tpu.memory_space<vmem>>)
      tpu.yield
    }) : () -> ()
    "tpu.region"() ({
      %run_scoped3A = tpu.sem_alloc : memref<!tpu.dma_semaphore, #tpu.memory_space<semaphore_mem>>
      %dma_start3A_76 = arith.constant 0 : i32
      %dma_start3A_77 = arith.constant 0 : i32
      %dma_start3A_78 = tpu.memref_slice %arg9[%dma_start3A_76, %dma_start3A_77] : memref<64x144xf32, #tpu.memory_space<vmem>> -> memref<16x144xf32, #tpu.memory_space<vmem>>
      %dma_start3A_79 = arith.constant 9984 : i32
      %dma_start3A_80 = tpu.memref_slice %arg8[%dma_start3A_79] : memref<10000xi32, #tpu.memory_space<vmem>> -> memref<16xi32, #tpu.memory_space<vmem>>
      %dma_start3A_81 = arith.constant 0 : i32
      %dma_start3A_82 = arith.constant 0 : i32
      %dma_start3A_83 = tpu.memref_slice %arg11[%dma_start3A_81, %dma_start3A_82] : memref<10000x144xf32, #tpu.memory_space<vmem_shared>> -> memref<10000x144xf32, #tpu.memory_space<vmem_shared>>
      tpu.enqueue_indirect_dma source(%dma_start3A_78 : memref<16x144xf32, #tpu.memory_space<vmem>>) target(%dma_start3A_83 : memref<10000x144xf32, #tpu.memory_space<vmem_shared>>) offsets(%dma_start3A_80 : memref<16xi32, #tpu.memory_space<vmem>>) semaphore(%run_scoped3A : memref<!tpu.dma_semaphore, #tpu.memory_space<semaphore_mem>>) {add = true}
      %dma_wait3A_84 = arith.constant 0 : i32
      %dma_wait3A_85 = arith.constant 0 : i32
      %dma_wait3A_86 = tpu.memref_slice %arg9[%dma_wait3A_84, %dma_wait3A_85] : memref<64x144xf32, #tpu.memory_space<vmem>> -> memref<16x144xf32, #tpu.memory_space<vmem>>
      %dma_wait3A_87 = arith.constant 9984 : i32
      %dma_wait3A_88 = tpu.memref_slice %arg8[%dma_wait3A_87] : memref<10000xi32, #tpu.memory_space<vmem>> -> memref<16xi32, #tpu.memory_space<vmem>>
      %dma_wait3A_89 = arith.constant 0 : i32
      %dma_wait3A_90 = arith.constant 0 : i32
      %dma_wait3A_91 = tpu.memref_slice %arg11[%dma_wait3A_89, %dma_wait3A_90] : memref<10000x144xf32, #tpu.memory_space<vmem_shared>> -> memref<10000x144xf32, #tpu.memory_space<vmem_shared>>
      tpu.wait_indirect_dma semaphore(%run_scoped3A : memref<!tpu.dma_semaphore, #tpu.memory_space<semaphore_mem>>) src(%dma_wait3A_86 : memref<16x144xf32, #tpu.memory_space<vmem>>) dst(%dma_wait3A_91 : memref<10000x144xf32, #tpu.memory_space<vmem_shared>>)
      tpu.yield
    }) : () -> ()
    %dma_wait3A = arith.constant 9920 : i32
    %dma_wait3A_62 = tpu.memref_slice %arg8[%dma_wait3A] : memref<10000xi32, #tpu.memory_space<vmem>> -> memref<64xi32, #tpu.memory_space<vmem>>
    %dma_wait3A_63 = arith.constant 0 : i32
    %dma_wait3A_64 = arith.constant 0 : i32
    %dma_wait3A_65 = tpu.memref_slice %arg11[%dma_wait3A_63, %dma_wait3A_64] : memref<10000x144xf32, #tpu.memory_space<vmem_shared>> -> memref<10000x144xf32, #tpu.memory_space<vmem_shared>>
    tpu.wait_indirect_dma semaphore(%arg15 : memref<!tpu.dma_semaphore, #tpu.memory_space<semaphore_mem>>) src(%arg10 : memref<64x144xf32, #tpu.memory_space<vmem>>) dst(%dma_wait3A_65 : memref<10000x144xf32, #tpu.memory_space<vmem_shared>>)
    %barrier3A_66 = arith.constant 0 : index
    tpu.barrier barrier_id(%barrier3A_66)
    %mul3A_67 = arith.constant 625 : i32
    %mul3A_68 = arith.muli %arg1, %mul3A_67 : i32
    %eq3A = arith.constant 0 : i32
    %eq3A_69 = arith.cmpi eq, %arg0, %eq3A : i32
    %convert_element_type3A = arith.extui %eq3A_69 : i1 to i32
    %cond3A = arith.constant 0 : i32
    %cond3A_70 = arith.cmpi ne, %convert_element_type3A, %cond3A : i32
    scf.if %cond3A_70 {
      "tpu.region"() ({
        %run_scoped3A = tpu.sem_alloc : memref<!tpu.dma_semaphore, #tpu.memory_space<semaphore_mem>>
        %dma_start3A_76 = arith.constant 0 : i32
        %dma_start3A_77 = tpu.memref_slice %arg5[%mul3A_68, %dma_start3A_76] : memref<10000x144xf32, #tpu.memory_space<hbm>> -> memref<625x144xf32, #tpu.memory_space<hbm>>
        %dma_start3A_78 = arith.constant 0 : i32
        %dma_start3A_79 = tpu.memref_slice %arg11[%mul3A_68, %dma_start3A_78] : memref<10000x144xf32, #tpu.memory_space<vmem_shared>> -> memref<625x144xf32, #tpu.memory_space<vmem_shared>>
        tpu.enqueue_dma source(%dma_start3A_79 : memref<625x144xf32, #tpu.memory_space<vmem_shared>>) target(%dma_start3A_77 : memref<625x144xf32, #tpu.memory_space<hbm>>) target_semaphore(%run_scoped3A : memref<!tpu.dma_semaphore, #tpu.memory_space<semaphore_mem>>)
        %dma_wait3A_80 = arith.constant 0 : i32
        %dma_wait3A_81 = tpu.memref_slice %arg5[%mul3A_68, %dma_wait3A_80] : memref<10000x144xf32, #tpu.memory_space<hbm>> -> memref<625x144xf32, #tpu.memory_space<hbm>>
        %dma_wait3A_82 = arith.constant 0 : i32
        %dma_wait3A_83 = tpu.memref_slice %arg11[%mul3A_68, %dma_wait3A_82] : memref<10000x144xf32, #tpu.memory_space<vmem_shared>> -> memref<625x144xf32, #tpu.memory_space<vmem_shared>>
        tpu.wait_dma2 semaphore(%run_scoped3A : memref<!tpu.dma_semaphore, #tpu.memory_space<semaphore_mem>>) src(%dma_wait3A_83 : memref<625x144xf32, #tpu.memory_space<vmem_shared>>) dst(%dma_wait3A_81 : memref<625x144xf32, #tpu.memory_space<hbm>>)
        tpu.yield
      }) : () -> ()
    } else {
    }
    %eq3A_71 = arith.constant 1 : i32
    %eq3A_72 = arith.cmpi eq, %arg0, %eq3A_71 : i32
    %convert_element_type3A_73 = arith.extui %eq3A_72 : i1 to i32
    %cond3A_74 = arith.constant 0 : i32
    %cond3A_75 = arith.cmpi ne, %convert_element_type3A_73, %cond3A_74 : i32
    scf.if %cond3A_75 {
      "tpu.region"() ({
        %run_scoped3A = tpu.sem_alloc : memref<!tpu.dma_semaphore, #tpu.memory_space<semaphore_mem>>
        %dma_start3A_76 = arith.constant 0 : i32
        %dma_start3A_77 = tpu.memref_slice %arg6[%mul3A_68, %dma_start3A_76] : memref<10000x144xf32, #tpu.memory_space<hbm>> -> memref<625x144xf32, #tpu.memory_space<hbm>>
        %dma_start3A_78 = arith.constant 0 : i32
        %dma_start3A_79 = tpu.memref_slice %arg11[%mul3A_68, %dma_start3A_78] : memref<10000x144xf32, #tpu.memory_space<vmem_shared>> -> memref<625x144xf32, #tpu.memory_space<vmem_shared>>
        tpu.enqueue_dma source(%dma_start3A_79 : memref<625x144xf32, #tpu.memory_space<vmem_shared>>) target(%dma_start3A_77 : memref<625x144xf32, #tpu.memory_space<hbm>>) target_semaphore(%run_scoped3A : memref<!tpu.dma_semaphore, #tpu.memory_space<semaphore_mem>>)
        %dma_wait3A_80 = arith.constant 0 : i32
        %dma_wait3A_81 = tpu.memref_slice %arg6[%mul3A_68, %dma_wait3A_80] : memref<10000x144xf32, #tpu.memory_space<hbm>> -> memref<625x144xf32, #tpu.memory_space<hbm>>
        %dma_wait3A_82 = arith.constant 0 : i32
        %dma_wait3A_83 = tpu.memref_slice %arg11[%mul3A_68, %dma_wait3A_82] : memref<10000x144xf32, #tpu.memory_space<vmem_shared>> -> memref<625x144xf32, #tpu.memory_space<vmem_shared>>
        tpu.wait_dma2 semaphore(%run_scoped3A : memref<!tpu.dma_semaphore, #tpu.memory_space<semaphore_mem>>) src(%dma_wait3A_83 : memref<625x144xf32, #tpu.memory_space<vmem_shared>>) dst(%dma_wait3A_81 : memref<625x144xf32, #tpu.memory_space<hbm>>)
        tpu.yield
      }) : () -> ()
    } else {
    }
    return
  }
}

#map = affine_map<(d0, d1) -> (0, 0)>
#map1 = affine_map<(d0, d1) -> (0)>
module attributes {stable_mosaic.version = 14 : i64} {
  func.func @_edge_body(%arg0: i32, %arg1: i32, %arg2: memref<10000x64xf32, #tpu.memory_space<hbm>>, %arg3: memref<10000x64xf32, #tpu.memory_space<hbm>>, %arg4: memref<320000xi32, #tpu.memory_space<hbm>>, %arg5: memref<320000xi32, #tpu.memory_space<hbm>>, %arg6: memref<320000xf32, #tpu.memory_space<hbm>>, %arg7: memref<256xf32, #tpu.memory_space<hbm>>, %arg8: memref<320000xf32, #tpu.memory_space<hbm>>, %arg9: memref<10000xi32, #tpu.memory_space<vmem>>, %arg10: memref<10000xi32, #tpu.memory_space<vmem>>, %arg11: memref<10000xf32, #tpu.memory_space<vmem>>, %arg12: memref<256x64xf32, #tpu.memory_space<vmem>>, %arg13: memref<256x64xf32, #tpu.memory_space<vmem>>, %arg14: memref<256x64xf32, #tpu.memory_space<vmem>>, %arg15: memref<256x64xf32, #tpu.memory_space<vmem>>, %arg16: memref<256xf32, #tpu.memory_space<vmem>>, %arg17: memref<256xf32, #tpu.memory_space<vmem>>, %arg18: memref<256xf32, #tpu.memory_space<vmem>>, %arg19: memref<!tpu.dma_semaphore, #tpu.memory_space<semaphore_mem>>, %arg20: memref<!tpu.dma_semaphore, #tpu.memory_space<semaphore_mem>>, %arg21: memref<!tpu.dma_semaphore, #tpu.memory_space<semaphore_mem>>, %arg22: memref<!tpu.dma_semaphore, #tpu.memory_space<semaphore_mem>>, %arg23: memref<!tpu.dma_semaphore, #tpu.memory_space<semaphore_mem>>, %arg24: memref<!tpu.dma_semaphore, #tpu.memory_space<semaphore_mem>>) attributes {dimension_semantics = [#tpu.dimension_semantics<core_parallel>, #tpu.dimension_semantics<subcore_parallel>], iteration_bounds = array<i64: 2, 16>, scalar_prefetch = 0 : i64, scratch_operands = 16 : i64, tpu.core_type = #tpu.core_type<sc_vector_subcore>, window_params = [{transform_indices = #map}, {transform_indices = #map}, {transform_indices = #map1}, {transform_indices = #map1}, {transform_indices = #map1}, {transform_indices = #map1}, {transform_indices = #map1}]} {
    %mul3A = arith.constant 16 : i32
    %mul3A_0 = arith.muli %arg0, %mul3A : i32
    %add3A = arith.addi %mul3A_0, %arg1 : i32
    "tpu.region"() ({
      %run_scoped3A = tpu.sem_alloc : memref<!tpu.dma_semaphore, #tpu.memory_space<semaphore_mem>>
      tpu.enqueue_dma source(%arg7 : memref<256xf32, #tpu.memory_space<hbm>>) target(%arg16 : memref<256xf32, #tpu.memory_space<vmem>>) target_semaphore(%run_scoped3A : memref<!tpu.dma_semaphore, #tpu.memory_space<semaphore_mem>>)
      tpu.wait_dma2 semaphore(%run_scoped3A : memref<!tpu.dma_semaphore, #tpu.memory_space<semaphore_mem>>) src(%arg7 : memref<256xf32, #tpu.memory_space<hbm>>) dst(%arg16 : memref<256xf32, #tpu.memory_space<vmem>>)
      tpu.yield
    }) : () -> ()
    %mul3A_1 = arith.constant 10000 : i32
    %mul3A_2 = arith.muli %add3A, %mul3A_1 : i32
    "tpu.region"() ({
      %run_scoped3A = tpu.sem_alloc : memref<!tpu.dma_semaphore, #tpu.memory_space<semaphore_mem>>
      %dma_start3A_68 = tpu.memref_slice %arg4[%mul3A_2] : memref<320000xi32, #tpu.memory_space<hbm>> -> memref<10000xi32, #tpu.memory_space<hbm>>
      %dma_start3A_69 = tpu.memref_slice %arg4[%mul3A_2] : memref<320000xi32, #tpu.memory_space<hbm>> -> memref<10000xi32, #tpu.memory_space<hbm>>
      tpu.enqueue_dma source(%dma_start3A_69 : memref<10000xi32, #tpu.memory_space<hbm>>) target(%arg9 : memref<10000xi32, #tpu.memory_space<vmem>>) target_semaphore(%run_scoped3A : memref<!tpu.dma_semaphore, #tpu.memory_space<semaphore_mem>>)
      %dma_wait3A_70 = tpu.memref_slice %arg4[%mul3A_2] : memref<320000xi32, #tpu.memory_space<hbm>> -> memref<10000xi32, #tpu.memory_space<hbm>>
      %dma_wait3A_71 = tpu.memref_slice %arg4[%mul3A_2] : memref<320000xi32, #tpu.memory_space<hbm>> -> memref<10000xi32, #tpu.memory_space<hbm>>
      tpu.wait_dma2 semaphore(%run_scoped3A : memref<!tpu.dma_semaphore, #tpu.memory_space<semaphore_mem>>) src(%dma_wait3A_71 : memref<10000xi32, #tpu.memory_space<hbm>>) dst(%arg9 : memref<10000xi32, #tpu.memory_space<vmem>>)
      tpu.yield
    }) : () -> ()
    "tpu.region"() ({
      %run_scoped3A = tpu.sem_alloc : memref<!tpu.dma_semaphore, #tpu.memory_space<semaphore_mem>>
      %dma_start3A_68 = tpu.memref_slice %arg5[%mul3A_2] : memref<320000xi32, #tpu.memory_space<hbm>> -> memref<10000xi32, #tpu.memory_space<hbm>>
      %dma_start3A_69 = tpu.memref_slice %arg5[%mul3A_2] : memref<320000xi32, #tpu.memory_space<hbm>> -> memref<10000xi32, #tpu.memory_space<hbm>>
      tpu.enqueue_dma source(%dma_start3A_69 : memref<10000xi32, #tpu.memory_space<hbm>>) target(%arg10 : memref<10000xi32, #tpu.memory_space<vmem>>) target_semaphore(%run_scoped3A : memref<!tpu.dma_semaphore, #tpu.memory_space<semaphore_mem>>)
      %dma_wait3A_70 = tpu.memref_slice %arg5[%mul3A_2] : memref<320000xi32, #tpu.memory_space<hbm>> -> memref<10000xi32, #tpu.memory_space<hbm>>
      %dma_wait3A_71 = tpu.memref_slice %arg5[%mul3A_2] : memref<320000xi32, #tpu.memory_space<hbm>> -> memref<10000xi32, #tpu.memory_space<hbm>>
      tpu.wait_dma2 semaphore(%run_scoped3A : memref<!tpu.dma_semaphore, #tpu.memory_space<semaphore_mem>>) src(%dma_wait3A_71 : memref<10000xi32, #tpu.memory_space<hbm>>) dst(%arg10 : memref<10000xi32, #tpu.memory_space<vmem>>)
      tpu.yield
    }) : () -> ()
    "tpu.region"() ({
      %run_scoped3A = tpu.sem_alloc : memref<!tpu.dma_semaphore, #tpu.memory_space<semaphore_mem>>
      %dma_start3A_68 = tpu.memref_slice %arg6[%mul3A_2] : memref<320000xf32, #tpu.memory_space<hbm>> -> memref<10000xf32, #tpu.memory_space<hbm>>
      %dma_start3A_69 = tpu.memref_slice %arg6[%mul3A_2] : memref<320000xf32, #tpu.memory_space<hbm>> -> memref<10000xf32, #tpu.memory_space<hbm>>
      tpu.enqueue_dma source(%dma_start3A_69 : memref<10000xf32, #tpu.memory_space<hbm>>) target(%arg11 : memref<10000xf32, #tpu.memory_space<vmem>>) target_semaphore(%run_scoped3A : memref<!tpu.dma_semaphore, #tpu.memory_space<semaphore_mem>>)
      %dma_wait3A_70 = tpu.memref_slice %arg6[%mul3A_2] : memref<320000xf32, #tpu.memory_space<hbm>> -> memref<10000xf32, #tpu.memory_space<hbm>>
      %dma_wait3A_71 = tpu.memref_slice %arg6[%mul3A_2] : memref<320000xf32, #tpu.memory_space<hbm>> -> memref<10000xf32, #tpu.memory_space<hbm>>
      tpu.wait_dma2 semaphore(%run_scoped3A : memref<!tpu.dma_semaphore, #tpu.memory_space<semaphore_mem>>) src(%dma_wait3A_71 : memref<10000xf32, #tpu.memory_space<hbm>>) dst(%arg11 : memref<10000xf32, #tpu.memory_space<vmem>>)
      tpu.yield
    }) : () -> ()
    %iota3A = tpu.iota {dimensions = array<i32: 0>} : vector<16xi32>
    %get3A = arith.constant 0 : index
    %get3A_3 = tpu.vector_load %arg16[%get3A] {strides = array<i32>} : memref<256xf32, #tpu.memory_space<vmem>>, vector<16xf32>,
    %get3A_4 = arith.constant 16 : index
    %get3A_5 = tpu.vector_load %arg16[%get3A_4] {strides = array<i32>} : memref<256xf32, #tpu.memory_space<vmem>>, vector<16xf32>,
    %get3A_6 = arith.constant 32 : index
    %get3A_7 = tpu.vector_load %arg16[%get3A_6] {strides = array<i32>} : memref<256xf32, #tpu.memory_space<vmem>>, vector<16xf32>,
    %get3A_8 = arith.constant 48 : index
    %get3A_9 = tpu.vector_load %arg16[%get3A_8] {strides = array<i32>} : memref<256xf32, #tpu.memory_space<vmem>>, vector<16xf32>,
    %get3A_10 = arith.constant 64 : index
    %get3A_11 = tpu.vector_load %arg16[%get3A_10] {strides = array<i32>} : memref<256xf32, #tpu.memory_space<vmem>>, vector<16xf32>,
    %get3A_12 = arith.constant 80 : index
    %get3A_13 = tpu.vector_load %arg16[%get3A_12] {strides = array<i32>} : memref<256xf32, #tpu.memory_space<vmem>>, vector<16xf32>,
    %get3A_14 = arith.constant 96 : index
    %get3A_15 = tpu.vector_load %arg16[%get3A_14] {strides = array<i32>} : memref<256xf32, #tpu.memory_space<vmem>>, vector<16xf32>,
    %get3A_16 = arith.constant 112 : index
    %get3A_17 = tpu.vector_load %arg16[%get3A_16] {strides = array<i32>} : memref<256xf32, #tpu.memory_space<vmem>>, vector<16xf32>,
    %get3A_18 = arith.constant 128 : index
    %get3A_19 = tpu.vector_load %arg16[%get3A_18] {strides = array<i32>} : memref<256xf32, #tpu.memory_space<vmem>>, vector<16xf32>,
    %get3A_20 = arith.constant 144 : index
    %get3A_21 = tpu.vector_load %arg16[%get3A_20] {strides = array<i32>} : memref<256xf32, #tpu.memory_space<vmem>>, vector<16xf32>,
    %get3A_22 = arith.constant 160 : index
    %get3A_23 = tpu.vector_load %arg16[%get3A_22] {strides = array<i32>} : memref<256xf32, #tpu.memory_space<vmem>>, vector<16xf32>,
    %get3A_24 = arith.constant 176 : index
    %get3A_25 = tpu.vector_load %arg16[%get3A_24] {strides = array<i32>} : memref<256xf32, #tpu.memory_space<vmem>>, vector<16xf32>,
    %get3A_26 = arith.constant 192 : index
    %get3A_27 = tpu.vector_load %arg16[%get3A_26] {strides = array<i32>} : memref<256xf32, #tpu.memory_space<vmem>>, vector<16xf32>,
    %xor3A = arith.constant 8 : i32
    %xor3A_28 = vector.broadcast %xor3A : i32 to vector<16xi32>
    %xor3A_29 = arith.xori %iota3A, %xor3A_28 : vector<16xi32>
    %xor3A_30 = arith.constant 4 : i32
    %xor3A_31 = vector.broadcast %xor3A_30 : i32 to vector<16xi32>
    %xor3A_32 = arith.xori %iota3A, %xor3A_31 : vector<16xi32>
    %xor3A_33 = arith.constant 2 : i32
    %xor3A_34 = vector.broadcast %xor3A_33 : i32 to vector<16xi32>
    %xor3A_35 = arith.xori %iota3A, %xor3A_34 : vector<16xi32>
    %xor3A_36 = arith.constant 1 : i32
    %xor3A_37 = vector.broadcast %xor3A_36 : i32 to vector<16xi32>
    %xor3A_38 = arith.xori %iota3A, %xor3A_37 : vector<16xi32>
    %min3A = arith.constant 0 : i32
    %min3A_39 = arith.constant 9744 : i32
    %min3A_40 = arith.minsi %min3A, %min3A_39 : i32
    %dma_start3A = tpu.memref_slice %arg9[%min3A_40] : memref<10000xi32, #tpu.memory_space<vmem>> -> memref<256xi32, #tpu.memory_space<vmem>>
    %dma_start3A_41 = arith.constant 0 : i32
    %dma_start3A_42 = arith.constant 0 : i32
    %dma_start3A_43 = tpu.memref_slice %arg2[%dma_start3A_41, %dma_start3A_42] : memref<10000x64xf32, #tpu.memory_space<hbm>> -> memref<10000x64xf32, #tpu.memory_space<hbm>>
    tpu.enqueue_indirect_dma source(%dma_start3A_43 : memref<10000x64xf32, #tpu.memory_space<hbm>>) target(%arg12 : memref<256x64xf32, #tpu.memory_space<vmem>>) offsets(%dma_start3A : memref<256xi32, #tpu.memory_space<vmem>>) semaphore(%arg19 : memref<!tpu.dma_semaphore, #tpu.memory_space<semaphore_mem>>)
    %min3A_44 = arith.constant 0 : i32
    %min3A_45 = arith.constant 9744 : i32
    %min3A_46 = arith.minsi %min3A_44, %min3A_45 : i32
    %dma_start3A_47 = tpu.memref_slice %arg10[%min3A_46] : memref<10000xi32, #tpu.memory_space<vmem>> -> memref<256xi32, #tpu.memory_space<vmem>>
    %dma_start3A_48 = arith.constant 0 : i32
    %dma_start3A_49 = arith.constant 0 : i32
    %dma_start3A_50 = tpu.memref_slice %arg3[%dma_start3A_48, %dma_start3A_49] : memref<10000x64xf32, #tpu.memory_space<hbm>> -> memref<10000x64xf32, #tpu.memory_space<hbm>>
    tpu.enqueue_indirect_dma source(%dma_start3A_50 : memref<10000x64xf32, #tpu.memory_space<hbm>>) target(%arg14 : memref<256x64xf32, #tpu.memory_space<vmem>>) offsets(%dma_start3A_47 : memref<256xi32, #tpu.memory_space<vmem>>) semaphore(%arg21 : memref<!tpu.dma_semaphore, #tpu.memory_space<semaphore_mem>>)
    %scan3A = arith.constant 0 : i32
    %scan3A_51 = arith.constant 0 : i32
    %scan3A_52 = arith.constant 20 : i32
    %scan3A_53 = arith.addi %scan3A_51, %scan3A_52 : i32
    %scan3A_54 = arith.constant 1 : i32
    %scan3A_55 = scf.for %scan3A_68 = %scan3A_51 to %scan3A_53 step %scan3A_54 iter_args(%scan3A_69 = %scan3A) -> (i32)  : i32 {
      %mul3A_70 = arith.constant 2 : i32
      %mul3A_71 = arith.muli %scan3A_68, %mul3A_70 : i32
      %add3A_72 = arith.constant 0 : i32
      %add3A_73 = arith.addi %mul3A_71, %add3A_72 : i32
      %mul3A_74 = arith.constant 256 : i32
      %mul3A_75 = arith.muli %add3A_73, %mul3A_74 : i32
      %min3A_76 = arith.constant 9744 : i32
      %min3A_77 = arith.minsi %mul3A_75, %min3A_76 : i32
      %dma_wait3A_78 = tpu.memref_slice %arg9[%min3A_77] : memref<10000xi32, #tpu.memory_space<vmem>> -> memref<256xi32, #tpu.memory_space<vmem>>
      %dma_wait3A_79 = arith.constant 0 : i32
      %dma_wait3A_80 = arith.constant 0 : i32
      %dma_wait3A_81 = tpu.memref_slice %arg2[%dma_wait3A_79, %dma_wait3A_80] : memref<10000x64xf32, #tpu.memory_space<hbm>> -> memref<10000x64xf32, #tpu.memory_space<hbm>>
      tpu.wait_indirect_dma semaphore(%arg19 : memref<!tpu.dma_semaphore, #tpu.memory_space<semaphore_mem>>) src(%dma_wait3A_81 : memref<10000x64xf32, #tpu.memory_space<hbm>>) dst(%arg12 : memref<256x64xf32, #tpu.memory_space<vmem>>)
      %mul3A_82 = arith.constant 256 : i32
      %mul3A_83 = arith.muli %add3A_73, %mul3A_82 : i32
      %min3A_84 = arith.constant 9744 : i32
      %min3A_85 = arith.minsi %mul3A_83, %min3A_84 : i32
      %dma_wait3A_86 = tpu.memref_slice %arg10[%min3A_85] : memref<10000xi32, #tpu.memory_space<vmem>> -> memref<256xi32, #tpu.memory_space<vmem>>
      %dma_wait3A_87 = arith.constant 0 : i32
      %dma_wait3A_88 = arith.constant 0 : i32
      %dma_wait3A_89 = tpu.memref_slice %arg3[%dma_wait3A_87, %dma_wait3A_88] : memref<10000x64xf32, #tpu.memory_space<hbm>> -> memref<10000x64xf32, #tpu.memory_space<hbm>>
      tpu.wait_indirect_dma semaphore(%arg21 : memref<!tpu.dma_semaphore, #tpu.memory_space<semaphore_mem>>) src(%dma_wait3A_89 : memref<10000x64xf32, #tpu.memory_space<hbm>>) dst(%arg14 : memref<256x64xf32, #tpu.memory_space<vmem>>)
      %add3A_90 = arith.constant 1 : i32
      %add3A_91 = arith.addi %add3A_73, %add3A_90 : i32
      %lt3A = arith.constant 40 : i32
      %lt3A_92 = arith.cmpi slt, %add3A_91, %lt3A : i32
      %convert_element_type3A = arith.extui %lt3A_92 : i1 to i32
      %cond3A = arith.constant 0 : i32
      %cond3A_93 = arith.cmpi ne, %convert_element_type3A, %cond3A : i32
      scf.if %cond3A_93 {
        %add3A_159 = arith.constant 1 : i32
        %add3A_160 = arith.addi %add3A_73, %add3A_159 : i32
        %mul3A_161 = arith.constant 256 : i32
        %mul3A_162 = arith.muli %add3A_160, %mul3A_161 : i32
        %min3A_163 = arith.constant 9744 : i32
        %min3A_164 = arith.minsi %mul3A_162, %min3A_163 : i32
        %dma_start3A_165 = tpu.memref_slice %arg9[%min3A_164] : memref<10000xi32, #tpu.memory_space<vmem>> -> memref<256xi32, #tpu.memory_space<vmem>>
        %dma_start3A_166 = arith.constant 0 : i32
        %dma_start3A_167 = arith.constant 0 : i32
        %dma_start3A_168 = tpu.memref_slice %arg2[%dma_start3A_166, %dma_start3A_167] : memref<10000x64xf32, #tpu.memory_space<hbm>> -> memref<10000x64xf32, #tpu.memory_space<hbm>>
        tpu.enqueue_indirect_dma source(%dma_start3A_168 : memref<10000x64xf32, #tpu.memory_space<hbm>>) target(%arg13 : memref<256x64xf32, #tpu.memory_space<vmem>>) offsets(%dma_start3A_165 : memref<256xi32, #tpu.memory_space<vmem>>) semaphore(%arg20 : memref<!tpu.dma_semaphore, #tpu.memory_space<semaphore_mem>>)
        %add3A_169 = arith.constant 1 : i32
        %add3A_170 = arith.addi %add3A_73, %add3A_169 : i32
        %mul3A_171 = arith.constant 256 : i32
        %mul3A_172 = arith.muli %add3A_170, %mul3A_171 : i32
        %min3A_173 = arith.constant 9744 : i32
        %min3A_174 = arith.minsi %mul3A_172, %min3A_173 : i32
        %dma_start3A_175 = tpu.memref_slice %arg10[%min3A_174] : memref<10000xi32, #tpu.memory_space<vmem>> -> memref<256xi32, #tpu.memory_space<vmem>>
        %dma_start3A_176 = arith.constant 0 : i32
        %dma_start3A_177 = arith.constant 0 : i32
        %dma_start3A_178 = tpu.memref_slice %arg3[%dma_start3A_176, %dma_start3A_177] : memref<10000x64xf32, #tpu.memory_space<hbm>> -> memref<10000x64xf32, #tpu.memory_space<hbm>>
        tpu.enqueue_indirect_dma source(%dma_start3A_178 : memref<10000x64xf32, #tpu.memory_space<hbm>>) target(%arg15 : memref<256x64xf32, #tpu.memory_space<vmem>>) offsets(%dma_start3A_175 : memref<256xi32, #tpu.memory_space<vmem>>) semaphore(%arg22 : memref<!tpu.dma_semaphore, #tpu.memory_space<semaphore_mem>>)
      } else {
      }
      %ge3A = arith.constant 2 : i32
      %ge3A_94 = arith.cmpi sge, %add3A_73, %ge3A : i32
      %convert_element_type3A_95 = arith.extui %ge3A_94 : i1 to i32
      %cond3A_96 = arith.constant 0 : i32
      %cond3A_97 = arith.cmpi ne, %convert_element_type3A_95, %cond3A_96 : i32
      scf.if %cond3A_97 {
        %sub3A = arith.constant 2 : i32
        %sub3A_159 = arith.subi %add3A_73, %sub3A : i32
        %mul3A_160 = arith.constant 256 : i32
        %mul3A_161 = arith.muli %sub3A_159, %mul3A_160 : i32
        %min3A_162 = arith.constant 9744 : i32
        %min3A_163 = arith.minsi %mul3A_161, %min3A_162 : i32
        %add3A_164 = arith.addi %min3A_163, %mul3A_2 : i32
        %dma_wait3A_165 = tpu.memref_slice %arg8[%add3A_164] : memref<320000xf32, #tpu.memory_space<hbm>> -> memref<256xf32, #tpu.memory_space<hbm>>
        %dma_wait3A_166 = tpu.memref_slice %arg8[%add3A_164] : memref<320000xf32, #tpu.memory_space<hbm>> -> memref<256xf32, #tpu.memory_space<hbm>>
        tpu.wait_dma2 semaphore(%arg23 : memref<!tpu.dma_semaphore, #tpu.memory_space<semaphore_mem>>) src(%arg17 : memref<256xf32, #tpu.memory_space<vmem>>) dst(%dma_wait3A_166 : memref<256xf32, #tpu.memory_space<hbm>>)
      } else {
      }
      %mul3A_98 = arith.constant 256 : i32
      %mul3A_99 = arith.muli %add3A_73, %mul3A_98 : i32
      %min3A_100 = arith.constant 9744 : i32
      %min3A_101 = arith.minsi %mul3A_99, %min3A_100 : i32
      %scan3A_102 = arith.constant 0 : i32
      %scan3A_103 = arith.constant 0 : i32
      %scan3A_104 = arith.constant 16 : i32
      %scan3A_105 = arith.addi %scan3A_103, %scan3A_104 : i32
      %scan3A_106 = arith.constant 1 : i32
      %scan3A_107 = scf.for %scan3A_159 = %scan3A_103 to %scan3A_105 step %scan3A_106 iter_args(%scan3A_160 = %scan3A_102) -> (i32)  : i32 {
        %mul3A_161 = arith.constant 16 : i32
        %mul3A_162 = arith.muli %scan3A_159, %mul3A_161 : i32
        %add3A_163 = arith.addi %min3A_101, %mul3A_162 : i32
        %get3A_164 = arith.index_cast %add3A_163 : i32 to index
        %get3A_165 = tpu.vector_load %arg11[%get3A_164] {strides = array<i32>} : memref<10000xf32, #tpu.memory_space<vmem>>, vector<16xf32>,
        %add3A_166 = arith.addi %min3A_101, %mul3A_162 : i32
        %get3A_167 = arith.index_cast %add3A_166 : i32 to index
        %get3A_168 = tpu.vector_load %arg9[%get3A_167] {strides = array<i32>} : memref<10000xi32, #tpu.memory_space<vmem>>, vector<16xi32>,
        %add3A_169 = arith.addi %min3A_101, %mul3A_162 : i32
        %get3A_170 = arith.index_cast %add3A_169 : i32 to index
        %get3A_171 = tpu.vector_load %arg10[%get3A_170] {strides = array<i32>} : memref<10000xi32, #tpu.memory_space<vmem>>, vector<16xi32>,
        %add3A_172 = arith.constant 0 : i32
        %add3A_173 = arith.addi %mul3A_162, %add3A_172 : i32
        %slice3A = vector.extract_strided_slice %get3A_165 {offsets = [0], sizes = [1], strides = [1]} : vector<16xf32> to vector<1xf32>
        %squeeze3A = vector.extract %slice3A[0] : f32 from vector<1xf32>
        %broadcast_in_dim3A = vector.broadcast %squeeze3A : f32 to vector<16xf32>
        %get3A_174 = arith.index_cast %add3A_173 : i32 to index
        %get3A_175 = arith.constant 0 : index
        %get3A_176 = tpu.vector_load %arg12[%get3A_174, %get3A_175] {strides = array<i32>} : memref<256x64xf32, #tpu.memory_space<vmem>>, vector<16xf32>,
        %get3A_177 = arith.index_cast %add3A_173 : i32 to index
        %get3A_178 = arith.constant 0 : index
        %get3A_179 = tpu.vector_load %arg14[%get3A_177, %get3A_178] {strides = array<i32>} : memref<256x64xf32, #tpu.memory_space<vmem>>, vector<16xf32>,
        %add3A_180 = arith.addf %get3A_176, %get3A_179 : vector<16xf32>
        %mul3A_181 = arith.mulf %broadcast_in_dim3A, %get3A_3 : vector<16xf32>
        %add3A_182 = arith.addf %mul3A_181, %get3A_11 : vector<16xf32>
        %add3A_183 = arith.addf %add3A_180, %add3A_182 : vector<16xf32>
        %max3A = arith.constant 0.000000e+00 : f32
        %max3A_184 = vector.broadcast %max3A : f32 to vector<16xf32>
        %max3A_185 = arith.maximumf %add3A_183, %max3A_184 : vector<16xf32>
        %mul3A_186 = arith.mulf %max3A_185, %get3A_19 : vector<16xf32>
        %get3A_187 = arith.index_cast %add3A_173 : i32 to index
        %get3A_188 = arith.constant 16 : index
        %get3A_189 = tpu.vector_load %arg12[%get3A_187, %get3A_188] {strides = array<i32>} : memref<256x64xf32, #tpu.memory_space<vmem>>, vector<16xf32>,
        %get3A_190 = arith.index_cast %add3A_173 : i32 to index
        %get3A_191 = arith.constant 16 : index
        %get3A_192 = tpu.vector_load %arg14[%get3A_190, %get3A_191] {strides = array<i32>} : memref<256x64xf32, #tpu.memory_space<vmem>>, vector<16xf32>,
        %add3A_193 = arith.addf %get3A_189, %get3A_192 : vector<16xf32>
        %mul3A_194 = arith.mulf %broadcast_in_dim3A, %get3A_5 : vector<16xf32>
        %add3A_195 = arith.addf %mul3A_194, %get3A_13 : vector<16xf32>
        %add3A_196 = arith.addf %add3A_193, %add3A_195 : vector<16xf32>
        %max3A_197 = arith.constant 0.000000e+00 : f32
        %max3A_198 = vector.broadcast %max3A_197 : f32 to vector<16xf32>
        %max3A_199 = arith.maximumf %add3A_196, %max3A_198 : vector<16xf32>
        %mul3A_200 = arith.mulf %max3A_199, %get3A_21 : vector<16xf32>
        %add3A_201 = arith.addf %mul3A_186, %mul3A_200 : vector<16xf32>
        %get3A_202 = arith.index_cast %add3A_173 : i32 to index
        %get3A_203 = arith.constant 32 : index
        %get3A_204 = tpu.vector_load %arg12[%get3A_202, %get3A_203] {strides = array<i32>} : memref<256x64xf32, #tpu.memory_space<vmem>>, vector<16xf32>,
        %get3A_205 = arith.index_cast %add3A_173 : i32 to index
        %get3A_206 = arith.constant 32 : index
        %get3A_207 = tpu.vector_load %arg14[%get3A_205, %get3A_206] {strides = array<i32>} : memref<256x64xf32, #tpu.memory_space<vmem>>, vector<16xf32>,
        %add3A_208 = arith.addf %get3A_204, %get3A_207 : vector<16xf32>
        %mul3A_209 = arith.mulf %broadcast_in_dim3A, %get3A_7 : vector<16xf32>
        %add3A_210 = arith.addf %mul3A_209, %get3A_15 : vector<16xf32>
        %add3A_211 = arith.addf %add3A_208, %add3A_210 : vector<16xf32>
        %max3A_212 = arith.constant 0.000000e+00 : f32
        %max3A_213 = vector.broadcast %max3A_212 : f32 to vector<16xf32>
        %max3A_214 = arith.maximumf %add3A_211, %max3A_213 : vector<16xf32>
        %mul3A_215 = arith.mulf %max3A_214, %get3A_23 : vector<16xf32>
        %add3A_216 = arith.addf %add3A_201, %mul3A_215 : vector<16xf32>
        %get3A_217 = arith.index_cast %add3A_173 : i32 to index
        %get3A_218 = arith.constant 48 : index
        %get3A_219 = tpu.vector_load %arg12[%get3A_217, %get3A_218] {strides = array<i32>} : memref<256x64xf32, #tpu.memory_space<vmem>>, vector<16xf32>,
        %get3A_220 = arith.index_cast %add3A_173 : i32 to index
        %get3A_221 = arith.constant 48 : index
        %get3A_222 = tpu.vector_load %arg14[%get3A_220, %get3A_221] {strides = array<i32>} : memref<256x64xf32, #tpu.memory_space<vmem>>, vector<16xf32>,
        %add3A_223 = arith.addf %get3A_219, %get3A_222 : vector<16xf32>
        %mul3A_224 = arith.mulf %broadcast_in_dim3A, %get3A_9 : vector<16xf32>
        %add3A_225 = arith.addf %mul3A_224, %get3A_17 : vector<16xf32>
        %add3A_226 = arith.addf %add3A_223, %add3A_225 : vector<16xf32>
        %max3A_227 = arith.constant 0.000000e+00 : f32
        %max3A_228 = vector.broadcast %max3A_227 : f32 to vector<16xf32>
        %max3A_229 = arith.maximumf %add3A_226, %max3A_228 : vector<16xf32>
        %mul3A_230 = arith.mulf %max3A_229, %get3A_25 : vector<16xf32>
        %add3A_231 = arith.addf %add3A_216, %mul3A_230 : vector<16xf32>
        %broadcast_in_dim3A_232 = vector.shape_cast %xor3A_29 : vector<16xi32> to vector<16x1xi32>
        %gather3A = vector.shape_cast %broadcast_in_dim3A_232 : vector<16x1xi32> to vector<16xi32>
        %gather3A_233 = tpu.dynamic_gather %add3A_231[%gather3A] in [0] : vector<16xf32>, vector<16xi32> -> vector<16xf32>
        %add3A_234 = arith.addf %add3A_231, %gather3A_233 : vector<16xf32>
        %broadcast_in_dim3A_235 = vector.shape_cast %xor3A_32 : vector<16xi32> to vector<16x1xi32>
        %gather3A_236 = vector.shape_cast %broadcast_in_dim3A_235 : vector<16x1xi32> to vector<16xi32>
        %gather3A_237 = tpu.dynamic_gather %add3A_234[%gather3A_236] in [0] : vector<16xf32>, vector<16xi32> -> vector<16xf32>
        %add3A_238 = arith.addf %add3A_234, %gather3A_237 : vector<16xf32>
        %broadcast_in_dim3A_239 = vector.shape_cast %xor3A_35 : vector<16xi32> to vector<16x1xi32>
        %gather3A_240 = vector.shape_cast %broadcast_in_dim3A_239 : vector<16x1xi32> to vector<16xi32>
        %gather3A_241 = tpu.dynamic_gather %add3A_238[%gather3A_240] in [0] : vector<16xf32>, vector<16xi32> -> vector<16xf32>
        %add3A_242 = arith.addf %add3A_238, %gather3A_241 : vector<16xf32>
        %broadcast_in_dim3A_243 = vector.shape_cast %xor3A_38 : vector<16xi32> to vector<16x1xi32>
        %gather3A_244 = vector.shape_cast %broadcast_in_dim3A_243 : vector<16x1xi32> to vector<16xi32>
        %gather3A_245 = tpu.dynamic_gather %add3A_242[%gather3A_244] in [0] : vector<16xf32>, vector<16xi32> -> vector<16xf32>
        %add3A_246 = arith.addf %add3A_242, %gather3A_245 : vector<16xf32>
        %eq3A = arith.constant 0 : i32
        %eq3A_247 = vector.broadcast %eq3A : i32 to vector<16xi32>
        %eq3A_248 = arith.cmpi eq, %iota3A, %eq3A_247 : vector<16xi32>
        %select_n3A = arith.select %eq3A_248, %add3A_246, %get3A_27 : vector<16xi1>, vector<16xf32>
        %add3A_249 = arith.constant 1 : i32
        %add3A_250 = arith.addi %mul3A_162, %add3A_249 : i32
        %slice3A_251 = vector.extract_strided_slice %get3A_165 {offsets = [1], sizes = [1], strides = [1]} : vector<16xf32> to vector<1xf32>
        %squeeze3A_252 = vector.extract %slice3A_251[0] : f32 from vector<1xf32>
        %broadcast_in_dim3A_253 = vector.broadcast %squeeze3A_252 : f32 to vector<16xf32>
        %get3A_254 = arith.index_cast %add3A_250 : i32 to index
        %get3A_255 = arith.constant 0 : index
        %get3A_256 = tpu.vector_load %arg12[%get3A_254, %get3A_255] {strides = array<i32>} : memref<256x64xf32, #tpu.memory_space<vmem>>, vector<16xf32>,
        %get3A_257 = arith.index_cast %add3A_250 : i32 to index
        %get3A_258 = arith.constant 0 : index
        %get3A_259 = tpu.vector_load %arg14[%get3A_257, %get3A_258] {strides = array<i32>} : memref<256x64xf32, #tpu.memory_space<vmem>>, vector<16xf32>,
        %add3A_260 = arith.addf %get3A_256, %get3A_259 : vector<16xf32>
        %mul3A_261 = arith.mulf %broadcast_in_dim3A_253, %get3A_3 : vector<16xf32>
        %add3A_262 = arith.addf %mul3A_261, %get3A_11 : vector<16xf32>
        %add3A_263 = arith.addf %add3A_260, %add3A_262 : vector<16xf32>
        %max3A_264 = arith.constant 0.000000e+00 : f32
        %max3A_265 = vector.broadcast %max3A_264 : f32 to vector<16xf32>
        %max3A_266 = arith.maximumf %add3A_263, %max3A_265 : vector<16xf32>
        %mul3A_267 = arith.mulf %max3A_266, %get3A_19 : vector<16xf32>
        %get3A_268 = arith.index_cast %add3A_250 : i32 to index
        %get3A_269 = arith.constant 16 : index
        %get3A_270 = tpu.vector_load %arg12[%get3A_268, %get3A_269] {strides = array<i32>} : memref<256x64xf32, #tpu.memory_space<vmem>>, vector<16xf32>,
        %get3A_271 = arith.index_cast %add3A_250 : i32 to index
        %get3A_272 = arith.constant 16 : index
        %get3A_273 = tpu.vector_load %arg14[%get3A_271, %get3A_272] {strides = array<i32>} : memref<256x64xf32, #tpu.memory_space<vmem>>, vector<16xf32>,
        %add3A_274 = arith.addf %get3A_270, %get3A_273 : vector<16xf32>
        %mul3A_275 = arith.mulf %broadcast_in_dim3A_253, %get3A_5 : vector<16xf32>
        %add3A_276 = arith.addf %mul3A_275, %get3A_13 : vector<16xf32>
        %add3A_277 = arith.addf %add3A_274, %add3A_276 : vector<16xf32>
        %max3A_278 = arith.constant 0.000000e+00 : f32
        %max3A_279 = vector.broadcast %max3A_278 : f32 to vector<16xf32>
        %max3A_280 = arith.maximumf %add3A_277, %max3A_279 : vector<16xf32>
        %mul3A_281 = arith.mulf %max3A_280, %get3A_21 : vector<16xf32>
        %add3A_282 = arith.addf %mul3A_267, %mul3A_281 : vector<16xf32>
        %get3A_283 = arith.index_cast %add3A_250 : i32 to index
        %get3A_284 = arith.constant 32 : index
        %get3A_285 = tpu.vector_load %arg12[%get3A_283, %get3A_284] {strides = array<i32>} : memref<256x64xf32, #tpu.memory_space<vmem>>, vector<16xf32>,
        %get3A_286 = arith.index_cast %add3A_250 : i32 to index
        %get3A_287 = arith.constant 32 : index
        %get3A_288 = tpu.vector_load %arg14[%get3A_286, %get3A_287] {strides = array<i32>} : memref<256x64xf32, #tpu.memory_space<vmem>>, vector<16xf32>,
        %add3A_289 = arith.addf %get3A_285, %get3A_288 : vector<16xf32>
        %mul3A_290 = arith.mulf %broadcast_in_dim3A_253, %get3A_7 : vector<16xf32>
        %add3A_291 = arith.addf %mul3A_290, %get3A_15 : vector<16xf32>
        %add3A_292 = arith.addf %add3A_289, %add3A_291 : vector<16xf32>
        %max3A_293 = arith.constant 0.000000e+00 : f32
        %max3A_294 = vector.broadcast %max3A_293 : f32 to vector<16xf32>
        %max3A_295 = arith.maximumf %add3A_292, %max3A_294 : vector<16xf32>
        %mul3A_296 = arith.mulf %max3A_295, %get3A_23 : vector<16xf32>
        %add3A_297 = arith.addf %add3A_282, %mul3A_296 : vector<16xf32>
        %get3A_298 = arith.index_cast %add3A_250 : i32 to index
        %get3A_299 = arith.constant 48 : index
        %get3A_300 = tpu.vector_load %arg12[%get3A_298, %get3A_299] {strides = array<i32>} : memref<256x64xf32, #tpu.memory_space<vmem>>, vector<16xf32>,
        %get3A_301 = arith.index_cast %add3A_250 : i32 to index
        %get3A_302 = arith.constant 48 : index
        %get3A_303 = tpu.vector_load %arg14[%get3A_301, %get3A_302] {strides = array<i32>} : memref<256x64xf32, #tpu.memory_space<vmem>>, vector<16xf32>,
        %add3A_304 = arith.addf %get3A_300, %get3A_303 : vector<16xf32>
        %mul3A_305 = arith.mulf %broadcast_in_dim3A_253, %get3A_9 : vector<16xf32>
        %add3A_306 = arith.addf %mul3A_305, %get3A_17 : vector<16xf32>
        %add3A_307 = arith.addf %add3A_304, %add3A_306 : vector<16xf32>
        %max3A_308 = arith.constant 0.000000e+00 : f32
        %max3A_309 = vector.broadcast %max3A_308 : f32 to vector<16xf32>
        %max3A_310 = arith.maximumf %add3A_307, %max3A_309 : vector<16xf32>
        %mul3A_311 = arith.mulf %max3A_310, %get3A_25 : vector<16xf32>
        %add3A_312 = arith.addf %add3A_297, %mul3A_311 : vector<16xf32>
        %broadcast_in_dim3A_313 = vector.shape_cast %xor3A_29 : vector<16xi32> to vector<16x1xi32>
        %gather3A_314 = vector.shape_cast %broadcast_in_dim3A_313 : vector<16x1xi32> to vector<16xi32>
        %gather3A_315 = tpu.dynamic_gather %add3A_312[%gather3A_314] in [0] : vector<16xf32>, vector<16xi32> -> vector<16xf32>
        %add3A_316 = arith.addf %add3A_312, %gather3A_315 : vector<16xf32>
        %broadcast_in_dim3A_317 = vector.shape_cast %xor3A_32 : vector<16xi32> to vector<16x1xi32>
        %gather3A_318 = vector.shape_cast %broadcast_in_dim3A_317 : vector<16x1xi32> to vector<16xi32>
        %gather3A_319 = tpu.dynamic_gather %add3A_316[%gather3A_318] in [0] : vector<16xf32>, vector<16xi32> -> vector<16xf32>
        %add3A_320 = arith.addf %add3A_316, %gather3A_319 : vector<16xf32>
        %broadcast_in_dim3A_321 = vector.shape_cast %xor3A_35 : vector<16xi32> to vector<16x1xi32>
        %gather3A_322 = vector.shape_cast %broadcast_in_dim3A_321 : vector<16x1xi32> to vector<16xi32>
        %gather3A_323 = tpu.dynamic_gather %add3A_320[%gather3A_322] in [0] : vector<16xf32>, vector<16xi32> -> vector<16xf32>
        %add3A_324 = arith.addf %add3A_320, %gather3A_323 : vector<16xf32>
        %broadcast_in_dim3A_325 = vector.shape_cast %xor3A_38 : vector<16xi32> to vector<16x1xi32>
        %gather3A_326 = vector.shape_cast %broadcast_in_dim3A_325 : vector<16x1xi32> to vector<16xi32>
        %gather3A_327 = tpu.dynamic_gather %add3A_324[%gather3A_326] in [0] : vector<16xf32>, vector<16xi32> -> vector<16xf32>
        %add3A_328 = arith.addf %add3A_324, %gather3A_327 : vector<16xf32>
        %eq3A_329 = arith.constant 1 : i32
        %eq3A_330 = vector.broadcast %eq3A_329 : i32 to vector<16xi32>
        %eq3A_331 = arith.cmpi eq, %iota3A, %eq3A_330 : vector<16xi32>
        %select_n3A_332 = arith.select %eq3A_331, %add3A_328, %select_n3A : vector<16xi1>, vector<16xf32>
        %add3A_333 = arith.constant 2 : i32
        %add3A_334 = arith.addi %mul3A_162, %add3A_333 : i32
        %slice3A_335 = vector.extract_strided_slice %get3A_165 {offsets = [2], sizes = [1], strides = [1]} : vector<16xf32> to vector<1xf32>
        %squeeze3A_336 = vector.extract %slice3A_335[0] : f32 from vector<1xf32>
        %broadcast_in_dim3A_337 = vector.broadcast %squeeze3A_336 : f32 to vector<16xf32>
        %get3A_338 = arith.index_cast %add3A_334 : i32 to index
        %get3A_339 = arith.constant 0 : index
        %get3A_340 = tpu.vector_load %arg12[%get3A_338, %get3A_339] {strides = array<i32>} : memref<256x64xf32, #tpu.memory_space<vmem>>, vector<16xf32>,
        %get3A_341 = arith.index_cast %add3A_334 : i32 to index
        %get3A_342 = arith.constant 0 : index
        %get3A_343 = tpu.vector_load %arg14[%get3A_341, %get3A_342] {strides = array<i32>} : memref<256x64xf32, #tpu.memory_space<vmem>>, vector<16xf32>,
        %add3A_344 = arith.addf %get3A_340, %get3A_343 : vector<16xf32>
        %mul3A_345 = arith.mulf %broadcast_in_dim3A_337, %get3A_3 : vector<16xf32>
        %add3A_346 = arith.addf %mul3A_345, %get3A_11 : vector<16xf32>
        %add3A_347 = arith.addf %add3A_344, %add3A_346 : vector<16xf32>
        %max3A_348 = arith.constant 0.000000e+00 : f32
        %max3A_349 = vector.broadcast %max3A_348 : f32 to vector<16xf32>
        %max3A_350 = arith.maximumf %add3A_347, %max3A_349 : vector<16xf32>
        %mul3A_351 = arith.mulf %max3A_350, %get3A_19 : vector<16xf32>
        %get3A_352 = arith.index_cast %add3A_334 : i32 to index
        %get3A_353 = arith.constant 16 : index
        %get3A_354 = tpu.vector_load %arg12[%get3A_352, %get3A_353] {strides = array<i32>} : memref<256x64xf32, #tpu.memory_space<vmem>>, vector<16xf32>,
        %get3A_355 = arith.index_cast %add3A_334 : i32 to index
        %get3A_356 = arith.constant 16 : index
        %get3A_357 = tpu.vector_load %arg14[%get3A_355, %get3A_356] {strides = array<i32>} : memref<256x64xf32, #tpu.memory_space<vmem>>, vector<16xf32>,
        %add3A_358 = arith.addf %get3A_354, %get3A_357 : vector<16xf32>
        %mul3A_359 = arith.mulf %broadcast_in_dim3A_337, %get3A_5 : vector<16xf32>
        %add3A_360 = arith.addf %mul3A_359, %get3A_13 : vector<16xf32>
        %add3A_361 = arith.addf %add3A_358, %add3A_360 : vector<16xf32>
        %max3A_362 = arith.constant 0.000000e+00 : f32
        %max3A_363 = vector.broadcast %max3A_362 : f32 to vector<16xf32>
        %max3A_364 = arith.maximumf %add3A_361, %max3A_363 : vector<16xf32>
        %mul3A_365 = arith.mulf %max3A_364, %get3A_21 : vector<16xf32>
        %add3A_366 = arith.addf %mul3A_351, %mul3A_365 : vector<16xf32>
        %get3A_367 = arith.index_cast %add3A_334 : i32 to index
        %get3A_368 = arith.constant 32 : index
        %get3A_369 = tpu.vector_load %arg12[%get3A_367, %get3A_368] {strides = array<i32>} : memref<256x64xf32, #tpu.memory_space<vmem>>, vector<16xf32>,
        %get3A_370 = arith.index_cast %add3A_334 : i32 to index
        %get3A_371 = arith.constant 32 : index
        %get3A_372 = tpu.vector_load %arg14[%get3A_370, %get3A_371] {strides = array<i32>} : memref<256x64xf32, #tpu.memory_space<vmem>>, vector<16xf32>,
        %add3A_373 = arith.addf %get3A_369, %get3A_372 : vector<16xf32>
        %mul3A_374 = arith.mulf %broadcast_in_dim3A_337, %get3A_7 : vector<16xf32>
        %add3A_375 = arith.addf %mul3A_374, %get3A_15 : vector<16xf32>
        %add3A_376 = arith.addf %add3A_373, %add3A_375 : vector<16xf32>
        %max3A_377 = arith.constant 0.000000e+00 : f32
        %max3A_378 = vector.broadcast %max3A_377 : f32 to vector<16xf32>
        %max3A_379 = arith.maximumf %add3A_376, %max3A_378 : vector<16xf32>
        %mul3A_380 = arith.mulf %max3A_379, %get3A_23 : vector<16xf32>
        %add3A_381 = arith.addf %add3A_366, %mul3A_380 : vector<16xf32>
        %get3A_382 = arith.index_cast %add3A_334 : i32 to index
        %get3A_383 = arith.constant 48 : index
        %get3A_384 = tpu.vector_load %arg12[%get3A_382, %get3A_383] {strides = array<i32>} : memref<256x64xf32, #tpu.memory_space<vmem>>, vector<16xf32>,
        %get3A_385 = arith.index_cast %add3A_334 : i32 to index
        %get3A_386 = arith.constant 48 : index
        %get3A_387 = tpu.vector_load %arg14[%get3A_385, %get3A_386] {strides = array<i32>} : memref<256x64xf32, #tpu.memory_space<vmem>>, vector<16xf32>,
        %add3A_388 = arith.addf %get3A_384, %get3A_387 : vector<16xf32>
        %mul3A_389 = arith.mulf %broadcast_in_dim3A_337, %get3A_9 : vector<16xf32>
        %add3A_390 = arith.addf %mul3A_389, %get3A_17 : vector<16xf32>
        %add3A_391 = arith.addf %add3A_388, %add3A_390 : vector<16xf32>
        %max3A_392 = arith.constant 0.000000e+00 : f32
        %max3A_393 = vector.broadcast %max3A_392 : f32 to vector<16xf32>
        %max3A_394 = arith.maximumf %add3A_391, %max3A_393 : vector<16xf32>
        %mul3A_395 = arith.mulf %max3A_394, %get3A_25 : vector<16xf32>
        %add3A_396 = arith.addf %add3A_381, %mul3A_395 : vector<16xf32>
        %broadcast_in_dim3A_397 = vector.shape_cast %xor3A_29 : vector<16xi32> to vector<16x1xi32>
        %gather3A_398 = vector.shape_cast %broadcast_in_dim3A_397 : vector<16x1xi32> to vector<16xi32>
        %gather3A_399 = tpu.dynamic_gather %add3A_396[%gather3A_398] in [0] : vector<16xf32>, vector<16xi32> -> vector<16xf32>
        %add3A_400 = arith.addf %add3A_396, %gather3A_399 : vector<16xf32>
        %broadcast_in_dim3A_401 = vector.shape_cast %xor3A_32 : vector<16xi32> to vector<16x1xi32>
        %gather3A_402 = vector.shape_cast %broadcast_in_dim3A_401 : vector<16x1xi32> to vector<16xi32>
        %gather3A_403 = tpu.dynamic_gather %add3A_400[%gather3A_402] in [0] : vector<16xf32>, vector<16xi32> -> vector<16xf32>
        %add3A_404 = arith.addf %add3A_400, %gather3A_403 : vector<16xf32>
        %broadcast_in_dim3A_405 = vector.shape_cast %xor3A_35 : vector<16xi32> to vector<16x1xi32>
        %gather3A_406 = vector.shape_cast %broadcast_in_dim3A_405 : vector<16x1xi32> to vector<16xi32>
        %gather3A_407 = tpu.dynamic_gather %add3A_404[%gather3A_406] in [0] : vector<16xf32>, vector<16xi32> -> vector<16xf32>
        %add3A_408 = arith.addf %add3A_404, %gather3A_407 : vector<16xf32>
        %broadcast_in_dim3A_409 = vector.shape_cast %xor3A_38 : vector<16xi32> to vector<16x1xi32>
        %gather3A_410 = vector.shape_cast %broadcast_in_dim3A_409 : vector<16x1xi32> to vector<16xi32>
        %gather3A_411 = tpu.dynamic_gather %add3A_408[%gather3A_410] in [0] : vector<16xf32>, vector<16xi32> -> vector<16xf32>
        %add3A_412 = arith.addf %add3A_408, %gather3A_411 : vector<16xf32>
        %eq3A_413 = arith.constant 2 : i32
        %eq3A_414 = vector.broadcast %eq3A_413 : i32 to vector<16xi32>
        %eq3A_415 = arith.cmpi eq, %iota3A, %eq3A_414 : vector<16xi32>
        %select_n3A_416 = arith.select %eq3A_415, %add3A_412, %select_n3A_332 : vector<16xi1>, vector<16xf32>
        %add3A_417 = arith.constant 3 : i32
        %add3A_418 = arith.addi %mul3A_162, %add3A_417 : i32
        %slice3A_419 = vector.extract_strided_slice %get3A_165 {offsets = [3], sizes = [1], strides = [1]} : vector<16xf32> to vector<1xf32>
        %squeeze3A_420 = vector.extract %slice3A_419[0] : f32 from vector<1xf32>
        %broadcast_in_dim3A_421 = vector.broadcast %squeeze3A_420 : f32 to vector<16xf32>
        %get3A_422 = arith.index_cast %add3A_418 : i32 to index
        %get3A_423 = arith.constant 0 : index
        %get3A_424 = tpu.vector_load %arg12[%get3A_422, %get3A_423] {strides = array<i32>} : memref<256x64xf32, #tpu.memory_space<vmem>>, vector<16xf32>,
        %get3A_425 = arith.index_cast %add3A_418 : i32 to index
        %get3A_426 = arith.constant 0 : index
        %get3A_427 = tpu.vector_load %arg14[%get3A_425, %get3A_426] {strides = array<i32>} : memref<256x64xf32, #tpu.memory_space<vmem>>, vector<16xf32>,
        %add3A_428 = arith.addf %get3A_424, %get3A_427 : vector<16xf32>
        %mul3A_429 = arith.mulf %broadcast_in_dim3A_421, %get3A_3 : vector<16xf32>
        %add3A_430 = arith.addf %mul3A_429, %get3A_11 : vector<16xf32>
        %add3A_431 = arith.addf %add3A_428, %add3A_430 : vector<16xf32>
        %max3A_432 = arith.constant 0.000000e+00 : f32
        %max3A_433 = vector.broadcast %max3A_432 : f32 to vector<16xf32>
        %max3A_434 = arith.maximumf %add3A_431, %max3A_433 : vector<16xf32>
        %mul3A_435 = arith.mulf %max3A_434, %get3A_19 : vector<16xf32>
        %get3A_436 = arith.index_cast %add3A_418 : i32 to index
        %get3A_437 = arith.constant 16 : index
        %get3A_438 = tpu.vector_load %arg12[%get3A_436, %get3A_437] {strides = array<i32>} : memref<256x64xf32, #tpu.memory_space<vmem>>, vector<16xf32>,
        %get3A_439 = arith.index_cast %add3A_418 : i32 to index
        %get3A_440 = arith.constant 16 : index
        %get3A_441 = tpu.vector_load %arg14[%get3A_439, %get3A_440] {strides = array<i32>} : memref<256x64xf32, #tpu.memory_space<vmem>>, vector<16xf32>,
        %add3A_442 = arith.addf %get3A_438, %get3A_441 : vector<16xf32>
        %mul3A_443 = arith.mulf %broadcast_in_dim3A_421, %get3A_5 : vector<16xf32>
        %add3A_444 = arith.addf %mul3A_443, %get3A_13 : vector<16xf32>
        %add3A_445 = arith.addf %add3A_442, %add3A_444 : vector<16xf32>
        %max3A_446 = arith.constant 0.000000e+00 : f32
        %max3A_447 = vector.broadcast %max3A_446 : f32 to vector<16xf32>
        %max3A_448 = arith.maximumf %add3A_445, %max3A_447 : vector<16xf32>
        %mul3A_449 = arith.mulf %max3A_448, %get3A_21 : vector<16xf32>
        %add3A_450 = arith.addf %mul3A_435, %mul3A_449 : vector<16xf32>
        %get3A_451 = arith.index_cast %add3A_418 : i32 to index
        %get3A_452 = arith.constant 32 : index
        %get3A_453 = tpu.vector_load %arg12[%get3A_451, %get3A_452] {strides = array<i32>} : memref<256x64xf32, #tpu.memory_space<vmem>>, vector<16xf32>,
        %get3A_454 = arith.index_cast %add3A_418 : i32 to index
        %get3A_455 = arith.constant 32 : index
        %get3A_456 = tpu.vector_load %arg14[%get3A_454, %get3A_455] {strides = array<i32>} : memref<256x64xf32, #tpu.memory_space<vmem>>, vector<16xf32>,
        %add3A_457 = arith.addf %get3A_453, %get3A_456 : vector<16xf32>
        %mul3A_458 = arith.mulf %broadcast_in_dim3A_421, %get3A_7 : vector<16xf32>
        %add3A_459 = arith.addf %mul3A_458, %get3A_15 : vector<16xf32>
        %add3A_460 = arith.addf %add3A_457, %add3A_459 : vector<16xf32>
        %max3A_461 = arith.constant 0.000000e+00 : f32
        %max3A_462 = vector.broadcast %max3A_461 : f32 to vector<16xf32>
        %max3A_463 = arith.maximumf %add3A_460, %max3A_462 : vector<16xf32>
        %mul3A_464 = arith.mulf %max3A_463, %get3A_23 : vector<16xf32>
        %add3A_465 = arith.addf %add3A_450, %mul3A_464 : vector<16xf32>
        %get3A_466 = arith.index_cast %add3A_418 : i32 to index
        %get3A_467 = arith.constant 48 : index
        %get3A_468 = tpu.vector_load %arg12[%get3A_466, %get3A_467] {strides = array<i32>} : memref<256x64xf32, #tpu.memory_space<vmem>>, vector<16xf32>,
        %get3A_469 = arith.index_cast %add3A_418 : i32 to index
        %get3A_470 = arith.constant 48 : index
        %get3A_471 = tpu.vector_load %arg14[%get3A_469, %get3A_470] {strides = array<i32>} : memref<256x64xf32, #tpu.memory_space<vmem>>, vector<16xf32>,
        %add3A_472 = arith.addf %get3A_468, %get3A_471 : vector<16xf32>
        %mul3A_473 = arith.mulf %broadcast_in_dim3A_421, %get3A_9 : vector<16xf32>
        %add3A_474 = arith.addf %mul3A_473, %get3A_17 : vector<16xf32>
        %add3A_475 = arith.addf %add3A_472, %add3A_474 : vector<16xf32>
        %max3A_476 = arith.constant 0.000000e+00 : f32
        %max3A_477 = vector.broadcast %max3A_476 : f32 to vector<16xf32>
        %max3A_478 = arith.maximumf %add3A_475, %max3A_477 : vector<16xf32>
        %mul3A_479 = arith.mulf %max3A_478, %get3A_25 : vector<16xf32>
        %add3A_480 = arith.addf %add3A_465, %mul3A_479 : vector<16xf32>
        %broadcast_in_dim3A_481 = vector.shape_cast %xor3A_29 : vector<16xi32> to vector<16x1xi32>
        %gather3A_482 = vector.shape_cast %broadcast_in_dim3A_481 : vector<16x1xi32> to vector<16xi32>
        %gather3A_483 = tpu.dynamic_gather %add3A_480[%gather3A_482] in [0] : vector<16xf32>, vector<16xi32> -> vector<16xf32>
        %add3A_484 = arith.addf %add3A_480, %gather3A_483 : vector<16xf32>
        %broadcast_in_dim3A_485 = vector.shape_cast %xor3A_32 : vector<16xi32> to vector<16x1xi32>
        %gather3A_486 = vector.shape_cast %broadcast_in_dim3A_485 : vector<16x1xi32> to vector<16xi32>
        %gather3A_487 = tpu.dynamic_gather %add3A_484[%gather3A_486] in [0] : vector<16xf32>, vector<16xi32> -> vector<16xf32>
        %add3A_488 = arith.addf %add3A_484, %gather3A_487 : vector<16xf32>
        %broadcast_in_dim3A_489 = vector.shape_cast %xor3A_35 : vector<16xi32> to vector<16x1xi32>
        %gather3A_490 = vector.shape_cast %broadcast_in_dim3A_489 : vector<16x1xi32> to vector<16xi32>
        %gather3A_491 = tpu.dynamic_gather %add3A_488[%gather3A_490] in [0] : vector<16xf32>, vector<16xi32> -> vector<16xf32>
        %add3A_492 = arith.addf %add3A_488, %gather3A_491 : vector<16xf32>
        %broadcast_in_dim3A_493 = vector.shape_cast %xor3A_38 : vector<16xi32> to vector<16x1xi32>
        %gather3A_494 = vector.shape_cast %broadcast_in_dim3A_493 : vector<16x1xi32> to vector<16xi32>
        %gather3A_495 = tpu.dynamic_gather %add3A_492[%gather3A_494] in [0] : vector<16xf32>, vector<16xi32> -> vector<16xf32>
        %add3A_496 = arith.addf %add3A_492, %gather3A_495 : vector<16xf32>
        %eq3A_497 = arith.constant 3 : i32
        %eq3A_498 = vector.broadcast %eq3A_497 : i32 to vector<16xi32>
        %eq3A_499 = arith.cmpi eq, %iota3A, %eq3A_498 : vector<16xi32>
        %select_n3A_500 = arith.select %eq3A_499, %add3A_496, %select_n3A_416 : vector<16xi1>, vector<16xf32>
        %add3A_501 = arith.constant 4 : i32
        %add3A_502 = arith.addi %mul3A_162, %add3A_501 : i32
        %slice3A_503 = vector.extract_strided_slice %get3A_165 {offsets = [4], sizes = [1], strides = [1]} : vector<16xf32> to vector<1xf32>
        %squeeze3A_504 = vector.extract %slice3A_503[0] : f32 from vector<1xf32>
        %broadcast_in_dim3A_505 = vector.broadcast %squeeze3A_504 : f32 to vector<16xf32>
        %get3A_506 = arith.index_cast %add3A_502 : i32 to index
        %get3A_507 = arith.constant 0 : index
        %get3A_508 = tpu.vector_load %arg12[%get3A_506, %get3A_507] {strides = array<i32>} : memref<256x64xf32, #tpu.memory_space<vmem>>, vector<16xf32>,
        %get3A_509 = arith.index_cast %add3A_502 : i32 to index
        %get3A_510 = arith.constant 0 : index
        %get3A_511 = tpu.vector_load %arg14[%get3A_509, %get3A_510] {strides = array<i32>} : memref<256x64xf32, #tpu.memory_space<vmem>>, vector<16xf32>,
        %add3A_512 = arith.addf %get3A_508, %get3A_511 : vector<16xf32>
        %mul3A_513 = arith.mulf %broadcast_in_dim3A_505, %get3A_3 : vector<16xf32>
        %add3A_514 = arith.addf %mul3A_513, %get3A_11 : vector<16xf32>
        %add3A_515 = arith.addf %add3A_512, %add3A_514 : vector<16xf32>
        %max3A_516 = arith.constant 0.000000e+00 : f32
        %max3A_517 = vector.broadcast %max3A_516 : f32 to vector<16xf32>
        %max3A_518 = arith.maximumf %add3A_515, %max3A_517 : vector<16xf32>
        %mul3A_519 = arith.mulf %max3A_518, %get3A_19 : vector<16xf32>
        %get3A_520 = arith.index_cast %add3A_502 : i32 to index
        %get3A_521 = arith.constant 16 : index
        %get3A_522 = tpu.vector_load %arg12[%get3A_520, %get3A_521] {strides = array<i32>} : memref<256x64xf32, #tpu.memory_space<vmem>>, vector<16xf32>,
        %get3A_523 = arith.index_cast %add3A_502 : i32 to index
        %get3A_524 = arith.constant 16 : index
        %get3A_525 = tpu.vector_load %arg14[%get3A_523, %get3A_524] {strides = array<i32>} : memref<256x64xf32, #tpu.memory_space<vmem>>, vector<16xf32>,
        %add3A_526 = arith.addf %get3A_522, %get3A_525 : vector<16xf32>
        %mul3A_527 = arith.mulf %broadcast_in_dim3A_505, %get3A_5 : vector<16xf32>
        %add3A_528 = arith.addf %mul3A_527, %get3A_13 : vector<16xf32>
        %add3A_529 = arith.addf %add3A_526, %add3A_528 : vector<16xf32>
        %max3A_530 = arith.constant 0.000000e+00 : f32
        %max3A_531 = vector.broadcast %max3A_530 : f32 to vector<16xf32>
        %max3A_532 = arith.maximumf %add3A_529, %max3A_531 : vector<16xf32>
        %mul3A_533 = arith.mulf %max3A_532, %get3A_21 : vector<16xf32>
        %add3A_534 = arith.addf %mul3A_519, %mul3A_533 : vector<16xf32>
        %get3A_535 = arith.index_cast %add3A_502 : i32 to index
        %get3A_536 = arith.constant 32 : index
        %get3A_537 = tpu.vector_load %arg12[%get3A_535, %get3A_536] {strides = array<i32>} : memref<256x64xf32, #tpu.memory_space<vmem>>, vector<16xf32>,
        %get3A_538 = arith.index_cast %add3A_502 : i32 to index
        %get3A_539 = arith.constant 32 : index
        %get3A_540 = tpu.vector_load %arg14[%get3A_538, %get3A_539] {strides = array<i32>} : memref<256x64xf32, #tpu.memory_space<vmem>>, vector<16xf32>,
        %add3A_541 = arith.addf %get3A_537, %get3A_540 : vector<16xf32>
        %mul3A_542 = arith.mulf %broadcast_in_dim3A_505, %get3A_7 : vector<16xf32>
        %add3A_543 = arith.addf %mul3A_542, %get3A_15 : vector<16xf32>
        %add3A_544 = arith.addf %add3A_541, %add3A_543 : vector<16xf32>
        %max3A_545 = arith.constant 0.000000e+00 : f32
        %max3A_546 = vector.broadcast %max3A_545 : f32 to vector<16xf32>
        %max3A_547 = arith.maximumf %add3A_544, %max3A_546 : vector<16xf32>
        %mul3A_548 = arith.mulf %max3A_547, %get3A_23 : vector<16xf32>
        %add3A_549 = arith.addf %add3A_534, %mul3A_548 : vector<16xf32>
        %get3A_550 = arith.index_cast %add3A_502 : i32 to index
        %get3A_551 = arith.constant 48 : index
        %get3A_552 = tpu.vector_load %arg12[%get3A_550, %get3A_551] {strides = array<i32>} : memref<256x64xf32, #tpu.memory_space<vmem>>, vector<16xf32>,
        %get3A_553 = arith.index_cast %add3A_502 : i32 to index
        %get3A_554 = arith.constant 48 : index
        %get3A_555 = tpu.vector_load %arg14[%get3A_553, %get3A_554] {strides = array<i32>} : memref<256x64xf32, #tpu.memory_space<vmem>>, vector<16xf32>,
        %add3A_556 = arith.addf %get3A_552, %get3A_555 : vector<16xf32>
        %mul3A_557 = arith.mulf %broadcast_in_dim3A_505, %get3A_9 : vector<16xf32>
        %add3A_558 = arith.addf %mul3A_557, %get3A_17 : vector<16xf32>
        %add3A_559 = arith.addf %add3A_556, %add3A_558 : vector<16xf32>
        %max3A_560 = arith.constant 0.000000e+00 : f32
        %max3A_561 = vector.broadcast %max3A_560 : f32 to vector<16xf32>
        %max3A_562 = arith.maximumf %add3A_559, %max3A_561 : vector<16xf32>
        %mul3A_563 = arith.mulf %max3A_562, %get3A_25 : vector<16xf32>
        %add3A_564 = arith.addf %add3A_549, %mul3A_563 : vector<16xf32>
        %broadcast_in_dim3A_565 = vector.shape_cast %xor3A_29 : vector<16xi32> to vector<16x1xi32>
        %gather3A_566 = vector.shape_cast %broadcast_in_dim3A_565 : vector<16x1xi32> to vector<16xi32>
        %gather3A_567 = tpu.dynamic_gather %add3A_564[%gather3A_566] in [0] : vector<16xf32>, vector<16xi32> -> vector<16xf32>
        %add3A_568 = arith.addf %add3A_564, %gather3A_567 : vector<16xf32>
        %broadcast_in_dim3A_569 = vector.shape_cast %xor3A_32 : vector<16xi32> to vector<16x1xi32>
        %gather3A_570 = vector.shape_cast %broadcast_in_dim3A_569 : vector<16x1xi32> to vector<16xi32>
        %gather3A_571 = tpu.dynamic_gather %add3A_568[%gather3A_570] in [0] : vector<16xf32>, vector<16xi32> -> vector<16xf32>
        %add3A_572 = arith.addf %add3A_568, %gather3A_571 : vector<16xf32>
        %broadcast_in_dim3A_573 = vector.shape_cast %xor3A_35 : vector<16xi32> to vector<16x1xi32>
        %gather3A_574 = vector.shape_cast %broadcast_in_dim3A_573 : vector<16x1xi32> to vector<16xi32>
        %gather3A_575 = tpu.dynamic_gather %add3A_572[%gather3A_574] in [0] : vector<16xf32>, vector<16xi32> -> vector<16xf32>
        %add3A_576 = arith.addf %add3A_572, %gather3A_575 : vector<16xf32>
        %broadcast_in_dim3A_577 = vector.shape_cast %xor3A_38 : vector<16xi32> to vector<16x1xi32>
        %gather3A_578 = vector.shape_cast %broadcast_in_dim3A_577 : vector<16x1xi32> to vector<16xi32>
        %gather3A_579 = tpu.dynamic_gather %add3A_576[%gather3A_578] in [0] : vector<16xf32>, vector<16xi32> -> vector<16xf32>
        %add3A_580 = arith.addf %add3A_576, %gather3A_579 : vector<16xf32>
        %eq3A_581 = arith.constant 4 : i32
        %eq3A_582 = vector.broadcast %eq3A_581 : i32 to vector<16xi32>
        %eq3A_583 = arith.cmpi eq, %iota3A, %eq3A_582 : vector<16xi32>
        %select_n3A_584 = arith.select %eq3A_583, %add3A_580, %select_n3A_500 : vector<16xi1>, vector<16xf32>
        %add3A_585 = arith.constant 5 : i32
        %add3A_586 = arith.addi %mul3A_162, %add3A_585 : i32
        %slice3A_587 = vector.extract_strided_slice %get3A_165 {offsets = [5], sizes = [1], strides = [1]} : vector<16xf32> to vector<1xf32>
        %squeeze3A_588 = vector.extract %slice3A_587[0] : f32 from vector<1xf32>
        %broadcast_in_dim3A_589 = vector.broadcast %squeeze3A_588 : f32 to vector<16xf32>
        %get3A_590 = arith.index_cast %add3A_586 : i32 to index
        %get3A_591 = arith.constant 0 : index
        %get3A_592 = tpu.vector_load %arg12[%get3A_590, %get3A_591] {strides = array<i32>} : memref<256x64xf32, #tpu.memory_space<vmem>>, vector<16xf32>,
        %get3A_593 = arith.index_cast %add3A_586 : i32 to index
        %get3A_594 = arith.constant 0 : index
        %get3A_595 = tpu.vector_load %arg14[%get3A_593, %get3A_594] {strides = array<i32>} : memref<256x64xf32, #tpu.memory_space<vmem>>, vector<16xf32>,
        %add3A_596 = arith.addf %get3A_592, %get3A_595 : vector<16xf32>
        %mul3A_597 = arith.mulf %broadcast_in_dim3A_589, %get3A_3 : vector<16xf32>
        %add3A_598 = arith.addf %mul3A_597, %get3A_11 : vector<16xf32>
        %add3A_599 = arith.addf %add3A_596, %add3A_598 : vector<16xf32>
        %max3A_600 = arith.constant 0.000000e+00 : f32
        %max3A_601 = vector.broadcast %max3A_600 : f32 to vector<16xf32>
        %max3A_602 = arith.maximumf %add3A_599, %max3A_601 : vector<16xf32>
        %mul3A_603 = arith.mulf %max3A_602, %get3A_19 : vector<16xf32>
        %get3A_604 = arith.index_cast %add3A_586 : i32 to index
        %get3A_605 = arith.constant 16 : index
        %get3A_606 = tpu.vector_load %arg12[%get3A_604, %get3A_605] {strides = array<i32>} : memref<256x64xf32, #tpu.memory_space<vmem>>, vector<16xf32>,
        %get3A_607 = arith.index_cast %add3A_586 : i32 to index
        %get3A_608 = arith.constant 16 : index
        %get3A_609 = tpu.vector_load %arg14[%get3A_607, %get3A_608] {strides = array<i32>} : memref<256x64xf32, #tpu.memory_space<vmem>>, vector<16xf32>,
        %add3A_610 = arith.addf %get3A_606, %get3A_609 : vector<16xf32>
        %mul3A_611 = arith.mulf %broadcast_in_dim3A_589, %get3A_5 : vector<16xf32>
        %add3A_612 = arith.addf %mul3A_611, %get3A_13 : vector<16xf32>
        %add3A_613 = arith.addf %add3A_610, %add3A_612 : vector<16xf32>
        %max3A_614 = arith.constant 0.000000e+00 : f32
        %max3A_615 = vector.broadcast %max3A_614 : f32 to vector<16xf32>
        %max3A_616 = arith.maximumf %add3A_613, %max3A_615 : vector<16xf32>
        %mul3A_617 = arith.mulf %max3A_616, %get3A_21 : vector<16xf32>
        %add3A_618 = arith.addf %mul3A_603, %mul3A_617 : vector<16xf32>
        %get3A_619 = arith.index_cast %add3A_586 : i32 to index
        %get3A_620 = arith.constant 32 : index
        %get3A_621 = tpu.vector_load %arg12[%get3A_619, %get3A_620] {strides = array<i32>} : memref<256x64xf32, #tpu.memory_space<vmem>>, vector<16xf32>,
        %get3A_622 = arith.index_cast %add3A_586 : i32 to index
        %get3A_623 = arith.constant 32 : index
        %get3A_624 = tpu.vector_load %arg14[%get3A_622, %get3A_623] {strides = array<i32>} : memref<256x64xf32, #tpu.memory_space<vmem>>, vector<16xf32>,
        %add3A_625 = arith.addf %get3A_621, %get3A_624 : vector<16xf32>
        %mul3A_626 = arith.mulf %broadcast_in_dim3A_589, %get3A_7 : vector<16xf32>
        %add3A_627 = arith.addf %mul3A_626, %get3A_15 : vector<16xf32>
        %add3A_628 = arith.addf %add3A_625, %add3A_627 : vector<16xf32>
        %max3A_629 = arith.constant 0.000000e+00 : f32
        %max3A_630 = vector.broadcast %max3A_629 : f32 to vector<16xf32>
        %max3A_631 = arith.maximumf %add3A_628, %max3A_630 : vector<16xf32>
        %mul3A_632 = arith.mulf %max3A_631, %get3A_23 : vector<16xf32>
        %add3A_633 = arith.addf %add3A_618, %mul3A_632 : vector<16xf32>
        %get3A_634 = arith.index_cast %add3A_586 : i32 to index
        %get3A_635 = arith.constant 48 : index
        %get3A_636 = tpu.vector_load %arg12[%get3A_634, %get3A_635] {strides = array<i32>} : memref<256x64xf32, #tpu.memory_space<vmem>>, vector<16xf32>,
        %get3A_637 = arith.index_cast %add3A_586 : i32 to index
        %get3A_638 = arith.constant 48 : index
        %get3A_639 = tpu.vector_load %arg14[%get3A_637, %get3A_638] {strides = array<i32>} : memref<256x64xf32, #tpu.memory_space<vmem>>, vector<16xf32>,
        %add3A_640 = arith.addf %get3A_636, %get3A_639 : vector<16xf32>
        %mul3A_641 = arith.mulf %broadcast_in_dim3A_589, %get3A_9 : vector<16xf32>
        %add3A_642 = arith.addf %mul3A_641, %get3A_17 : vector<16xf32>
        %add3A_643 = arith.addf %add3A_640, %add3A_642 : vector<16xf32>
        %max3A_644 = arith.constant 0.000000e+00 : f32
        %max3A_645 = vector.broadcast %max3A_644 : f32 to vector<16xf32>
        %max3A_646 = arith.maximumf %add3A_643, %max3A_645 : vector<16xf32>
        %mul3A_647 = arith.mulf %max3A_646, %get3A_25 : vector<16xf32>
        %add3A_648 = arith.addf %add3A_633, %mul3A_647 : vector<16xf32>
        %broadcast_in_dim3A_649 = vector.shape_cast %xor3A_29 : vector<16xi32> to vector<16x1xi32>
        %gather3A_650 = vector.shape_cast %broadcast_in_dim3A_649 : vector<16x1xi32> to vector<16xi32>
        %gather3A_651 = tpu.dynamic_gather %add3A_648[%gather3A_650] in [0] : vector<16xf32>, vector<16xi32> -> vector<16xf32>
        %add3A_652 = arith.addf %add3A_648, %gather3A_651 : vector<16xf32>
        %broadcast_in_dim3A_653 = vector.shape_cast %xor3A_32 : vector<16xi32> to vector<16x1xi32>
        %gather3A_654 = vector.shape_cast %broadcast_in_dim3A_653 : vector<16x1xi32> to vector<16xi32>
        %gather3A_655 = tpu.dynamic_gather %add3A_652[%gather3A_654] in [0] : vector<16xf32>, vector<16xi32> -> vector<16xf32>
        %add3A_656 = arith.addf %add3A_652, %gather3A_655 : vector<16xf32>
        %broadcast_in_dim3A_657 = vector.shape_cast %xor3A_35 : vector<16xi32> to vector<16x1xi32>
        %gather3A_658 = vector.shape_cast %broadcast_in_dim3A_657 : vector<16x1xi32> to vector<16xi32>
        %gather3A_659 = tpu.dynamic_gather %add3A_656[%gather3A_658] in [0] : vector<16xf32>, vector<16xi32> -> vector<16xf32>
        %add3A_660 = arith.addf %add3A_656, %gather3A_659 : vector<16xf32>
        %broadcast_in_dim3A_661 = vector.shape_cast %xor3A_38 : vector<16xi32> to vector<16x1xi32>
        %gather3A_662 = vector.shape_cast %broadcast_in_dim3A_661 : vector<16x1xi32> to vector<16xi32>
        %gather3A_663 = tpu.dynamic_gather %add3A_660[%gather3A_662] in [0] : vector<16xf32>, vector<16xi32> -> vector<16xf32>
        %add3A_664 = arith.addf %add3A_660, %gather3A_663 : vector<16xf32>
        %eq3A_665 = arith.constant 5 : i32
        %eq3A_666 = vector.broadcast %eq3A_665 : i32 to vector<16xi32>
        %eq3A_667 = arith.cmpi eq, %iota3A, %eq3A_666 : vector<16xi32>
        %select_n3A_668 = arith.select %eq3A_667, %add3A_664, %select_n3A_584 : vector<16xi1>, vector<16xf32>
        %add3A_669 = arith.constant 6 : i32
        %add3A_670 = arith.addi %mul3A_162, %add3A_669 : i32
        %slice3A_671 = vector.extract_strided_slice %get3A_165 {offsets = [6], sizes = [1], strides = [1]} : vector<16xf32> to vector<1xf32>
        %squeeze3A_672 = vector.extract %slice3A_671[0] : f32 from vector<1xf32>
        %broadcast_in_dim3A_673 = vector.broadcast %squeeze3A_672 : f32 to vector<16xf32>
        %get3A_674 = arith.index_cast %add3A_670 : i32 to index
        %get3A_675 = arith.constant 0 : index
        %get3A_676 = tpu.vector_load %arg12[%get3A_674, %get3A_675] {strides = array<i32>} : memref<256x64xf32, #tpu.memory_space<vmem>>, vector<16xf32>,
        %get3A_677 = arith.index_cast %add3A_670 : i32 to index
        %get3A_678 = arith.constant 0 : index
        %get3A_679 = tpu.vector_load %arg14[%get3A_677, %get3A_678] {strides = array<i32>} : memref<256x64xf32, #tpu.memory_space<vmem>>, vector<16xf32>,
        %add3A_680 = arith.addf %get3A_676, %get3A_679 : vector<16xf32>
        %mul3A_681 = arith.mulf %broadcast_in_dim3A_673, %get3A_3 : vector<16xf32>
        %add3A_682 = arith.addf %mul3A_681, %get3A_11 : vector<16xf32>
        %add3A_683 = arith.addf %add3A_680, %add3A_682 : vector<16xf32>
        %max3A_684 = arith.constant 0.000000e+00 : f32
        %max3A_685 = vector.broadcast %max3A_684 : f32 to vector<16xf32>
        %max3A_686 = arith.maximumf %add3A_683, %max3A_685 : vector<16xf32>
        %mul3A_687 = arith.mulf %max3A_686, %get3A_19 : vector<16xf32>
        %get3A_688 = arith.index_cast %add3A_670 : i32 to index
        %get3A_689 = arith.constant 16 : index
        %get3A_690 = tpu.vector_load %arg12[%get3A_688, %get3A_689] {strides = array<i32>} : memref<256x64xf32, #tpu.memory_space<vmem>>, vector<16xf32>,
        %get3A_691 = arith.index_cast %add3A_670 : i32 to index
        %get3A_692 = arith.constant 16 : index
        %get3A_693 = tpu.vector_load %arg14[%get3A_691, %get3A_692] {strides = array<i32>} : memref<256x64xf32, #tpu.memory_space<vmem>>, vector<16xf32>,
        %add3A_694 = arith.addf %get3A_690, %get3A_693 : vector<16xf32>
        %mul3A_695 = arith.mulf %broadcast_in_dim3A_673, %get3A_5 : vector<16xf32>
        %add3A_696 = arith.addf %mul3A_695, %get3A_13 : vector<16xf32>
        %add3A_697 = arith.addf %add3A_694, %add3A_696 : vector<16xf32>
        %max3A_698 = arith.constant 0.000000e+00 : f32
        %max3A_699 = vector.broadcast %max3A_698 : f32 to vector<16xf32>
        %max3A_700 = arith.maximumf %add3A_697, %max3A_699 : vector<16xf32>
        %mul3A_701 = arith.mulf %max3A_700, %get3A_21 : vector<16xf32>
        %add3A_702 = arith.addf %mul3A_687, %mul3A_701 : vector<16xf32>
        %get3A_703 = arith.index_cast %add3A_670 : i32 to index
        %get3A_704 = arith.constant 32 : index
        %get3A_705 = tpu.vector_load %arg12[%get3A_703, %get3A_704] {strides = array<i32>} : memref<256x64xf32, #tpu.memory_space<vmem>>, vector<16xf32>,
        %get3A_706 = arith.index_cast %add3A_670 : i32 to index
        %get3A_707 = arith.constant 32 : index
        %get3A_708 = tpu.vector_load %arg14[%get3A_706, %get3A_707] {strides = array<i32>} : memref<256x64xf32, #tpu.memory_space<vmem>>, vector<16xf32>,
        %add3A_709 = arith.addf %get3A_705, %get3A_708 : vector<16xf32>
        %mul3A_710 = arith.mulf %broadcast_in_dim3A_673, %get3A_7 : vector<16xf32>
        %add3A_711 = arith.addf %mul3A_710, %get3A_15 : vector<16xf32>
        %add3A_712 = arith.addf %add3A_709, %add3A_711 : vector<16xf32>
        %max3A_713 = arith.constant 0.000000e+00 : f32
        %max3A_714 = vector.broadcast %max3A_713 : f32 to vector<16xf32>
        %max3A_715 = arith.maximumf %add3A_712, %max3A_714 : vector<16xf32>
        %mul3A_716 = arith.mulf %max3A_715, %get3A_23 : vector<16xf32>
        %add3A_717 = arith.addf %add3A_702, %mul3A_716 : vector<16xf32>
        %get3A_718 = arith.index_cast %add3A_670 : i32 to index
        %get3A_719 = arith.constant 48 : index
        %get3A_720 = tpu.vector_load %arg12[%get3A_718, %get3A_719] {strides = array<i32>} : memref<256x64xf32, #tpu.memory_space<vmem>>, vector<16xf32>,
        %get3A_721 = arith.index_cast %add3A_670 : i32 to index
        %get3A_722 = arith.constant 48 : index
        %get3A_723 = tpu.vector_load %arg14[%get3A_721, %get3A_722] {strides = array<i32>} : memref<256x64xf32, #tpu.memory_space<vmem>>, vector<16xf32>,
        %add3A_724 = arith.addf %get3A_720, %get3A_723 : vector<16xf32>
        %mul3A_725 = arith.mulf %broadcast_in_dim3A_673, %get3A_9 : vector<16xf32>
        %add3A_726 = arith.addf %mul3A_725, %get3A_17 : vector<16xf32>
        %add3A_727 = arith.addf %add3A_724, %add3A_726 : vector<16xf32>
        %max3A_728 = arith.constant 0.000000e+00 : f32
        %max3A_729 = vector.broadcast %max3A_728 : f32 to vector<16xf32>
        %max3A_730 = arith.maximumf %add3A_727, %max3A_729 : vector<16xf32>
        %mul3A_731 = arith.mulf %max3A_730, %get3A_25 : vector<16xf32>
        %add3A_732 = arith.addf %add3A_717, %mul3A_731 : vector<16xf32>
        %broadcast_in_dim3A_733 = vector.shape_cast %xor3A_29 : vector<16xi32> to vector<16x1xi32>
        %gather3A_734 = vector.shape_cast %broadcast_in_dim3A_733 : vector<16x1xi32> to vector<16xi32>
        %gather3A_735 = tpu.dynamic_gather %add3A_732[%gather3A_734] in [0] : vector<16xf32>, vector<16xi32> -> vector<16xf32>
        %add3A_736 = arith.addf %add3A_732, %gather3A_735 : vector<16xf32>
        %broadcast_in_dim3A_737 = vector.shape_cast %xor3A_32 : vector<16xi32> to vector<16x1xi32>
        %gather3A_738 = vector.shape_cast %broadcast_in_dim3A_737 : vector<16x1xi32> to vector<16xi32>
        %gather3A_739 = tpu.dynamic_gather %add3A_736[%gather3A_738] in [0] : vector<16xf32>, vector<16xi32> -> vector<16xf32>
        %add3A_740 = arith.addf %add3A_736, %gather3A_739 : vector<16xf32>
        %broadcast_in_dim3A_741 = vector.shape_cast %xor3A_35 : vector<16xi32> to vector<16x1xi32>
        %gather3A_742 = vector.shape_cast %broadcast_in_dim3A_741 : vector<16x1xi32> to vector<16xi32>
        %gather3A_743 = tpu.dynamic_gather %add3A_740[%gather3A_742] in [0] : vector<16xf32>, vector<16xi32> -> vector<16xf32>
        %add3A_744 = arith.addf %add3A_740, %gather3A_743 : vector<16xf32>
        %broadcast_in_dim3A_745 = vector.shape_cast %xor3A_38 : vector<16xi32> to vector<16x1xi32>
        %gather3A_746 = vector.shape_cast %broadcast_in_dim3A_745 : vector<16x1xi32> to vector<16xi32>
        %gather3A_747 = tpu.dynamic_gather %add3A_744[%gather3A_746] in [0] : vector<16xf32>, vector<16xi32> -> vector<16xf32>
        %add3A_748 = arith.addf %add3A_744, %gather3A_747 : vector<16xf32>
        %eq3A_749 = arith.constant 6 : i32
        %eq3A_750 = vector.broadcast %eq3A_749 : i32 to vector<16xi32>
        %eq3A_751 = arith.cmpi eq, %iota3A, %eq3A_750 : vector<16xi32>
        %select_n3A_752 = arith.select %eq3A_751, %add3A_748, %select_n3A_668 : vector<16xi1>, vector<16xf32>
        %add3A_753 = arith.constant 7 : i32
        %add3A_754 = arith.addi %mul3A_162, %add3A_753 : i32
        %slice3A_755 = vector.extract_strided_slice %get3A_165 {offsets = [7], sizes = [1], strides = [1]} : vector<16xf32> to vector<1xf32>
        %squeeze3A_756 = vector.extract %slice3A_755[0] : f32 from vector<1xf32>
        %broadcast_in_dim3A_757 = vector.broadcast %squeeze3A_756 : f32 to vector<16xf32>
        %get3A_758 = arith.index_cast %add3A_754 : i32 to index
        %get3A_759 = arith.constant 0 : index
        %get3A_760 = tpu.vector_load %arg12[%get3A_758, %get3A_759] {strides = array<i32>} : memref<256x64xf32, #tpu.memory_space<vmem>>, vector<16xf32>,
        %get3A_761 = arith.index_cast %add3A_754 : i32 to index
        %get3A_762 = arith.constant 0 : index
        %get3A_763 = tpu.vector_load %arg14[%get3A_761, %get3A_762] {strides = array<i32>} : memref<256x64xf32, #tpu.memory_space<vmem>>, vector<16xf32>,
        %add3A_764 = arith.addf %get3A_760, %get3A_763 : vector<16xf32>
        %mul3A_765 = arith.mulf %broadcast_in_dim3A_757, %get3A_3 : vector<16xf32>
        %add3A_766 = arith.addf %mul3A_765, %get3A_11 : vector<16xf32>
        %add3A_767 = arith.addf %add3A_764, %add3A_766 : vector<16xf32>
        %max3A_768 = arith.constant 0.000000e+00 : f32
        %max3A_769 = vector.broadcast %max3A_768 : f32 to vector<16xf32>
        %max3A_770 = arith.maximumf %add3A_767, %max3A_769 : vector<16xf32>
        %mul3A_771 = arith.mulf %max3A_770, %get3A_19 : vector<16xf32>
        %get3A_772 = arith.index_cast %add3A_754 : i32 to index
        %get3A_773 = arith.constant 16 : index
        %get3A_774 = tpu.vector_load %arg12[%get3A_772, %get3A_773] {strides = array<i32>} : memref<256x64xf32, #tpu.memory_space<vmem>>, vector<16xf32>,
        %get3A_775 = arith.index_cast %add3A_754 : i32 to index
        %get3A_776 = arith.constant 16 : index
        %get3A_777 = tpu.vector_load %arg14[%get3A_775, %get3A_776] {strides = array<i32>} : memref<256x64xf32, #tpu.memory_space<vmem>>, vector<16xf32>,
        %add3A_778 = arith.addf %get3A_774, %get3A_777 : vector<16xf32>
        %mul3A_779 = arith.mulf %broadcast_in_dim3A_757, %get3A_5 : vector<16xf32>
        %add3A_780 = arith.addf %mul3A_779, %get3A_13 : vector<16xf32>
        %add3A_781 = arith.addf %add3A_778, %add3A_780 : vector<16xf32>
        %max3A_782 = arith.constant 0.000000e+00 : f32
        %max3A_783 = vector.broadcast %max3A_782 : f32 to vector<16xf32>
        %max3A_784 = arith.maximumf %add3A_781, %max3A_783 : vector<16xf32>
        %mul3A_785 = arith.mulf %max3A_784, %get3A_21 : vector<16xf32>
        %add3A_786 = arith.addf %mul3A_771, %mul3A_785 : vector<16xf32>
        %get3A_787 = arith.index_cast %add3A_754 : i32 to index
        %get3A_788 = arith.constant 32 : index
        %get3A_789 = tpu.vector_load %arg12[%get3A_787, %get3A_788] {strides = array<i32>} : memref<256x64xf32, #tpu.memory_space<vmem>>, vector<16xf32>,
        %get3A_790 = arith.index_cast %add3A_754 : i32 to index
        %get3A_791 = arith.constant 32 : index
        %get3A_792 = tpu.vector_load %arg14[%get3A_790, %get3A_791] {strides = array<i32>} : memref<256x64xf32, #tpu.memory_space<vmem>>, vector<16xf32>,
        %add3A_793 = arith.addf %get3A_789, %get3A_792 : vector<16xf32>
        %mul3A_794 = arith.mulf %broadcast_in_dim3A_757, %get3A_7 : vector<16xf32>
        %add3A_795 = arith.addf %mul3A_794, %get3A_15 : vector<16xf32>
        %add3A_796 = arith.addf %add3A_793, %add3A_795 : vector<16xf32>
        %max3A_797 = arith.constant 0.000000e+00 : f32
        %max3A_798 = vector.broadcast %max3A_797 : f32 to vector<16xf32>
        %max3A_799 = arith.maximumf %add3A_796, %max3A_798 : vector<16xf32>
        %mul3A_800 = arith.mulf %max3A_799, %get3A_23 : vector<16xf32>
        %add3A_801 = arith.addf %add3A_786, %mul3A_800 : vector<16xf32>
        %get3A_802 = arith.index_cast %add3A_754 : i32 to index
        %get3A_803 = arith.constant 48 : index
        %get3A_804 = tpu.vector_load %arg12[%get3A_802, %get3A_803] {strides = array<i32>} : memref<256x64xf32, #tpu.memory_space<vmem>>, vector<16xf32>,
        %get3A_805 = arith.index_cast %add3A_754 : i32 to index
        %get3A_806 = arith.constant 48 : index
        %get3A_807 = tpu.vector_load %arg14[%get3A_805, %get3A_806] {strides = array<i32>} : memref<256x64xf32, #tpu.memory_space<vmem>>, vector<16xf32>,
        %add3A_808 = arith.addf %get3A_804, %get3A_807 : vector<16xf32>
        %mul3A_809 = arith.mulf %broadcast_in_dim3A_757, %get3A_9 : vector<16xf32>
        %add3A_810 = arith.addf %mul3A_809, %get3A_17 : vector<16xf32>
        %add3A_811 = arith.addf %add3A_808, %add3A_810 : vector<16xf32>
        %max3A_812 = arith.constant 0.000000e+00 : f32
        %max3A_813 = vector.broadcast %max3A_812 : f32 to vector<16xf32>
        %max3A_814 = arith.maximumf %add3A_811, %max3A_813 : vector<16xf32>
        %mul3A_815 = arith.mulf %max3A_814, %get3A_25 : vector<16xf32>
        %add3A_816 = arith.addf %add3A_801, %mul3A_815 : vector<16xf32>
        %broadcast_in_dim3A_817 = vector.shape_cast %xor3A_29 : vector<16xi32> to vector<16x1xi32>
        %gather3A_818 = vector.shape_cast %broadcast_in_dim3A_817 : vector<16x1xi32> to vector<16xi32>
        %gather3A_819 = tpu.dynamic_gather %add3A_816[%gather3A_818] in [0] : vector<16xf32>, vector<16xi32> -> vector<16xf32>
        %add3A_820 = arith.addf %add3A_816, %gather3A_819 : vector<16xf32>
        %broadcast_in_dim3A_821 = vector.shape_cast %xor3A_32 : vector<16xi32> to vector<16x1xi32>
        %gather3A_822 = vector.shape_cast %broadcast_in_dim3A_821 : vector<16x1xi32> to vector<16xi32>
        %gather3A_823 = tpu.dynamic_gather %add3A_820[%gather3A_822] in [0] : vector<16xf32>, vector<16xi32> -> vector<16xf32>
        %add3A_824 = arith.addf %add3A_820, %gather3A_823 : vector<16xf32>
        %broadcast_in_dim3A_825 = vector.shape_cast %xor3A_35 : vector<16xi32> to vector<16x1xi32>
        %gather3A_826 = vector.shape_cast %broadcast_in_dim3A_825 : vector<16x1xi32> to vector<16xi32>
        %gather3A_827 = tpu.dynamic_gather %add3A_824[%gather3A_826] in [0] : vector<16xf32>, vector<16xi32> -> vector<16xf32>
        %add3A_828 = arith.addf %add3A_824, %gather3A_827 : vector<16xf32>
        %broadcast_in_dim3A_829 = vector.shape_cast %xor3A_38 : vector<16xi32> to vector<16x1xi32>
        %gather3A_830 = vector.shape_cast %broadcast_in_dim3A_829 : vector<16x1xi32> to vector<16xi32>
        %gather3A_831 = tpu.dynamic_gather %add3A_828[%gather3A_830] in [0] : vector<16xf32>, vector<16xi32> -> vector<16xf32>
        %add3A_832 = arith.addf %add3A_828, %gather3A_831 : vector<16xf32>
        %eq3A_833 = arith.constant 7 : i32
        %eq3A_834 = vector.broadcast %eq3A_833 : i32 to vector<16xi32>
        %eq3A_835 = arith.cmpi eq, %iota3A, %eq3A_834 : vector<16xi32>
        %select_n3A_836 = arith.select %eq3A_835, %add3A_832, %select_n3A_752 : vector<16xi1>, vector<16xf32>
        %add3A_837 = arith.constant 8 : i32
        %add3A_838 = arith.addi %mul3A_162, %add3A_837 : i32
        %slice3A_839 = vector.extract_strided_slice %get3A_165 {offsets = [8], sizes = [1], strides = [1]} : vector<16xf32> to vector<1xf32>
        %squeeze3A_840 = vector.extract %slice3A_839[0] : f32 from vector<1xf32>
        %broadcast_in_dim3A_841 = vector.broadcast %squeeze3A_840 : f32 to vector<16xf32>
        %get3A_842 = arith.index_cast %add3A_838 : i32 to index
        %get3A_843 = arith.constant 0 : index
        %get3A_844 = tpu.vector_load %arg12[%get3A_842, %get3A_843] {strides = array<i32>} : memref<256x64xf32, #tpu.memory_space<vmem>>, vector<16xf32>,
        %get3A_845 = arith.index_cast %add3A_838 : i32 to index
        %get3A_846 = arith.constant 0 : index
        %get3A_847 = tpu.vector_load %arg14[%get3A_845, %get3A_846] {strides = array<i32>} : memref<256x64xf32, #tpu.memory_space<vmem>>, vector<16xf32>,
        %add3A_848 = arith.addf %get3A_844, %get3A_847 : vector<16xf32>
        %mul3A_849 = arith.mulf %broadcast_in_dim3A_841, %get3A_3 : vector<16xf32>
        %add3A_850 = arith.addf %mul3A_849, %get3A_11 : vector<16xf32>
        %add3A_851 = arith.addf %add3A_848, %add3A_850 : vector<16xf32>
        %max3A_852 = arith.constant 0.000000e+00 : f32
        %max3A_853 = vector.broadcast %max3A_852 : f32 to vector<16xf32>
        %max3A_854 = arith.maximumf %add3A_851, %max3A_853 : vector<16xf32>
        %mul3A_855 = arith.mulf %max3A_854, %get3A_19 : vector<16xf32>
        %get3A_856 = arith.index_cast %add3A_838 : i32 to index
        %get3A_857 = arith.constant 16 : index
        %get3A_858 = tpu.vector_load %arg12[%get3A_856, %get3A_857] {strides = array<i32>} : memref<256x64xf32, #tpu.memory_space<vmem>>, vector<16xf32>,
        %get3A_859 = arith.index_cast %add3A_838 : i32 to index
        %get3A_860 = arith.constant 16 : index
        %get3A_861 = tpu.vector_load %arg14[%get3A_859, %get3A_860] {strides = array<i32>} : memref<256x64xf32, #tpu.memory_space<vmem>>, vector<16xf32>,
        %add3A_862 = arith.addf %get3A_858, %get3A_861 : vector<16xf32>
        %mul3A_863 = arith.mulf %broadcast_in_dim3A_841, %get3A_5 : vector<16xf32>
        %add3A_864 = arith.addf %mul3A_863, %get3A_13 : vector<16xf32>
        %add3A_865 = arith.addf %add3A_862, %add3A_864 : vector<16xf32>
        %max3A_866 = arith.constant 0.000000e+00 : f32
        %max3A_867 = vector.broadcast %max3A_866 : f32 to vector<16xf32>
        %max3A_868 = arith.maximumf %add3A_865, %max3A_867 : vector<16xf32>
        %mul3A_869 = arith.mulf %max3A_868, %get3A_21 : vector<16xf32>
        %add3A_870 = arith.addf %mul3A_855, %mul3A_869 : vector<16xf32>
        %get3A_871 = arith.index_cast %add3A_838 : i32 to index
        %get3A_872 = arith.constant 32 : index
        %get3A_873 = tpu.vector_load %arg12[%get3A_871, %get3A_872] {strides = array<i32>} : memref<256x64xf32, #tpu.memory_space<vmem>>, vector<16xf32>,
        %get3A_874 = arith.index_cast %add3A_838 : i32 to index
        %get3A_875 = arith.constant 32 : index
        %get3A_876 = tpu.vector_load %arg14[%get3A_874, %get3A_875] {strides = array<i32>} : memref<256x64xf32, #tpu.memory_space<vmem>>, vector<16xf32>,
        %add3A_877 = arith.addf %get3A_873, %get3A_876 : vector<16xf32>
        %mul3A_878 = arith.mulf %broadcast_in_dim3A_841, %get3A_7 : vector<16xf32>
        %add3A_879 = arith.addf %mul3A_878, %get3A_15 : vector<16xf32>
        %add3A_880 = arith.addf %add3A_877, %add3A_879 : vector<16xf32>
        %max3A_881 = arith.constant 0.000000e+00 : f32
        %max3A_882 = vector.broadcast %max3A_881 : f32 to vector<16xf32>
        %max3A_883 = arith.maximumf %add3A_880, %max3A_882 : vector<16xf32>
        %mul3A_884 = arith.mulf %max3A_883, %get3A_23 : vector<16xf32>
        %add3A_885 = arith.addf %add3A_870, %mul3A_884 : vector<16xf32>
        %get3A_886 = arith.index_cast %add3A_838 : i32 to index
        %get3A_887 = arith.constant 48 : index
        %get3A_888 = tpu.vector_load %arg12[%get3A_886, %get3A_887] {strides = array<i32>} : memref<256x64xf32, #tpu.memory_space<vmem>>, vector<16xf32>,
        %get3A_889 = arith.index_cast %add3A_838 : i32 to index
        %get3A_890 = arith.constant 48 : index
        %get3A_891 = tpu.vector_load %arg14[%get3A_889, %get3A_890] {strides = array<i32>} : memref<256x64xf32, #tpu.memory_space<vmem>>, vector<16xf32>,
        %add3A_892 = arith.addf %get3A_888, %get3A_891 : vector<16xf32>
        %mul3A_893 = arith.mulf %broadcast_in_dim3A_841, %get3A_9 : vector<16xf32>
        %add3A_894 = arith.addf %mul3A_893, %get3A_17 : vector<16xf32>
        %add3A_895 = arith.addf %add3A_892, %add3A_894 : vector<16xf32>
        %max3A_896 = arith.constant 0.000000e+00 : f32
        %max3A_897 = vector.broadcast %max3A_896 : f32 to vector<16xf32>
        %max3A_898 = arith.maximumf %add3A_895, %max3A_897 : vector<16xf32>
        %mul3A_899 = arith.mulf %max3A_898, %get3A_25 : vector<16xf32>
        %add3A_900 = arith.addf %add3A_885, %mul3A_899 : vector<16xf32>
        %broadcast_in_dim3A_901 = vector.shape_cast %xor3A_29 : vector<16xi32> to vector<16x1xi32>
        %gather3A_902 = vector.shape_cast %broadcast_in_dim3A_901 : vector<16x1xi32> to vector<16xi32>
        %gather3A_903 = tpu.dynamic_gather %add3A_900[%gather3A_902] in [0] : vector<16xf32>, vector<16xi32> -> vector<16xf32>
        %add3A_904 = arith.addf %add3A_900, %gather3A_903 : vector<16xf32>
        %broadcast_in_dim3A_905 = vector.shape_cast %xor3A_32 : vector<16xi32> to vector<16x1xi32>
        %gather3A_906 = vector.shape_cast %broadcast_in_dim3A_905 : vector<16x1xi32> to vector<16xi32>
        %gather3A_907 = tpu.dynamic_gather %add3A_904[%gather3A_906] in [0] : vector<16xf32>, vector<16xi32> -> vector<16xf32>
        %add3A_908 = arith.addf %add3A_904, %gather3A_907 : vector<16xf32>
        %broadcast_in_dim3A_909 = vector.shape_cast %xor3A_35 : vector<16xi32> to vector<16x1xi32>
        %gather3A_910 = vector.shape_cast %broadcast_in_dim3A_909 : vector<16x1xi32> to vector<16xi32>
        %gather3A_911 = tpu.dynamic_gather %add3A_908[%gather3A_910] in [0] : vector<16xf32>, vector<16xi32> -> vector<16xf32>
        %add3A_912 = arith.addf %add3A_908, %gather3A_911 : vector<16xf32>
        %broadcast_in_dim3A_913 = vector.shape_cast %xor3A_38 : vector<16xi32> to vector<16x1xi32>
        %gather3A_914 = vector.shape_cast %broadcast_in_dim3A_913 : vector<16x1xi32> to vector<16xi32>
        %gather3A_915 = tpu.dynamic_gather %add3A_912[%gather3A_914] in [0] : vector<16xf32>, vector<16xi32> -> vector<16xf32>
        %add3A_916 = arith.addf %add3A_912, %gather3A_915 : vector<16xf32>
        %eq3A_917 = arith.constant 8 : i32
        %eq3A_918 = vector.broadcast %eq3A_917 : i32 to vector<16xi32>
        %eq3A_919 = arith.cmpi eq, %iota3A, %eq3A_918 : vector<16xi32>
        %select_n3A_920 = arith.select %eq3A_919, %add3A_916, %select_n3A_836 : vector<16xi1>, vector<16xf32>
        %add3A_921 = arith.constant 9 : i32
        %add3A_922 = arith.addi %mul3A_162, %add3A_921 : i32
        %slice3A_923 = vector.extract_strided_slice %get3A_165 {offsets = [9], sizes = [1], strides = [1]} : vector<16xf32> to vector<1xf32>
        %squeeze3A_924 = vector.extract %slice3A_923[0] : f32 from vector<1xf32>
        %broadcast_in_dim3A_925 = vector.broadcast %squeeze3A_924 : f32 to vector<16xf32>
        %get3A_926 = arith.index_cast %add3A_922 : i32 to index
        %get3A_927 = arith.constant 0 : index
        %get3A_928 = tpu.vector_load %arg12[%get3A_926, %get3A_927] {strides = array<i32>} : memref<256x64xf32, #tpu.memory_space<vmem>>, vector<16xf32>,
        %get3A_929 = arith.index_cast %add3A_922 : i32 to index
        %get3A_930 = arith.constant 0 : index
        %get3A_931 = tpu.vector_load %arg14[%get3A_929, %get3A_930] {strides = array<i32>} : memref<256x64xf32, #tpu.memory_space<vmem>>, vector<16xf32>,
        %add3A_932 = arith.addf %get3A_928, %get3A_931 : vector<16xf32>
        %mul3A_933 = arith.mulf %broadcast_in_dim3A_925, %get3A_3 : vector<16xf32>
        %add3A_934 = arith.addf %mul3A_933, %get3A_11 : vector<16xf32>
        %add3A_935 = arith.addf %add3A_932, %add3A_934 : vector<16xf32>
        %max3A_936 = arith.constant 0.000000e+00 : f32
        %max3A_937 = vector.broadcast %max3A_936 : f32 to vector<16xf32>
        %max3A_938 = arith.maximumf %add3A_935, %max3A_937 : vector<16xf32>
        %mul3A_939 = arith.mulf %max3A_938, %get3A_19 : vector<16xf32>
        %get3A_940 = arith.index_cast %add3A_922 : i32 to index
        %get3A_941 = arith.constant 16 : index
        %get3A_942 = tpu.vector_load %arg12[%get3A_940, %get3A_941] {strides = array<i32>} : memref<256x64xf32, #tpu.memory_space<vmem>>, vector<16xf32>,
        %get3A_943 = arith.index_cast %add3A_922 : i32 to index
        %get3A_944 = arith.constant 16 : index
        %get3A_945 = tpu.vector_load %arg14[%get3A_943, %get3A_944] {strides = array<i32>} : memref<256x64xf32, #tpu.memory_space<vmem>>, vector<16xf32>,
        %add3A_946 = arith.addf %get3A_942, %get3A_945 : vector<16xf32>
        %mul3A_947 = arith.mulf %broadcast_in_dim3A_925, %get3A_5 : vector<16xf32>
        %add3A_948 = arith.addf %mul3A_947, %get3A_13 : vector<16xf32>
        %add3A_949 = arith.addf %add3A_946, %add3A_948 : vector<16xf32>
        %max3A_950 = arith.constant 0.000000e+00 : f32
        %max3A_951 = vector.broadcast %max3A_950 : f32 to vector<16xf32>
        %max3A_952 = arith.maximumf %add3A_949, %max3A_951 : vector<16xf32>
        %mul3A_953 = arith.mulf %max3A_952, %get3A_21 : vector<16xf32>
        %add3A_954 = arith.addf %mul3A_939, %mul3A_953 : vector<16xf32>
        %get3A_955 = arith.index_cast %add3A_922 : i32 to index
        %get3A_956 = arith.constant 32 : index
        %get3A_957 = tpu.vector_load %arg12[%get3A_955, %get3A_956] {strides = array<i32>} : memref<256x64xf32, #tpu.memory_space<vmem>>, vector<16xf32>,
        %get3A_958 = arith.index_cast %add3A_922 : i32 to index
        %get3A_959 = arith.constant 32 : index
        %get3A_960 = tpu.vector_load %arg14[%get3A_958, %get3A_959] {strides = array<i32>} : memref<256x64xf32, #tpu.memory_space<vmem>>, vector<16xf32>,
        %add3A_961 = arith.addf %get3A_957, %get3A_960 : vector<16xf32>
        %mul3A_962 = arith.mulf %broadcast_in_dim3A_925, %get3A_7 : vector<16xf32>
        %add3A_963 = arith.addf %mul3A_962, %get3A_15 : vector<16xf32>
        %add3A_964 = arith.addf %add3A_961, %add3A_963 : vector<16xf32>
        %max3A_965 = arith.constant 0.000000e+00 : f32
        %max3A_966 = vector.broadcast %max3A_965 : f32 to vector<16xf32>
        %max3A_967 = arith.maximumf %add3A_964, %max3A_966 : vector<16xf32>
        %mul3A_968 = arith.mulf %max3A_967, %get3A_23 : vector<16xf32>
        %add3A_969 = arith.addf %add3A_954, %mul3A_968 : vector<16xf32>
        %get3A_970 = arith.index_cast %add3A_922 : i32 to index
        %get3A_971 = arith.constant 48 : index
        %get3A_972 = tpu.vector_load %arg12[%get3A_970, %get3A_971] {strides = array<i32>} : memref<256x64xf32, #tpu.memory_space<vmem>>, vector<16xf32>,
        %get3A_973 = arith.index_cast %add3A_922 : i32 to index
        %get3A_974 = arith.constant 48 : index
        %get3A_975 = tpu.vector_load %arg14[%get3A_973, %get3A_974] {strides = array<i32>} : memref<256x64xf32, #tpu.memory_space<vmem>>, vector<16xf32>,
        %add3A_976 = arith.addf %get3A_972, %get3A_975 : vector<16xf32>
        %mul3A_977 = arith.mulf %broadcast_in_dim3A_925, %get3A_9 : vector<16xf32>
        %add3A_978 = arith.addf %mul3A_977, %get3A_17 : vector<16xf32>
        %add3A_979 = arith.addf %add3A_976, %add3A_978 : vector<16xf32>
        %max3A_980 = arith.constant 0.000000e+00 : f32
        %max3A_981 = vector.broadcast %max3A_980 : f32 to vector<16xf32>
        %max3A_982 = arith.maximumf %add3A_979, %max3A_981 : vector<16xf32>
        %mul3A_983 = arith.mulf %max3A_982, %get3A_25 : vector<16xf32>
        %add3A_984 = arith.addf %add3A_969, %mul3A_983 : vector<16xf32>
        %broadcast_in_dim3A_985 = vector.shape_cast %xor3A_29 : vector<16xi32> to vector<16x1xi32>
        %gather3A_986 = vector.shape_cast %broadcast_in_dim3A_985 : vector<16x1xi32> to vector<16xi32>
        %gather3A_987 = tpu.dynamic_gather %add3A_984[%gather3A_986] in [0] : vector<16xf32>, vector<16xi32> -> vector<16xf32>
        %add3A_988 = arith.addf %add3A_984, %gather3A_987 : vector<16xf32>
        %broadcast_in_dim3A_989 = vector.shape_cast %xor3A_32 : vector<16xi32> to vector<16x1xi32>
        %gather3A_990 = vector.shape_cast %broadcast_in_dim3A_989 : vector<16x1xi32> to vector<16xi32>
        %gather3A_991 = tpu.dynamic_gather %add3A_988[%gather3A_990] in [0] : vector<16xf32>, vector<16xi32> -> vector<16xf32>
        %add3A_992 = arith.addf %add3A_988, %gather3A_991 : vector<16xf32>
        %broadcast_in_dim3A_993 = vector.shape_cast %xor3A_35 : vector<16xi32> to vector<16x1xi32>
        %gather3A_994 = vector.shape_cast %broadcast_in_dim3A_993 : vector<16x1xi32> to vector<16xi32>
        %gather3A_995 = tpu.dynamic_gather %add3A_992[%gather3A_994] in [0] : vector<16xf32>, vector<16xi32> -> vector<16xf32>
        %add3A_996 = arith.addf %add3A_992, %gather3A_995 : vector<16xf32>
        %broadcast_in_dim3A_997 = vector.shape_cast %xor3A_38 : vector<16xi32> to vector<16x1xi32>
        %gather3A_998 = vector.shape_cast %broadcast_in_dim3A_997 : vector<16x1xi32> to vector<16xi32>
        %gather3A_999 = tpu.dynamic_gather %add3A_996[%gather3A_998] in [0] : vector<16xf32>, vector<16xi32> -> vector<16xf32>
        %add3A_1000 = arith.addf %add3A_996, %gather3A_999 : vector<16xf32>
        %eq3A_1001 = arith.constant 9 : i32
        %eq3A_1002 = vector.broadcast %eq3A_1001 : i32 to vector<16xi32>
        %eq3A_1003 = arith.cmpi eq, %iota3A, %eq3A_1002 : vector<16xi32>
        %select_n3A_1004 = arith.select %eq3A_1003, %add3A_1000, %select_n3A_920 : vector<16xi1>, vector<16xf32>
        %add3A_1005 = arith.constant 10 : i32
        %add3A_1006 = arith.addi %mul3A_162, %add3A_1005 : i32
        %slice3A_1007 = vector.extract_strided_slice %get3A_165 {offsets = [10], sizes = [1], strides = [1]} : vector<16xf32> to vector<1xf32>
        %squeeze3A_1008 = vector.extract %slice3A_1007[0] : f32 from vector<1xf32>
        %broadcast_in_dim3A_1009 = vector.broadcast %squeeze3A_1008 : f32 to vector<16xf32>
        %get3A_1010 = arith.index_cast %add3A_1006 : i32 to index
        %get3A_1011 = arith.constant 0 : index
        %get3A_1012 = tpu.vector_load %arg12[%get3A_1010, %get3A_1011] {strides = array<i32>} : memref<256x64xf32, #tpu.memory_space<vmem>>, vector<16xf32>,
        %get3A_1013 = arith.index_cast %add3A_1006 : i32 to index
        %get3A_1014 = arith.constant 0 : index
        %get3A_1015 = tpu.vector_load %arg14[%get3A_1013, %get3A_1014] {strides = array<i32>} : memref<256x64xf32, #tpu.memory_space<vmem>>, vector<16xf32>,
        %add3A_1016 = arith.addf %get3A_1012, %get3A_1015 : vector<16xf32>
        %mul3A_1017 = arith.mulf %broadcast_in_dim3A_1009, %get3A_3 : vector<16xf32>
        %add3A_1018 = arith.addf %mul3A_1017, %get3A_11 : vector<16xf32>
        %add3A_1019 = arith.addf %add3A_1016, %add3A_1018 : vector<16xf32>
        %max3A_1020 = arith.constant 0.000000e+00 : f32
        %max3A_1021 = vector.broadcast %max3A_1020 : f32 to vector<16xf32>
        %max3A_1022 = arith.maximumf %add3A_1019, %max3A_1021 : vector<16xf32>
        %mul3A_1023 = arith.mulf %max3A_1022, %get3A_19 : vector<16xf32>
        %get3A_1024 = arith.index_cast %add3A_1006 : i32 to index
        %get3A_1025 = arith.constant 16 : index
        %get3A_1026 = tpu.vector_load %arg12[%get3A_1024, %get3A_1025] {strides = array<i32>} : memref<256x64xf32, #tpu.memory_space<vmem>>, vector<16xf32>,
        %get3A_1027 = arith.index_cast %add3A_1006 : i32 to index
        %get3A_1028 = arith.constant 16 : index
        %get3A_1029 = tpu.vector_load %arg14[%get3A_1027, %get3A_1028] {strides = array<i32>} : memref<256x64xf32, #tpu.memory_space<vmem>>, vector<16xf32>,
        %add3A_1030 = arith.addf %get3A_1026, %get3A_1029 : vector<16xf32>
        %mul3A_1031 = arith.mulf %broadcast_in_dim3A_1009, %get3A_5 : vector<16xf32>
        %add3A_1032 = arith.addf %mul3A_1031, %get3A_13 : vector<16xf32>
        %add3A_1033 = arith.addf %add3A_1030, %add3A_1032 : vector<16xf32>
        %max3A_1034 = arith.constant 0.000000e+00 : f32
        %max3A_1035 = vector.broadcast %max3A_1034 : f32 to vector<16xf32>
        %max3A_1036 = arith.maximumf %add3A_1033, %max3A_1035 : vector<16xf32>
        %mul3A_1037 = arith.mulf %max3A_1036, %get3A_21 : vector<16xf32>
        %add3A_1038 = arith.addf %mul3A_1023, %mul3A_1037 : vector<16xf32>
        %get3A_1039 = arith.index_cast %add3A_1006 : i32 to index
        %get3A_1040 = arith.constant 32 : index
        %get3A_1041 = tpu.vector_load %arg12[%get3A_1039, %get3A_1040] {strides = array<i32>} : memref<256x64xf32, #tpu.memory_space<vmem>>, vector<16xf32>,
        %get3A_1042 = arith.index_cast %add3A_1006 : i32 to index
        %get3A_1043 = arith.constant 32 : index
        %get3A_1044 = tpu.vector_load %arg14[%get3A_1042, %get3A_1043] {strides = array<i32>} : memref<256x64xf32, #tpu.memory_space<vmem>>, vector<16xf32>,
        %add3A_1045 = arith.addf %get3A_1041, %get3A_1044 : vector<16xf32>
        %mul3A_1046 = arith.mulf %broadcast_in_dim3A_1009, %get3A_7 : vector<16xf32>
        %add3A_1047 = arith.addf %mul3A_1046, %get3A_15 : vector<16xf32>
        %add3A_1048 = arith.addf %add3A_1045, %add3A_1047 : vector<16xf32>
        %max3A_1049 = arith.constant 0.000000e+00 : f32
        %max3A_1050 = vector.broadcast %max3A_1049 : f32 to vector<16xf32>
        %max3A_1051 = arith.maximumf %add3A_1048, %max3A_1050 : vector<16xf32>
        %mul3A_1052 = arith.mulf %max3A_1051, %get3A_23 : vector<16xf32>
        %add3A_1053 = arith.addf %add3A_1038, %mul3A_1052 : vector<16xf32>
        %get3A_1054 = arith.index_cast %add3A_1006 : i32 to index
        %get3A_1055 = arith.constant 48 : index
        %get3A_1056 = tpu.vector_load %arg12[%get3A_1054, %get3A_1055] {strides = array<i32>} : memref<256x64xf32, #tpu.memory_space<vmem>>, vector<16xf32>,
        %get3A_1057 = arith.index_cast %add3A_1006 : i32 to index
        %get3A_1058 = arith.constant 48 : index
        %get3A_1059 = tpu.vector_load %arg14[%get3A_1057, %get3A_1058] {strides = array<i32>} : memref<256x64xf32, #tpu.memory_space<vmem>>, vector<16xf32>,
        %add3A_1060 = arith.addf %get3A_1056, %get3A_1059 : vector<16xf32>
        %mul3A_1061 = arith.mulf %broadcast_in_dim3A_1009, %get3A_9 : vector<16xf32>
        %add3A_1062 = arith.addf %mul3A_1061, %get3A_17 : vector<16xf32>
        %add3A_1063 = arith.addf %add3A_1060, %add3A_1062 : vector<16xf32>
        %max3A_1064 = arith.constant 0.000000e+00 : f32
        %max3A_1065 = vector.broadcast %max3A_1064 : f32 to vector<16xf32>
        %max3A_1066 = arith.maximumf %add3A_1063, %max3A_1065 : vector<16xf32>
        %mul3A_1067 = arith.mulf %max3A_1066, %get3A_25 : vector<16xf32>
        %add3A_1068 = arith.addf %add3A_1053, %mul3A_1067 : vector<16xf32>
        %broadcast_in_dim3A_1069 = vector.shape_cast %xor3A_29 : vector<16xi32> to vector<16x1xi32>
        %gather3A_1070 = vector.shape_cast %broadcast_in_dim3A_1069 : vector<16x1xi32> to vector<16xi32>
        %gather3A_1071 = tpu.dynamic_gather %add3A_1068[%gather3A_1070] in [0] : vector<16xf32>, vector<16xi32> -> vector<16xf32>
        %add3A_1072 = arith.addf %add3A_1068, %gather3A_1071 : vector<16xf32>
        %broadcast_in_dim3A_1073 = vector.shape_cast %xor3A_32 : vector<16xi32> to vector<16x1xi32>
        %gather3A_1074 = vector.shape_cast %broadcast_in_dim3A_1073 : vector<16x1xi32> to vector<16xi32>
        %gather3A_1075 = tpu.dynamic_gather %add3A_1072[%gather3A_1074] in [0] : vector<16xf32>, vector<16xi32> -> vector<16xf32>
        %add3A_1076 = arith.addf %add3A_1072, %gather3A_1075 : vector<16xf32>
        %broadcast_in_dim3A_1077 = vector.shape_cast %xor3A_35 : vector<16xi32> to vector<16x1xi32>
        %gather3A_1078 = vector.shape_cast %broadcast_in_dim3A_1077 : vector<16x1xi32> to vector<16xi32>
        %gather3A_1079 = tpu.dynamic_gather %add3A_1076[%gather3A_1078] in [0] : vector<16xf32>, vector<16xi32> -> vector<16xf32>
        %add3A_1080 = arith.addf %add3A_1076, %gather3A_1079 : vector<16xf32>
        %broadcast_in_dim3A_1081 = vector.shape_cast %xor3A_38 : vector<16xi32> to vector<16x1xi32>
        %gather3A_1082 = vector.shape_cast %broadcast_in_dim3A_1081 : vector<16x1xi32> to vector<16xi32>
        %gather3A_1083 = tpu.dynamic_gather %add3A_1080[%gather3A_1082] in [0] : vector<16xf32>, vector<16xi32> -> vector<16xf32>
        %add3A_1084 = arith.addf %add3A_1080, %gather3A_1083 : vector<16xf32>
        %eq3A_1085 = arith.constant 10 : i32
        %eq3A_1086 = vector.broadcast %eq3A_1085 : i32 to vector<16xi32>
        %eq3A_1087 = arith.cmpi eq, %iota3A, %eq3A_1086 : vector<16xi32>
        %select_n3A_1088 = arith.select %eq3A_1087, %add3A_1084, %select_n3A_1004 : vector<16xi1>, vector<16xf32>
        %add3A_1089 = arith.constant 11 : i32
        %add3A_1090 = arith.addi %mul3A_162, %add3A_1089 : i32
        %slice3A_1091 = vector.extract_strided_slice %get3A_165 {offsets = [11], sizes = [1], strides = [1]} : vector<16xf32> to vector<1xf32>
        %squeeze3A_1092 = vector.extract %slice3A_1091[0] : f32 from vector<1xf32>
        %broadcast_in_dim3A_1093 = vector.broadcast %squeeze3A_1092 : f32 to vector<16xf32>
        %get3A_1094 = arith.index_cast %add3A_1090 : i32 to index
        %get3A_1095 = arith.constant 0 : index
        %get3A_1096 = tpu.vector_load %arg12[%get3A_1094, %get3A_1095] {strides = array<i32>} : memref<256x64xf32, #tpu.memory_space<vmem>>, vector<16xf32>,
        %get3A_1097 = arith.index_cast %add3A_1090 : i32 to index
        %get3A_1098 = arith.constant 0 : index
        %get3A_1099 = tpu.vector_load %arg14[%get3A_1097, %get3A_1098] {strides = array<i32>} : memref<256x64xf32, #tpu.memory_space<vmem>>, vector<16xf32>,
        %add3A_1100 = arith.addf %get3A_1096, %get3A_1099 : vector<16xf32>
        %mul3A_1101 = arith.mulf %broadcast_in_dim3A_1093, %get3A_3 : vector<16xf32>
        %add3A_1102 = arith.addf %mul3A_1101, %get3A_11 : vector<16xf32>
        %add3A_1103 = arith.addf %add3A_1100, %add3A_1102 : vector<16xf32>
        %max3A_1104 = arith.constant 0.000000e+00 : f32
        %max3A_1105 = vector.broadcast %max3A_1104 : f32 to vector<16xf32>
        %max3A_1106 = arith.maximumf %add3A_1103, %max3A_1105 : vector<16xf32>
        %mul3A_1107 = arith.mulf %max3A_1106, %get3A_19 : vector<16xf32>
        %get3A_1108 = arith.index_cast %add3A_1090 : i32 to index
        %get3A_1109 = arith.constant 16 : index
        %get3A_1110 = tpu.vector_load %arg12[%get3A_1108, %get3A_1109] {strides = array<i32>} : memref<256x64xf32, #tpu.memory_space<vmem>>, vector<16xf32>,
        %get3A_1111 = arith.index_cast %add3A_1090 : i32 to index
        %get3A_1112 = arith.constant 16 : index
        %get3A_1113 = tpu.vector_load %arg14[%get3A_1111, %get3A_1112] {strides = array<i32>} : memref<256x64xf32, #tpu.memory_space<vmem>>, vector<16xf32>,
        %add3A_1114 = arith.addf %get3A_1110, %get3A_1113 : vector<16xf32>
        %mul3A_1115 = arith.mulf %broadcast_in_dim3A_1093, %get3A_5 : vector<16xf32>
        %add3A_1116 = arith.addf %mul3A_1115, %get3A_13 : vector<16xf32>
        %add3A_1117 = arith.addf %add3A_1114, %add3A_1116 : vector<16xf32>
        %max3A_1118 = arith.constant 0.000000e+00 : f32
        %max3A_1119 = vector.broadcast %max3A_1118 : f32 to vector<16xf32>
        %max3A_1120 = arith.maximumf %add3A_1117, %max3A_1119 : vector<16xf32>
        %mul3A_1121 = arith.mulf %max3A_1120, %get3A_21 : vector<16xf32>
        %add3A_1122 = arith.addf %mul3A_1107, %mul3A_1121 : vector<16xf32>
        %get3A_1123 = arith.index_cast %add3A_1090 : i32 to index
        %get3A_1124 = arith.constant 32 : index
        %get3A_1125 = tpu.vector_load %arg12[%get3A_1123, %get3A_1124] {strides = array<i32>} : memref<256x64xf32, #tpu.memory_space<vmem>>, vector<16xf32>,
        %get3A_1126 = arith.index_cast %add3A_1090 : i32 to index
        %get3A_1127 = arith.constant 32 : index
        %get3A_1128 = tpu.vector_load %arg14[%get3A_1126, %get3A_1127] {strides = array<i32>} : memref<256x64xf32, #tpu.memory_space<vmem>>, vector<16xf32>,
        %add3A_1129 = arith.addf %get3A_1125, %get3A_1128 : vector<16xf32>
        %mul3A_1130 = arith.mulf %broadcast_in_dim3A_1093, %get3A_7 : vector<16xf32>
        %add3A_1131 = arith.addf %mul3A_1130, %get3A_15 : vector<16xf32>
        %add3A_1132 = arith.addf %add3A_1129, %add3A_1131 : vector<16xf32>
        %max3A_1133 = arith.constant 0.000000e+00 : f32
        %max3A_1134 = vector.broadcast %max3A_1133 : f32 to vector<16xf32>
        %max3A_1135 = arith.maximumf %add3A_1132, %max3A_1134 : vector<16xf32>
        %mul3A_1136 = arith.mulf %max3A_1135, %get3A_23 : vector<16xf32>
        %add3A_1137 = arith.addf %add3A_1122, %mul3A_1136 : vector<16xf32>
        %get3A_1138 = arith.index_cast %add3A_1090 : i32 to index
        %get3A_1139 = arith.constant 48 : index
        %get3A_1140 = tpu.vector_load %arg12[%get3A_1138, %get3A_1139] {strides = array<i32>} : memref<256x64xf32, #tpu.memory_space<vmem>>, vector<16xf32>,
        %get3A_1141 = arith.index_cast %add3A_1090 : i32 to index
        %get3A_1142 = arith.constant 48 : index
        %get3A_1143 = tpu.vector_load %arg14[%get3A_1141, %get3A_1142] {strides = array<i32>} : memref<256x64xf32, #tpu.memory_space<vmem>>, vector<16xf32>,
        %add3A_1144 = arith.addf %get3A_1140, %get3A_1143 : vector<16xf32>
        %mul3A_1145 = arith.mulf %broadcast_in_dim3A_1093, %get3A_9 : vector<16xf32>
        %add3A_1146 = arith.addf %mul3A_1145, %get3A_17 : vector<16xf32>
        %add3A_1147 = arith.addf %add3A_1144, %add3A_1146 : vector<16xf32>
        %max3A_1148 = arith.constant 0.000000e+00 : f32
        %max3A_1149 = vector.broadcast %max3A_1148 : f32 to vector<16xf32>
        %max3A_1150 = arith.maximumf %add3A_1147, %max3A_1149 : vector<16xf32>
        %mul3A_1151 = arith.mulf %max3A_1150, %get3A_25 : vector<16xf32>
        %add3A_1152 = arith.addf %add3A_1137, %mul3A_1151 : vector<16xf32>
        %broadcast_in_dim3A_1153 = vector.shape_cast %xor3A_29 : vector<16xi32> to vector<16x1xi32>
        %gather3A_1154 = vector.shape_cast %broadcast_in_dim3A_1153 : vector<16x1xi32> to vector<16xi32>
        %gather3A_1155 = tpu.dynamic_gather %add3A_1152[%gather3A_1154] in [0] : vector<16xf32>, vector<16xi32> -> vector<16xf32>
        %add3A_1156 = arith.addf %add3A_1152, %gather3A_1155 : vector<16xf32>
        %broadcast_in_dim3A_1157 = vector.shape_cast %xor3A_32 : vector<16xi32> to vector<16x1xi32>
        %gather3A_1158 = vector.shape_cast %broadcast_in_dim3A_1157 : vector<16x1xi32> to vector<16xi32>
        %gather3A_1159 = tpu.dynamic_gather %add3A_1156[%gather3A_1158] in [0] : vector<16xf32>, vector<16xi32> -> vector<16xf32>
        %add3A_1160 = arith.addf %add3A_1156, %gather3A_1159 : vector<16xf32>
        %broadcast_in_dim3A_1161 = vector.shape_cast %xor3A_35 : vector<16xi32> to vector<16x1xi32>
        %gather3A_1162 = vector.shape_cast %broadcast_in_dim3A_1161 : vector<16x1xi32> to vector<16xi32>
        %gather3A_1163 = tpu.dynamic_gather %add3A_1160[%gather3A_1162] in [0] : vector<16xf32>, vector<16xi32> -> vector<16xf32>
        %add3A_1164 = arith.addf %add3A_1160, %gather3A_1163 : vector<16xf32>
        %broadcast_in_dim3A_1165 = vector.shape_cast %xor3A_38 : vector<16xi32> to vector<16x1xi32>
        %gather3A_1166 = vector.shape_cast %broadcast_in_dim3A_1165 : vector<16x1xi32> to vector<16xi32>
        %gather3A_1167 = tpu.dynamic_gather %add3A_1164[%gather3A_1166] in [0] : vector<16xf32>, vector<16xi32> -> vector<16xf32>
        %add3A_1168 = arith.addf %add3A_1164, %gather3A_1167 : vector<16xf32>
        %eq3A_1169 = arith.constant 11 : i32
        %eq3A_1170 = vector.broadcast %eq3A_1169 : i32 to vector<16xi32>
        %eq3A_1171 = arith.cmpi eq, %iota3A, %eq3A_1170 : vector<16xi32>
        %select_n3A_1172 = arith.select %eq3A_1171, %add3A_1168, %select_n3A_1088 : vector<16xi1>, vector<16xf32>
        %add3A_1173 = arith.constant 12 : i32
        %add3A_1174 = arith.addi %mul3A_162, %add3A_1173 : i32
        %slice3A_1175 = vector.extract_strided_slice %get3A_165 {offsets = [12], sizes = [1], strides = [1]} : vector<16xf32> to vector<1xf32>
        %squeeze3A_1176 = vector.extract %slice3A_1175[0] : f32 from vector<1xf32>
        %broadcast_in_dim3A_1177 = vector.broadcast %squeeze3A_1176 : f32 to vector<16xf32>
        %get3A_1178 = arith.index_cast %add3A_1174 : i32 to index
        %get3A_1179 = arith.constant 0 : index
        %get3A_1180 = tpu.vector_load %arg12[%get3A_1178, %get3A_1179] {strides = array<i32>} : memref<256x64xf32, #tpu.memory_space<vmem>>, vector<16xf32>,
        %get3A_1181 = arith.index_cast %add3A_1174 : i32 to index
        %get3A_1182 = arith.constant 0 : index
        %get3A_1183 = tpu.vector_load %arg14[%get3A_1181, %get3A_1182] {strides = array<i32>} : memref<256x64xf32, #tpu.memory_space<vmem>>, vector<16xf32>,
        %add3A_1184 = arith.addf %get3A_1180, %get3A_1183 : vector<16xf32>
        %mul3A_1185 = arith.mulf %broadcast_in_dim3A_1177, %get3A_3 : vector<16xf32>
        %add3A_1186 = arith.addf %mul3A_1185, %get3A_11 : vector<16xf32>
        %add3A_1187 = arith.addf %add3A_1184, %add3A_1186 : vector<16xf32>
        %max3A_1188 = arith.constant 0.000000e+00 : f32
        %max3A_1189 = vector.broadcast %max3A_1188 : f32 to vector<16xf32>
        %max3A_1190 = arith.maximumf %add3A_1187, %max3A_1189 : vector<16xf32>
        %mul3A_1191 = arith.mulf %max3A_1190, %get3A_19 : vector<16xf32>
        %get3A_1192 = arith.index_cast %add3A_1174 : i32 to index
        %get3A_1193 = arith.constant 16 : index
        %get3A_1194 = tpu.vector_load %arg12[%get3A_1192, %get3A_1193] {strides = array<i32>} : memref<256x64xf32, #tpu.memory_space<vmem>>, vector<16xf32>,
        %get3A_1195 = arith.index_cast %add3A_1174 : i32 to index
        %get3A_1196 = arith.constant 16 : index
        %get3A_1197 = tpu.vector_load %arg14[%get3A_1195, %get3A_1196] {strides = array<i32>} : memref<256x64xf32, #tpu.memory_space<vmem>>, vector<16xf32>,
        %add3A_1198 = arith.addf %get3A_1194, %get3A_1197 : vector<16xf32>
        %mul3A_1199 = arith.mulf %broadcast_in_dim3A_1177, %get3A_5 : vector<16xf32>
        %add3A_1200 = arith.addf %mul3A_1199, %get3A_13 : vector<16xf32>
        %add3A_1201 = arith.addf %add3A_1198, %add3A_1200 : vector<16xf32>
        %max3A_1202 = arith.constant 0.000000e+00 : f32
        %max3A_1203 = vector.broadcast %max3A_1202 : f32 to vector<16xf32>
        %max3A_1204 = arith.maximumf %add3A_1201, %max3A_1203 : vector<16xf32>
        %mul3A_1205 = arith.mulf %max3A_1204, %get3A_21 : vector<16xf32>
        %add3A_1206 = arith.addf %mul3A_1191, %mul3A_1205 : vector<16xf32>
        %get3A_1207 = arith.index_cast %add3A_1174 : i32 to index
        %get3A_1208 = arith.constant 32 : index
        %get3A_1209 = tpu.vector_load %arg12[%get3A_1207, %get3A_1208] {strides = array<i32>} : memref<256x64xf32, #tpu.memory_space<vmem>>, vector<16xf32>,
        %get3A_1210 = arith.index_cast %add3A_1174 : i32 to index
        %get3A_1211 = arith.constant 32 : index
        %get3A_1212 = tpu.vector_load %arg14[%get3A_1210, %get3A_1211] {strides = array<i32>} : memref<256x64xf32, #tpu.memory_space<vmem>>, vector<16xf32>,
        %add3A_1213 = arith.addf %get3A_1209, %get3A_1212 : vector<16xf32>
        %mul3A_1214 = arith.mulf %broadcast_in_dim3A_1177, %get3A_7 : vector<16xf32>
        %add3A_1215 = arith.addf %mul3A_1214, %get3A_15 : vector<16xf32>
        %add3A_1216 = arith.addf %add3A_1213, %add3A_1215 : vector<16xf32>
        %max3A_1217 = arith.constant 0.000000e+00 : f32
        %max3A_1218 = vector.broadcast %max3A_1217 : f32 to vector<16xf32>
        %max3A_1219 = arith.maximumf %add3A_1216, %max3A_1218 : vector<16xf32>
        %mul3A_1220 = arith.mulf %max3A_1219, %get3A_23 : vector<16xf32>
        %add3A_1221 = arith.addf %add3A_1206, %mul3A_1220 : vector<16xf32>
        %get3A_1222 = arith.index_cast %add3A_1174 : i32 to index
        %get3A_1223 = arith.constant 48 : index
        %get3A_1224 = tpu.vector_load %arg12[%get3A_1222, %get3A_1223] {strides = array<i32>} : memref<256x64xf32, #tpu.memory_space<vmem>>, vector<16xf32>,
        %get3A_1225 = arith.index_cast %add3A_1174 : i32 to index
        %get3A_1226 = arith.constant 48 : index
        %get3A_1227 = tpu.vector_load %arg14[%get3A_1225, %get3A_1226] {strides = array<i32>} : memref<256x64xf32, #tpu.memory_space<vmem>>, vector<16xf32>,
        %add3A_1228 = arith.addf %get3A_1224, %get3A_1227 : vector<16xf32>
        %mul3A_1229 = arith.mulf %broadcast_in_dim3A_1177, %get3A_9 : vector<16xf32>
        %add3A_1230 = arith.addf %mul3A_1229, %get3A_17 : vector<16xf32>
        %add3A_1231 = arith.addf %add3A_1228, %add3A_1230 : vector<16xf32>
        %max3A_1232 = arith.constant 0.000000e+00 : f32
        %max3A_1233 = vector.broadcast %max3A_1232 : f32 to vector<16xf32>
        %max3A_1234 = arith.maximumf %add3A_1231, %max3A_1233 : vector<16xf32>
        %mul3A_1235 = arith.mulf %max3A_1234, %get3A_25 : vector<16xf32>
        %add3A_1236 = arith.addf %add3A_1221, %mul3A_1235 : vector<16xf32>
        %broadcast_in_dim3A_1237 = vector.shape_cast %xor3A_29 : vector<16xi32> to vector<16x1xi32>
        %gather3A_1238 = vector.shape_cast %broadcast_in_dim3A_1237 : vector<16x1xi32> to vector<16xi32>
        %gather3A_1239 = tpu.dynamic_gather %add3A_1236[%gather3A_1238] in [0] : vector<16xf32>, vector<16xi32> -> vector<16xf32>
        %add3A_1240 = arith.addf %add3A_1236, %gather3A_1239 : vector<16xf32>
        %broadcast_in_dim3A_1241 = vector.shape_cast %xor3A_32 : vector<16xi32> to vector<16x1xi32>
        %gather3A_1242 = vector.shape_cast %broadcast_in_dim3A_1241 : vector<16x1xi32> to vector<16xi32>
        %gather3A_1243 = tpu.dynamic_gather %add3A_1240[%gather3A_1242] in [0] : vector<16xf32>, vector<16xi32> -> vector<16xf32>
        %add3A_1244 = arith.addf %add3A_1240, %gather3A_1243 : vector<16xf32>
        %broadcast_in_dim3A_1245 = vector.shape_cast %xor3A_35 : vector<16xi32> to vector<16x1xi32>
        %gather3A_1246 = vector.shape_cast %broadcast_in_dim3A_1245 : vector<16x1xi32> to vector<16xi32>
        %gather3A_1247 = tpu.dynamic_gather %add3A_1244[%gather3A_1246] in [0] : vector<16xf32>, vector<16xi32> -> vector<16xf32>
        %add3A_1248 = arith.addf %add3A_1244, %gather3A_1247 : vector<16xf32>
        %broadcast_in_dim3A_1249 = vector.shape_cast %xor3A_38 : vector<16xi32> to vector<16x1xi32>
        %gather3A_1250 = vector.shape_cast %broadcast_in_dim3A_1249 : vector<16x1xi32> to vector<16xi32>
        %gather3A_1251 = tpu.dynamic_gather %add3A_1248[%gather3A_1250] in [0] : vector<16xf32>, vector<16xi32> -> vector<16xf32>
        %add3A_1252 = arith.addf %add3A_1248, %gather3A_1251 : vector<16xf32>
        %eq3A_1253 = arith.constant 12 : i32
        %eq3A_1254 = vector.broadcast %eq3A_1253 : i32 to vector<16xi32>
        %eq3A_1255 = arith.cmpi eq, %iota3A, %eq3A_1254 : vector<16xi32>
        %select_n3A_1256 = arith.select %eq3A_1255, %add3A_1252, %select_n3A_1172 : vector<16xi1>, vector<16xf32>
        %add3A_1257 = arith.constant 13 : i32
        %add3A_1258 = arith.addi %mul3A_162, %add3A_1257 : i32
        %slice3A_1259 = vector.extract_strided_slice %get3A_165 {offsets = [13], sizes = [1], strides = [1]} : vector<16xf32> to vector<1xf32>
        %squeeze3A_1260 = vector.extract %slice3A_1259[0] : f32 from vector<1xf32>
        %broadcast_in_dim3A_1261 = vector.broadcast %squeeze3A_1260 : f32 to vector<16xf32>
        %get3A_1262 = arith.index_cast %add3A_1258 : i32 to index
        %get3A_1263 = arith.constant 0 : index
        %get3A_1264 = tpu.vector_load %arg12[%get3A_1262, %get3A_1263] {strides = array<i32>} : memref<256x64xf32, #tpu.memory_space<vmem>>, vector<16xf32>,
        %get3A_1265 = arith.index_cast %add3A_1258 : i32 to index
        %get3A_1266 = arith.constant 0 : index
        %get3A_1267 = tpu.vector_load %arg14[%get3A_1265, %get3A_1266] {strides = array<i32>} : memref<256x64xf32, #tpu.memory_space<vmem>>, vector<16xf32>,
        %add3A_1268 = arith.addf %get3A_1264, %get3A_1267 : vector<16xf32>
        %mul3A_1269 = arith.mulf %broadcast_in_dim3A_1261, %get3A_3 : vector<16xf32>
        %add3A_1270 = arith.addf %mul3A_1269, %get3A_11 : vector<16xf32>
        %add3A_1271 = arith.addf %add3A_1268, %add3A_1270 : vector<16xf32>
        %max3A_1272 = arith.constant 0.000000e+00 : f32
        %max3A_1273 = vector.broadcast %max3A_1272 : f32 to vector<16xf32>
        %max3A_1274 = arith.maximumf %add3A_1271, %max3A_1273 : vector<16xf32>
        %mul3A_1275 = arith.mulf %max3A_1274, %get3A_19 : vector<16xf32>
        %get3A_1276 = arith.index_cast %add3A_1258 : i32 to index
        %get3A_1277 = arith.constant 16 : index
        %get3A_1278 = tpu.vector_load %arg12[%get3A_1276, %get3A_1277] {strides = array<i32>} : memref<256x64xf32, #tpu.memory_space<vmem>>, vector<16xf32>,
        %get3A_1279 = arith.index_cast %add3A_1258 : i32 to index
        %get3A_1280 = arith.constant 16 : index
        %get3A_1281 = tpu.vector_load %arg14[%get3A_1279, %get3A_1280] {strides = array<i32>} : memref<256x64xf32, #tpu.memory_space<vmem>>, vector<16xf32>,
        %add3A_1282 = arith.addf %get3A_1278, %get3A_1281 : vector<16xf32>
        %mul3A_1283 = arith.mulf %broadcast_in_dim3A_1261, %get3A_5 : vector<16xf32>
        %add3A_1284 = arith.addf %mul3A_1283, %get3A_13 : vector<16xf32>
        %add3A_1285 = arith.addf %add3A_1282, %add3A_1284 : vector<16xf32>
        %max3A_1286 = arith.constant 0.000000e+00 : f32
        %max3A_1287 = vector.broadcast %max3A_1286 : f32 to vector<16xf32>
        %max3A_1288 = arith.maximumf %add3A_1285, %max3A_1287 : vector<16xf32>
        %mul3A_1289 = arith.mulf %max3A_1288, %get3A_21 : vector<16xf32>
        %add3A_1290 = arith.addf %mul3A_1275, %mul3A_1289 : vector<16xf32>
        %get3A_1291 = arith.index_cast %add3A_1258 : i32 to index
        %get3A_1292 = arith.constant 32 : index
        %get3A_1293 = tpu.vector_load %arg12[%get3A_1291, %get3A_1292] {strides = array<i32>} : memref<256x64xf32, #tpu.memory_space<vmem>>, vector<16xf32>,
        %get3A_1294 = arith.index_cast %add3A_1258 : i32 to index
        %get3A_1295 = arith.constant 32 : index
        %get3A_1296 = tpu.vector_load %arg14[%get3A_1294, %get3A_1295] {strides = array<i32>} : memref<256x64xf32, #tpu.memory_space<vmem>>, vector<16xf32>,
        %add3A_1297 = arith.addf %get3A_1293, %get3A_1296 : vector<16xf32>
        %mul3A_1298 = arith.mulf %broadcast_in_dim3A_1261, %get3A_7 : vector<16xf32>
        %add3A_1299 = arith.addf %mul3A_1298, %get3A_15 : vector<16xf32>
        %add3A_1300 = arith.addf %add3A_1297, %add3A_1299 : vector<16xf32>
        %max3A_1301 = arith.constant 0.000000e+00 : f32
        %max3A_1302 = vector.broadcast %max3A_1301 : f32 to vector<16xf32>
        %max3A_1303 = arith.maximumf %add3A_1300, %max3A_1302 : vector<16xf32>
        %mul3A_1304 = arith.mulf %max3A_1303, %get3A_23 : vector<16xf32>
        %add3A_1305 = arith.addf %add3A_1290, %mul3A_1304 : vector<16xf32>
        %get3A_1306 = arith.index_cast %add3A_1258 : i32 to index
        %get3A_1307 = arith.constant 48 : index
        %get3A_1308 = tpu.vector_load %arg12[%get3A_1306, %get3A_1307] {strides = array<i32>} : memref<256x64xf32, #tpu.memory_space<vmem>>, vector<16xf32>,
        %get3A_1309 = arith.index_cast %add3A_1258 : i32 to index
        %get3A_1310 = arith.constant 48 : index
        %get3A_1311 = tpu.vector_load %arg14[%get3A_1309, %get3A_1310] {strides = array<i32>} : memref<256x64xf32, #tpu.memory_space<vmem>>, vector<16xf32>,
        %add3A_1312 = arith.addf %get3A_1308, %get3A_1311 : vector<16xf32>
        %mul3A_1313 = arith.mulf %broadcast_in_dim3A_1261, %get3A_9 : vector<16xf32>
        %add3A_1314 = arith.addf %mul3A_1313, %get3A_17 : vector<16xf32>
        %add3A_1315 = arith.addf %add3A_1312, %add3A_1314 : vector<16xf32>
        %max3A_1316 = arith.constant 0.000000e+00 : f32
        %max3A_1317 = vector.broadcast %max3A_1316 : f32 to vector<16xf32>
        %max3A_1318 = arith.maximumf %add3A_1315, %max3A_1317 : vector<16xf32>
        %mul3A_1319 = arith.mulf %max3A_1318, %get3A_25 : vector<16xf32>
        %add3A_1320 = arith.addf %add3A_1305, %mul3A_1319 : vector<16xf32>
        %broadcast_in_dim3A_1321 = vector.shape_cast %xor3A_29 : vector<16xi32> to vector<16x1xi32>
        %gather3A_1322 = vector.shape_cast %broadcast_in_dim3A_1321 : vector<16x1xi32> to vector<16xi32>
        %gather3A_1323 = tpu.dynamic_gather %add3A_1320[%gather3A_1322] in [0] : vector<16xf32>, vector<16xi32> -> vector<16xf32>
        %add3A_1324 = arith.addf %add3A_1320, %gather3A_1323 : vector<16xf32>
        %broadcast_in_dim3A_1325 = vector.shape_cast %xor3A_32 : vector<16xi32> to vector<16x1xi32>
        %gather3A_1326 = vector.shape_cast %broadcast_in_dim3A_1325 : vector<16x1xi32> to vector<16xi32>
        %gather3A_1327 = tpu.dynamic_gather %add3A_1324[%gather3A_1326] in [0] : vector<16xf32>, vector<16xi32> -> vector<16xf32>
        %add3A_1328 = arith.addf %add3A_1324, %gather3A_1327 : vector<16xf32>
        %broadcast_in_dim3A_1329 = vector.shape_cast %xor3A_35 : vector<16xi32> to vector<16x1xi32>
        %gather3A_1330 = vector.shape_cast %broadcast_in_dim3A_1329 : vector<16x1xi32> to vector<16xi32>
        %gather3A_1331 = tpu.dynamic_gather %add3A_1328[%gather3A_1330] in [0] : vector<16xf32>, vector<16xi32> -> vector<16xf32>
        %add3A_1332 = arith.addf %add3A_1328, %gather3A_1331 : vector<16xf32>
        %broadcast_in_dim3A_1333 = vector.shape_cast %xor3A_38 : vector<16xi32> to vector<16x1xi32>
        %gather3A_1334 = vector.shape_cast %broadcast_in_dim3A_1333 : vector<16x1xi32> to vector<16xi32>
        %gather3A_1335 = tpu.dynamic_gather %add3A_1332[%gather3A_1334] in [0] : vector<16xf32>, vector<16xi32> -> vector<16xf32>
        %add3A_1336 = arith.addf %add3A_1332, %gather3A_1335 : vector<16xf32>
        %eq3A_1337 = arith.constant 13 : i32
        %eq3A_1338 = vector.broadcast %eq3A_1337 : i32 to vector<16xi32>
        %eq3A_1339 = arith.cmpi eq, %iota3A, %eq3A_1338 : vector<16xi32>
        %select_n3A_1340 = arith.select %eq3A_1339, %add3A_1336, %select_n3A_1256 : vector<16xi1>, vector<16xf32>
        %add3A_1341 = arith.constant 14 : i32
        %add3A_1342 = arith.addi %mul3A_162, %add3A_1341 : i32
        %slice3A_1343 = vector.extract_strided_slice %get3A_165 {offsets = [14], sizes = [1], strides = [1]} : vector<16xf32> to vector<1xf32>
        %squeeze3A_1344 = vector.extract %slice3A_1343[0] : f32 from vector<1xf32>
        %broadcast_in_dim3A_1345 = vector.broadcast %squeeze3A_1344 : f32 to vector<16xf32>
        %get3A_1346 = arith.index_cast %add3A_1342 : i32 to index
        %get3A_1347 = arith.constant 0 : index
        %get3A_1348 = tpu.vector_load %arg12[%get3A_1346, %get3A_1347] {strides = array<i32>} : memref<256x64xf32, #tpu.memory_space<vmem>>, vector<16xf32>,
        %get3A_1349 = arith.index_cast %add3A_1342 : i32 to index
        %get3A_1350 = arith.constant 0 : index
        %get3A_1351 = tpu.vector_load %arg14[%get3A_1349, %get3A_1350] {strides = array<i32>} : memref<256x64xf32, #tpu.memory_space<vmem>>, vector<16xf32>,
        %add3A_1352 = arith.addf %get3A_1348, %get3A_1351 : vector<16xf32>
        %mul3A_1353 = arith.mulf %broadcast_in_dim3A_1345, %get3A_3 : vector<16xf32>
        %add3A_1354 = arith.addf %mul3A_1353, %get3A_11 : vector<16xf32>
        %add3A_1355 = arith.addf %add3A_1352, %add3A_1354 : vector<16xf32>
        %max3A_1356 = arith.constant 0.000000e+00 : f32
        %max3A_1357 = vector.broadcast %max3A_1356 : f32 to vector<16xf32>
        %max3A_1358 = arith.maximumf %add3A_1355, %max3A_1357 : vector<16xf32>
        %mul3A_1359 = arith.mulf %max3A_1358, %get3A_19 : vector<16xf32>
        %get3A_1360 = arith.index_cast %add3A_1342 : i32 to index
        %get3A_1361 = arith.constant 16 : index
        %get3A_1362 = tpu.vector_load %arg12[%get3A_1360, %get3A_1361] {strides = array<i32>} : memref<256x64xf32, #tpu.memory_space<vmem>>, vector<16xf32>,
        %get3A_1363 = arith.index_cast %add3A_1342 : i32 to index
        %get3A_1364 = arith.constant 16 : index
        %get3A_1365 = tpu.vector_load %arg14[%get3A_1363, %get3A_1364] {strides = array<i32>} : memref<256x64xf32, #tpu.memory_space<vmem>>, vector<16xf32>,
        %add3A_1366 = arith.addf %get3A_1362, %get3A_1365 : vector<16xf32>
        %mul3A_1367 = arith.mulf %broadcast_in_dim3A_1345, %get3A_5 : vector<16xf32>
        %add3A_1368 = arith.addf %mul3A_1367, %get3A_13 : vector<16xf32>
        %add3A_1369 = arith.addf %add3A_1366, %add3A_1368 : vector<16xf32>
        %max3A_1370 = arith.constant 0.000000e+00 : f32
        %max3A_1371 = vector.broadcast %max3A_1370 : f32 to vector<16xf32>
        %max3A_1372 = arith.maximumf %add3A_1369, %max3A_1371 : vector<16xf32>
        %mul3A_1373 = arith.mulf %max3A_1372, %get3A_21 : vector<16xf32>
        %add3A_1374 = arith.addf %mul3A_1359, %mul3A_1373 : vector<16xf32>
        %get3A_1375 = arith.index_cast %add3A_1342 : i32 to index
        %get3A_1376 = arith.constant 32 : index
        %get3A_1377 = tpu.vector_load %arg12[%get3A_1375, %get3A_1376] {strides = array<i32>} : memref<256x64xf32, #tpu.memory_space<vmem>>, vector<16xf32>,
        %get3A_1378 = arith.index_cast %add3A_1342 : i32 to index
        %get3A_1379 = arith.constant 32 : index
        %get3A_1380 = tpu.vector_load %arg14[%get3A_1378, %get3A_1379] {strides = array<i32>} : memref<256x64xf32, #tpu.memory_space<vmem>>, vector<16xf32>,
        %add3A_1381 = arith.addf %get3A_1377, %get3A_1380 : vector<16xf32>
        %mul3A_1382 = arith.mulf %broadcast_in_dim3A_1345, %get3A_7 : vector<16xf32>
        %add3A_1383 = arith.addf %mul3A_1382, %get3A_15 : vector<16xf32>
        %add3A_1384 = arith.addf %add3A_1381, %add3A_1383 : vector<16xf32>
        %max3A_1385 = arith.constant 0.000000e+00 : f32
        %max3A_1386 = vector.broadcast %max3A_1385 : f32 to vector<16xf32>
        %max3A_1387 = arith.maximumf %add3A_1384, %max3A_1386 : vector<16xf32>
        %mul3A_1388 = arith.mulf %max3A_1387, %get3A_23 : vector<16xf32>
        %add3A_1389 = arith.addf %add3A_1374, %mul3A_1388 : vector<16xf32>
        %get3A_1390 = arith.index_cast %add3A_1342 : i32 to index
        %get3A_1391 = arith.constant 48 : index
        %get3A_1392 = tpu.vector_load %arg12[%get3A_1390, %get3A_1391] {strides = array<i32>} : memref<256x64xf32, #tpu.memory_space<vmem>>, vector<16xf32>,
        %get3A_1393 = arith.index_cast %add3A_1342 : i32 to index
        %get3A_1394 = arith.constant 48 : index
        %get3A_1395 = tpu.vector_load %arg14[%get3A_1393, %get3A_1394] {strides = array<i32>} : memref<256x64xf32, #tpu.memory_space<vmem>>, vector<16xf32>,
        %add3A_1396 = arith.addf %get3A_1392, %get3A_1395 : vector<16xf32>
        %mul3A_1397 = arith.mulf %broadcast_in_dim3A_1345, %get3A_9 : vector<16xf32>
        %add3A_1398 = arith.addf %mul3A_1397, %get3A_17 : vector<16xf32>
        %add3A_1399 = arith.addf %add3A_1396, %add3A_1398 : vector<16xf32>
        %max3A_1400 = arith.constant 0.000000e+00 : f32
        %max3A_1401 = vector.broadcast %max3A_1400 : f32 to vector<16xf32>
        %max3A_1402 = arith.maximumf %add3A_1399, %max3A_1401 : vector<16xf32>
        %mul3A_1403 = arith.mulf %max3A_1402, %get3A_25 : vector<16xf32>
        %add3A_1404 = arith.addf %add3A_1389, %mul3A_1403 : vector<16xf32>
        %broadcast_in_dim3A_1405 = vector.shape_cast %xor3A_29 : vector<16xi32> to vector<16x1xi32>
        %gather3A_1406 = vector.shape_cast %broadcast_in_dim3A_1405 : vector<16x1xi32> to vector<16xi32>
        %gather3A_1407 = tpu.dynamic_gather %add3A_1404[%gather3A_1406] in [0] : vector<16xf32>, vector<16xi32> -> vector<16xf32>
        %add3A_1408 = arith.addf %add3A_1404, %gather3A_1407 : vector<16xf32>
        %broadcast_in_dim3A_1409 = vector.shape_cast %xor3A_32 : vector<16xi32> to vector<16x1xi32>
        %gather3A_1410 = vector.shape_cast %broadcast_in_dim3A_1409 : vector<16x1xi32> to vector<16xi32>
        %gather3A_1411 = tpu.dynamic_gather %add3A_1408[%gather3A_1410] in [0] : vector<16xf32>, vector<16xi32> -> vector<16xf32>
        %add3A_1412 = arith.addf %add3A_1408, %gather3A_1411 : vector<16xf32>
        %broadcast_in_dim3A_1413 = vector.shape_cast %xor3A_35 : vector<16xi32> to vector<16x1xi32>
        %gather3A_1414 = vector.shape_cast %broadcast_in_dim3A_1413 : vector<16x1xi32> to vector<16xi32>
        %gather3A_1415 = tpu.dynamic_gather %add3A_1412[%gather3A_1414] in [0] : vector<16xf32>, vector<16xi32> -> vector<16xf32>
        %add3A_1416 = arith.addf %add3A_1412, %gather3A_1415 : vector<16xf32>
        %broadcast_in_dim3A_1417 = vector.shape_cast %xor3A_38 : vector<16xi32> to vector<16x1xi32>
        %gather3A_1418 = vector.shape_cast %broadcast_in_dim3A_1417 : vector<16x1xi32> to vector<16xi32>
        %gather3A_1419 = tpu.dynamic_gather %add3A_1416[%gather3A_1418] in [0] : vector<16xf32>, vector<16xi32> -> vector<16xf32>
        %add3A_1420 = arith.addf %add3A_1416, %gather3A_1419 : vector<16xf32>
        %eq3A_1421 = arith.constant 14 : i32
        %eq3A_1422 = vector.broadcast %eq3A_1421 : i32 to vector<16xi32>
        %eq3A_1423 = arith.cmpi eq, %iota3A, %eq3A_1422 : vector<16xi32>
        %select_n3A_1424 = arith.select %eq3A_1423, %add3A_1420, %select_n3A_1340 : vector<16xi1>, vector<16xf32>
        %add3A_1425 = arith.constant 15 : i32
        %add3A_1426 = arith.addi %mul3A_162, %add3A_1425 : i32
        %slice3A_1427 = vector.extract_strided_slice %get3A_165 {offsets = [15], sizes = [1], strides = [1]} : vector<16xf32> to vector<1xf32>
        %squeeze3A_1428 = vector.extract %slice3A_1427[0] : f32 from vector<1xf32>
        %broadcast_in_dim3A_1429 = vector.broadcast %squeeze3A_1428 : f32 to vector<16xf32>
        %get3A_1430 = arith.index_cast %add3A_1426 : i32 to index
        %get3A_1431 = arith.constant 0 : index
        %get3A_1432 = tpu.vector_load %arg12[%get3A_1430, %get3A_1431] {strides = array<i32>} : memref<256x64xf32, #tpu.memory_space<vmem>>, vector<16xf32>,
        %get3A_1433 = arith.index_cast %add3A_1426 : i32 to index
        %get3A_1434 = arith.constant 0 : index
        %get3A_1435 = tpu.vector_load %arg14[%get3A_1433, %get3A_1434] {strides = array<i32>} : memref<256x64xf32, #tpu.memory_space<vmem>>, vector<16xf32>,
        %add3A_1436 = arith.addf %get3A_1432, %get3A_1435 : vector<16xf32>
        %mul3A_1437 = arith.mulf %broadcast_in_dim3A_1429, %get3A_3 : vector<16xf32>
        %add3A_1438 = arith.addf %mul3A_1437, %get3A_11 : vector<16xf32>
        %add3A_1439 = arith.addf %add3A_1436, %add3A_1438 : vector<16xf32>
        %max3A_1440 = arith.constant 0.000000e+00 : f32
        %max3A_1441 = vector.broadcast %max3A_1440 : f32 to vector<16xf32>
        %max3A_1442 = arith.maximumf %add3A_1439, %max3A_1441 : vector<16xf32>
        %mul3A_1443 = arith.mulf %max3A_1442, %get3A_19 : vector<16xf32>
        %get3A_1444 = arith.index_cast %add3A_1426 : i32 to index
        %get3A_1445 = arith.constant 16 : index
        %get3A_1446 = tpu.vector_load %arg12[%get3A_1444, %get3A_1445] {strides = array<i32>} : memref<256x64xf32, #tpu.memory_space<vmem>>, vector<16xf32>,
        %get3A_1447 = arith.index_cast %add3A_1426 : i32 to index
        %get3A_1448 = arith.constant 16 : index
        %get3A_1449 = tpu.vector_load %arg14[%get3A_1447, %get3A_1448] {strides = array<i32>} : memref<256x64xf32, #tpu.memory_space<vmem>>, vector<16xf32>,
        %add3A_1450 = arith.addf %get3A_1446, %get3A_1449 : vector<16xf32>
        %mul3A_1451 = arith.mulf %broadcast_in_dim3A_1429, %get3A_5 : vector<16xf32>
        %add3A_1452 = arith.addf %mul3A_1451, %get3A_13 : vector<16xf32>
        %add3A_1453 = arith.addf %add3A_1450, %add3A_1452 : vector<16xf32>
        %max3A_1454 = arith.constant 0.000000e+00 : f32
        %max3A_1455 = vector.broadcast %max3A_1454 : f32 to vector<16xf32>
        %max3A_1456 = arith.maximumf %add3A_1453, %max3A_1455 : vector<16xf32>
        %mul3A_1457 = arith.mulf %max3A_1456, %get3A_21 : vector<16xf32>
        %add3A_1458 = arith.addf %mul3A_1443, %mul3A_1457 : vector<16xf32>
        %get3A_1459 = arith.index_cast %add3A_1426 : i32 to index
        %get3A_1460 = arith.constant 32 : index
        %get3A_1461 = tpu.vector_load %arg12[%get3A_1459, %get3A_1460] {strides = array<i32>} : memref<256x64xf32, #tpu.memory_space<vmem>>, vector<16xf32>,
        %get3A_1462 = arith.index_cast %add3A_1426 : i32 to index
        %get3A_1463 = arith.constant 32 : index
        %get3A_1464 = tpu.vector_load %arg14[%get3A_1462, %get3A_1463] {strides = array<i32>} : memref<256x64xf32, #tpu.memory_space<vmem>>, vector<16xf32>,
        %add3A_1465 = arith.addf %get3A_1461, %get3A_1464 : vector<16xf32>
        %mul3A_1466 = arith.mulf %broadcast_in_dim3A_1429, %get3A_7 : vector<16xf32>
        %add3A_1467 = arith.addf %mul3A_1466, %get3A_15 : vector<16xf32>
        %add3A_1468 = arith.addf %add3A_1465, %add3A_1467 : vector<16xf32>
        %max3A_1469 = arith.constant 0.000000e+00 : f32
        %max3A_1470 = vector.broadcast %max3A_1469 : f32 to vector<16xf32>
        %max3A_1471 = arith.maximumf %add3A_1468, %max3A_1470 : vector<16xf32>
        %mul3A_1472 = arith.mulf %max3A_1471, %get3A_23 : vector<16xf32>
        %add3A_1473 = arith.addf %add3A_1458, %mul3A_1472 : vector<16xf32>
        %get3A_1474 = arith.index_cast %add3A_1426 : i32 to index
        %get3A_1475 = arith.constant 48 : index
        %get3A_1476 = tpu.vector_load %arg12[%get3A_1474, %get3A_1475] {strides = array<i32>} : memref<256x64xf32, #tpu.memory_space<vmem>>, vector<16xf32>,
        %get3A_1477 = arith.index_cast %add3A_1426 : i32 to index
        %get3A_1478 = arith.constant 48 : index
        %get3A_1479 = tpu.vector_load %arg14[%get3A_1477, %get3A_1478] {strides = array<i32>} : memref<256x64xf32, #tpu.memory_space<vmem>>, vector<16xf32>,
        %add3A_1480 = arith.addf %get3A_1476, %get3A_1479 : vector<16xf32>
        %mul3A_1481 = arith.mulf %broadcast_in_dim3A_1429, %get3A_9 : vector<16xf32>
        %add3A_1482 = arith.addf %mul3A_1481, %get3A_17 : vector<16xf32>
        %add3A_1483 = arith.addf %add3A_1480, %add3A_1482 : vector<16xf32>
        %max3A_1484 = arith.constant 0.000000e+00 : f32
        %max3A_1485 = vector.broadcast %max3A_1484 : f32 to vector<16xf32>
        %max3A_1486 = arith.maximumf %add3A_1483, %max3A_1485 : vector<16xf32>
        %mul3A_1487 = arith.mulf %max3A_1486, %get3A_25 : vector<16xf32>
        %add3A_1488 = arith.addf %add3A_1473, %mul3A_1487 : vector<16xf32>
        %broadcast_in_dim3A_1489 = vector.shape_cast %xor3A_29 : vector<16xi32> to vector<16x1xi32>
        %gather3A_1490 = vector.shape_cast %broadcast_in_dim3A_1489 : vector<16x1xi32> to vector<16xi32>
        %gather3A_1491 = tpu.dynamic_gather %add3A_1488[%gather3A_1490] in [0] : vector<16xf32>, vector<16xi32> -> vector<16xf32>
        %add3A_1492 = arith.addf %add3A_1488, %gather3A_1491 : vector<16xf32>
        %broadcast_in_dim3A_1493 = vector.shape_cast %xor3A_32 : vector<16xi32> to vector<16x1xi32>
        %gather3A_1494 = vector.shape_cast %broadcast_in_dim3A_1493 : vector<16x1xi32> to vector<16xi32>
        %gather3A_1495 = tpu.dynamic_gather %add3A_1492[%gather3A_1494] in [0] : vector<16xf32>, vector<16xi32> -> vector<16xf32>
        %add3A_1496 = arith.addf %add3A_1492, %gather3A_1495 : vector<16xf32>
        %broadcast_in_dim3A_1497 = vector.shape_cast %xor3A_35 : vector<16xi32> to vector<16x1xi32>
        %gather3A_1498 = vector.shape_cast %broadcast_in_dim3A_1497 : vector<16x1xi32> to vector<16xi32>
        %gather3A_1499 = tpu.dynamic_gather %add3A_1496[%gather3A_1498] in [0] : vector<16xf32>, vector<16xi32> -> vector<16xf32>
        %add3A_1500 = arith.addf %add3A_1496, %gather3A_1499 : vector<16xf32>
        %broadcast_in_dim3A_1501 = vector.shape_cast %xor3A_38 : vector<16xi32> to vector<16x1xi32>
        %gather3A_1502 = vector.shape_cast %broadcast_in_dim3A_1501 : vector<16x1xi32> to vector<16xi32>
        %gather3A_1503 = tpu.dynamic_gather %add3A_1500[%gather3A_1502] in [0] : vector<16xf32>, vector<16xi32> -> vector<16xf32>
        %add3A_1504 = arith.addf %add3A_1500, %gather3A_1503 : vector<16xf32>
        %eq3A_1505 = arith.constant 15 : i32
        %eq3A_1506 = vector.broadcast %eq3A_1505 : i32 to vector<16xi32>
        %eq3A_1507 = arith.cmpi eq, %iota3A, %eq3A_1506 : vector<16xi32>
        %select_n3A_1508 = arith.select %eq3A_1507, %add3A_1504, %select_n3A_1424 : vector<16xi1>, vector<16xf32>
        %eq3A_1509 = arith.cmpi eq, %get3A_168, %get3A_171 : vector<16xi32>
        %jit3A = arith.constant -1.000000e+09 : f32
        %broadcast_in_dim3A_1510 = vector.broadcast %jit3A : f32 to vector<16xf32>
        %select_n3A_1511 = arith.select %eq3A_1509, %broadcast_in_dim3A_1510, %select_n3A_1508 : vector<16xi1>, vector<16xf32>
        %swap3A = arith.index_cast %mul3A_162 : i32 to index
        %swap3A_1512 = tpu.vector_load %arg17[%swap3A] {strides = array<i32>} : memref<256xf32, #tpu.memory_space<vmem>>, vector<16xf32>,
        tpu.vector_store %arg17[%swap3A], %select_n3A_1511 {strides = array<i32>} : memref<256xf32, #tpu.memory_space<vmem>>, vector<16xf32>,
        %scan3A_1513 = arith.constant 0 : i32
        scf.yield %scan3A_1513 : i32
      }
      %scan3A_108 = arith.constant 16 : i32
      %add3A_109 = arith.addi %min3A_101, %mul3A_2 : i32
      %dma_start3A_110 = tpu.memref_slice %arg8[%add3A_109] : memref<320000xf32, #tpu.memory_space<hbm>> -> memref<256xf32, #tpu.memory_space<hbm>>
      %dma_start3A_111 = tpu.memref_slice %arg8[%add3A_109] : memref<320000xf32, #tpu.memory_space<hbm>> -> memref<256xf32, #tpu.memory_space<hbm>>
      tpu.enqueue_dma source(%arg17 : memref<256xf32, #tpu.memory_space<vmem>>) target(%dma_start3A_111 : memref<256xf32, #tpu.memory_space<hbm>>) target_semaphore(%arg23 : memref<!tpu.dma_semaphore, #tpu.memory_space<semaphore_mem>>)
      %mul3A_112 = arith.constant 2 : i32
      %mul3A_113 = arith.muli %scan3A_68, %mul3A_112 : i32
      %add3A_114 = arith.constant 1 : i32
      %add3A_115 = arith.addi %mul3A_113, %add3A_114 : i32
      %mul3A_116 = arith.constant 256 : i32
      %mul3A_117 = arith.muli %add3A_115, %mul3A_116 : i32
      %min3A_118 = arith.constant 9744 : i32
      %min3A_119 = arith.minsi %mul3A_117, %min3A_118 : i32
      %dma_wait3A_120 = tpu.memref_slice %arg9[%min3A_119] : memref<10000xi32, #tpu.memory_space<vmem>> -> memref<256xi32, #tpu.memory_space<vmem>>
      %dma_wait3A_121 = arith.constant 0 : i32
      %dma_wait3A_122 = arith.constant 0 : i32
      %dma_wait3A_123 = tpu.memref_slice %arg2[%dma_wait3A_121, %dma_wait3A_122] : memref<10000x64xf32, #tpu.memory_space<hbm>> -> memref<10000x64xf32, #tpu.memory_space<hbm>>
      tpu.wait_indirect_dma semaphore(%arg20 : memref<!tpu.dma_semaphore, #tpu.memory_space<semaphore_mem>>) src(%dma_wait3A_123 : memref<10000x64xf32, #tpu.memory_space<hbm>>) dst(%arg13 : memref<256x64xf32, #tpu.memory_space<vmem>>)
      %mul3A_124 = arith.constant 256 : i32
      %mul3A_125 = arith.muli %add3A_115, %mul3A_124 : i32
      %min3A_126 = arith.constant 9744 : i32
      %min3A_127 = arith.minsi %mul3A_125, %min3A_126 : i32
      %dma_wait3A_128 = tpu.memref_slice %arg10[%min3A_127] : memref<10000xi32, #tpu.memory_space<vmem>> -> memref<256xi32, #tpu.memory_space<vmem>>
      %dma_wait3A_129 = arith.constant 0 : i32
      %dma_wait3A_130 = arith.constant 0 : i32
      %dma_wait3A_131 = tpu.memref_slice %arg3[%dma_wait3A_129, %dma_wait3A_130] : memref<10000x64xf32, #tpu.memory_space<hbm>> -> memref<10000x64xf32, #tpu.memory_space<hbm>>
      tpu.wait_indirect_dma semaphore(%arg22 : memref<!tpu.dma_semaphore, #tpu.memory_space<semaphore_mem>>) src(%dma_wait3A_131 : memref<10000x64xf32, #tpu.memory_space<hbm>>) dst(%arg15 : memref<256x64xf32, #tpu.memory_space<vmem>>)
      %add3A_132 = arith.constant 1 : i32
      %add3A_133 = arith.addi %add3A_115, %add3A_132 : i32
      %lt3A_134 = arith.constant 40 : i32
      %lt3A_135 = arith.cmpi slt, %add3A_133, %lt3A_134 : i32
      %convert_element_type3A_136 = arith.extui %lt3A_135 : i1 to i32
      %cond3A_137 = arith.constant 0 : i32
      %cond3A_138 = arith.cmpi ne, %convert_element_type3A_136, %cond3A_137 : i32
      scf.if %cond3A_138 {
        %add3A_159 = arith.constant 1 : i32
        %add3A_160 = arith.addi %add3A_115, %add3A_159 : i32
        %mul3A_161 = arith.constant 256 : i32
        %mul3A_162 = arith.muli %add3A_160, %mul3A_161 : i32
        %min3A_163 = arith.constant 9744 : i32
        %min3A_164 = arith.minsi %mul3A_162, %min3A_163 : i32
        %dma_start3A_165 = tpu.memref_slice %arg9[%min3A_164] : memref<10000xi32, #tpu.memory_space<vmem>> -> memref<256xi32, #tpu.memory_space<vmem>>
        %dma_start3A_166 = arith.constant 0 : i32
        %dma_start3A_167 = arith.constant 0 : i32
        %dma_start3A_168 = tpu.memref_slice %arg2[%dma_start3A_166, %dma_start3A_167] : memref<10000x64xf32, #tpu.memory_space<hbm>> -> memref<10000x64xf32, #tpu.memory_space<hbm>>
        tpu.enqueue_indirect_dma source(%dma_start3A_168 : memref<10000x64xf32, #tpu.memory_space<hbm>>) target(%arg12 : memref<256x64xf32, #tpu.memory_space<vmem>>) offsets(%dma_start3A_165 : memref<256xi32, #tpu.memory_space<vmem>>) semaphore(%arg19 : memref<!tpu.dma_semaphore, #tpu.memory_space<semaphore_mem>>)
        %add3A_169 = arith.constant 1 : i32
        %add3A_170 = arith.addi %add3A_115, %add3A_169 : i32
        %mul3A_171 = arith.constant 256 : i32
        %mul3A_172 = arith.muli %add3A_170, %mul3A_171 : i32
        %min3A_173 = arith.constant 9744 : i32
        %min3A_174 = arith.minsi %mul3A_172, %min3A_173 : i32
        %dma_start3A_175 = tpu.memref_slice %arg10[%min3A_174] : memref<10000xi32, #tpu.memory_space<vmem>> -> memref<256xi32, #tpu.memory_space<vmem>>
        %dma_start3A_176 = arith.constant 0 : i32
        %dma_start3A_177 = arith.constant 0 : i32
        %dma_start3A_178 = tpu.memref_slice %arg3[%dma_start3A_176, %dma_start3A_177] : memref<10000x64xf32, #tpu.memory_space<hbm>> -> memref<10000x64xf32, #tpu.memory_space<hbm>>
        tpu.enqueue_indirect_dma source(%dma_start3A_178 : memref<10000x64xf32, #tpu.memory_space<hbm>>) target(%arg14 : memref<256x64xf32, #tpu.memory_space<vmem>>) offsets(%dma_start3A_175 : memref<256xi32, #tpu.memory_space<vmem>>) semaphore(%arg21 : memref<!tpu.dma_semaphore, #tpu.memory_space<semaphore_mem>>)
      } else {
      }
      %ge3A_139 = arith.constant 2 : i32
      %ge3A_140 = arith.cmpi sge, %add3A_115, %ge3A_139 : i32
      %convert_element_type3A_141 = arith.extui %ge3A_140 : i1 to i32
      %cond3A_142 = arith.constant 0 : i32
      %cond3A_143 = arith.cmpi ne, %convert_element_type3A_141, %cond3A_142 : i32
      scf.if %cond3A_143 {
        %sub3A = arith.constant 2 : i32
        %sub3A_159 = arith.subi %add3A_115, %sub3A : i32
        %mul3A_160 = arith.constant 256 : i32
        %mul3A_161 = arith.muli %sub3A_159, %mul3A_160 : i32
        %min3A_162 = arith.constant 9744 : i32
        %min3A_163 = arith.minsi %mul3A_161, %min3A_162 : i32
        %add3A_164 = arith.addi %min3A_163, %mul3A_2 : i32
        %dma_wait3A_165 = tpu.memref_slice %arg8[%add3A_164] : memref<320000xf32, #tpu.memory_space<hbm>> -> memref<256xf32, #tpu.memory_space<hbm>>
        %dma_wait3A_166 = tpu.memref_slice %arg8[%add3A_164] : memref<320000xf32, #tpu.memory_space<hbm>> -> memref<256xf32, #tpu.memory_space<hbm>>
        tpu.wait_dma2 semaphore(%arg24 : memref<!tpu.dma_semaphore, #tpu.memory_space<semaphore_mem>>) src(%arg18 : memref<256xf32, #tpu.memory_space<vmem>>) dst(%dma_wait3A_166 : memref<256xf32, #tpu.memory_space<hbm>>)
      } else {
      }
      %mul3A_144 = arith.constant 256 : i32
      %mul3A_145 = arith.muli %add3A_115, %mul3A_144 : i32
      %min3A_146 = arith.constant 9744 : i32
      %min3A_147 = arith.minsi %mul3A_145, %min3A_146 : i32
      %scan3A_148 = arith.constant 0 : i32
      %scan3A_149 = arith.constant 0 : i32
      %scan3A_150 = arith.constant 16 : i32
      %scan3A_151 = arith.addi %scan3A_149, %scan3A_150 : i32
      %scan3A_152 = arith.constant 1 : i32
      %scan3A_153 = scf.for %scan3A_159 = %scan3A_149 to %scan3A_151 step %scan3A_152 iter_args(%scan3A_160 = %scan3A_148) -> (i32)  : i32 {
        %mul3A_161 = arith.constant 16 : i32
        %mul3A_162 = arith.muli %scan3A_159, %mul3A_161 : i32
        %add3A_163 = arith.addi %min3A_147, %mul3A_162 : i32
        %get3A_164 = arith.index_cast %add3A_163 : i32 to index
        %get3A_165 = tpu.vector_load %arg11[%get3A_164] {strides = array<i32>} : memref<10000xf32, #tpu.memory_space<vmem>>, vector<16xf32>,
        %add3A_166 = arith.addi %min3A_147, %mul3A_162 : i32
        %get3A_167 = arith.index_cast %add3A_166 : i32 to index
        %get3A_168 = tpu.vector_load %arg9[%get3A_167] {strides = array<i32>} : memref<10000xi32, #tpu.memory_space<vmem>>, vector<16xi32>,
        %add3A_169 = arith.addi %min3A_147, %mul3A_162 : i32
        %get3A_170 = arith.index_cast %add3A_169 : i32 to index
        %get3A_171 = tpu.vector_load %arg10[%get3A_170] {strides = array<i32>} : memref<10000xi32, #tpu.memory_space<vmem>>, vector<16xi32>,
        %add3A_172 = arith.constant 0 : i32
        %add3A_173 = arith.addi %mul3A_162, %add3A_172 : i32
        %slice3A = vector.extract_strided_slice %get3A_165 {offsets = [0], sizes = [1], strides = [1]} : vector<16xf32> to vector<1xf32>
        %squeeze3A = vector.extract %slice3A[0] : f32 from vector<1xf32>
        %broadcast_in_dim3A = vector.broadcast %squeeze3A : f32 to vector<16xf32>
        %get3A_174 = arith.index_cast %add3A_173 : i32 to index
        %get3A_175 = arith.constant 0 : index
        %get3A_176 = tpu.vector_load %arg13[%get3A_174, %get3A_175] {strides = array<i32>} : memref<256x64xf32, #tpu.memory_space<vmem>>, vector<16xf32>,
        %get3A_177 = arith.index_cast %add3A_173 : i32 to index
        %get3A_178 = arith.constant 0 : index
        %get3A_179 = tpu.vector_load %arg15[%get3A_177, %get3A_178] {strides = array<i32>} : memref<256x64xf32, #tpu.memory_space<vmem>>, vector<16xf32>,
        %add3A_180 = arith.addf %get3A_176, %get3A_179 : vector<16xf32>
        %mul3A_181 = arith.mulf %broadcast_in_dim3A, %get3A_3 : vector<16xf32>
        %add3A_182 = arith.addf %mul3A_181, %get3A_11 : vector<16xf32>
        %add3A_183 = arith.addf %add3A_180, %add3A_182 : vector<16xf32>
        %max3A = arith.constant 0.000000e+00 : f32
        %max3A_184 = vector.broadcast %max3A : f32 to vector<16xf32>
        %max3A_185 = arith.maximumf %add3A_183, %max3A_184 : vector<16xf32>
        %mul3A_186 = arith.mulf %max3A_185, %get3A_19 : vector<16xf32>
        %get3A_187 = arith.index_cast %add3A_173 : i32 to index
        %get3A_188 = arith.constant 16 : index
        %get3A_189 = tpu.vector_load %arg13[%get3A_187, %get3A_188] {strides = array<i32>} : memref<256x64xf32, #tpu.memory_space<vmem>>, vector<16xf32>,
        %get3A_190 = arith.index_cast %add3A_173 : i32 to index
        %get3A_191 = arith.constant 16 : index
        %get3A_192 = tpu.vector_load %arg15[%get3A_190, %get3A_191] {strides = array<i32>} : memref<256x64xf32, #tpu.memory_space<vmem>>, vector<16xf32>,
        %add3A_193 = arith.addf %get3A_189, %get3A_192 : vector<16xf32>
        %mul3A_194 = arith.mulf %broadcast_in_dim3A, %get3A_5 : vector<16xf32>
        %add3A_195 = arith.addf %mul3A_194, %get3A_13 : vector<16xf32>
        %add3A_196 = arith.addf %add3A_193, %add3A_195 : vector<16xf32>
        %max3A_197 = arith.constant 0.000000e+00 : f32
        %max3A_198 = vector.broadcast %max3A_197 : f32 to vector<16xf32>
        %max3A_199 = arith.maximumf %add3A_196, %max3A_198 : vector<16xf32>
        %mul3A_200 = arith.mulf %max3A_199, %get3A_21 : vector<16xf32>
        %add3A_201 = arith.addf %mul3A_186, %mul3A_200 : vector<16xf32>
        %get3A_202 = arith.index_cast %add3A_173 : i32 to index
        %get3A_203 = arith.constant 32 : index
        %get3A_204 = tpu.vector_load %arg13[%get3A_202, %get3A_203] {strides = array<i32>} : memref<256x64xf32, #tpu.memory_space<vmem>>, vector<16xf32>,
        %get3A_205 = arith.index_cast %add3A_173 : i32 to index
        %get3A_206 = arith.constant 32 : index
        %get3A_207 = tpu.vector_load %arg15[%get3A_205, %get3A_206] {strides = array<i32>} : memref<256x64xf32, #tpu.memory_space<vmem>>, vector<16xf32>,
        %add3A_208 = arith.addf %get3A_204, %get3A_207 : vector<16xf32>
        %mul3A_209 = arith.mulf %broadcast_in_dim3A, %get3A_7 : vector<16xf32>
        %add3A_210 = arith.addf %mul3A_209, %get3A_15 : vector<16xf32>
        %add3A_211 = arith.addf %add3A_208, %add3A_210 : vector<16xf32>
        %max3A_212 = arith.constant 0.000000e+00 : f32
        %max3A_213 = vector.broadcast %max3A_212 : f32 to vector<16xf32>
        %max3A_214 = arith.maximumf %add3A_211, %max3A_213 : vector<16xf32>
        %mul3A_215 = arith.mulf %max3A_214, %get3A_23 : vector<16xf32>
        %add3A_216 = arith.addf %add3A_201, %mul3A_215 : vector<16xf32>
        %get3A_217 = arith.index_cast %add3A_173 : i32 to index
        %get3A_218 = arith.constant 48 : index
        %get3A_219 = tpu.vector_load %arg13[%get3A_217, %get3A_218] {strides = array<i32>} : memref<256x64xf32, #tpu.memory_space<vmem>>, vector<16xf32>,
        %get3A_220 = arith.index_cast %add3A_173 : i32 to index
        %get3A_221 = arith.constant 48 : index
        %get3A_222 = tpu.vector_load %arg15[%get3A_220, %get3A_221] {strides = array<i32>} : memref<256x64xf32, #tpu.memory_space<vmem>>, vector<16xf32>,
        %add3A_223 = arith.addf %get3A_219, %get3A_222 : vector<16xf32>
        %mul3A_224 = arith.mulf %broadcast_in_dim3A, %get3A_9 : vector<16xf32>
        %add3A_225 = arith.addf %mul3A_224, %get3A_17 : vector<16xf32>
        %add3A_226 = arith.addf %add3A_223, %add3A_225 : vector<16xf32>
        %max3A_227 = arith.constant 0.000000e+00 : f32
        %max3A_228 = vector.broadcast %max3A_227 : f32 to vector<16xf32>
        %max3A_229 = arith.maximumf %add3A_226, %max3A_228 : vector<16xf32>
        %mul3A_230 = arith.mulf %max3A_229, %get3A_25 : vector<16xf32>
        %add3A_231 = arith.addf %add3A_216, %mul3A_230 : vector<16xf32>
        %broadcast_in_dim3A_232 = vector.shape_cast %xor3A_29 : vector<16xi32> to vector<16x1xi32>
        %gather3A = vector.shape_cast %broadcast_in_dim3A_232 : vector<16x1xi32> to vector<16xi32>
        %gather3A_233 = tpu.dynamic_gather %add3A_231[%gather3A] in [0] : vector<16xf32>, vector<16xi32> -> vector<16xf32>
        %add3A_234 = arith.addf %add3A_231, %gather3A_233 : vector<16xf32>
        %broadcast_in_dim3A_235 = vector.shape_cast %xor3A_32 : vector<16xi32> to vector<16x1xi32>
        %gather3A_236 = vector.shape_cast %broadcast_in_dim3A_235 : vector<16x1xi32> to vector<16xi32>
        %gather3A_237 = tpu.dynamic_gather %add3A_234[%gather3A_236] in [0] : vector<16xf32>, vector<16xi32> -> vector<16xf32>
        %add3A_238 = arith.addf %add3A_234, %gather3A_237 : vector<16xf32>
        %broadcast_in_dim3A_239 = vector.shape_cast %xor3A_35 : vector<16xi32> to vector<16x1xi32>
        %gather3A_240 = vector.shape_cast %broadcast_in_dim3A_239 : vector<16x1xi32> to vector<16xi32>
        %gather3A_241 = tpu.dynamic_gather %add3A_238[%gather3A_240] in [0] : vector<16xf32>, vector<16xi32> -> vector<16xf32>
        %add3A_242 = arith.addf %add3A_238, %gather3A_241 : vector<16xf32>
        %broadcast_in_dim3A_243 = vector.shape_cast %xor3A_38 : vector<16xi32> to vector<16x1xi32>
        %gather3A_244 = vector.shape_cast %broadcast_in_dim3A_243 : vector<16x1xi32> to vector<16xi32>
        %gather3A_245 = tpu.dynamic_gather %add3A_242[%gather3A_244] in [0] : vector<16xf32>, vector<16xi32> -> vector<16xf32>
        %add3A_246 = arith.addf %add3A_242, %gather3A_245 : vector<16xf32>
        %eq3A = arith.constant 0 : i32
        %eq3A_247 = vector.broadcast %eq3A : i32 to vector<16xi32>
        %eq3A_248 = arith.cmpi eq, %iota3A, %eq3A_247 : vector<16xi32>
        %select_n3A = arith.select %eq3A_248, %add3A_246, %get3A_27 : vector<16xi1>, vector<16xf32>
        %add3A_249 = arith.constant 1 : i32
        %add3A_250 = arith.addi %mul3A_162, %add3A_249 : i32
        %slice3A_251 = vector.extract_strided_slice %get3A_165 {offsets = [1], sizes = [1], strides = [1]} : vector<16xf32> to vector<1xf32>
        %squeeze3A_252 = vector.extract %slice3A_251[0] : f32 from vector<1xf32>
        %broadcast_in_dim3A_253 = vector.broadcast %squeeze3A_252 : f32 to vector<16xf32>
        %get3A_254 = arith.index_cast %add3A_250 : i32 to index
        %get3A_255 = arith.constant 0 : index
        %get3A_256 = tpu.vector_load %arg13[%get3A_254, %get3A_255] {strides = array<i32>} : memref<256x64xf32, #tpu.memory_space<vmem>>, vector<16xf32>,
        %get3A_257 = arith.index_cast %add3A_250 : i32 to index
        %get3A_258 = arith.constant 0 : index
        %get3A_259 = tpu.vector_load %arg15[%get3A_257, %get3A_258] {strides = array<i32>} : memref<256x64xf32, #tpu.memory_space<vmem>>, vector<16xf32>,
        %add3A_260 = arith.addf %get3A_256, %get3A_259 : vector<16xf32>
        %mul3A_261 = arith.mulf %broadcast_in_dim3A_253, %get3A_3 : vector<16xf32>
        %add3A_262 = arith.addf %mul3A_261, %get3A_11 : vector<16xf32>
        %add3A_263 = arith.addf %add3A_260, %add3A_262 : vector<16xf32>
        %max3A_264 = arith.constant 0.000000e+00 : f32
        %max3A_265 = vector.broadcast %max3A_264 : f32 to vector<16xf32>
        %max3A_266 = arith.maximumf %add3A_263, %max3A_265 : vector<16xf32>
        %mul3A_267 = arith.mulf %max3A_266, %get3A_19 : vector<16xf32>
        %get3A_268 = arith.index_cast %add3A_250 : i32 to index
        %get3A_269 = arith.constant 16 : index
        %get3A_270 = tpu.vector_load %arg13[%get3A_268, %get3A_269] {strides = array<i32>} : memref<256x64xf32, #tpu.memory_space<vmem>>, vector<16xf32>,
        %get3A_271 = arith.index_cast %add3A_250 : i32 to index
        %get3A_272 = arith.constant 16 : index
        %get3A_273 = tpu.vector_load %arg15[%get3A_271, %get3A_272] {strides = array<i32>} : memref<256x64xf32, #tpu.memory_space<vmem>>, vector<16xf32>,
        %add3A_274 = arith.addf %get3A_270, %get3A_273 : vector<16xf32>
        %mul3A_275 = arith.mulf %broadcast_in_dim3A_253, %get3A_5 : vector<16xf32>
        %add3A_276 = arith.addf %mul3A_275, %get3A_13 : vector<16xf32>
        %add3A_277 = arith.addf %add3A_274, %add3A_276 : vector<16xf32>
        %max3A_278 = arith.constant 0.000000e+00 : f32
        %max3A_279 = vector.broadcast %max3A_278 : f32 to vector<16xf32>
        %max3A_280 = arith.maximumf %add3A_277, %max3A_279 : vector<16xf32>
        %mul3A_281 = arith.mulf %max3A_280, %get3A_21 : vector<16xf32>
        %add3A_282 = arith.addf %mul3A_267, %mul3A_281 : vector<16xf32>
        %get3A_283 = arith.index_cast %add3A_250 : i32 to index
        %get3A_284 = arith.constant 32 : index
        %get3A_285 = tpu.vector_load %arg13[%get3A_283, %get3A_284] {strides = array<i32>} : memref<256x64xf32, #tpu.memory_space<vmem>>, vector<16xf32>,
        %get3A_286 = arith.index_cast %add3A_250 : i32 to index
        %get3A_287 = arith.constant 32 : index
        %get3A_288 = tpu.vector_load %arg15[%get3A_286, %get3A_287] {strides = array<i32>} : memref<256x64xf32, #tpu.memory_space<vmem>>, vector<16xf32>,
        %add3A_289 = arith.addf %get3A_285, %get3A_288 : vector<16xf32>
        %mul3A_290 = arith.mulf %broadcast_in_dim3A_253, %get3A_7 : vector<16xf32>
        %add3A_291 = arith.addf %mul3A_290, %get3A_15 : vector<16xf32>
        %add3A_292 = arith.addf %add3A_289, %add3A_291 : vector<16xf32>
        %max3A_293 = arith.constant 0.000000e+00 : f32
        %max3A_294 = vector.broadcast %max3A_293 : f32 to vector<16xf32>
        %max3A_295 = arith.maximumf %add3A_292, %max3A_294 : vector<16xf32>
        %mul3A_296 = arith.mulf %max3A_295, %get3A_23 : vector<16xf32>
        %add3A_297 = arith.addf %add3A_282, %mul3A_296 : vector<16xf32>
        %get3A_298 = arith.index_cast %add3A_250 : i32 to index
        %get3A_299 = arith.constant 48 : index
        %get3A_300 = tpu.vector_load %arg13[%get3A_298, %get3A_299] {strides = array<i32>} : memref<256x64xf32, #tpu.memory_space<vmem>>, vector<16xf32>,
        %get3A_301 = arith.index_cast %add3A_250 : i32 to index
        %get3A_302 = arith.constant 48 : index
        %get3A_303 = tpu.vector_load %arg15[%get3A_301, %get3A_302] {strides = array<i32>} : memref<256x64xf32, #tpu.memory_space<vmem>>, vector<16xf32>,
        %add3A_304 = arith.addf %get3A_300, %get3A_303 : vector<16xf32>
        %mul3A_305 = arith.mulf %broadcast_in_dim3A_253, %get3A_9 : vector<16xf32>
        %add3A_306 = arith.addf %mul3A_305, %get3A_17 : vector<16xf32>
        %add3A_307 = arith.addf %add3A_304, %add3A_306 : vector<16xf32>
        %max3A_308 = arith.constant 0.000000e+00 : f32
        %max3A_309 = vector.broadcast %max3A_308 : f32 to vector<16xf32>
        %max3A_310 = arith.maximumf %add3A_307, %max3A_309 : vector<16xf32>
        %mul3A_311 = arith.mulf %max3A_310, %get3A_25 : vector<16xf32>
        %add3A_312 = arith.addf %add3A_297, %mul3A_311 : vector<16xf32>
        %broadcast_in_dim3A_313 = vector.shape_cast %xor3A_29 : vector<16xi32> to vector<16x1xi32>
        %gather3A_314 = vector.shape_cast %broadcast_in_dim3A_313 : vector<16x1xi32> to vector<16xi32>
        %gather3A_315 = tpu.dynamic_gather %add3A_312[%gather3A_314] in [0] : vector<16xf32>, vector<16xi32> -> vector<16xf32>
        %add3A_316 = arith.addf %add3A_312, %gather3A_315 : vector<16xf32>
        %broadcast_in_dim3A_317 = vector.shape_cast %xor3A_32 : vector<16xi32> to vector<16x1xi32>
        %gather3A_318 = vector.shape_cast %broadcast_in_dim3A_317 : vector<16x1xi32> to vector<16xi32>
        %gather3A_319 = tpu.dynamic_gather %add3A_316[%gather3A_318] in [0] : vector<16xf32>, vector<16xi32> -> vector<16xf32>
        %add3A_320 = arith.addf %add3A_316, %gather3A_319 : vector<16xf32>
        %broadcast_in_dim3A_321 = vector.shape_cast %xor3A_35 : vector<16xi32> to vector<16x1xi32>
        %gather3A_322 = vector.shape_cast %broadcast_in_dim3A_321 : vector<16x1xi32> to vector<16xi32>
        %gather3A_323 = tpu.dynamic_gather %add3A_320[%gather3A_322] in [0] : vector<16xf32>, vector<16xi32> -> vector<16xf32>
        %add3A_324 = arith.addf %add3A_320, %gather3A_323 : vector<16xf32>
        %broadcast_in_dim3A_325 = vector.shape_cast %xor3A_38 : vector<16xi32> to vector<16x1xi32>
        %gather3A_326 = vector.shape_cast %broadcast_in_dim3A_325 : vector<16x1xi32> to vector<16xi32>
        %gather3A_327 = tpu.dynamic_gather %add3A_324[%gather3A_326] in [0] : vector<16xf32>, vector<16xi32> -> vector<16xf32>
        %add3A_328 = arith.addf %add3A_324, %gather3A_327 : vector<16xf32>
        %eq3A_329 = arith.constant 1 : i32
        %eq3A_330 = vector.broadcast %eq3A_329 : i32 to vector<16xi32>
        %eq3A_331 = arith.cmpi eq, %iota3A, %eq3A_330 : vector<16xi32>
        %select_n3A_332 = arith.select %eq3A_331, %add3A_328, %select_n3A : vector<16xi1>, vector<16xf32>
        %add3A_333 = arith.constant 2 : i32
        %add3A_334 = arith.addi %mul3A_162, %add3A_333 : i32
        %slice3A_335 = vector.extract_strided_slice %get3A_165 {offsets = [2], sizes = [1], strides = [1]} : vector<16xf32> to vector<1xf32>
        %squeeze3A_336 = vector.extract %slice3A_335[0] : f32 from vector<1xf32>
        %broadcast_in_dim3A_337 = vector.broadcast %squeeze3A_336 : f32 to vector<16xf32>
        %get3A_338 = arith.index_cast %add3A_334 : i32 to index
        %get3A_339 = arith.constant 0 : index
        %get3A_340 = tpu.vector_load %arg13[%get3A_338, %get3A_339] {strides = array<i32>} : memref<256x64xf32, #tpu.memory_space<vmem>>, vector<16xf32>,
        %get3A_341 = arith.index_cast %add3A_334 : i32 to index
        %get3A_342 = arith.constant 0 : index
        %get3A_343 = tpu.vector_load %arg15[%get3A_341, %get3A_342] {strides = array<i32>} : memref<256x64xf32, #tpu.memory_space<vmem>>, vector<16xf32>,
        %add3A_344 = arith.addf %get3A_340, %get3A_343 : vector<16xf32>
        %mul3A_345 = arith.mulf %broadcast_in_dim3A_337, %get3A_3 : vector<16xf32>
        %add3A_346 = arith.addf %mul3A_345, %get3A_11 : vector<16xf32>
        %add3A_347 = arith.addf %add3A_344, %add3A_346 : vector<16xf32>
        %max3A_348 = arith.constant 0.000000e+00 : f32
        %max3A_349 = vector.broadcast %max3A_348 : f32 to vector<16xf32>
        %max3A_350 = arith.maximumf %add3A_347, %max3A_349 : vector<16xf32>
        %mul3A_351 = arith.mulf %max3A_350, %get3A_19 : vector<16xf32>
        %get3A_352 = arith.index_cast %add3A_334 : i32 to index
        %get3A_353 = arith.constant 16 : index
        %get3A_354 = tpu.vector_load %arg13[%get3A_352, %get3A_353] {strides = array<i32>} : memref<256x64xf32, #tpu.memory_space<vmem>>, vector<16xf32>,
        %get3A_355 = arith.index_cast %add3A_334 : i32 to index
        %get3A_356 = arith.constant 16 : index
        %get3A_357 = tpu.vector_load %arg15[%get3A_355, %get3A_356] {strides = array<i32>} : memref<256x64xf32, #tpu.memory_space<vmem>>, vector<16xf32>,
        %add3A_358 = arith.addf %get3A_354, %get3A_357 : vector<16xf32>
        %mul3A_359 = arith.mulf %broadcast_in_dim3A_337, %get3A_5 : vector<16xf32>
        %add3A_360 = arith.addf %mul3A_359, %get3A_13 : vector<16xf32>
        %add3A_361 = arith.addf %add3A_358, %add3A_360 : vector<16xf32>
        %max3A_362 = arith.constant 0.000000e+00 : f32
        %max3A_363 = vector.broadcast %max3A_362 : f32 to vector<16xf32>
        %max3A_364 = arith.maximumf %add3A_361, %max3A_363 : vector<16xf32>
        %mul3A_365 = arith.mulf %max3A_364, %get3A_21 : vector<16xf32>
        %add3A_366 = arith.addf %mul3A_351, %mul3A_365 : vector<16xf32>
        %get3A_367 = arith.index_cast %add3A_334 : i32 to index
        %get3A_368 = arith.constant 32 : index
        %get3A_369 = tpu.vector_load %arg13[%get3A_367, %get3A_368] {strides = array<i32>} : memref<256x64xf32, #tpu.memory_space<vmem>>, vector<16xf32>,
        %get3A_370 = arith.index_cast %add3A_334 : i32 to index
        %get3A_371 = arith.constant 32 : index
        %get3A_372 = tpu.vector_load %arg15[%get3A_370, %get3A_371] {strides = array<i32>} : memref<256x64xf32, #tpu.memory_space<vmem>>, vector<16xf32>,
        %add3A_373 = arith.addf %get3A_369, %get3A_372 : vector<16xf32>
        %mul3A_374 = arith.mulf %broadcast_in_dim3A_337, %get3A_7 : vector<16xf32>
        %add3A_375 = arith.addf %mul3A_374, %get3A_15 : vector<16xf32>
        %add3A_376 = arith.addf %add3A_373, %add3A_375 : vector<16xf32>
        %max3A_377 = arith.constant 0.000000e+00 : f32
        %max3A_378 = vector.broadcast %max3A_377 : f32 to vector<16xf32>
        %max3A_379 = arith.maximumf %add3A_376, %max3A_378 : vector<16xf32>
        %mul3A_380 = arith.mulf %max3A_379, %get3A_23 : vector<16xf32>
        %add3A_381 = arith.addf %add3A_366, %mul3A_380 : vector<16xf32>
        %get3A_382 = arith.index_cast %add3A_334 : i32 to index
        %get3A_383 = arith.constant 48 : index
        %get3A_384 = tpu.vector_load %arg13[%get3A_382, %get3A_383] {strides = array<i32>} : memref<256x64xf32, #tpu.memory_space<vmem>>, vector<16xf32>,
        %get3A_385 = arith.index_cast %add3A_334 : i32 to index
        %get3A_386 = arith.constant 48 : index
        %get3A_387 = tpu.vector_load %arg15[%get3A_385, %get3A_386] {strides = array<i32>} : memref<256x64xf32, #tpu.memory_space<vmem>>, vector<16xf32>,
        %add3A_388 = arith.addf %get3A_384, %get3A_387 : vector<16xf32>
        %mul3A_389 = arith.mulf %broadcast_in_dim3A_337, %get3A_9 : vector<16xf32>
        %add3A_390 = arith.addf %mul3A_389, %get3A_17 : vector<16xf32>
        %add3A_391 = arith.addf %add3A_388, %add3A_390 : vector<16xf32>
        %max3A_392 = arith.constant 0.000000e+00 : f32
        %max3A_393 = vector.broadcast %max3A_392 : f32 to vector<16xf32>
        %max3A_394 = arith.maximumf %add3A_391, %max3A_393 : vector<16xf32>
        %mul3A_395 = arith.mulf %max3A_394, %get3A_25 : vector<16xf32>
        %add3A_396 = arith.addf %add3A_381, %mul3A_395 : vector<16xf32>
        %broadcast_in_dim3A_397 = vector.shape_cast %xor3A_29 : vector<16xi32> to vector<16x1xi32>
        %gather3A_398 = vector.shape_cast %broadcast_in_dim3A_397 : vector<16x1xi32> to vector<16xi32>
        %gather3A_399 = tpu.dynamic_gather %add3A_396[%gather3A_398] in [0] : vector<16xf32>, vector<16xi32> -> vector<16xf32>
        %add3A_400 = arith.addf %add3A_396, %gather3A_399 : vector<16xf32>
        %broadcast_in_dim3A_401 = vector.shape_cast %xor3A_32 : vector<16xi32> to vector<16x1xi32>
        %gather3A_402 = vector.shape_cast %broadcast_in_dim3A_401 : vector<16x1xi32> to vector<16xi32>
        %gather3A_403 = tpu.dynamic_gather %add3A_400[%gather3A_402] in [0] : vector<16xf32>, vector<16xi32> -> vector<16xf32>
        %add3A_404 = arith.addf %add3A_400, %gather3A_403 : vector<16xf32>
        %broadcast_in_dim3A_405 = vector.shape_cast %xor3A_35 : vector<16xi32> to vector<16x1xi32>
        %gather3A_406 = vector.shape_cast %broadcast_in_dim3A_405 : vector<16x1xi32> to vector<16xi32>
        %gather3A_407 = tpu.dynamic_gather %add3A_404[%gather3A_406] in [0] : vector<16xf32>, vector<16xi32> -> vector<16xf32>
        %add3A_408 = arith.addf %add3A_404, %gather3A_407 : vector<16xf32>
        %broadcast_in_dim3A_409 = vector.shape_cast %xor3A_38 : vector<16xi32> to vector<16x1xi32>
        %gather3A_410 = vector.shape_cast %broadcast_in_dim3A_409 : vector<16x1xi32> to vector<16xi32>
        %gather3A_411 = tpu.dynamic_gather %add3A_408[%gather3A_410] in [0] : vector<16xf32>, vector<16xi32> -> vector<16xf32>
        %add3A_412 = arith.addf %add3A_408, %gather3A_411 : vector<16xf32>
        %eq3A_413 = arith.constant 2 : i32
        %eq3A_414 = vector.broadcast %eq3A_413 : i32 to vector<16xi32>
        %eq3A_415 = arith.cmpi eq, %iota3A, %eq3A_414 : vector<16xi32>
        %select_n3A_416 = arith.select %eq3A_415, %add3A_412, %select_n3A_332 : vector<16xi1>, vector<16xf32>
        %add3A_417 = arith.constant 3 : i32
        %add3A_418 = arith.addi %mul3A_162, %add3A_417 : i32
        %slice3A_419 = vector.extract_strided_slice %get3A_165 {offsets = [3], sizes = [1], strides = [1]} : vector<16xf32> to vector<1xf32>
        %squeeze3A_420 = vector.extract %slice3A_419[0] : f32 from vector<1xf32>
        %broadcast_in_dim3A_421 = vector.broadcast %squeeze3A_420 : f32 to vector<16xf32>
        %get3A_422 = arith.index_cast %add3A_418 : i32 to index
        %get3A_423 = arith.constant 0 : index
        %get3A_424 = tpu.vector_load %arg13[%get3A_422, %get3A_423] {strides = array<i32>} : memref<256x64xf32, #tpu.memory_space<vmem>>, vector<16xf32>,
        %get3A_425 = arith.index_cast %add3A_418 : i32 to index
        %get3A_426 = arith.constant 0 : index
        %get3A_427 = tpu.vector_load %arg15[%get3A_425, %get3A_426] {strides = array<i32>} : memref<256x64xf32, #tpu.memory_space<vmem>>, vector<16xf32>,
        %add3A_428 = arith.addf %get3A_424, %get3A_427 : vector<16xf32>
        %mul3A_429 = arith.mulf %broadcast_in_dim3A_421, %get3A_3 : vector<16xf32>
        %add3A_430 = arith.addf %mul3A_429, %get3A_11 : vector<16xf32>
        %add3A_431 = arith.addf %add3A_428, %add3A_430 : vector<16xf32>
        %max3A_432 = arith.constant 0.000000e+00 : f32
        %max3A_433 = vector.broadcast %max3A_432 : f32 to vector<16xf32>
        %max3A_434 = arith.maximumf %add3A_431, %max3A_433 : vector<16xf32>
        %mul3A_435 = arith.mulf %max3A_434, %get3A_19 : vector<16xf32>
        %get3A_436 = arith.index_cast %add3A_418 : i32 to index
        %get3A_437 = arith.constant 16 : index
        %get3A_438 = tpu.vector_load %arg13[%get3A_436, %get3A_437] {strides = array<i32>} : memref<256x64xf32, #tpu.memory_space<vmem>>, vector<16xf32>,
        %get3A_439 = arith.index_cast %add3A_418 : i32 to index
        %get3A_440 = arith.constant 16 : index
        %get3A_441 = tpu.vector_load %arg15[%get3A_439, %get3A_440] {strides = array<i32>} : memref<256x64xf32, #tpu.memory_space<vmem>>, vector<16xf32>,
        %add3A_442 = arith.addf %get3A_438, %get3A_441 : vector<16xf32>
        %mul3A_443 = arith.mulf %broadcast_in_dim3A_421, %get3A_5 : vector<16xf32>
        %add3A_444 = arith.addf %mul3A_443, %get3A_13 : vector<16xf32>
        %add3A_445 = arith.addf %add3A_442, %add3A_444 : vector<16xf32>
        %max3A_446 = arith.constant 0.000000e+00 : f32
        %max3A_447 = vector.broadcast %max3A_446 : f32 to vector<16xf32>
        %max3A_448 = arith.maximumf %add3A_445, %max3A_447 : vector<16xf32>
        %mul3A_449 = arith.mulf %max3A_448, %get3A_21 : vector<16xf32>
        %add3A_450 = arith.addf %mul3A_435, %mul3A_449 : vector<16xf32>
        %get3A_451 = arith.index_cast %add3A_418 : i32 to index
        %get3A_452 = arith.constant 32 : index
        %get3A_453 = tpu.vector_load %arg13[%get3A_451, %get3A_452] {strides = array<i32>} : memref<256x64xf32, #tpu.memory_space<vmem>>, vector<16xf32>,
        %get3A_454 = arith.index_cast %add3A_418 : i32 to index
        %get3A_455 = arith.constant 32 : index
        %get3A_456 = tpu.vector_load %arg15[%get3A_454, %get3A_455] {strides = array<i32>} : memref<256x64xf32, #tpu.memory_space<vmem>>, vector<16xf32>,
        %add3A_457 = arith.addf %get3A_453, %get3A_456 : vector<16xf32>
        %mul3A_458 = arith.mulf %broadcast_in_dim3A_421, %get3A_7 : vector<16xf32>
        %add3A_459 = arith.addf %mul3A_458, %get3A_15 : vector<16xf32>
        %add3A_460 = arith.addf %add3A_457, %add3A_459 : vector<16xf32>
        %max3A_461 = arith.constant 0.000000e+00 : f32
        %max3A_462 = vector.broadcast %max3A_461 : f32 to vector<16xf32>
        %max3A_463 = arith.maximumf %add3A_460, %max3A_462 : vector<16xf32>
        %mul3A_464 = arith.mulf %max3A_463, %get3A_23 : vector<16xf32>
        %add3A_465 = arith.addf %add3A_450, %mul3A_464 : vector<16xf32>
        %get3A_466 = arith.index_cast %add3A_418 : i32 to index
        %get3A_467 = arith.constant 48 : index
        %get3A_468 = tpu.vector_load %arg13[%get3A_466, %get3A_467] {strides = array<i32>} : memref<256x64xf32, #tpu.memory_space<vmem>>, vector<16xf32>,
        %get3A_469 = arith.index_cast %add3A_418 : i32 to index
        %get3A_470 = arith.constant 48 : index
        %get3A_471 = tpu.vector_load %arg15[%get3A_469, %get3A_470] {strides = array<i32>} : memref<256x64xf32, #tpu.memory_space<vmem>>, vector<16xf32>,
        %add3A_472 = arith.addf %get3A_468, %get3A_471 : vector<16xf32>
        %mul3A_473 = arith.mulf %broadcast_in_dim3A_421, %get3A_9 : vector<16xf32>
        %add3A_474 = arith.addf %mul3A_473, %get3A_17 : vector<16xf32>
        %add3A_475 = arith.addf %add3A_472, %add3A_474 : vector<16xf32>
        %max3A_476 = arith.constant 0.000000e+00 : f32
        %max3A_477 = vector.broadcast %max3A_476 : f32 to vector<16xf32>
        %max3A_478 = arith.maximumf %add3A_475, %max3A_477 : vector<16xf32>
        %mul3A_479 = arith.mulf %max3A_478, %get3A_25 : vector<16xf32>
        %add3A_480 = arith.addf %add3A_465, %mul3A_479 : vector<16xf32>
        %broadcast_in_dim3A_481 = vector.shape_cast %xor3A_29 : vector<16xi32> to vector<16x1xi32>
        %gather3A_482 = vector.shape_cast %broadcast_in_dim3A_481 : vector<16x1xi32> to vector<16xi32>
        %gather3A_483 = tpu.dynamic_gather %add3A_480[%gather3A_482] in [0] : vector<16xf32>, vector<16xi32> -> vector<16xf32>
        %add3A_484 = arith.addf %add3A_480, %gather3A_483 : vector<16xf32>
        %broadcast_in_dim3A_485 = vector.shape_cast %xor3A_32 : vector<16xi32> to vector<16x1xi32>
        %gather3A_486 = vector.shape_cast %broadcast_in_dim3A_485 : vector<16x1xi32> to vector<16xi32>
        %gather3A_487 = tpu.dynamic_gather %add3A_484[%gather3A_486] in [0] : vector<16xf32>, vector<16xi32> -> vector<16xf32>
        %add3A_488 = arith.addf %add3A_484, %gather3A_487 : vector<16xf32>
        %broadcast_in_dim3A_489 = vector.shape_cast %xor3A_35 : vector<16xi32> to vector<16x1xi32>
        %gather3A_490 = vector.shape_cast %broadcast_in_dim3A_489 : vector<16x1xi32> to vector<16xi32>
        %gather3A_491 = tpu.dynamic_gather %add3A_488[%gather3A_490] in [0] : vector<16xf32>, vector<16xi32> -> vector<16xf32>
        %add3A_492 = arith.addf %add3A_488, %gather3A_491 : vector<16xf32>
        %broadcast_in_dim3A_493 = vector.shape_cast %xor3A_38 : vector<16xi32> to vector<16x1xi32>
        %gather3A_494 = vector.shape_cast %broadcast_in_dim3A_493 : vector<16x1xi32> to vector<16xi32>
        %gather3A_495 = tpu.dynamic_gather %add3A_492[%gather3A_494] in [0] : vector<16xf32>, vector<16xi32> -> vector<16xf32>
        %add3A_496 = arith.addf %add3A_492, %gather3A_495 : vector<16xf32>
        %eq3A_497 = arith.constant 3 : i32
        %eq3A_498 = vector.broadcast %eq3A_497 : i32 to vector<16xi32>
        %eq3A_499 = arith.cmpi eq, %iota3A, %eq3A_498 : vector<16xi32>
        %select_n3A_500 = arith.select %eq3A_499, %add3A_496, %select_n3A_416 : vector<16xi1>, vector<16xf32>
        %add3A_501 = arith.constant 4 : i32
        %add3A_502 = arith.addi %mul3A_162, %add3A_501 : i32
        %slice3A_503 = vector.extract_strided_slice %get3A_165 {offsets = [4], sizes = [1], strides = [1]} : vector<16xf32> to vector<1xf32>
        %squeeze3A_504 = vector.extract %slice3A_503[0] : f32 from vector<1xf32>
        %broadcast_in_dim3A_505 = vector.broadcast %squeeze3A_504 : f32 to vector<16xf32>
        %get3A_506 = arith.index_cast %add3A_502 : i32 to index
        %get3A_507 = arith.constant 0 : index
        %get3A_508 = tpu.vector_load %arg13[%get3A_506, %get3A_507] {strides = array<i32>} : memref<256x64xf32, #tpu.memory_space<vmem>>, vector<16xf32>,
        %get3A_509 = arith.index_cast %add3A_502 : i32 to index
        %get3A_510 = arith.constant 0 : index
        %get3A_511 = tpu.vector_load %arg15[%get3A_509, %get3A_510] {strides = array<i32>} : memref<256x64xf32, #tpu.memory_space<vmem>>, vector<16xf32>,
        %add3A_512 = arith.addf %get3A_508, %get3A_511 : vector<16xf32>
        %mul3A_513 = arith.mulf %broadcast_in_dim3A_505, %get3A_3 : vector<16xf32>
        %add3A_514 = arith.addf %mul3A_513, %get3A_11 : vector<16xf32>
        %add3A_515 = arith.addf %add3A_512, %add3A_514 : vector<16xf32>
        %max3A_516 = arith.constant 0.000000e+00 : f32
        %max3A_517 = vector.broadcast %max3A_516 : f32 to vector<16xf32>
        %max3A_518 = arith.maximumf %add3A_515, %max3A_517 : vector<16xf32>
        %mul3A_519 = arith.mulf %max3A_518, %get3A_19 : vector<16xf32>
        %get3A_520 = arith.index_cast %add3A_502 : i32 to index
        %get3A_521 = arith.constant 16 : index
        %get3A_522 = tpu.vector_load %arg13[%get3A_520, %get3A_521] {strides = array<i32>} : memref<256x64xf32, #tpu.memory_space<vmem>>, vector<16xf32>,
        %get3A_523 = arith.index_cast %add3A_502 : i32 to index
        %get3A_524 = arith.constant 16 : index
        %get3A_525 = tpu.vector_load %arg15[%get3A_523, %get3A_524] {strides = array<i32>} : memref<256x64xf32, #tpu.memory_space<vmem>>, vector<16xf32>,
        %add3A_526 = arith.addf %get3A_522, %get3A_525 : vector<16xf32>
        %mul3A_527 = arith.mulf %broadcast_in_dim3A_505, %get3A_5 : vector<16xf32>
        %add3A_528 = arith.addf %mul3A_527, %get3A_13 : vector<16xf32>
        %add3A_529 = arith.addf %add3A_526, %add3A_528 : vector<16xf32>
        %max3A_530 = arith.constant 0.000000e+00 : f32
        %max3A_531 = vector.broadcast %max3A_530 : f32 to vector<16xf32>
        %max3A_532 = arith.maximumf %add3A_529, %max3A_531 : vector<16xf32>
        %mul3A_533 = arith.mulf %max3A_532, %get3A_21 : vector<16xf32>
        %add3A_534 = arith.addf %mul3A_519, %mul3A_533 : vector<16xf32>
        %get3A_535 = arith.index_cast %add3A_502 : i32 to index
        %get3A_536 = arith.constant 32 : index
        %get3A_537 = tpu.vector_load %arg13[%get3A_535, %get3A_536] {strides = array<i32>} : memref<256x64xf32, #tpu.memory_space<vmem>>, vector<16xf32>,
        %get3A_538 = arith.index_cast %add3A_502 : i32 to index
        %get3A_539 = arith.constant 32 : index
        %get3A_540 = tpu.vector_load %arg15[%get3A_538, %get3A_539] {strides = array<i32>} : memref<256x64xf32, #tpu.memory_space<vmem>>, vector<16xf32>,
        %add3A_541 = arith.addf %get3A_537, %get3A_540 : vector<16xf32>
        %mul3A_542 = arith.mulf %broadcast_in_dim3A_505, %get3A_7 : vector<16xf32>
        %add3A_543 = arith.addf %mul3A_542, %get3A_15 : vector<16xf32>
        %add3A_544 = arith.addf %add3A_541, %add3A_543 : vector<16xf32>
        %max3A_545 = arith.constant 0.000000e+00 : f32
        %max3A_546 = vector.broadcast %max3A_545 : f32 to vector<16xf32>
        %max3A_547 = arith.maximumf %add3A_544, %max3A_546 : vector<16xf32>
        %mul3A_548 = arith.mulf %max3A_547, %get3A_23 : vector<16xf32>
        %add3A_549 = arith.addf %add3A_534, %mul3A_548 : vector<16xf32>
        %get3A_550 = arith.index_cast %add3A_502 : i32 to index
        %get3A_551 = arith.constant 48 : index
        %get3A_552 = tpu.vector_load %arg13[%get3A_550, %get3A_551] {strides = array<i32>} : memref<256x64xf32, #tpu.memory_space<vmem>>, vector<16xf32>,
        %get3A_553 = arith.index_cast %add3A_502 : i32 to index
        %get3A_554 = arith.constant 48 : index
        %get3A_555 = tpu.vector_load %arg15[%get3A_553, %get3A_554] {strides = array<i32>} : memref<256x64xf32, #tpu.memory_space<vmem>>, vector<16xf32>,
        %add3A_556 = arith.addf %get3A_552, %get3A_555 : vector<16xf32>
        %mul3A_557 = arith.mulf %broadcast_in_dim3A_505, %get3A_9 : vector<16xf32>
        %add3A_558 = arith.addf %mul3A_557, %get3A_17 : vector<16xf32>
        %add3A_559 = arith.addf %add3A_556, %add3A_558 : vector<16xf32>
        %max3A_560 = arith.constant 0.000000e+00 : f32
        %max3A_561 = vector.broadcast %max3A_560 : f32 to vector<16xf32>
        %max3A_562 = arith.maximumf %add3A_559, %max3A_561 : vector<16xf32>
        %mul3A_563 = arith.mulf %max3A_562, %get3A_25 : vector<16xf32>
        %add3A_564 = arith.addf %add3A_549, %mul3A_563 : vector<16xf32>
        %broadcast_in_dim3A_565 = vector.shape_cast %xor3A_29 : vector<16xi32> to vector<16x1xi32>
        %gather3A_566 = vector.shape_cast %broadcast_in_dim3A_565 : vector<16x1xi32> to vector<16xi32>
        %gather3A_567 = tpu.dynamic_gather %add3A_564[%gather3A_566] in [0] : vector<16xf32>, vector<16xi32> -> vector<16xf32>
        %add3A_568 = arith.addf %add3A_564, %gather3A_567 : vector<16xf32>
        %broadcast_in_dim3A_569 = vector.shape_cast %xor3A_32 : vector<16xi32> to vector<16x1xi32>
        %gather3A_570 = vector.shape_cast %broadcast_in_dim3A_569 : vector<16x1xi32> to vector<16xi32>
        %gather3A_571 = tpu.dynamic_gather %add3A_568[%gather3A_570] in [0] : vector<16xf32>, vector<16xi32> -> vector<16xf32>
        %add3A_572 = arith.addf %add3A_568, %gather3A_571 : vector<16xf32>
        %broadcast_in_dim3A_573 = vector.shape_cast %xor3A_35 : vector<16xi32> to vector<16x1xi32>
        %gather3A_574 = vector.shape_cast %broadcast_in_dim3A_573 : vector<16x1xi32> to vector<16xi32>
        %gather3A_575 = tpu.dynamic_gather %add3A_572[%gather3A_574] in [0] : vector<16xf32>, vector<16xi32> -> vector<16xf32>
        %add3A_576 = arith.addf %add3A_572, %gather3A_575 : vector<16xf32>
        %broadcast_in_dim3A_577 = vector.shape_cast %xor3A_38 : vector<16xi32> to vector<16x1xi32>
        %gather3A_578 = vector.shape_cast %broadcast_in_dim3A_577 : vector<16x1xi32> to vector<16xi32>
        %gather3A_579 = tpu.dynamic_gather %add3A_576[%gather3A_578] in [0] : vector<16xf32>, vector<16xi32> -> vector<16xf32>
        %add3A_580 = arith.addf %add3A_576, %gather3A_579 : vector<16xf32>
        %eq3A_581 = arith.constant 4 : i32
        %eq3A_582 = vector.broadcast %eq3A_581 : i32 to vector<16xi32>
        %eq3A_583 = arith.cmpi eq, %iota3A, %eq3A_582 : vector<16xi32>
        %select_n3A_584 = arith.select %eq3A_583, %add3A_580, %select_n3A_500 : vector<16xi1>, vector<16xf32>
        %add3A_585 = arith.constant 5 : i32
        %add3A_586 = arith.addi %mul3A_162, %add3A_585 : i32
        %slice3A_587 = vector.extract_strided_slice %get3A_165 {offsets = [5], sizes = [1], strides = [1]} : vector<16xf32> to vector<1xf32>
        %squeeze3A_588 = vector.extract %slice3A_587[0] : f32 from vector<1xf32>
        %broadcast_in_dim3A_589 = vector.broadcast %squeeze3A_588 : f32 to vector<16xf32>
        %get3A_590 = arith.index_cast %add3A_586 : i32 to index
        %get3A_591 = arith.constant 0 : index
        %get3A_592 = tpu.vector_load %arg13[%get3A_590, %get3A_591] {strides = array<i32>} : memref<256x64xf32, #tpu.memory_space<vmem>>, vector<16xf32>,
        %get3A_593 = arith.index_cast %add3A_586 : i32 to index
        %get3A_594 = arith.constant 0 : index
        %get3A_595 = tpu.vector_load %arg15[%get3A_593, %get3A_594] {strides = array<i32>} : memref<256x64xf32, #tpu.memory_space<vmem>>, vector<16xf32>,
        %add3A_596 = arith.addf %get3A_592, %get3A_595 : vector<16xf32>
        %mul3A_597 = arith.mulf %broadcast_in_dim3A_589, %get3A_3 : vector<16xf32>
        %add3A_598 = arith.addf %mul3A_597, %get3A_11 : vector<16xf32>
        %add3A_599 = arith.addf %add3A_596, %add3A_598 : vector<16xf32>
        %max3A_600 = arith.constant 0.000000e+00 : f32
        %max3A_601 = vector.broadcast %max3A_600 : f32 to vector<16xf32>
        %max3A_602 = arith.maximumf %add3A_599, %max3A_601 : vector<16xf32>
        %mul3A_603 = arith.mulf %max3A_602, %get3A_19 : vector<16xf32>
        %get3A_604 = arith.index_cast %add3A_586 : i32 to index
        %get3A_605 = arith.constant 16 : index
        %get3A_606 = tpu.vector_load %arg13[%get3A_604, %get3A_605] {strides = array<i32>} : memref<256x64xf32, #tpu.memory_space<vmem>>, vector<16xf32>,
        %get3A_607 = arith.index_cast %add3A_586 : i32 to index
        %get3A_608 = arith.constant 16 : index
        %get3A_609 = tpu.vector_load %arg15[%get3A_607, %get3A_608] {strides = array<i32>} : memref<256x64xf32, #tpu.memory_space<vmem>>, vector<16xf32>,
        %add3A_610 = arith.addf %get3A_606, %get3A_609 : vector<16xf32>
        %mul3A_611 = arith.mulf %broadcast_in_dim3A_589, %get3A_5 : vector<16xf32>
        %add3A_612 = arith.addf %mul3A_611, %get3A_13 : vector<16xf32>
        %add3A_613 = arith.addf %add3A_610, %add3A_612 : vector<16xf32>
        %max3A_614 = arith.constant 0.000000e+00 : f32
        %max3A_615 = vector.broadcast %max3A_614 : f32 to vector<16xf32>
        %max3A_616 = arith.maximumf %add3A_613, %max3A_615 : vector<16xf32>
        %mul3A_617 = arith.mulf %max3A_616, %get3A_21 : vector<16xf32>
        %add3A_618 = arith.addf %mul3A_603, %mul3A_617 : vector<16xf32>
        %get3A_619 = arith.index_cast %add3A_586 : i32 to index
        %get3A_620 = arith.constant 32 : index
        %get3A_621 = tpu.vector_load %arg13[%get3A_619, %get3A_620] {strides = array<i32>} : memref<256x64xf32, #tpu.memory_space<vmem>>, vector<16xf32>,
        %get3A_622 = arith.index_cast %add3A_586 : i32 to index
        %get3A_623 = arith.constant 32 : index
        %get3A_624 = tpu.vector_load %arg15[%get3A_622, %get3A_623] {strides = array<i32>} : memref<256x64xf32, #tpu.memory_space<vmem>>, vector<16xf32>,
        %add3A_625 = arith.addf %get3A_621, %get3A_624 : vector<16xf32>
        %mul3A_626 = arith.mulf %broadcast_in_dim3A_589, %get3A_7 : vector<16xf32>
        %add3A_627 = arith.addf %mul3A_626, %get3A_15 : vector<16xf32>
        %add3A_628 = arith.addf %add3A_625, %add3A_627 : vector<16xf32>
        %max3A_629 = arith.constant 0.000000e+00 : f32
        %max3A_630 = vector.broadcast %max3A_629 : f32 to vector<16xf32>
        %max3A_631 = arith.maximumf %add3A_628, %max3A_630 : vector<16xf32>
        %mul3A_632 = arith.mulf %max3A_631, %get3A_23 : vector<16xf32>
        %add3A_633 = arith.addf %add3A_618, %mul3A_632 : vector<16xf32>
        %get3A_634 = arith.index_cast %add3A_586 : i32 to index
        %get3A_635 = arith.constant 48 : index
        %get3A_636 = tpu.vector_load %arg13[%get3A_634, %get3A_635] {strides = array<i32>} : memref<256x64xf32, #tpu.memory_space<vmem>>, vector<16xf32>,
        %get3A_637 = arith.index_cast %add3A_586 : i32 to index
        %get3A_638 = arith.constant 48 : index
        %get3A_639 = tpu.vector_load %arg15[%get3A_637, %get3A_638] {strides = array<i32>} : memref<256x64xf32, #tpu.memory_space<vmem>>, vector<16xf32>,
        %add3A_640 = arith.addf %get3A_636, %get3A_639 : vector<16xf32>
        %mul3A_641 = arith.mulf %broadcast_in_dim3A_589, %get3A_9 : vector<16xf32>
        %add3A_642 = arith.addf %mul3A_641, %get3A_17 : vector<16xf32>
        %add3A_643 = arith.addf %add3A_640, %add3A_642 : vector<16xf32>
        %max3A_644 = arith.constant 0.000000e+00 : f32
        %max3A_645 = vector.broadcast %max3A_644 : f32 to vector<16xf32>
        %max3A_646 = arith.maximumf %add3A_643, %max3A_645 : vector<16xf32>
        %mul3A_647 = arith.mulf %max3A_646, %get3A_25 : vector<16xf32>
        %add3A_648 = arith.addf %add3A_633, %mul3A_647 : vector<16xf32>
        %broadcast_in_dim3A_649 = vector.shape_cast %xor3A_29 : vector<16xi32> to vector<16x1xi32>
        %gather3A_650 = vector.shape_cast %broadcast_in_dim3A_649 : vector<16x1xi32> to vector<16xi32>
        %gather3A_651 = tpu.dynamic_gather %add3A_648[%gather3A_650] in [0] : vector<16xf32>, vector<16xi32> -> vector<16xf32>
        %add3A_652 = arith.addf %add3A_648, %gather3A_651 : vector<16xf32>
        %broadcast_in_dim3A_653 = vector.shape_cast %xor3A_32 : vector<16xi32> to vector<16x1xi32>
        %gather3A_654 = vector.shape_cast %broadcast_in_dim3A_653 : vector<16x1xi32> to vector<16xi32>
        %gather3A_655 = tpu.dynamic_gather %add3A_652[%gather3A_654] in [0] : vector<16xf32>, vector<16xi32> -> vector<16xf32>
        %add3A_656 = arith.addf %add3A_652, %gather3A_655 : vector<16xf32>
        %broadcast_in_dim3A_657 = vector.shape_cast %xor3A_35 : vector<16xi32> to vector<16x1xi32>
        %gather3A_658 = vector.shape_cast %broadcast_in_dim3A_657 : vector<16x1xi32> to vector<16xi32>
        %gather3A_659 = tpu.dynamic_gather %add3A_656[%gather3A_658] in [0] : vector<16xf32>, vector<16xi32> -> vector<16xf32>
        %add3A_660 = arith.addf %add3A_656, %gather3A_659 : vector<16xf32>
        %broadcast_in_dim3A_661 = vector.shape_cast %xor3A_38 : vector<16xi32> to vector<16x1xi32>
        %gather3A_662 = vector.shape_cast %broadcast_in_dim3A_661 : vector<16x1xi32> to vector<16xi32>
        %gather3A_663 = tpu.dynamic_gather %add3A_660[%gather3A_662] in [0] : vector<16xf32>, vector<16xi32> -> vector<16xf32>
        %add3A_664 = arith.addf %add3A_660, %gather3A_663 : vector<16xf32>
        %eq3A_665 = arith.constant 5 : i32
        %eq3A_666 = vector.broadcast %eq3A_665 : i32 to vector<16xi32>
        %eq3A_667 = arith.cmpi eq, %iota3A, %eq3A_666 : vector<16xi32>
        %select_n3A_668 = arith.select %eq3A_667, %add3A_664, %select_n3A_584 : vector<16xi1>, vector<16xf32>
        %add3A_669 = arith.constant 6 : i32
        %add3A_670 = arith.addi %mul3A_162, %add3A_669 : i32
        %slice3A_671 = vector.extract_strided_slice %get3A_165 {offsets = [6], sizes = [1], strides = [1]} : vector<16xf32> to vector<1xf32>
        %squeeze3A_672 = vector.extract %slice3A_671[0] : f32 from vector<1xf32>
        %broadcast_in_dim3A_673 = vector.broadcast %squeeze3A_672 : f32 to vector<16xf32>
        %get3A_674 = arith.index_cast %add3A_670 : i32 to index
        %get3A_675 = arith.constant 0 : index
        %get3A_676 = tpu.vector_load %arg13[%get3A_674, %get3A_675] {strides = array<i32>} : memref<256x64xf32, #tpu.memory_space<vmem>>, vector<16xf32>,
        %get3A_677 = arith.index_cast %add3A_670 : i32 to index
        %get3A_678 = arith.constant 0 : index
        %get3A_679 = tpu.vector_load %arg15[%get3A_677, %get3A_678] {strides = array<i32>} : memref<256x64xf32, #tpu.memory_space<vmem>>, vector<16xf32>,
        %add3A_680 = arith.addf %get3A_676, %get3A_679 : vector<16xf32>
        %mul3A_681 = arith.mulf %broadcast_in_dim3A_673, %get3A_3 : vector<16xf32>
        %add3A_682 = arith.addf %mul3A_681, %get3A_11 : vector<16xf32>
        %add3A_683 = arith.addf %add3A_680, %add3A_682 : vector<16xf32>
        %max3A_684 = arith.constant 0.000000e+00 : f32
        %max3A_685 = vector.broadcast %max3A_684 : f32 to vector<16xf32>
        %max3A_686 = arith.maximumf %add3A_683, %max3A_685 : vector<16xf32>
        %mul3A_687 = arith.mulf %max3A_686, %get3A_19 : vector<16xf32>
        %get3A_688 = arith.index_cast %add3A_670 : i32 to index
        %get3A_689 = arith.constant 16 : index
        %get3A_690 = tpu.vector_load %arg13[%get3A_688, %get3A_689] {strides = array<i32>} : memref<256x64xf32, #tpu.memory_space<vmem>>, vector<16xf32>,
        %get3A_691 = arith.index_cast %add3A_670 : i32 to index
        %get3A_692 = arith.constant 16 : index
        %get3A_693 = tpu.vector_load %arg15[%get3A_691, %get3A_692] {strides = array<i32>} : memref<256x64xf32, #tpu.memory_space<vmem>>, vector<16xf32>,
        %add3A_694 = arith.addf %get3A_690, %get3A_693 : vector<16xf32>
        %mul3A_695 = arith.mulf %broadcast_in_dim3A_673, %get3A_5 : vector<16xf32>
        %add3A_696 = arith.addf %mul3A_695, %get3A_13 : vector<16xf32>
        %add3A_697 = arith.addf %add3A_694, %add3A_696 : vector<16xf32>
        %max3A_698 = arith.constant 0.000000e+00 : f32
        %max3A_699 = vector.broadcast %max3A_698 : f32 to vector<16xf32>
        %max3A_700 = arith.maximumf %add3A_697, %max3A_699 : vector<16xf32>
        %mul3A_701 = arith.mulf %max3A_700, %get3A_21 : vector<16xf32>
        %add3A_702 = arith.addf %mul3A_687, %mul3A_701 : vector<16xf32>
        %get3A_703 = arith.index_cast %add3A_670 : i32 to index
        %get3A_704 = arith.constant 32 : index
        %get3A_705 = tpu.vector_load %arg13[%get3A_703, %get3A_704] {strides = array<i32>} : memref<256x64xf32, #tpu.memory_space<vmem>>, vector<16xf32>,
        %get3A_706 = arith.index_cast %add3A_670 : i32 to index
        %get3A_707 = arith.constant 32 : index
        %get3A_708 = tpu.vector_load %arg15[%get3A_706, %get3A_707] {strides = array<i32>} : memref<256x64xf32, #tpu.memory_space<vmem>>, vector<16xf32>,
        %add3A_709 = arith.addf %get3A_705, %get3A_708 : vector<16xf32>
        %mul3A_710 = arith.mulf %broadcast_in_dim3A_673, %get3A_7 : vector<16xf32>
        %add3A_711 = arith.addf %mul3A_710, %get3A_15 : vector<16xf32>
        %add3A_712 = arith.addf %add3A_709, %add3A_711 : vector<16xf32>
        %max3A_713 = arith.constant 0.000000e+00 : f32
        %max3A_714 = vector.broadcast %max3A_713 : f32 to vector<16xf32>
        %max3A_715 = arith.maximumf %add3A_712, %max3A_714 : vector<16xf32>
        %mul3A_716 = arith.mulf %max3A_715, %get3A_23 : vector<16xf32>
        %add3A_717 = arith.addf %add3A_702, %mul3A_716 : vector<16xf32>
        %get3A_718 = arith.index_cast %add3A_670 : i32 to index
        %get3A_719 = arith.constant 48 : index
        %get3A_720 = tpu.vector_load %arg13[%get3A_718, %get3A_719] {strides = array<i32>} : memref<256x64xf32, #tpu.memory_space<vmem>>, vector<16xf32>,
        %get3A_721 = arith.index_cast %add3A_670 : i32 to index
        %get3A_722 = arith.constant 48 : index
        %get3A_723 = tpu.vector_load %arg15[%get3A_721, %get3A_722] {strides = array<i32>} : memref<256x64xf32, #tpu.memory_space<vmem>>, vector<16xf32>,
        %add3A_724 = arith.addf %get3A_720, %get3A_723 : vector<16xf32>
        %mul3A_725 = arith.mulf %broadcast_in_dim3A_673, %get3A_9 : vector<16xf32>
        %add3A_726 = arith.addf %mul3A_725, %get3A_17 : vector<16xf32>
        %add3A_727 = arith.addf %add3A_724, %add3A_726 : vector<16xf32>
        %max3A_728 = arith.constant 0.000000e+00 : f32
        %max3A_729 = vector.broadcast %max3A_728 : f32 to vector<16xf32>
        %max3A_730 = arith.maximumf %add3A_727, %max3A_729 : vector<16xf32>
        %mul3A_731 = arith.mulf %max3A_730, %get3A_25 : vector<16xf32>
        %add3A_732 = arith.addf %add3A_717, %mul3A_731 : vector<16xf32>
        %broadcast_in_dim3A_733 = vector.shape_cast %xor3A_29 : vector<16xi32> to vector<16x1xi32>
        %gather3A_734 = vector.shape_cast %broadcast_in_dim3A_733 : vector<16x1xi32> to vector<16xi32>
        %gather3A_735 = tpu.dynamic_gather %add3A_732[%gather3A_734] in [0] : vector<16xf32>, vector<16xi32> -> vector<16xf32>
        %add3A_736 = arith.addf %add3A_732, %gather3A_735 : vector<16xf32>
        %broadcast_in_dim3A_737 = vector.shape_cast %xor3A_32 : vector<16xi32> to vector<16x1xi32>
        %gather3A_738 = vector.shape_cast %broadcast_in_dim3A_737 : vector<16x1xi32> to vector<16xi32>
        %gather3A_739 = tpu.dynamic_gather %add3A_736[%gather3A_738] in [0] : vector<16xf32>, vector<16xi32> -> vector<16xf32>
        %add3A_740 = arith.addf %add3A_736, %gather3A_739 : vector<16xf32>
        %broadcast_in_dim3A_741 = vector.shape_cast %xor3A_35 : vector<16xi32> to vector<16x1xi32>
        %gather3A_742 = vector.shape_cast %broadcast_in_dim3A_741 : vector<16x1xi32> to vector<16xi32>
        %gather3A_743 = tpu.dynamic_gather %add3A_740[%gather3A_742] in [0] : vector<16xf32>, vector<16xi32> -> vector<16xf32>
        %add3A_744 = arith.addf %add3A_740, %gather3A_743 : vector<16xf32>
        %broadcast_in_dim3A_745 = vector.shape_cast %xor3A_38 : vector<16xi32> to vector<16x1xi32>
        %gather3A_746 = vector.shape_cast %broadcast_in_dim3A_745 : vector<16x1xi32> to vector<16xi32>
        %gather3A_747 = tpu.dynamic_gather %add3A_744[%gather3A_746] in [0] : vector<16xf32>, vector<16xi32> -> vector<16xf32>
        %add3A_748 = arith.addf %add3A_744, %gather3A_747 : vector<16xf32>
        %eq3A_749 = arith.constant 6 : i32
        %eq3A_750 = vector.broadcast %eq3A_749 : i32 to vector<16xi32>
        %eq3A_751 = arith.cmpi eq, %iota3A, %eq3A_750 : vector<16xi32>
        %select_n3A_752 = arith.select %eq3A_751, %add3A_748, %select_n3A_668 : vector<16xi1>, vector<16xf32>
        %add3A_753 = arith.constant 7 : i32
        %add3A_754 = arith.addi %mul3A_162, %add3A_753 : i32
        %slice3A_755 = vector.extract_strided_slice %get3A_165 {offsets = [7], sizes = [1], strides = [1]} : vector<16xf32> to vector<1xf32>
        %squeeze3A_756 = vector.extract %slice3A_755[0] : f32 from vector<1xf32>
        %broadcast_in_dim3A_757 = vector.broadcast %squeeze3A_756 : f32 to vector<16xf32>
        %get3A_758 = arith.index_cast %add3A_754 : i32 to index
        %get3A_759 = arith.constant 0 : index
        %get3A_760 = tpu.vector_load %arg13[%get3A_758, %get3A_759] {strides = array<i32>} : memref<256x64xf32, #tpu.memory_space<vmem>>, vector<16xf32>,
        %get3A_761 = arith.index_cast %add3A_754 : i32 to index
        %get3A_762 = arith.constant 0 : index
        %get3A_763 = tpu.vector_load %arg15[%get3A_761, %get3A_762] {strides = array<i32>} : memref<256x64xf32, #tpu.memory_space<vmem>>, vector<16xf32>,
        %add3A_764 = arith.addf %get3A_760, %get3A_763 : vector<16xf32>
        %mul3A_765 = arith.mulf %broadcast_in_dim3A_757, %get3A_3 : vector<16xf32>
        %add3A_766 = arith.addf %mul3A_765, %get3A_11 : vector<16xf32>
        %add3A_767 = arith.addf %add3A_764, %add3A_766 : vector<16xf32>
        %max3A_768 = arith.constant 0.000000e+00 : f32
        %max3A_769 = vector.broadcast %max3A_768 : f32 to vector<16xf32>
        %max3A_770 = arith.maximumf %add3A_767, %max3A_769 : vector<16xf32>
        %mul3A_771 = arith.mulf %max3A_770, %get3A_19 : vector<16xf32>
        %get3A_772 = arith.index_cast %add3A_754 : i32 to index
        %get3A_773 = arith.constant 16 : index
        %get3A_774 = tpu.vector_load %arg13[%get3A_772, %get3A_773] {strides = array<i32>} : memref<256x64xf32, #tpu.memory_space<vmem>>, vector<16xf32>,
        %get3A_775 = arith.index_cast %add3A_754 : i32 to index
        %get3A_776 = arith.constant 16 : index
        %get3A_777 = tpu.vector_load %arg15[%get3A_775, %get3A_776] {strides = array<i32>} : memref<256x64xf32, #tpu.memory_space<vmem>>, vector<16xf32>,
        %add3A_778 = arith.addf %get3A_774, %get3A_777 : vector<16xf32>
        %mul3A_779 = arith.mulf %broadcast_in_dim3A_757, %get3A_5 : vector<16xf32>
        %add3A_780 = arith.addf %mul3A_779, %get3A_13 : vector<16xf32>
        %add3A_781 = arith.addf %add3A_778, %add3A_780 : vector<16xf32>
        %max3A_782 = arith.constant 0.000000e+00 : f32
        %max3A_783 = vector.broadcast %max3A_782 : f32 to vector<16xf32>
        %max3A_784 = arith.maximumf %add3A_781, %max3A_783 : vector<16xf32>
        %mul3A_785 = arith.mulf %max3A_784, %get3A_21 : vector<16xf32>
        %add3A_786 = arith.addf %mul3A_771, %mul3A_785 : vector<16xf32>
        %get3A_787 = arith.index_cast %add3A_754 : i32 to index
        %get3A_788 = arith.constant 32 : index
        %get3A_789 = tpu.vector_load %arg13[%get3A_787, %get3A_788] {strides = array<i32>} : memref<256x64xf32, #tpu.memory_space<vmem>>, vector<16xf32>,
        %get3A_790 = arith.index_cast %add3A_754 : i32 to index
        %get3A_791 = arith.constant 32 : index
        %get3A_792 = tpu.vector_load %arg15[%get3A_790, %get3A_791] {strides = array<i32>} : memref<256x64xf32, #tpu.memory_space<vmem>>, vector<16xf32>,
        %add3A_793 = arith.addf %get3A_789, %get3A_792 : vector<16xf32>
        %mul3A_794 = arith.mulf %broadcast_in_dim3A_757, %get3A_7 : vector<16xf32>
        %add3A_795 = arith.addf %mul3A_794, %get3A_15 : vector<16xf32>
        %add3A_796 = arith.addf %add3A_793, %add3A_795 : vector<16xf32>
        %max3A_797 = arith.constant 0.000000e+00 : f32
        %max3A_798 = vector.broadcast %max3A_797 : f32 to vector<16xf32>
        %max3A_799 = arith.maximumf %add3A_796, %max3A_798 : vector<16xf32>
        %mul3A_800 = arith.mulf %max3A_799, %get3A_23 : vector<16xf32>
        %add3A_801 = arith.addf %add3A_786, %mul3A_800 : vector<16xf32>
        %get3A_802 = arith.index_cast %add3A_754 : i32 to index
        %get3A_803 = arith.constant 48 : index
        %get3A_804 = tpu.vector_load %arg13[%get3A_802, %get3A_803] {strides = array<i32>} : memref<256x64xf32, #tpu.memory_space<vmem>>, vector<16xf32>,
        %get3A_805 = arith.index_cast %add3A_754 : i32 to index
        %get3A_806 = arith.constant 48 : index
        %get3A_807 = tpu.vector_load %arg15[%get3A_805, %get3A_806] {strides = array<i32>} : memref<256x64xf32, #tpu.memory_space<vmem>>, vector<16xf32>,
        %add3A_808 = arith.addf %get3A_804, %get3A_807 : vector<16xf32>
        %mul3A_809 = arith.mulf %broadcast_in_dim3A_757, %get3A_9 : vector<16xf32>
        %add3A_810 = arith.addf %mul3A_809, %get3A_17 : vector<16xf32>
        %add3A_811 = arith.addf %add3A_808, %add3A_810 : vector<16xf32>
        %max3A_812 = arith.constant 0.000000e+00 : f32
        %max3A_813 = vector.broadcast %max3A_812 : f32 to vector<16xf32>
        %max3A_814 = arith.maximumf %add3A_811, %max3A_813 : vector<16xf32>
        %mul3A_815 = arith.mulf %max3A_814, %get3A_25 : vector<16xf32>
        %add3A_816 = arith.addf %add3A_801, %mul3A_815 : vector<16xf32>
        %broadcast_in_dim3A_817 = vector.shape_cast %xor3A_29 : vector<16xi32> to vector<16x1xi32>
        %gather3A_818 = vector.shape_cast %broadcast_in_dim3A_817 : vector<16x1xi32> to vector<16xi32>
        %gather3A_819 = tpu.dynamic_gather %add3A_816[%gather3A_818] in [0] : vector<16xf32>, vector<16xi32> -> vector<16xf32>
        %add3A_820 = arith.addf %add3A_816, %gather3A_819 : vector<16xf32>
        %broadcast_in_dim3A_821 = vector.shape_cast %xor3A_32 : vector<16xi32> to vector<16x1xi32>
        %gather3A_822 = vector.shape_cast %broadcast_in_dim3A_821 : vector<16x1xi32> to vector<16xi32>
        %gather3A_823 = tpu.dynamic_gather %add3A_820[%gather3A_822] in [0] : vector<16xf32>, vector<16xi32> -> vector<16xf32>
        %add3A_824 = arith.addf %add3A_820, %gather3A_823 : vector<16xf32>
        %broadcast_in_dim3A_825 = vector.shape_cast %xor3A_35 : vector<16xi32> to vector<16x1xi32>
        %gather3A_826 = vector.shape_cast %broadcast_in_dim3A_825 : vector<16x1xi32> to vector<16xi32>
        %gather3A_827 = tpu.dynamic_gather %add3A_824[%gather3A_826] in [0] : vector<16xf32>, vector<16xi32> -> vector<16xf32>
        %add3A_828 = arith.addf %add3A_824, %gather3A_827 : vector<16xf32>
        %broadcast_in_dim3A_829 = vector.shape_cast %xor3A_38 : vector<16xi32> to vector<16x1xi32>
        %gather3A_830 = vector.shape_cast %broadcast_in_dim3A_829 : vector<16x1xi32> to vector<16xi32>
        %gather3A_831 = tpu.dynamic_gather %add3A_828[%gather3A_830] in [0] : vector<16xf32>, vector<16xi32> -> vector<16xf32>
        %add3A_832 = arith.addf %add3A_828, %gather3A_831 : vector<16xf32>
        %eq3A_833 = arith.constant 7 : i32
        %eq3A_834 = vector.broadcast %eq3A_833 : i32 to vector<16xi32>
        %eq3A_835 = arith.cmpi eq, %iota3A, %eq3A_834 : vector<16xi32>
        %select_n3A_836 = arith.select %eq3A_835, %add3A_832, %select_n3A_752 : vector<16xi1>, vector<16xf32>
        %add3A_837 = arith.constant 8 : i32
        %add3A_838 = arith.addi %mul3A_162, %add3A_837 : i32
        %slice3A_839 = vector.extract_strided_slice %get3A_165 {offsets = [8], sizes = [1], strides = [1]} : vector<16xf32> to vector<1xf32>
        %squeeze3A_840 = vector.extract %slice3A_839[0] : f32 from vector<1xf32>
        %broadcast_in_dim3A_841 = vector.broadcast %squeeze3A_840 : f32 to vector<16xf32>
        %get3A_842 = arith.index_cast %add3A_838 : i32 to index
        %get3A_843 = arith.constant 0 : index
        %get3A_844 = tpu.vector_load %arg13[%get3A_842, %get3A_843] {strides = array<i32>} : memref<256x64xf32, #tpu.memory_space<vmem>>, vector<16xf32>,
        %get3A_845 = arith.index_cast %add3A_838 : i32 to index
        %get3A_846 = arith.constant 0 : index
        %get3A_847 = tpu.vector_load %arg15[%get3A_845, %get3A_846] {strides = array<i32>} : memref<256x64xf32, #tpu.memory_space<vmem>>, vector<16xf32>,
        %add3A_848 = arith.addf %get3A_844, %get3A_847 : vector<16xf32>
        %mul3A_849 = arith.mulf %broadcast_in_dim3A_841, %get3A_3 : vector<16xf32>
        %add3A_850 = arith.addf %mul3A_849, %get3A_11 : vector<16xf32>
        %add3A_851 = arith.addf %add3A_848, %add3A_850 : vector<16xf32>
        %max3A_852 = arith.constant 0.000000e+00 : f32
        %max3A_853 = vector.broadcast %max3A_852 : f32 to vector<16xf32>
        %max3A_854 = arith.maximumf %add3A_851, %max3A_853 : vector<16xf32>
        %mul3A_855 = arith.mulf %max3A_854, %get3A_19 : vector<16xf32>
        %get3A_856 = arith.index_cast %add3A_838 : i32 to index
        %get3A_857 = arith.constant 16 : index
        %get3A_858 = tpu.vector_load %arg13[%get3A_856, %get3A_857] {strides = array<i32>} : memref<256x64xf32, #tpu.memory_space<vmem>>, vector<16xf32>,
        %get3A_859 = arith.index_cast %add3A_838 : i32 to index
        %get3A_860 = arith.constant 16 : index
        %get3A_861 = tpu.vector_load %arg15[%get3A_859, %get3A_860] {strides = array<i32>} : memref<256x64xf32, #tpu.memory_space<vmem>>, vector<16xf32>,
        %add3A_862 = arith.addf %get3A_858, %get3A_861 : vector<16xf32>
        %mul3A_863 = arith.mulf %broadcast_in_dim3A_841, %get3A_5 : vector<16xf32>
        %add3A_864 = arith.addf %mul3A_863, %get3A_13 : vector<16xf32>
        %add3A_865 = arith.addf %add3A_862, %add3A_864 : vector<16xf32>
        %max3A_866 = arith.constant 0.000000e+00 : f32
        %max3A_867 = vector.broadcast %max3A_866 : f32 to vector<16xf32>
        %max3A_868 = arith.maximumf %add3A_865, %max3A_867 : vector<16xf32>
        %mul3A_869 = arith.mulf %max3A_868, %get3A_21 : vector<16xf32>
        %add3A_870 = arith.addf %mul3A_855, %mul3A_869 : vector<16xf32>
        %get3A_871 = arith.index_cast %add3A_838 : i32 to index
        %get3A_872 = arith.constant 32 : index
        %get3A_873 = tpu.vector_load %arg13[%get3A_871, %get3A_872] {strides = array<i32>} : memref<256x64xf32, #tpu.memory_space<vmem>>, vector<16xf32>,
        %get3A_874 = arith.index_cast %add3A_838 : i32 to index
        %get3A_875 = arith.constant 32 : index
        %get3A_876 = tpu.vector_load %arg15[%get3A_874, %get3A_875] {strides = array<i32>} : memref<256x64xf32, #tpu.memory_space<vmem>>, vector<16xf32>,
        %add3A_877 = arith.addf %get3A_873, %get3A_876 : vector<16xf32>
        %mul3A_878 = arith.mulf %broadcast_in_dim3A_841, %get3A_7 : vector<16xf32>
        %add3A_879 = arith.addf %mul3A_878, %get3A_15 : vector<16xf32>
        %add3A_880 = arith.addf %add3A_877, %add3A_879 : vector<16xf32>
        %max3A_881 = arith.constant 0.000000e+00 : f32
        %max3A_882 = vector.broadcast %max3A_881 : f32 to vector<16xf32>
        %max3A_883 = arith.maximumf %add3A_880, %max3A_882 : vector<16xf32>
        %mul3A_884 = arith.mulf %max3A_883, %get3A_23 : vector<16xf32>
        %add3A_885 = arith.addf %add3A_870, %mul3A_884 : vector<16xf32>
        %get3A_886 = arith.index_cast %add3A_838 : i32 to index
        %get3A_887 = arith.constant 48 : index
        %get3A_888 = tpu.vector_load %arg13[%get3A_886, %get3A_887] {strides = array<i32>} : memref<256x64xf32, #tpu.memory_space<vmem>>, vector<16xf32>,
        %get3A_889 = arith.index_cast %add3A_838 : i32 to index
        %get3A_890 = arith.constant 48 : index
        %get3A_891 = tpu.vector_load %arg15[%get3A_889, %get3A_890] {strides = array<i32>} : memref<256x64xf32, #tpu.memory_space<vmem>>, vector<16xf32>,
        %add3A_892 = arith.addf %get3A_888, %get3A_891 : vector<16xf32>
        %mul3A_893 = arith.mulf %broadcast_in_dim3A_841, %get3A_9 : vector<16xf32>
        %add3A_894 = arith.addf %mul3A_893, %get3A_17 : vector<16xf32>
        %add3A_895 = arith.addf %add3A_892, %add3A_894 : vector<16xf32>
        %max3A_896 = arith.constant 0.000000e+00 : f32
        %max3A_897 = vector.broadcast %max3A_896 : f32 to vector<16xf32>
        %max3A_898 = arith.maximumf %add3A_895, %max3A_897 : vector<16xf32>
        %mul3A_899 = arith.mulf %max3A_898, %get3A_25 : vector<16xf32>
        %add3A_900 = arith.addf %add3A_885, %mul3A_899 : vector<16xf32>
        %broadcast_in_dim3A_901 = vector.shape_cast %xor3A_29 : vector<16xi32> to vector<16x1xi32>
        %gather3A_902 = vector.shape_cast %broadcast_in_dim3A_901 : vector<16x1xi32> to vector<16xi32>
        %gather3A_903 = tpu.dynamic_gather %add3A_900[%gather3A_902] in [0] : vector<16xf32>, vector<16xi32> -> vector<16xf32>
        %add3A_904 = arith.addf %add3A_900, %gather3A_903 : vector<16xf32>
        %broadcast_in_dim3A_905 = vector.shape_cast %xor3A_32 : vector<16xi32> to vector<16x1xi32>
        %gather3A_906 = vector.shape_cast %broadcast_in_dim3A_905 : vector<16x1xi32> to vector<16xi32>
        %gather3A_907 = tpu.dynamic_gather %add3A_904[%gather3A_906] in [0] : vector<16xf32>, vector<16xi32> -> vector<16xf32>
        %add3A_908 = arith.addf %add3A_904, %gather3A_907 : vector<16xf32>
        %broadcast_in_dim3A_909 = vector.shape_cast %xor3A_35 : vector<16xi32> to vector<16x1xi32>
        %gather3A_910 = vector.shape_cast %broadcast_in_dim3A_909 : vector<16x1xi32> to vector<16xi32>
        %gather3A_911 = tpu.dynamic_gather %add3A_908[%gather3A_910] in [0] : vector<16xf32>, vector<16xi32> -> vector<16xf32>
        %add3A_912 = arith.addf %add3A_908, %gather3A_911 : vector<16xf32>
        %broadcast_in_dim3A_913 = vector.shape_cast %xor3A_38 : vector<16xi32> to vector<16x1xi32>
        %gather3A_914 = vector.shape_cast %broadcast_in_dim3A_913 : vector<16x1xi32> to vector<16xi32>
        %gather3A_915 = tpu.dynamic_gather %add3A_912[%gather3A_914] in [0] : vector<16xf32>, vector<16xi32> -> vector<16xf32>
        %add3A_916 = arith.addf %add3A_912, %gather3A_915 : vector<16xf32>
        %eq3A_917 = arith.constant 8 : i32
        %eq3A_918 = vector.broadcast %eq3A_917 : i32 to vector<16xi32>
        %eq3A_919 = arith.cmpi eq, %iota3A, %eq3A_918 : vector<16xi32>
        %select_n3A_920 = arith.select %eq3A_919, %add3A_916, %select_n3A_836 : vector<16xi1>, vector<16xf32>
        %add3A_921 = arith.constant 9 : i32
        %add3A_922 = arith.addi %mul3A_162, %add3A_921 : i32
        %slice3A_923 = vector.extract_strided_slice %get3A_165 {offsets = [9], sizes = [1], strides = [1]} : vector<16xf32> to vector<1xf32>
        %squeeze3A_924 = vector.extract %slice3A_923[0] : f32 from vector<1xf32>
        %broadcast_in_dim3A_925 = vector.broadcast %squeeze3A_924 : f32 to vector<16xf32>
        %get3A_926 = arith.index_cast %add3A_922 : i32 to index
        %get3A_927 = arith.constant 0 : index
        %get3A_928 = tpu.vector_load %arg13[%get3A_926, %get3A_927] {strides = array<i32>} : memref<256x64xf32, #tpu.memory_space<vmem>>, vector<16xf32>,
        %get3A_929 = arith.index_cast %add3A_922 : i32 to index
        %get3A_930 = arith.constant 0 : index
        %get3A_931 = tpu.vector_load %arg15[%get3A_929, %get3A_930] {strides = array<i32>} : memref<256x64xf32, #tpu.memory_space<vmem>>, vector<16xf32>,
        %add3A_932 = arith.addf %get3A_928, %get3A_931 : vector<16xf32>
        %mul3A_933 = arith.mulf %broadcast_in_dim3A_925, %get3A_3 : vector<16xf32>
        %add3A_934 = arith.addf %mul3A_933, %get3A_11 : vector<16xf32>
        %add3A_935 = arith.addf %add3A_932, %add3A_934 : vector<16xf32>
        %max3A_936 = arith.constant 0.000000e+00 : f32
        %max3A_937 = vector.broadcast %max3A_936 : f32 to vector<16xf32>
        %max3A_938 = arith.maximumf %add3A_935, %max3A_937 : vector<16xf32>
        %mul3A_939 = arith.mulf %max3A_938, %get3A_19 : vector<16xf32>
        %get3A_940 = arith.index_cast %add3A_922 : i32 to index
        %get3A_941 = arith.constant 16 : index
        %get3A_942 = tpu.vector_load %arg13[%get3A_940, %get3A_941] {strides = array<i32>} : memref<256x64xf32, #tpu.memory_space<vmem>>, vector<16xf32>,
        %get3A_943 = arith.index_cast %add3A_922 : i32 to index
        %get3A_944 = arith.constant 16 : index
        %get3A_945 = tpu.vector_load %arg15[%get3A_943, %get3A_944] {strides = array<i32>} : memref<256x64xf32, #tpu.memory_space<vmem>>, vector<16xf32>,
        %add3A_946 = arith.addf %get3A_942, %get3A_945 : vector<16xf32>
        %mul3A_947 = arith.mulf %broadcast_in_dim3A_925, %get3A_5 : vector<16xf32>
        %add3A_948 = arith.addf %mul3A_947, %get3A_13 : vector<16xf32>
        %add3A_949 = arith.addf %add3A_946, %add3A_948 : vector<16xf32>
        %max3A_950 = arith.constant 0.000000e+00 : f32
        %max3A_951 = vector.broadcast %max3A_950 : f32 to vector<16xf32>
        %max3A_952 = arith.maximumf %add3A_949, %max3A_951 : vector<16xf32>
        %mul3A_953 = arith.mulf %max3A_952, %get3A_21 : vector<16xf32>
        %add3A_954 = arith.addf %mul3A_939, %mul3A_953 : vector<16xf32>
        %get3A_955 = arith.index_cast %add3A_922 : i32 to index
        %get3A_956 = arith.constant 32 : index
        %get3A_957 = tpu.vector_load %arg13[%get3A_955, %get3A_956] {strides = array<i32>} : memref<256x64xf32, #tpu.memory_space<vmem>>, vector<16xf32>,
        %get3A_958 = arith.index_cast %add3A_922 : i32 to index
        %get3A_959 = arith.constant 32 : index
        %get3A_960 = tpu.vector_load %arg15[%get3A_958, %get3A_959] {strides = array<i32>} : memref<256x64xf32, #tpu.memory_space<vmem>>, vector<16xf32>,
        %add3A_961 = arith.addf %get3A_957, %get3A_960 : vector<16xf32>
        %mul3A_962 = arith.mulf %broadcast_in_dim3A_925, %get3A_7 : vector<16xf32>
        %add3A_963 = arith.addf %mul3A_962, %get3A_15 : vector<16xf32>
        %add3A_964 = arith.addf %add3A_961, %add3A_963 : vector<16xf32>
        %max3A_965 = arith.constant 0.000000e+00 : f32
        %max3A_966 = vector.broadcast %max3A_965 : f32 to vector<16xf32>
        %max3A_967 = arith.maximumf %add3A_964, %max3A_966 : vector<16xf32>
        %mul3A_968 = arith.mulf %max3A_967, %get3A_23 : vector<16xf32>
        %add3A_969 = arith.addf %add3A_954, %mul3A_968 : vector<16xf32>
        %get3A_970 = arith.index_cast %add3A_922 : i32 to index
        %get3A_971 = arith.constant 48 : index
        %get3A_972 = tpu.vector_load %arg13[%get3A_970, %get3A_971] {strides = array<i32>} : memref<256x64xf32, #tpu.memory_space<vmem>>, vector<16xf32>,
        %get3A_973 = arith.index_cast %add3A_922 : i32 to index
        %get3A_974 = arith.constant 48 : index
        %get3A_975 = tpu.vector_load %arg15[%get3A_973, %get3A_974] {strides = array<i32>} : memref<256x64xf32, #tpu.memory_space<vmem>>, vector<16xf32>,
        %add3A_976 = arith.addf %get3A_972, %get3A_975 : vector<16xf32>
        %mul3A_977 = arith.mulf %broadcast_in_dim3A_925, %get3A_9 : vector<16xf32>
        %add3A_978 = arith.addf %mul3A_977, %get3A_17 : vector<16xf32>
        %add3A_979 = arith.addf %add3A_976, %add3A_978 : vector<16xf32>
        %max3A_980 = arith.constant 0.000000e+00 : f32
        %max3A_981 = vector.broadcast %max3A_980 : f32 to vector<16xf32>
        %max3A_982 = arith.maximumf %add3A_979, %max3A_981 : vector<16xf32>
        %mul3A_983 = arith.mulf %max3A_982, %get3A_25 : vector<16xf32>
        %add3A_984 = arith.addf %add3A_969, %mul3A_983 : vector<16xf32>
        %broadcast_in_dim3A_985 = vector.shape_cast %xor3A_29 : vector<16xi32> to vector<16x1xi32>
        %gather3A_986 = vector.shape_cast %broadcast_in_dim3A_985 : vector<16x1xi32> to vector<16xi32>
        %gather3A_987 = tpu.dynamic_gather %add3A_984[%gather3A_986] in [0] : vector<16xf32>, vector<16xi32> -> vector<16xf32>
        %add3A_988 = arith.addf %add3A_984, %gather3A_987 : vector<16xf32>
        %broadcast_in_dim3A_989 = vector.shape_cast %xor3A_32 : vector<16xi32> to vector<16x1xi32>
        %gather3A_990 = vector.shape_cast %broadcast_in_dim3A_989 : vector<16x1xi32> to vector<16xi32>
        %gather3A_991 = tpu.dynamic_gather %add3A_988[%gather3A_990] in [0] : vector<16xf32>, vector<16xi32> -> vector<16xf32>
        %add3A_992 = arith.addf %add3A_988, %gather3A_991 : vector<16xf32>
        %broadcast_in_dim3A_993 = vector.shape_cast %xor3A_35 : vector<16xi32> to vector<16x1xi32>
        %gather3A_994 = vector.shape_cast %broadcast_in_dim3A_993 : vector<16x1xi32> to vector<16xi32>
        %gather3A_995 = tpu.dynamic_gather %add3A_992[%gather3A_994] in [0] : vector<16xf32>, vector<16xi32> -> vector<16xf32>
        %add3A_996 = arith.addf %add3A_992, %gather3A_995 : vector<16xf32>
        %broadcast_in_dim3A_997 = vector.shape_cast %xor3A_38 : vector<16xi32> to vector<16x1xi32>
        %gather3A_998 = vector.shape_cast %broadcast_in_dim3A_997 : vector<16x1xi32> to vector<16xi32>
        %gather3A_999 = tpu.dynamic_gather %add3A_996[%gather3A_998] in [0] : vector<16xf32>, vector<16xi32> -> vector<16xf32>
        %add3A_1000 = arith.addf %add3A_996, %gather3A_999 : vector<16xf32>
        %eq3A_1001 = arith.constant 9 : i32
        %eq3A_1002 = vector.broadcast %eq3A_1001 : i32 to vector<16xi32>
        %eq3A_1003 = arith.cmpi eq, %iota3A, %eq3A_1002 : vector<16xi32>
        %select_n3A_1004 = arith.select %eq3A_1003, %add3A_1000, %select_n3A_920 : vector<16xi1>, vector<16xf32>
        %add3A_1005 = arith.constant 10 : i32
        %add3A_1006 = arith.addi %mul3A_162, %add3A_1005 : i32
        %slice3A_1007 = vector.extract_strided_slice %get3A_165 {offsets = [10], sizes = [1], strides = [1]} : vector<16xf32> to vector<1xf32>
        %squeeze3A_1008 = vector.extract %slice3A_1007[0] : f32 from vector<1xf32>
        %broadcast_in_dim3A_1009 = vector.broadcast %squeeze3A_1008 : f32 to vector<16xf32>
        %get3A_1010 = arith.index_cast %add3A_1006 : i32 to index
        %get3A_1011 = arith.constant 0 : index
        %get3A_1012 = tpu.vector_load %arg13[%get3A_1010, %get3A_1011] {strides = array<i32>} : memref<256x64xf32, #tpu.memory_space<vmem>>, vector<16xf32>,
        %get3A_1013 = arith.index_cast %add3A_1006 : i32 to index
        %get3A_1014 = arith.constant 0 : index
        %get3A_1015 = tpu.vector_load %arg15[%get3A_1013, %get3A_1014] {strides = array<i32>} : memref<256x64xf32, #tpu.memory_space<vmem>>, vector<16xf32>,
        %add3A_1016 = arith.addf %get3A_1012, %get3A_1015 : vector<16xf32>
        %mul3A_1017 = arith.mulf %broadcast_in_dim3A_1009, %get3A_3 : vector<16xf32>
        %add3A_1018 = arith.addf %mul3A_1017, %get3A_11 : vector<16xf32>
        %add3A_1019 = arith.addf %add3A_1016, %add3A_1018 : vector<16xf32>
        %max3A_1020 = arith.constant 0.000000e+00 : f32
        %max3A_1021 = vector.broadcast %max3A_1020 : f32 to vector<16xf32>
        %max3A_1022 = arith.maximumf %add3A_1019, %max3A_1021 : vector<16xf32>
        %mul3A_1023 = arith.mulf %max3A_1022, %get3A_19 : vector<16xf32>
        %get3A_1024 = arith.index_cast %add3A_1006 : i32 to index
        %get3A_1025 = arith.constant 16 : index
        %get3A_1026 = tpu.vector_load %arg13[%get3A_1024, %get3A_1025] {strides = array<i32>} : memref<256x64xf32, #tpu.memory_space<vmem>>, vector<16xf32>,
        %get3A_1027 = arith.index_cast %add3A_1006 : i32 to index
        %get3A_1028 = arith.constant 16 : index
        %get3A_1029 = tpu.vector_load %arg15[%get3A_1027, %get3A_1028] {strides = array<i32>} : memref<256x64xf32, #tpu.memory_space<vmem>>, vector<16xf32>,
        %add3A_1030 = arith.addf %get3A_1026, %get3A_1029 : vector<16xf32>
        %mul3A_1031 = arith.mulf %broadcast_in_dim3A_1009, %get3A_5 : vector<16xf32>
        %add3A_1032 = arith.addf %mul3A_1031, %get3A_13 : vector<16xf32>
        %add3A_1033 = arith.addf %add3A_1030, %add3A_1032 : vector<16xf32>
        %max3A_1034 = arith.constant 0.000000e+00 : f32
        %max3A_1035 = vector.broadcast %max3A_1034 : f32 to vector<16xf32>
        %max3A_1036 = arith.maximumf %add3A_1033, %max3A_1035 : vector<16xf32>
        %mul3A_1037 = arith.mulf %max3A_1036, %get3A_21 : vector<16xf32>
        %add3A_1038 = arith.addf %mul3A_1023, %mul3A_1037 : vector<16xf32>
        %get3A_1039 = arith.index_cast %add3A_1006 : i32 to index
        %get3A_1040 = arith.constant 32 : index
        %get3A_1041 = tpu.vector_load %arg13[%get3A_1039, %get3A_1040] {strides = array<i32>} : memref<256x64xf32, #tpu.memory_space<vmem>>, vector<16xf32>,
        %get3A_1042 = arith.index_cast %add3A_1006 : i32 to index
        %get3A_1043 = arith.constant 32 : index
        %get3A_1044 = tpu.vector_load %arg15[%get3A_1042, %get3A_1043] {strides = array<i32>} : memref<256x64xf32, #tpu.memory_space<vmem>>, vector<16xf32>,
        %add3A_1045 = arith.addf %get3A_1041, %get3A_1044 : vector<16xf32>
        %mul3A_1046 = arith.mulf %broadcast_in_dim3A_1009, %get3A_7 : vector<16xf32>
        %add3A_1047 = arith.addf %mul3A_1046, %get3A_15 : vector<16xf32>
        %add3A_1048 = arith.addf %add3A_1045, %add3A_1047 : vector<16xf32>
        %max3A_1049 = arith.constant 0.000000e+00 : f32
        %max3A_1050 = vector.broadcast %max3A_1049 : f32 to vector<16xf32>
        %max3A_1051 = arith.maximumf %add3A_1048, %max3A_1050 : vector<16xf32>
        %mul3A_1052 = arith.mulf %max3A_1051, %get3A_23 : vector<16xf32>
        %add3A_1053 = arith.addf %add3A_1038, %mul3A_1052 : vector<16xf32>
        %get3A_1054 = arith.index_cast %add3A_1006 : i32 to index
        %get3A_1055 = arith.constant 48 : index
        %get3A_1056 = tpu.vector_load %arg13[%get3A_1054, %get3A_1055] {strides = array<i32>} : memref<256x64xf32, #tpu.memory_space<vmem>>, vector<16xf32>,
        %get3A_1057 = arith.index_cast %add3A_1006 : i32 to index
        %get3A_1058 = arith.constant 48 : index
        %get3A_1059 = tpu.vector_load %arg15[%get3A_1057, %get3A_1058] {strides = array<i32>} : memref<256x64xf32, #tpu.memory_space<vmem>>, vector<16xf32>,
        %add3A_1060 = arith.addf %get3A_1056, %get3A_1059 : vector<16xf32>
        %mul3A_1061 = arith.mulf %broadcast_in_dim3A_1009, %get3A_9 : vector<16xf32>
        %add3A_1062 = arith.addf %mul3A_1061, %get3A_17 : vector<16xf32>
        %add3A_1063 = arith.addf %add3A_1060, %add3A_1062 : vector<16xf32>
        %max3A_1064 = arith.constant 0.000000e+00 : f32
        %max3A_1065 = vector.broadcast %max3A_1064 : f32 to vector<16xf32>
        %max3A_1066 = arith.maximumf %add3A_1063, %max3A_1065 : vector<16xf32>
        %mul3A_1067 = arith.mulf %max3A_1066, %get3A_25 : vector<16xf32>
        %add3A_1068 = arith.addf %add3A_1053, %mul3A_1067 : vector<16xf32>
        %broadcast_in_dim3A_1069 = vector.shape_cast %xor3A_29 : vector<16xi32> to vector<16x1xi32>
        %gather3A_1070 = vector.shape_cast %broadcast_in_dim3A_1069 : vector<16x1xi32> to vector<16xi32>
        %gather3A_1071 = tpu.dynamic_gather %add3A_1068[%gather3A_1070] in [0] : vector<16xf32>, vector<16xi32> -> vector<16xf32>
        %add3A_1072 = arith.addf %add3A_1068, %gather3A_1071 : vector<16xf32>
        %broadcast_in_dim3A_1073 = vector.shape_cast %xor3A_32 : vector<16xi32> to vector<16x1xi32>
        %gather3A_1074 = vector.shape_cast %broadcast_in_dim3A_1073 : vector<16x1xi32> to vector<16xi32>
        %gather3A_1075 = tpu.dynamic_gather %add3A_1072[%gather3A_1074] in [0] : vector<16xf32>, vector<16xi32> -> vector<16xf32>
        %add3A_1076 = arith.addf %add3A_1072, %gather3A_1075 : vector<16xf32>
        %broadcast_in_dim3A_1077 = vector.shape_cast %xor3A_35 : vector<16xi32> to vector<16x1xi32>
        %gather3A_1078 = vector.shape_cast %broadcast_in_dim3A_1077 : vector<16x1xi32> to vector<16xi32>
        %gather3A_1079 = tpu.dynamic_gather %add3A_1076[%gather3A_1078] in [0] : vector<16xf32>, vector<16xi32> -> vector<16xf32>
        %add3A_1080 = arith.addf %add3A_1076, %gather3A_1079 : vector<16xf32>
        %broadcast_in_dim3A_1081 = vector.shape_cast %xor3A_38 : vector<16xi32> to vector<16x1xi32>
        %gather3A_1082 = vector.shape_cast %broadcast_in_dim3A_1081 : vector<16x1xi32> to vector<16xi32>
        %gather3A_1083 = tpu.dynamic_gather %add3A_1080[%gather3A_1082] in [0] : vector<16xf32>, vector<16xi32> -> vector<16xf32>
        %add3A_1084 = arith.addf %add3A_1080, %gather3A_1083 : vector<16xf32>
        %eq3A_1085 = arith.constant 10 : i32
        %eq3A_1086 = vector.broadcast %eq3A_1085 : i32 to vector<16xi32>
        %eq3A_1087 = arith.cmpi eq, %iota3A, %eq3A_1086 : vector<16xi32>
        %select_n3A_1088 = arith.select %eq3A_1087, %add3A_1084, %select_n3A_1004 : vector<16xi1>, vector<16xf32>
        %add3A_1089 = arith.constant 11 : i32
        %add3A_1090 = arith.addi %mul3A_162, %add3A_1089 : i32
        %slice3A_1091 = vector.extract_strided_slice %get3A_165 {offsets = [11], sizes = [1], strides = [1]} : vector<16xf32> to vector<1xf32>
        %squeeze3A_1092 = vector.extract %slice3A_1091[0] : f32 from vector<1xf32>
        %broadcast_in_dim3A_1093 = vector.broadcast %squeeze3A_1092 : f32 to vector<16xf32>
        %get3A_1094 = arith.index_cast %add3A_1090 : i32 to index
        %get3A_1095 = arith.constant 0 : index
        %get3A_1096 = tpu.vector_load %arg13[%get3A_1094, %get3A_1095] {strides = array<i32>} : memref<256x64xf32, #tpu.memory_space<vmem>>, vector<16xf32>,
        %get3A_1097 = arith.index_cast %add3A_1090 : i32 to index
        %get3A_1098 = arith.constant 0 : index
        %get3A_1099 = tpu.vector_load %arg15[%get3A_1097, %get3A_1098] {strides = array<i32>} : memref<256x64xf32, #tpu.memory_space<vmem>>, vector<16xf32>,
        %add3A_1100 = arith.addf %get3A_1096, %get3A_1099 : vector<16xf32>
        %mul3A_1101 = arith.mulf %broadcast_in_dim3A_1093, %get3A_3 : vector<16xf32>
        %add3A_1102 = arith.addf %mul3A_1101, %get3A_11 : vector<16xf32>
        %add3A_1103 = arith.addf %add3A_1100, %add3A_1102 : vector<16xf32>
        %max3A_1104 = arith.constant 0.000000e+00 : f32
        %max3A_1105 = vector.broadcast %max3A_1104 : f32 to vector<16xf32>
        %max3A_1106 = arith.maximumf %add3A_1103, %max3A_1105 : vector<16xf32>
        %mul3A_1107 = arith.mulf %max3A_1106, %get3A_19 : vector<16xf32>
        %get3A_1108 = arith.index_cast %add3A_1090 : i32 to index
        %get3A_1109 = arith.constant 16 : index
        %get3A_1110 = tpu.vector_load %arg13[%get3A_1108, %get3A_1109] {strides = array<i32>} : memref<256x64xf32, #tpu.memory_space<vmem>>, vector<16xf32>,
        %get3A_1111 = arith.index_cast %add3A_1090 : i32 to index
        %get3A_1112 = arith.constant 16 : index
        %get3A_1113 = tpu.vector_load %arg15[%get3A_1111, %get3A_1112] {strides = array<i32>} : memref<256x64xf32, #tpu.memory_space<vmem>>, vector<16xf32>,
        %add3A_1114 = arith.addf %get3A_1110, %get3A_1113 : vector<16xf32>
        %mul3A_1115 = arith.mulf %broadcast_in_dim3A_1093, %get3A_5 : vector<16xf32>
        %add3A_1116 = arith.addf %mul3A_1115, %get3A_13 : vector<16xf32>
        %add3A_1117 = arith.addf %add3A_1114, %add3A_1116 : vector<16xf32>
        %max3A_1118 = arith.constant 0.000000e+00 : f32
        %max3A_1119 = vector.broadcast %max3A_1118 : f32 to vector<16xf32>
        %max3A_1120 = arith.maximumf %add3A_1117, %max3A_1119 : vector<16xf32>
        %mul3A_1121 = arith.mulf %max3A_1120, %get3A_21 : vector<16xf32>
        %add3A_1122 = arith.addf %mul3A_1107, %mul3A_1121 : vector<16xf32>
        %get3A_1123 = arith.index_cast %add3A_1090 : i32 to index
        %get3A_1124 = arith.constant 32 : index
        %get3A_1125 = tpu.vector_load %arg13[%get3A_1123, %get3A_1124] {strides = array<i32>} : memref<256x64xf32, #tpu.memory_space<vmem>>, vector<16xf32>,
        %get3A_1126 = arith.index_cast %add3A_1090 : i32 to index
        %get3A_1127 = arith.constant 32 : index
        %get3A_1128 = tpu.vector_load %arg15[%get3A_1126, %get3A_1127] {strides = array<i32>} : memref<256x64xf32, #tpu.memory_space<vmem>>, vector<16xf32>,
        %add3A_1129 = arith.addf %get3A_1125, %get3A_1128 : vector<16xf32>
        %mul3A_1130 = arith.mulf %broadcast_in_dim3A_1093, %get3A_7 : vector<16xf32>
        %add3A_1131 = arith.addf %mul3A_1130, %get3A_15 : vector<16xf32>
        %add3A_1132 = arith.addf %add3A_1129, %add3A_1131 : vector<16xf32>
        %max3A_1133 = arith.constant 0.000000e+00 : f32
        %max3A_1134 = vector.broadcast %max3A_1133 : f32 to vector<16xf32>
        %max3A_1135 = arith.maximumf %add3A_1132, %max3A_1134 : vector<16xf32>
        %mul3A_1136 = arith.mulf %max3A_1135, %get3A_23 : vector<16xf32>
        %add3A_1137 = arith.addf %add3A_1122, %mul3A_1136 : vector<16xf32>
        %get3A_1138 = arith.index_cast %add3A_1090 : i32 to index
        %get3A_1139 = arith.constant 48 : index
        %get3A_1140 = tpu.vector_load %arg13[%get3A_1138, %get3A_1139] {strides = array<i32>} : memref<256x64xf32, #tpu.memory_space<vmem>>, vector<16xf32>,
        %get3A_1141 = arith.index_cast %add3A_1090 : i32 to index
        %get3A_1142 = arith.constant 48 : index
        %get3A_1143 = tpu.vector_load %arg15[%get3A_1141, %get3A_1142] {strides = array<i32>} : memref<256x64xf32, #tpu.memory_space<vmem>>, vector<16xf32>,
        %add3A_1144 = arith.addf %get3A_1140, %get3A_1143 : vector<16xf32>
        %mul3A_1145 = arith.mulf %broadcast_in_dim3A_1093, %get3A_9 : vector<16xf32>
        %add3A_1146 = arith.addf %mul3A_1145, %get3A_17 : vector<16xf32>
        %add3A_1147 = arith.addf %add3A_1144, %add3A_1146 : vector<16xf32>
        %max3A_1148 = arith.constant 0.000000e+00 : f32
        %max3A_1149 = vector.broadcast %max3A_1148 : f32 to vector<16xf32>
        %max3A_1150 = arith.maximumf %add3A_1147, %max3A_1149 : vector<16xf32>
        %mul3A_1151 = arith.mulf %max3A_1150, %get3A_25 : vector<16xf32>
        %add3A_1152 = arith.addf %add3A_1137, %mul3A_1151 : vector<16xf32>
        %broadcast_in_dim3A_1153 = vector.shape_cast %xor3A_29 : vector<16xi32> to vector<16x1xi32>
        %gather3A_1154 = vector.shape_cast %broadcast_in_dim3A_1153 : vector<16x1xi32> to vector<16xi32>
        %gather3A_1155 = tpu.dynamic_gather %add3A_1152[%gather3A_1154] in [0] : vector<16xf32>, vector<16xi32> -> vector<16xf32>
        %add3A_1156 = arith.addf %add3A_1152, %gather3A_1155 : vector<16xf32>
        %broadcast_in_dim3A_1157 = vector.shape_cast %xor3A_32 : vector<16xi32> to vector<16x1xi32>
        %gather3A_1158 = vector.shape_cast %broadcast_in_dim3A_1157 : vector<16x1xi32> to vector<16xi32>
        %gather3A_1159 = tpu.dynamic_gather %add3A_1156[%gather3A_1158] in [0] : vector<16xf32>, vector<16xi32> -> vector<16xf32>
        %add3A_1160 = arith.addf %add3A_1156, %gather3A_1159 : vector<16xf32>
        %broadcast_in_dim3A_1161 = vector.shape_cast %xor3A_35 : vector<16xi32> to vector<16x1xi32>
        %gather3A_1162 = vector.shape_cast %broadcast_in_dim3A_1161 : vector<16x1xi32> to vector<16xi32>
        %gather3A_1163 = tpu.dynamic_gather %add3A_1160[%gather3A_1162] in [0] : vector<16xf32>, vector<16xi32> -> vector<16xf32>
        %add3A_1164 = arith.addf %add3A_1160, %gather3A_1163 : vector<16xf32>
        %broadcast_in_dim3A_1165 = vector.shape_cast %xor3A_38 : vector<16xi32> to vector<16x1xi32>
        %gather3A_1166 = vector.shape_cast %broadcast_in_dim3A_1165 : vector<16x1xi32> to vector<16xi32>
        %gather3A_1167 = tpu.dynamic_gather %add3A_1164[%gather3A_1166] in [0] : vector<16xf32>, vector<16xi32> -> vector<16xf32>
        %add3A_1168 = arith.addf %add3A_1164, %gather3A_1167 : vector<16xf32>
        %eq3A_1169 = arith.constant 11 : i32
        %eq3A_1170 = vector.broadcast %eq3A_1169 : i32 to vector<16xi32>
        %eq3A_1171 = arith.cmpi eq, %iota3A, %eq3A_1170 : vector<16xi32>
        %select_n3A_1172 = arith.select %eq3A_1171, %add3A_1168, %select_n3A_1088 : vector<16xi1>, vector<16xf32>
        %add3A_1173 = arith.constant 12 : i32
        %add3A_1174 = arith.addi %mul3A_162, %add3A_1173 : i32
        %slice3A_1175 = vector.extract_strided_slice %get3A_165 {offsets = [12], sizes = [1], strides = [1]} : vector<16xf32> to vector<1xf32>
        %squeeze3A_1176 = vector.extract %slice3A_1175[0] : f32 from vector<1xf32>
        %broadcast_in_dim3A_1177 = vector.broadcast %squeeze3A_1176 : f32 to vector<16xf32>
        %get3A_1178 = arith.index_cast %add3A_1174 : i32 to index
        %get3A_1179 = arith.constant 0 : index
        %get3A_1180 = tpu.vector_load %arg13[%get3A_1178, %get3A_1179] {strides = array<i32>} : memref<256x64xf32, #tpu.memory_space<vmem>>, vector<16xf32>,
        %get3A_1181 = arith.index_cast %add3A_1174 : i32 to index
        %get3A_1182 = arith.constant 0 : index
        %get3A_1183 = tpu.vector_load %arg15[%get3A_1181, %get3A_1182] {strides = array<i32>} : memref<256x64xf32, #tpu.memory_space<vmem>>, vector<16xf32>,
        %add3A_1184 = arith.addf %get3A_1180, %get3A_1183 : vector<16xf32>
        %mul3A_1185 = arith.mulf %broadcast_in_dim3A_1177, %get3A_3 : vector<16xf32>
        %add3A_1186 = arith.addf %mul3A_1185, %get3A_11 : vector<16xf32>
        %add3A_1187 = arith.addf %add3A_1184, %add3A_1186 : vector<16xf32>
        %max3A_1188 = arith.constant 0.000000e+00 : f32
        %max3A_1189 = vector.broadcast %max3A_1188 : f32 to vector<16xf32>
        %max3A_1190 = arith.maximumf %add3A_1187, %max3A_1189 : vector<16xf32>
        %mul3A_1191 = arith.mulf %max3A_1190, %get3A_19 : vector<16xf32>
        %get3A_1192 = arith.index_cast %add3A_1174 : i32 to index
        %get3A_1193 = arith.constant 16 : index
        %get3A_1194 = tpu.vector_load %arg13[%get3A_1192, %get3A_1193] {strides = array<i32>} : memref<256x64xf32, #tpu.memory_space<vmem>>, vector<16xf32>,
        %get3A_1195 = arith.index_cast %add3A_1174 : i32 to index
        %get3A_1196 = arith.constant 16 : index
        %get3A_1197 = tpu.vector_load %arg15[%get3A_1195, %get3A_1196] {strides = array<i32>} : memref<256x64xf32, #tpu.memory_space<vmem>>, vector<16xf32>,
        %add3A_1198 = arith.addf %get3A_1194, %get3A_1197 : vector<16xf32>
        %mul3A_1199 = arith.mulf %broadcast_in_dim3A_1177, %get3A_5 : vector<16xf32>
        %add3A_1200 = arith.addf %mul3A_1199, %get3A_13 : vector<16xf32>
        %add3A_1201 = arith.addf %add3A_1198, %add3A_1200 : vector<16xf32>
        %max3A_1202 = arith.constant 0.000000e+00 : f32
        %max3A_1203 = vector.broadcast %max3A_1202 : f32 to vector<16xf32>
        %max3A_1204 = arith.maximumf %add3A_1201, %max3A_1203 : vector<16xf32>
        %mul3A_1205 = arith.mulf %max3A_1204, %get3A_21 : vector<16xf32>
        %add3A_1206 = arith.addf %mul3A_1191, %mul3A_1205 : vector<16xf32>
        %get3A_1207 = arith.index_cast %add3A_1174 : i32 to index
        %get3A_1208 = arith.constant 32 : index
        %get3A_1209 = tpu.vector_load %arg13[%get3A_1207, %get3A_1208] {strides = array<i32>} : memref<256x64xf32, #tpu.memory_space<vmem>>, vector<16xf32>,
        %get3A_1210 = arith.index_cast %add3A_1174 : i32 to index
        %get3A_1211 = arith.constant 32 : index
        %get3A_1212 = tpu.vector_load %arg15[%get3A_1210, %get3A_1211] {strides = array<i32>} : memref<256x64xf32, #tpu.memory_space<vmem>>, vector<16xf32>,
        %add3A_1213 = arith.addf %get3A_1209, %get3A_1212 : vector<16xf32>
        %mul3A_1214 = arith.mulf %broadcast_in_dim3A_1177, %get3A_7 : vector<16xf32>
        %add3A_1215 = arith.addf %mul3A_1214, %get3A_15 : vector<16xf32>
        %add3A_1216 = arith.addf %add3A_1213, %add3A_1215 : vector<16xf32>
        %max3A_1217 = arith.constant 0.000000e+00 : f32
        %max3A_1218 = vector.broadcast %max3A_1217 : f32 to vector<16xf32>
        %max3A_1219 = arith.maximumf %add3A_1216, %max3A_1218 : vector<16xf32>
        %mul3A_1220 = arith.mulf %max3A_1219, %get3A_23 : vector<16xf32>
        %add3A_1221 = arith.addf %add3A_1206, %mul3A_1220 : vector<16xf32>
        %get3A_1222 = arith.index_cast %add3A_1174 : i32 to index
        %get3A_1223 = arith.constant 48 : index
        %get3A_1224 = tpu.vector_load %arg13[%get3A_1222, %get3A_1223] {strides = array<i32>} : memref<256x64xf32, #tpu.memory_space<vmem>>, vector<16xf32>,
        %get3A_1225 = arith.index_cast %add3A_1174 : i32 to index
        %get3A_1226 = arith.constant 48 : index
        %get3A_1227 = tpu.vector_load %arg15[%get3A_1225, %get3A_1226] {strides = array<i32>} : memref<256x64xf32, #tpu.memory_space<vmem>>, vector<16xf32>,
        %add3A_1228 = arith.addf %get3A_1224, %get3A_1227 : vector<16xf32>
        %mul3A_1229 = arith.mulf %broadcast_in_dim3A_1177, %get3A_9 : vector<16xf32>
        %add3A_1230 = arith.addf %mul3A_1229, %get3A_17 : vector<16xf32>
        %add3A_1231 = arith.addf %add3A_1228, %add3A_1230 : vector<16xf32>
        %max3A_1232 = arith.constant 0.000000e+00 : f32
        %max3A_1233 = vector.broadcast %max3A_1232 : f32 to vector<16xf32>
        %max3A_1234 = arith.maximumf %add3A_1231, %max3A_1233 : vector<16xf32>
        %mul3A_1235 = arith.mulf %max3A_1234, %get3A_25 : vector<16xf32>
        %add3A_1236 = arith.addf %add3A_1221, %mul3A_1235 : vector<16xf32>
        %broadcast_in_dim3A_1237 = vector.shape_cast %xor3A_29 : vector<16xi32> to vector<16x1xi32>
        %gather3A_1238 = vector.shape_cast %broadcast_in_dim3A_1237 : vector<16x1xi32> to vector<16xi32>
        %gather3A_1239 = tpu.dynamic_gather %add3A_1236[%gather3A_1238] in [0] : vector<16xf32>, vector<16xi32> -> vector<16xf32>
        %add3A_1240 = arith.addf %add3A_1236, %gather3A_1239 : vector<16xf32>
        %broadcast_in_dim3A_1241 = vector.shape_cast %xor3A_32 : vector<16xi32> to vector<16x1xi32>
        %gather3A_1242 = vector.shape_cast %broadcast_in_dim3A_1241 : vector<16x1xi32> to vector<16xi32>
        %gather3A_1243 = tpu.dynamic_gather %add3A_1240[%gather3A_1242] in [0] : vector<16xf32>, vector<16xi32> -> vector<16xf32>
        %add3A_1244 = arith.addf %add3A_1240, %gather3A_1243 : vector<16xf32>
        %broadcast_in_dim3A_1245 = vector.shape_cast %xor3A_35 : vector<16xi32> to vector<16x1xi32>
        %gather3A_1246 = vector.shape_cast %broadcast_in_dim3A_1245 : vector<16x1xi32> to vector<16xi32>
        %gather3A_1247 = tpu.dynamic_gather %add3A_1244[%gather3A_1246] in [0] : vector<16xf32>, vector<16xi32> -> vector<16xf32>
        %add3A_1248 = arith.addf %add3A_1244, %gather3A_1247 : vector<16xf32>
        %broadcast_in_dim3A_1249 = vector.shape_cast %xor3A_38 : vector<16xi32> to vector<16x1xi32>
        %gather3A_1250 = vector.shape_cast %broadcast_in_dim3A_1249 : vector<16x1xi32> to vector<16xi32>
        %gather3A_1251 = tpu.dynamic_gather %add3A_1248[%gather3A_1250] in [0] : vector<16xf32>, vector<16xi32> -> vector<16xf32>
        %add3A_1252 = arith.addf %add3A_1248, %gather3A_1251 : vector<16xf32>
        %eq3A_1253 = arith.constant 12 : i32
        %eq3A_1254 = vector.broadcast %eq3A_1253 : i32 to vector<16xi32>
        %eq3A_1255 = arith.cmpi eq, %iota3A, %eq3A_1254 : vector<16xi32>
        %select_n3A_1256 = arith.select %eq3A_1255, %add3A_1252, %select_n3A_1172 : vector<16xi1>, vector<16xf32>
        %add3A_1257 = arith.constant 13 : i32
        %add3A_1258 = arith.addi %mul3A_162, %add3A_1257 : i32
        %slice3A_1259 = vector.extract_strided_slice %get3A_165 {offsets = [13], sizes = [1], strides = [1]} : vector<16xf32> to vector<1xf32>
        %squeeze3A_1260 = vector.extract %slice3A_1259[0] : f32 from vector<1xf32>
        %broadcast_in_dim3A_1261 = vector.broadcast %squeeze3A_1260 : f32 to vector<16xf32>
        %get3A_1262 = arith.index_cast %add3A_1258 : i32 to index
        %get3A_1263 = arith.constant 0 : index
        %get3A_1264 = tpu.vector_load %arg13[%get3A_1262, %get3A_1263] {strides = array<i32>} : memref<256x64xf32, #tpu.memory_space<vmem>>, vector<16xf32>,
        %get3A_1265 = arith.index_cast %add3A_1258 : i32 to index
        %get3A_1266 = arith.constant 0 : index
        %get3A_1267 = tpu.vector_load %arg15[%get3A_1265, %get3A_1266] {strides = array<i32>} : memref<256x64xf32, #tpu.memory_space<vmem>>, vector<16xf32>,
        %add3A_1268 = arith.addf %get3A_1264, %get3A_1267 : vector<16xf32>
        %mul3A_1269 = arith.mulf %broadcast_in_dim3A_1261, %get3A_3 : vector<16xf32>
        %add3A_1270 = arith.addf %mul3A_1269, %get3A_11 : vector<16xf32>
        %add3A_1271 = arith.addf %add3A_1268, %add3A_1270 : vector<16xf32>
        %max3A_1272 = arith.constant 0.000000e+00 : f32
        %max3A_1273 = vector.broadcast %max3A_1272 : f32 to vector<16xf32>
        %max3A_1274 = arith.maximumf %add3A_1271, %max3A_1273 : vector<16xf32>
        %mul3A_1275 = arith.mulf %max3A_1274, %get3A_19 : vector<16xf32>
        %get3A_1276 = arith.index_cast %add3A_1258 : i32 to index
        %get3A_1277 = arith.constant 16 : index
        %get3A_1278 = tpu.vector_load %arg13[%get3A_1276, %get3A_1277] {strides = array<i32>} : memref<256x64xf32, #tpu.memory_space<vmem>>, vector<16xf32>,
        %get3A_1279 = arith.index_cast %add3A_1258 : i32 to index
        %get3A_1280 = arith.constant 16 : index
        %get3A_1281 = tpu.vector_load %arg15[%get3A_1279, %get3A_1280] {strides = array<i32>} : memref<256x64xf32, #tpu.memory_space<vmem>>, vector<16xf32>,
        %add3A_1282 = arith.addf %get3A_1278, %get3A_1281 : vector<16xf32>
        %mul3A_1283 = arith.mulf %broadcast_in_dim3A_1261, %get3A_5 : vector<16xf32>
        %add3A_1284 = arith.addf %mul3A_1283, %get3A_13 : vector<16xf32>
        %add3A_1285 = arith.addf %add3A_1282, %add3A_1284 : vector<16xf32>
        %max3A_1286 = arith.constant 0.000000e+00 : f32
        %max3A_1287 = vector.broadcast %max3A_1286 : f32 to vector<16xf32>
        %max3A_1288 = arith.maximumf %add3A_1285, %max3A_1287 : vector<16xf32>
        %mul3A_1289 = arith.mulf %max3A_1288, %get3A_21 : vector<16xf32>
        %add3A_1290 = arith.addf %mul3A_1275, %mul3A_1289 : vector<16xf32>
        %get3A_1291 = arith.index_cast %add3A_1258 : i32 to index
        %get3A_1292 = arith.constant 32 : index
        %get3A_1293 = tpu.vector_load %arg13[%get3A_1291, %get3A_1292] {strides = array<i32>} : memref<256x64xf32, #tpu.memory_space<vmem>>, vector<16xf32>,
        %get3A_1294 = arith.index_cast %add3A_1258 : i32 to index
        %get3A_1295 = arith.constant 32 : index
        %get3A_1296 = tpu.vector_load %arg15[%get3A_1294, %get3A_1295] {strides = array<i32>} : memref<256x64xf32, #tpu.memory_space<vmem>>, vector<16xf32>,
        %add3A_1297 = arith.addf %get3A_1293, %get3A_1296 : vector<16xf32>
        %mul3A_1298 = arith.mulf %broadcast_in_dim3A_1261, %get3A_7 : vector<16xf32>
        %add3A_1299 = arith.addf %mul3A_1298, %get3A_15 : vector<16xf32>
        %add3A_1300 = arith.addf %add3A_1297, %add3A_1299 : vector<16xf32>
        %max3A_1301 = arith.constant 0.000000e+00 : f32
        %max3A_1302 = vector.broadcast %max3A_1301 : f32 to vector<16xf32>
        %max3A_1303 = arith.maximumf %add3A_1300, %max3A_1302 : vector<16xf32>
        %mul3A_1304 = arith.mulf %max3A_1303, %get3A_23 : vector<16xf32>
        %add3A_1305 = arith.addf %add3A_1290, %mul3A_1304 : vector<16xf32>
        %get3A_1306 = arith.index_cast %add3A_1258 : i32 to index
        %get3A_1307 = arith.constant 48 : index
        %get3A_1308 = tpu.vector_load %arg13[%get3A_1306, %get3A_1307] {strides = array<i32>} : memref<256x64xf32, #tpu.memory_space<vmem>>, vector<16xf32>,
        %get3A_1309 = arith.index_cast %add3A_1258 : i32 to index
        %get3A_1310 = arith.constant 48 : index
        %get3A_1311 = tpu.vector_load %arg15[%get3A_1309, %get3A_1310] {strides = array<i32>} : memref<256x64xf32, #tpu.memory_space<vmem>>, vector<16xf32>,
        %add3A_1312 = arith.addf %get3A_1308, %get3A_1311 : vector<16xf32>
        %mul3A_1313 = arith.mulf %broadcast_in_dim3A_1261, %get3A_9 : vector<16xf32>
        %add3A_1314 = arith.addf %mul3A_1313, %get3A_17 : vector<16xf32>
        %add3A_1315 = arith.addf %add3A_1312, %add3A_1314 : vector<16xf32>
        %max3A_1316 = arith.constant 0.000000e+00 : f32
        %max3A_1317 = vector.broadcast %max3A_1316 : f32 to vector<16xf32>
        %max3A_1318 = arith.maximumf %add3A_1315, %max3A_1317 : vector<16xf32>
        %mul3A_1319 = arith.mulf %max3A_1318, %get3A_25 : vector<16xf32>
        %add3A_1320 = arith.addf %add3A_1305, %mul3A_1319 : vector<16xf32>
        %broadcast_in_dim3A_1321 = vector.shape_cast %xor3A_29 : vector<16xi32> to vector<16x1xi32>
        %gather3A_1322 = vector.shape_cast %broadcast_in_dim3A_1321 : vector<16x1xi32> to vector<16xi32>
        %gather3A_1323 = tpu.dynamic_gather %add3A_1320[%gather3A_1322] in [0] : vector<16xf32>, vector<16xi32> -> vector<16xf32>
        %add3A_1324 = arith.addf %add3A_1320, %gather3A_1323 : vector<16xf32>
        %broadcast_in_dim3A_1325 = vector.shape_cast %xor3A_32 : vector<16xi32> to vector<16x1xi32>
        %gather3A_1326 = vector.shape_cast %broadcast_in_dim3A_1325 : vector<16x1xi32> to vector<16xi32>
        %gather3A_1327 = tpu.dynamic_gather %add3A_1324[%gather3A_1326] in [0] : vector<16xf32>, vector<16xi32> -> vector<16xf32>
        %add3A_1328 = arith.addf %add3A_1324, %gather3A_1327 : vector<16xf32>
        %broadcast_in_dim3A_1329 = vector.shape_cast %xor3A_35 : vector<16xi32> to vector<16x1xi32>
        %gather3A_1330 = vector.shape_cast %broadcast_in_dim3A_1329 : vector<16x1xi32> to vector<16xi32>
        %gather3A_1331 = tpu.dynamic_gather %add3A_1328[%gather3A_1330] in [0] : vector<16xf32>, vector<16xi32> -> vector<16xf32>
        %add3A_1332 = arith.addf %add3A_1328, %gather3A_1331 : vector<16xf32>
        %broadcast_in_dim3A_1333 = vector.shape_cast %xor3A_38 : vector<16xi32> to vector<16x1xi32>
        %gather3A_1334 = vector.shape_cast %broadcast_in_dim3A_1333 : vector<16x1xi32> to vector<16xi32>
        %gather3A_1335 = tpu.dynamic_gather %add3A_1332[%gather3A_1334] in [0] : vector<16xf32>, vector<16xi32> -> vector<16xf32>
        %add3A_1336 = arith.addf %add3A_1332, %gather3A_1335 : vector<16xf32>
        %eq3A_1337 = arith.constant 13 : i32
        %eq3A_1338 = vector.broadcast %eq3A_1337 : i32 to vector<16xi32>
        %eq3A_1339 = arith.cmpi eq, %iota3A, %eq3A_1338 : vector<16xi32>
        %select_n3A_1340 = arith.select %eq3A_1339, %add3A_1336, %select_n3A_1256 : vector<16xi1>, vector<16xf32>
        %add3A_1341 = arith.constant 14 : i32
        %add3A_1342 = arith.addi %mul3A_162, %add3A_1341 : i32
        %slice3A_1343 = vector.extract_strided_slice %get3A_165 {offsets = [14], sizes = [1], strides = [1]} : vector<16xf32> to vector<1xf32>
        %squeeze3A_1344 = vector.extract %slice3A_1343[0] : f32 from vector<1xf32>
        %broadcast_in_dim3A_1345 = vector.broadcast %squeeze3A_1344 : f32 to vector<16xf32>
        %get3A_1346 = arith.index_cast %add3A_1342 : i32 to index
        %get3A_1347 = arith.constant 0 : index
        %get3A_1348 = tpu.vector_load %arg13[%get3A_1346, %get3A_1347] {strides = array<i32>} : memref<256x64xf32, #tpu.memory_space<vmem>>, vector<16xf32>,
        %get3A_1349 = arith.index_cast %add3A_1342 : i32 to index
        %get3A_1350 = arith.constant 0 : index
        %get3A_1351 = tpu.vector_load %arg15[%get3A_1349, %get3A_1350] {strides = array<i32>} : memref<256x64xf32, #tpu.memory_space<vmem>>, vector<16xf32>,
        %add3A_1352 = arith.addf %get3A_1348, %get3A_1351 : vector<16xf32>
        %mul3A_1353 = arith.mulf %broadcast_in_dim3A_1345, %get3A_3 : vector<16xf32>
        %add3A_1354 = arith.addf %mul3A_1353, %get3A_11 : vector<16xf32>
        %add3A_1355 = arith.addf %add3A_1352, %add3A_1354 : vector<16xf32>
        %max3A_1356 = arith.constant 0.000000e+00 : f32
        %max3A_1357 = vector.broadcast %max3A_1356 : f32 to vector<16xf32>
        %max3A_1358 = arith.maximumf %add3A_1355, %max3A_1357 : vector<16xf32>
        %mul3A_1359 = arith.mulf %max3A_1358, %get3A_19 : vector<16xf32>
        %get3A_1360 = arith.index_cast %add3A_1342 : i32 to index
        %get3A_1361 = arith.constant 16 : index
        %get3A_1362 = tpu.vector_load %arg13[%get3A_1360, %get3A_1361] {strides = array<i32>} : memref<256x64xf32, #tpu.memory_space<vmem>>, vector<16xf32>,
        %get3A_1363 = arith.index_cast %add3A_1342 : i32 to index
        %get3A_1364 = arith.constant 16 : index
        %get3A_1365 = tpu.vector_load %arg15[%get3A_1363, %get3A_1364] {strides = array<i32>} : memref<256x64xf32, #tpu.memory_space<vmem>>, vector<16xf32>,
        %add3A_1366 = arith.addf %get3A_1362, %get3A_1365 : vector<16xf32>
        %mul3A_1367 = arith.mulf %broadcast_in_dim3A_1345, %get3A_5 : vector<16xf32>
        %add3A_1368 = arith.addf %mul3A_1367, %get3A_13 : vector<16xf32>
        %add3A_1369 = arith.addf %add3A_1366, %add3A_1368 : vector<16xf32>
        %max3A_1370 = arith.constant 0.000000e+00 : f32
        %max3A_1371 = vector.broadcast %max3A_1370 : f32 to vector<16xf32>
        %max3A_1372 = arith.maximumf %add3A_1369, %max3A_1371 : vector<16xf32>
        %mul3A_1373 = arith.mulf %max3A_1372, %get3A_21 : vector<16xf32>
        %add3A_1374 = arith.addf %mul3A_1359, %mul3A_1373 : vector<16xf32>
        %get3A_1375 = arith.index_cast %add3A_1342 : i32 to index
        %get3A_1376 = arith.constant 32 : index
        %get3A_1377 = tpu.vector_load %arg13[%get3A_1375, %get3A_1376] {strides = array<i32>} : memref<256x64xf32, #tpu.memory_space<vmem>>, vector<16xf32>,
        %get3A_1378 = arith.index_cast %add3A_1342 : i32 to index
        %get3A_1379 = arith.constant 32 : index
        %get3A_1380 = tpu.vector_load %arg15[%get3A_1378, %get3A_1379] {strides = array<i32>} : memref<256x64xf32, #tpu.memory_space<vmem>>, vector<16xf32>,
        %add3A_1381 = arith.addf %get3A_1377, %get3A_1380 : vector<16xf32>
        %mul3A_1382 = arith.mulf %broadcast_in_dim3A_1345, %get3A_7 : vector<16xf32>
        %add3A_1383 = arith.addf %mul3A_1382, %get3A_15 : vector<16xf32>
        %add3A_1384 = arith.addf %add3A_1381, %add3A_1383 : vector<16xf32>
        %max3A_1385 = arith.constant 0.000000e+00 : f32
        %max3A_1386 = vector.broadcast %max3A_1385 : f32 to vector<16xf32>
        %max3A_1387 = arith.maximumf %add3A_1384, %max3A_1386 : vector<16xf32>
        %mul3A_1388 = arith.mulf %max3A_1387, %get3A_23 : vector<16xf32>
        %add3A_1389 = arith.addf %add3A_1374, %mul3A_1388 : vector<16xf32>
        %get3A_1390 = arith.index_cast %add3A_1342 : i32 to index
        %get3A_1391 = arith.constant 48 : index
        %get3A_1392 = tpu.vector_load %arg13[%get3A_1390, %get3A_1391] {strides = array<i32>} : memref<256x64xf32, #tpu.memory_space<vmem>>, vector<16xf32>,
        %get3A_1393 = arith.index_cast %add3A_1342 : i32 to index
        %get3A_1394 = arith.constant 48 : index
        %get3A_1395 = tpu.vector_load %arg15[%get3A_1393, %get3A_1394] {strides = array<i32>} : memref<256x64xf32, #tpu.memory_space<vmem>>, vector<16xf32>,
        %add3A_1396 = arith.addf %get3A_1392, %get3A_1395 : vector<16xf32>
        %mul3A_1397 = arith.mulf %broadcast_in_dim3A_1345, %get3A_9 : vector<16xf32>
        %add3A_1398 = arith.addf %mul3A_1397, %get3A_17 : vector<16xf32>
        %add3A_1399 = arith.addf %add3A_1396, %add3A_1398 : vector<16xf32>
        %max3A_1400 = arith.constant 0.000000e+00 : f32
        %max3A_1401 = vector.broadcast %max3A_1400 : f32 to vector<16xf32>
        %max3A_1402 = arith.maximumf %add3A_1399, %max3A_1401 : vector<16xf32>
        %mul3A_1403 = arith.mulf %max3A_1402, %get3A_25 : vector<16xf32>
        %add3A_1404 = arith.addf %add3A_1389, %mul3A_1403 : vector<16xf32>
        %broadcast_in_dim3A_1405 = vector.shape_cast %xor3A_29 : vector<16xi32> to vector<16x1xi32>
        %gather3A_1406 = vector.shape_cast %broadcast_in_dim3A_1405 : vector<16x1xi32> to vector<16xi32>
        %gather3A_1407 = tpu.dynamic_gather %add3A_1404[%gather3A_1406] in [0] : vector<16xf32>, vector<16xi32> -> vector<16xf32>
        %add3A_1408 = arith.addf %add3A_1404, %gather3A_1407 : vector<16xf32>
        %broadcast_in_dim3A_1409 = vector.shape_cast %xor3A_32 : vector<16xi32> to vector<16x1xi32>
        %gather3A_1410 = vector.shape_cast %broadcast_in_dim3A_1409 : vector<16x1xi32> to vector<16xi32>
        %gather3A_1411 = tpu.dynamic_gather %add3A_1408[%gather3A_1410] in [0] : vector<16xf32>, vector<16xi32> -> vector<16xf32>
        %add3A_1412 = arith.addf %add3A_1408, %gather3A_1411 : vector<16xf32>
        %broadcast_in_dim3A_1413 = vector.shape_cast %xor3A_35 : vector<16xi32> to vector<16x1xi32>
        %gather3A_1414 = vector.shape_cast %broadcast_in_dim3A_1413 : vector<16x1xi32> to vector<16xi32>
        %gather3A_1415 = tpu.dynamic_gather %add3A_1412[%gather3A_1414] in [0] : vector<16xf32>, vector<16xi32> -> vector<16xf32>
        %add3A_1416 = arith.addf %add3A_1412, %gather3A_1415 : vector<16xf32>
        %broadcast_in_dim3A_1417 = vector.shape_cast %xor3A_38 : vector<16xi32> to vector<16x1xi32>
        %gather3A_1418 = vector.shape_cast %broadcast_in_dim3A_1417 : vector<16x1xi32> to vector<16xi32>
        %gather3A_1419 = tpu.dynamic_gather %add3A_1416[%gather3A_1418] in [0] : vector<16xf32>, vector<16xi32> -> vector<16xf32>
        %add3A_1420 = arith.addf %add3A_1416, %gather3A_1419 : vector<16xf32>
        %eq3A_1421 = arith.constant 14 : i32
        %eq3A_1422 = vector.broadcast %eq3A_1421 : i32 to vector<16xi32>
        %eq3A_1423 = arith.cmpi eq, %iota3A, %eq3A_1422 : vector<16xi32>
        %select_n3A_1424 = arith.select %eq3A_1423, %add3A_1420, %select_n3A_1340 : vector<16xi1>, vector<16xf32>
        %add3A_1425 = arith.constant 15 : i32
        %add3A_1426 = arith.addi %mul3A_162, %add3A_1425 : i32
        %slice3A_1427 = vector.extract_strided_slice %get3A_165 {offsets = [15], sizes = [1], strides = [1]} : vector<16xf32> to vector<1xf32>
        %squeeze3A_1428 = vector.extract %slice3A_1427[0] : f32 from vector<1xf32>
        %broadcast_in_dim3A_1429 = vector.broadcast %squeeze3A_1428 : f32 to vector<16xf32>
        %get3A_1430 = arith.index_cast %add3A_1426 : i32 to index
        %get3A_1431 = arith.constant 0 : index
        %get3A_1432 = tpu.vector_load %arg13[%get3A_1430, %get3A_1431] {strides = array<i32>} : memref<256x64xf32, #tpu.memory_space<vmem>>, vector<16xf32>,
        %get3A_1433 = arith.index_cast %add3A_1426 : i32 to index
        %get3A_1434 = arith.constant 0 : index
        %get3A_1435 = tpu.vector_load %arg15[%get3A_1433, %get3A_1434] {strides = array<i32>} : memref<256x64xf32, #tpu.memory_space<vmem>>, vector<16xf32>,
        %add3A_1436 = arith.addf %get3A_1432, %get3A_1435 : vector<16xf32>
        %mul3A_1437 = arith.mulf %broadcast_in_dim3A_1429, %get3A_3 : vector<16xf32>
        %add3A_1438 = arith.addf %mul3A_1437, %get3A_11 : vector<16xf32>
        %add3A_1439 = arith.addf %add3A_1436, %add3A_1438 : vector<16xf32>
        %max3A_1440 = arith.constant 0.000000e+00 : f32
        %max3A_1441 = vector.broadcast %max3A_1440 : f32 to vector<16xf32>
        %max3A_1442 = arith.maximumf %add3A_1439, %max3A_1441 : vector<16xf32>
        %mul3A_1443 = arith.mulf %max3A_1442, %get3A_19 : vector<16xf32>
        %get3A_1444 = arith.index_cast %add3A_1426 : i32 to index
        %get3A_1445 = arith.constant 16 : index
        %get3A_1446 = tpu.vector_load %arg13[%get3A_1444, %get3A_1445] {strides = array<i32>} : memref<256x64xf32, #tpu.memory_space<vmem>>, vector<16xf32>,
        %get3A_1447 = arith.index_cast %add3A_1426 : i32 to index
        %get3A_1448 = arith.constant 16 : index
        %get3A_1449 = tpu.vector_load %arg15[%get3A_1447, %get3A_1448] {strides = array<i32>} : memref<256x64xf32, #tpu.memory_space<vmem>>, vector<16xf32>,
        %add3A_1450 = arith.addf %get3A_1446, %get3A_1449 : vector<16xf32>
        %mul3A_1451 = arith.mulf %broadcast_in_dim3A_1429, %get3A_5 : vector<16xf32>
        %add3A_1452 = arith.addf %mul3A_1451, %get3A_13 : vector<16xf32>
        %add3A_1453 = arith.addf %add3A_1450, %add3A_1452 : vector<16xf32>
        %max3A_1454 = arith.constant 0.000000e+00 : f32
        %max3A_1455 = vector.broadcast %max3A_1454 : f32 to vector<16xf32>
        %max3A_1456 = arith.maximumf %add3A_1453, %max3A_1455 : vector<16xf32>
        %mul3A_1457 = arith.mulf %max3A_1456, %get3A_21 : vector<16xf32>
        %add3A_1458 = arith.addf %mul3A_1443, %mul3A_1457 : vector<16xf32>
        %get3A_1459 = arith.index_cast %add3A_1426 : i32 to index
        %get3A_1460 = arith.constant 32 : index
        %get3A_1461 = tpu.vector_load %arg13[%get3A_1459, %get3A_1460] {strides = array<i32>} : memref<256x64xf32, #tpu.memory_space<vmem>>, vector<16xf32>,
        %get3A_1462 = arith.index_cast %add3A_1426 : i32 to index
        %get3A_1463 = arith.constant 32 : index
        %get3A_1464 = tpu.vector_load %arg15[%get3A_1462, %get3A_1463] {strides = array<i32>} : memref<256x64xf32, #tpu.memory_space<vmem>>, vector<16xf32>,
        %add3A_1465 = arith.addf %get3A_1461, %get3A_1464 : vector<16xf32>
        %mul3A_1466 = arith.mulf %broadcast_in_dim3A_1429, %get3A_7 : vector<16xf32>
        %add3A_1467 = arith.addf %mul3A_1466, %get3A_15 : vector<16xf32>
        %add3A_1468 = arith.addf %add3A_1465, %add3A_1467 : vector<16xf32>
        %max3A_1469 = arith.constant 0.000000e+00 : f32
        %max3A_1470 = vector.broadcast %max3A_1469 : f32 to vector<16xf32>
        %max3A_1471 = arith.maximumf %add3A_1468, %max3A_1470 : vector<16xf32>
        %mul3A_1472 = arith.mulf %max3A_1471, %get3A_23 : vector<16xf32>
        %add3A_1473 = arith.addf %add3A_1458, %mul3A_1472 : vector<16xf32>
        %get3A_1474 = arith.index_cast %add3A_1426 : i32 to index
        %get3A_1475 = arith.constant 48 : index
        %get3A_1476 = tpu.vector_load %arg13[%get3A_1474, %get3A_1475] {strides = array<i32>} : memref<256x64xf32, #tpu.memory_space<vmem>>, vector<16xf32>,
        %get3A_1477 = arith.index_cast %add3A_1426 : i32 to index
        %get3A_1478 = arith.constant 48 : index
        %get3A_1479 = tpu.vector_load %arg15[%get3A_1477, %get3A_1478] {strides = array<i32>} : memref<256x64xf32, #tpu.memory_space<vmem>>, vector<16xf32>,
        %add3A_1480 = arith.addf %get3A_1476, %get3A_1479 : vector<16xf32>
        %mul3A_1481 = arith.mulf %broadcast_in_dim3A_1429, %get3A_9 : vector<16xf32>
        %add3A_1482 = arith.addf %mul3A_1481, %get3A_17 : vector<16xf32>
        %add3A_1483 = arith.addf %add3A_1480, %add3A_1482 : vector<16xf32>
        %max3A_1484 = arith.constant 0.000000e+00 : f32
        %max3A_1485 = vector.broadcast %max3A_1484 : f32 to vector<16xf32>
        %max3A_1486 = arith.maximumf %add3A_1483, %max3A_1485 : vector<16xf32>
        %mul3A_1487 = arith.mulf %max3A_1486, %get3A_25 : vector<16xf32>
        %add3A_1488 = arith.addf %add3A_1473, %mul3A_1487 : vector<16xf32>
        %broadcast_in_dim3A_1489 = vector.shape_cast %xor3A_29 : vector<16xi32> to vector<16x1xi32>
        %gather3A_1490 = vector.shape_cast %broadcast_in_dim3A_1489 : vector<16x1xi32> to vector<16xi32>
        %gather3A_1491 = tpu.dynamic_gather %add3A_1488[%gather3A_1490] in [0] : vector<16xf32>, vector<16xi32> -> vector<16xf32>
        %add3A_1492 = arith.addf %add3A_1488, %gather3A_1491 : vector<16xf32>
        %broadcast_in_dim3A_1493 = vector.shape_cast %xor3A_32 : vector<16xi32> to vector<16x1xi32>
        %gather3A_1494 = vector.shape_cast %broadcast_in_dim3A_1493 : vector<16x1xi32> to vector<16xi32>
        %gather3A_1495 = tpu.dynamic_gather %add3A_1492[%gather3A_1494] in [0] : vector<16xf32>, vector<16xi32> -> vector<16xf32>
        %add3A_1496 = arith.addf %add3A_1492, %gather3A_1495 : vector<16xf32>
        %broadcast_in_dim3A_1497 = vector.shape_cast %xor3A_35 : vector<16xi32> to vector<16x1xi32>
        %gather3A_1498 = vector.shape_cast %broadcast_in_dim3A_1497 : vector<16x1xi32> to vector<16xi32>
        %gather3A_1499 = tpu.dynamic_gather %add3A_1496[%gather3A_1498] in [0] : vector<16xf32>, vector<16xi32> -> vector<16xf32>
        %add3A_1500 = arith.addf %add3A_1496, %gather3A_1499 : vector<16xf32>
        %broadcast_in_dim3A_1501 = vector.shape_cast %xor3A_38 : vector<16xi32> to vector<16x1xi32>
        %gather3A_1502 = vector.shape_cast %broadcast_in_dim3A_1501 : vector<16x1xi32> to vector<16xi32>
        %gather3A_1503 = tpu.dynamic_gather %add3A_1500[%gather3A_1502] in [0] : vector<16xf32>, vector<16xi32> -> vector<16xf32>
        %add3A_1504 = arith.addf %add3A_1500, %gather3A_1503 : vector<16xf32>
        %eq3A_1505 = arith.constant 15 : i32
        %eq3A_1506 = vector.broadcast %eq3A_1505 : i32 to vector<16xi32>
        %eq3A_1507 = arith.cmpi eq, %iota3A, %eq3A_1506 : vector<16xi32>
        %select_n3A_1508 = arith.select %eq3A_1507, %add3A_1504, %select_n3A_1424 : vector<16xi1>, vector<16xf32>
        %eq3A_1509 = arith.cmpi eq, %get3A_168, %get3A_171 : vector<16xi32>
        %jit3A = arith.constant -1.000000e+09 : f32
        %broadcast_in_dim3A_1510 = vector.broadcast %jit3A : f32 to vector<16xf32>
        %select_n3A_1511 = arith.select %eq3A_1509, %broadcast_in_dim3A_1510, %select_n3A_1508 : vector<16xi1>, vector<16xf32>
        %swap3A = arith.index_cast %mul3A_162 : i32 to index
        %swap3A_1512 = tpu.vector_load %arg18[%swap3A] {strides = array<i32>} : memref<256xf32, #tpu.memory_space<vmem>>, vector<16xf32>,
        tpu.vector_store %arg18[%swap3A], %select_n3A_1511 {strides = array<i32>} : memref<256xf32, #tpu.memory_space<vmem>>, vector<16xf32>,
        %scan3A_1513 = arith.constant 0 : i32
        scf.yield %scan3A_1513 : i32
      }
      %scan3A_154 = arith.constant 16 : i32
      %add3A_155 = arith.addi %min3A_147, %mul3A_2 : i32
      %dma_start3A_156 = tpu.memref_slice %arg8[%add3A_155] : memref<320000xf32, #tpu.memory_space<hbm>> -> memref<256xf32, #tpu.memory_space<hbm>>
      %dma_start3A_157 = tpu.memref_slice %arg8[%add3A_155] : memref<320000xf32, #tpu.memory_space<hbm>> -> memref<256xf32, #tpu.memory_space<hbm>>
      tpu.enqueue_dma source(%arg18 : memref<256xf32, #tpu.memory_space<vmem>>) target(%dma_start3A_157 : memref<256xf32, #tpu.memory_space<hbm>>) target_semaphore(%arg24 : memref<!tpu.dma_semaphore, #tpu.memory_space<semaphore_mem>>)
      %scan3A_158 = arith.constant 0 : i32
      scf.yield %scan3A_158 : i32
    }
    %scan3A_56 = arith.constant 20 : i32
    %min3A_57 = arith.constant 9728 : i32
    %min3A_58 = arith.constant 9744 : i32
    %min3A_59 = arith.minsi %min3A_57, %min3A_58 : i32
    %add3A_60 = arith.addi %min3A_59, %mul3A_2 : i32
    %dma_wait3A = tpu.memref_slice %arg8[%add3A_60] : memref<320000xf32, #tpu.memory_space<hbm>> -> memref<256xf32, #tpu.memory_space<hbm>>
    %dma_wait3A_61 = tpu.memref_slice %arg8[%add3A_60] : memref<320000xf32, #tpu.memory_space<hbm>> -> memref<256xf32, #tpu.memory_space<hbm>>
    tpu.wait_dma2 semaphore(%arg23 : memref<!tpu.dma_semaphore, #tpu.memory_space<semaphore_mem>>) src(%arg17 : memref<256xf32, #tpu.memory_space<vmem>>) dst(%dma_wait3A_61 : memref<256xf32, #tpu.memory_space<hbm>>)
    %min3A_62 = arith.constant 9984 : i32
    %min3A_63 = arith.constant 9744 : i32
    %min3A_64 = arith.minsi %min3A_62, %min3A_63 : i32
    %add3A_65 = arith.addi %min3A_64, %mul3A_2 : i32
    %dma_wait3A_66 = tpu.memref_slice %arg8[%add3A_65] : memref<320000xf32, #tpu.memory_space<hbm>> -> memref<256xf32, #tpu.memory_space<hbm>>
    %dma_wait3A_67 = tpu.memref_slice %arg8[%add3A_65] : memref<320000xf32, #tpu.memory_space<hbm>> -> memref<256xf32, #tpu.memory_space<hbm>>
    tpu.wait_dma2 semaphore(%arg24 : memref<!tpu.dma_semaphore, #tpu.memory_space<semaphore_mem>>) src(%arg18 : memref<256xf32, #tpu.memory_space<vmem>>) dst(%dma_wait3A_67 : memref<256xf32, #tpu.memory_space<hbm>>)
    return
  }
}

module attributes {stable_mosaic.version = 14 : i64} {
  func.func @_tc1_body(%arg0: i32, %arg1: memref<1000x128xf32, #tpu.memory_space<vmem>>, %arg2: memref<1000x144xf32, #tpu.memory_space<vmem>>, %arg3: memref<1000x144xf32, #tpu.memory_space<vmem>>, %arg4: memref<128x128xf32, #tpu.memory_space<vmem>>, %arg5: memref<128x128xf32, #tpu.memory_space<vmem>>, %arg6: memref<1x128xf32, #tpu.memory_space<vmem>>, %arg7: memref<1000x128xf32, #tpu.memory_space<vmem>>, %arg8: memref<1000x1xf32, #tpu.memory_space<vmem>>) attributes {dimension_semantics = [#tpu.dimension_semantics<arbitrary>], iteration_bounds = array<i64: 10>, scalar_prefetch = 0 : i64, scratch_operands = 0 : i64, tpu.core_type = #tpu.core_type<tc>, window_params = [{transform_indices = @transform_0, window_bounds = array<i64: 1000, 128>}, {transform_indices = @transform_1, window_bounds = array<i64: 1000, 144>}, {transform_indices = @transform_2, window_bounds = array<i64: 1000, 144>}, {pipeline_mode = #tpu.pipeline_mode<synchronous>, transform_indices = @transform_3, window_bounds = array<i64: 128, 128>}, {pipeline_mode = #tpu.pipeline_mode<synchronous>, transform_indices = @transform_4, window_bounds = array<i64: 128, 128>}, {pipeline_mode = #tpu.pipeline_mode<synchronous>, transform_indices = @transform_5, window_bounds = array<i64: 1, 128>}, {transform_indices = @transform_6, window_bounds = array<i64: 1000, 128>}, {transform_indices = @transform_7, window_bounds = array<i64: 1000, 1>}]} {
    %get3A = arith.constant 0 : index
    %get3A_0 = arith.constant 128 : index
    %get3A_1 = vector.load %arg2[%get3A, %get3A_0] : memref<1000x144xf32, #tpu.memory_space<vmem>>, vector<1000x1xf32>
    %get3A_2 = arith.constant 0 : index
    %get3A_3 = arith.constant 128 : index
    %get3A_4 = vector.load %arg3[%get3A_2, %get3A_3] : memref<1000x144xf32, #tpu.memory_space<vmem>>, vector<1000x1xf32>
    %add3A = arith.addf %get3A_1, %get3A_4 : vector<1000x1xf32>
    %jit3A = arith.constant 1.000000e+00 : f32
    %max3A = vector.broadcast %jit3A : f32 to vector<1000x1xf32>
    %max3A_5 = arith.maximumf %max3A, %add3A : vector<1000x1xf32>
    %get3A_6 = arith.constant 0 : index
    %get3A_7 = arith.constant 0 : index
    %get3A_8 = vector.load %arg2[%get3A_6, %get3A_7] : memref<1000x144xf32, #tpu.memory_space<vmem>>, vector<1000x128xf32>
    %get3A_9 = arith.constant 0 : index
    %get3A_10 = arith.constant 0 : index
    %get3A_11 = vector.load %arg3[%get3A_9, %get3A_10] : memref<1000x144xf32, #tpu.memory_space<vmem>>, vector<1000x128xf32>
    %add3A_12 = arith.addf %get3A_8, %get3A_11 : vector<1000x128xf32>
    %div3A = vector.broadcast %max3A_5 : vector<1000x1xf32> to vector<1000x128xf32>
    %div3A_13 = arith.divf %add3A_12, %div3A : vector<1000x128xf32>
    %get3A_14 = arith.constant 0 : index
    %get3A_15 = arith.constant 0 : index
    %get3A_16 = vector.load %arg1[%get3A_14, %get3A_15] : memref<1000x128xf32, #tpu.memory_space<vmem>>, vector<1000x128xf32>
    %get3A_17 = arith.constant 0 : index
    %get3A_18 = arith.constant 0 : index
    %get3A_19 = vector.load %arg4[%get3A_17, %get3A_18] : memref<128x128xf32, #tpu.memory_space<vmem>>, vector<128x128xf32>
    %dot_general3A = arith.constant dense<0.000000e+00> : vector<1000x128xf32>
    %dot_general3A_20 = tpu.matmul %get3A_16, %get3A_19, %dot_general3A {dimension_numbers = #tpu.dot_dimension_numbers<[1], [0], [0], [1], [0, 0, 1, 1], [], []>, transpose_lhs_hint = false} : vector<1000x128xf32>, vector<128x128xf32>, vector<1000x128xf32> -> vector<1000x128xf32>
    %get3A_21 = arith.constant 0 : index
    %get3A_22 = arith.constant 0 : index
    %get3A_23 = vector.load %arg5[%get3A_21, %get3A_22] : memref<128x128xf32, #tpu.memory_space<vmem>>, vector<128x128xf32>
    %dot_general3A_24 = arith.constant dense<0.000000e+00> : vector<1000x128xf32>
    %dot_general3A_25 = tpu.matmul %div3A_13, %get3A_23, %dot_general3A_24 {dimension_numbers = #tpu.dot_dimension_numbers<[1], [0], [0], [1], [0, 0, 1, 1], [], []>, transpose_lhs_hint = false} : vector<1000x128xf32>, vector<128x128xf32>, vector<1000x128xf32> -> vector<1000x128xf32>
    %add3A_26 = arith.addf %dot_general3A_20, %dot_general3A_25 : vector<1000x128xf32>
    %get3A_27 = arith.constant 0 : index
    %get3A_28 = arith.constant 0 : index
    %get3A_29 = vector.load %arg6[%get3A_27, %get3A_28] : memref<1x128xf32, #tpu.memory_space<vmem>>, vector<1x128xf32>
    %add3A_30 = vector.broadcast %get3A_29 : vector<1x128xf32> to vector<1000x128xf32>
    %add3A_31 = arith.addf %add3A_26, %add3A_30 : vector<1000x128xf32>
    %max3A_32 = arith.constant 0.000000e+00 : f32
    %max3A_33 = vector.broadcast %max3A_32 : f32 to vector<1000x128xf32>
    %max3A_34 = arith.maximumf %add3A_31, %max3A_33 : vector<1000x128xf32>
    %swap3A = arith.constant 0 : index
    %swap3A_35 = arith.constant 0 : index
    %swap3A_36 = vector.load %arg7[%swap3A, %swap3A_35] : memref<1000x128xf32, #tpu.memory_space<vmem>>, vector<1000x128xf32>
    tpu.vector_store %arg7[%swap3A, %swap3A_35], %max3A_34 {strides = array<i32>} : memref<1000x128xf32, #tpu.memory_space<vmem>>, vector<1000x128xf32>,
    %swap3A_37 = arith.constant 0 : index
    %swap3A_38 = arith.constant 0 : index
    %swap3A_39 = vector.load %arg8[%swap3A_37, %swap3A_38] : memref<1000x1xf32, #tpu.memory_space<vmem>>, vector<1000x1xf32>
    tpu.vector_store %arg8[%swap3A_37, %swap3A_38], %max3A_5 {strides = array<i32>} : memref<1000x1xf32, #tpu.memory_space<vmem>>, vector<1000x1xf32>,
    return
  }
  func.func @transform_0(%arg0: i32) -> (i32, i32) {
    %c0_i32 = arith.constant 0 : i32
    %c0_i32_0 = arith.constant 0 : i32
    return %arg0, %c0_i32 : i32, i32
  }
  func.func @transform_1(%arg0: i32) -> (i32, i32) {
    %c0_i32 = arith.constant 0 : i32
    %c0_i32_0 = arith.constant 0 : i32
    return %arg0, %c0_i32 : i32, i32
  }
  func.func @transform_2(%arg0: i32) -> (i32, i32) {
    %c0_i32 = arith.constant 0 : i32
    %c0_i32_0 = arith.constant 0 : i32
    return %arg0, %c0_i32 : i32, i32
  }
  func.func @transform_3(%arg0: i32) -> (i32, i32) {
    %c0_i32 = arith.constant 0 : i32
    %c0_i32_0 = arith.constant 0 : i32
    %c0_i32_1 = arith.constant 0 : i32
    return %c0_i32, %c0_i32_0 : i32, i32
  }
  func.func @transform_4(%arg0: i32) -> (i32, i32) {
    %c0_i32 = arith.constant 0 : i32
    %c0_i32_0 = arith.constant 0 : i32
    %c0_i32_1 = arith.constant 0 : i32
    return %c0_i32, %c0_i32_0 : i32, i32
  }
  func.func @transform_5(%arg0: i32) -> (i32, i32) {
    %c0_i32 = arith.constant 0 : i32
    %c0_i32_0 = arith.constant 0 : i32
    %c0_i32_1 = arith.constant 0 : i32
    return %c0_i32, %c0_i32_0 : i32, i32
  }
  func.func @transform_6(%arg0: i32) -> (i32, i32) {
    %c0_i32 = arith.constant 0 : i32
    %c0_i32_0 = arith.constant 0 : i32
    return %arg0, %c0_i32 : i32, i32
  }
  func.func @transform_7(%arg0: i32) -> (i32, i32) {
    %c0_i32 = arith.constant 0 : i32
    %c0_i32_0 = arith.constant 0 : i32
    return %arg0, %c0_i32 : i32, i32
  }
}

module attributes {stable_mosaic.version = 14 : i64} {
  func.func @_tc2_body(%arg0: i32, %arg1: memref<1000x128xf32, #tpu.memory_space<vmem>>, %arg2: memref<1000x128xf32, #tpu.memory_space<vmem>>, %arg3: memref<1000x128xf32, #tpu.memory_space<vmem>>, %arg4: memref<1000x1xf32, #tpu.memory_space<vmem>>, %arg5: memref<128x128xf32, #tpu.memory_space<vmem>>, %arg6: memref<128x128xf32, #tpu.memory_space<vmem>>, %arg7: memref<1x128xf32, #tpu.memory_space<vmem>>, %arg8: memref<128x64xf32, #tpu.memory_space<vmem>>, %arg9: memref<128x64xf32, #tpu.memory_space<vmem>>, %arg10: memref<128x64xf32, #tpu.memory_space<vmem>>, %arg11: memref<1x64xf32, #tpu.memory_space<vmem>>, %arg12: memref<64x2xf32, #tpu.memory_space<vmem>>, %arg13: memref<1x2xf32, #tpu.memory_space<vmem>>, %arg14: memref<128x32xf32, #tpu.memory_space<vmem>>, %arg15: memref<1x32xf32, #tpu.memory_space<vmem>>, %arg16: memref<32x1xf32, #tpu.memory_space<vmem>>, %arg17: memref<1x1xf32, #tpu.memory_space<vmem>>, %arg18: memref<1000x64xf32, #tpu.memory_space<vmem>>, %arg19: memref<1000x64xf32, #tpu.memory_space<vmem>>, %arg20: memref<1000x2xf32, #tpu.memory_space<vmem>>, %arg21: memref<1000x1xf32, #tpu.memory_space<vmem>>, %arg22: memref<1000x1xf32, #tpu.memory_space<vmem>>) attributes {dimension_semantics = [#tpu.dimension_semantics<arbitrary>], iteration_bounds = array<i64: 10>, scalar_prefetch = 0 : i64, scratch_operands = 0 : i64, tpu.core_type = #tpu.core_type<tc>, window_params = [{transform_indices = @transform_0, window_bounds = array<i64: 1000, 128>}, {transform_indices = @transform_1, window_bounds = array<i64: 1000, 128>}, {transform_indices = @transform_2, window_bounds = array<i64: 1000, 128>}, {transform_indices = @transform_3, window_bounds = array<i64: 1000, 1>}, {pipeline_mode = #tpu.pipeline_mode<synchronous>, transform_indices = @transform_4, window_bounds = array<i64: 128, 128>}, {pipeline_mode = #tpu.pipeline_mode<synchronous>, transform_indices = @transform_5, window_bounds = array<i64: 128, 128>}, {pipeline_mode = #tpu.pipeline_mode<synchronous>, transform_indices = @transform_6, window_bounds = array<i64: 1, 128>}, {pipeline_mode = #tpu.pipeline_mode<synchronous>, transform_indices = @transform_7, window_bounds = array<i64: 128, 64>}, {pipeline_mode = #tpu.pipeline_mode<synchronous>, transform_indices = @transform_8, window_bounds = array<i64: 128, 64>}, {pipeline_mode = #tpu.pipeline_mode<synchronous>, transform_indices = @transform_9, window_bounds = array<i64: 128, 64>}, {pipeline_mode = #tpu.pipeline_mode<synchronous>, transform_indices = @transform_10, window_bounds = array<i64: 1, 64>}, {pipeline_mode = #tpu.pipeline_mode<synchronous>, transform_indices = @transform_11, window_bounds = array<i64: 64, 2>}, {pipeline_mode = #tpu.pipeline_mode<synchronous>, transform_indices = @transform_12, window_bounds = array<i64: 1, 2>}, {pipeline_mode = #tpu.pipeline_mode<synchronous>, transform_indices = @transform_13, window_bounds = array<i64: 128, 32>}, {pipeline_mode = #tpu.pipeline_mode<synchronous>, transform_indices = @transform_14, window_bounds = array<i64: 1, 32>}, {pipeline_mode = #tpu.pipeline_mode<synchronous>, transform_indices = @transform_15, window_bounds = array<i64: 32, 1>}, {pipeline_mode = #tpu.pipeline_mode<synchronous>, transform_indices = @transform_16, window_bounds = array<i64: 1, 1>}, {transform_indices = @transform_17, window_bounds = array<i64: 1000, 64>}, {transform_indices = @transform_18, window_bounds = array<i64: 1000, 64>}, {transform_indices = @transform_19, window_bounds = array<i64: 1000, 2>}, {transform_indices = @transform_20, window_bounds = array<i64: 1000, 1>}, {transform_indices = @transform_21, window_bounds = array<i64: 1000, 1>}]} {
    %get3A = arith.constant 0 : index
    %get3A_0 = arith.constant 0 : index
    %get3A_1 = vector.load %arg2[%get3A, %get3A_0] : memref<1000x128xf32, #tpu.memory_space<vmem>>, vector<1000x128xf32>
    %get3A_2 = arith.constant 0 : index
    %get3A_3 = arith.constant 0 : index
    %get3A_4 = vector.load %arg3[%get3A_2, %get3A_3] : memref<1000x128xf32, #tpu.memory_space<vmem>>, vector<1000x128xf32>
    %add3A = arith.addf %get3A_1, %get3A_4 : vector<1000x128xf32>
    %get3A_5 = arith.constant 0 : index
    %get3A_6 = arith.constant 0 : index
    %get3A_7 = vector.load %arg4[%get3A_5, %get3A_6] : memref<1000x1xf32, #tpu.memory_space<vmem>>, vector<1000x1xf32>
    %div3A = vector.broadcast %get3A_7 : vector<1000x1xf32> to vector<1000x128xf32>
    %div3A_8 = arith.divf %add3A, %div3A : vector<1000x128xf32>
    %get3A_9 = arith.constant 0 : index
    %get3A_10 = arith.constant 0 : index
    %get3A_11 = vector.load %arg1[%get3A_9, %get3A_10] : memref<1000x128xf32, #tpu.memory_space<vmem>>, vector<1000x128xf32>
    %get3A_12 = arith.constant 0 : index
    %get3A_13 = arith.constant 0 : index
    %get3A_14 = vector.load %arg5[%get3A_12, %get3A_13] : memref<128x128xf32, #tpu.memory_space<vmem>>, vector<128x128xf32>
    %dot_general3A = arith.constant dense<0.000000e+00> : vector<1000x128xf32>
    %dot_general3A_15 = tpu.matmul %get3A_11, %get3A_14, %dot_general3A {dimension_numbers = #tpu.dot_dimension_numbers<[1], [0], [0], [1], [0, 0, 1, 1], [], []>, transpose_lhs_hint = false} : vector<1000x128xf32>, vector<128x128xf32>, vector<1000x128xf32> -> vector<1000x128xf32>
    %get3A_16 = arith.constant 0 : index
    %get3A_17 = arith.constant 0 : index
    %get3A_18 = vector.load %arg6[%get3A_16, %get3A_17] : memref<128x128xf32, #tpu.memory_space<vmem>>, vector<128x128xf32>
    %dot_general3A_19 = arith.constant dense<0.000000e+00> : vector<1000x128xf32>
    %dot_general3A_20 = tpu.matmul %div3A_8, %get3A_18, %dot_general3A_19 {dimension_numbers = #tpu.dot_dimension_numbers<[1], [0], [0], [1], [0, 0, 1, 1], [], []>, transpose_lhs_hint = false} : vector<1000x128xf32>, vector<128x128xf32>, vector<1000x128xf32> -> vector<1000x128xf32>
    %add3A_21 = arith.addf %dot_general3A_15, %dot_general3A_20 : vector<1000x128xf32>
    %get3A_22 = arith.constant 0 : index
    %get3A_23 = arith.constant 0 : index
    %get3A_24 = vector.load %arg7[%get3A_22, %get3A_23] : memref<1x128xf32, #tpu.memory_space<vmem>>, vector<1x128xf32>
    %add3A_25 = vector.broadcast %get3A_24 : vector<1x128xf32> to vector<1000x128xf32>
    %add3A_26 = arith.addf %add3A_21, %add3A_25 : vector<1000x128xf32>
    %max3A = arith.constant 0.000000e+00 : f32
    %max3A_27 = vector.broadcast %max3A : f32 to vector<1000x128xf32>
    %max3A_28 = arith.maximumf %add3A_26, %max3A_27 : vector<1000x128xf32>
    %get3A_29 = arith.constant 0 : index
    %get3A_30 = arith.constant 0 : index
    %get3A_31 = vector.load %arg8[%get3A_29, %get3A_30] : memref<128x64xf32, #tpu.memory_space<vmem>>, vector<128x64xf32>
    %dot_general3A_32 = arith.constant dense<0.000000e+00> : vector<1000x64xf32>
    %dot_general3A_33 = tpu.matmul %max3A_28, %get3A_31, %dot_general3A_32 {dimension_numbers = #tpu.dot_dimension_numbers<[1], [0], [0], [1], [0, 0, 1, 1], [], []>, transpose_lhs_hint = false} : vector<1000x128xf32>, vector<128x64xf32>, vector<1000x64xf32> -> vector<1000x64xf32>
    %swap3A = arith.constant 0 : index
    %swap3A_34 = arith.constant 0 : index
    %swap3A_35 = vector.load %arg18[%swap3A, %swap3A_34] : memref<1000x64xf32, #tpu.memory_space<vmem>>, vector<1000x64xf32>
    tpu.vector_store %arg18[%swap3A, %swap3A_34], %dot_general3A_33 {strides = array<i32>} : memref<1000x64xf32, #tpu.memory_space<vmem>>, vector<1000x64xf32>,
    %get3A_36 = arith.constant 0 : index
    %get3A_37 = arith.constant 0 : index
    %get3A_38 = vector.load %arg9[%get3A_36, %get3A_37] : memref<128x64xf32, #tpu.memory_space<vmem>>, vector<128x64xf32>
    %dot_general3A_39 = arith.constant dense<0.000000e+00> : vector<1000x64xf32>
    %dot_general3A_40 = tpu.matmul %max3A_28, %get3A_38, %dot_general3A_39 {dimension_numbers = #tpu.dot_dimension_numbers<[1], [0], [0], [1], [0, 0, 1, 1], [], []>, transpose_lhs_hint = false} : vector<1000x128xf32>, vector<128x64xf32>, vector<1000x64xf32> -> vector<1000x64xf32>
    %swap3A_41 = arith.constant 0 : index
    %swap3A_42 = arith.constant 0 : index
    %swap3A_43 = vector.load %arg19[%swap3A_41, %swap3A_42] : memref<1000x64xf32, #tpu.memory_space<vmem>>, vector<1000x64xf32>
    tpu.vector_store %arg19[%swap3A_41, %swap3A_42], %dot_general3A_40 {strides = array<i32>} : memref<1000x64xf32, #tpu.memory_space<vmem>>, vector<1000x64xf32>,
    %get3A_44 = arith.constant 0 : index
    %get3A_45 = arith.constant 0 : index
    %get3A_46 = vector.load %arg10[%get3A_44, %get3A_45] : memref<128x64xf32, #tpu.memory_space<vmem>>, vector<128x64xf32>
    %dot_general3A_47 = arith.constant dense<0.000000e+00> : vector<1000x64xf32>
    %dot_general3A_48 = tpu.matmul %max3A_28, %get3A_46, %dot_general3A_47 {dimension_numbers = #tpu.dot_dimension_numbers<[1], [0], [0], [1], [0, 0, 1, 1], [], []>, transpose_lhs_hint = false} : vector<1000x128xf32>, vector<128x64xf32>, vector<1000x64xf32> -> vector<1000x64xf32>
    %get3A_49 = arith.constant 0 : index
    %get3A_50 = arith.constant 0 : index
    %get3A_51 = vector.load %arg11[%get3A_49, %get3A_50] : memref<1x64xf32, #tpu.memory_space<vmem>>, vector<1x64xf32>
    %add3A_52 = vector.broadcast %get3A_51 : vector<1x64xf32> to vector<1000x64xf32>
    %add3A_53 = arith.addf %dot_general3A_48, %add3A_52 : vector<1000x64xf32>
    %max3A_54 = arith.constant 0.000000e+00 : f32
    %max3A_55 = vector.broadcast %max3A_54 : f32 to vector<1000x64xf32>
    %max3A_56 = arith.maximumf %add3A_53, %max3A_55 : vector<1000x64xf32>
    %get3A_57 = arith.constant 0 : index
    %get3A_58 = arith.constant 0 : index
    %get3A_59 = vector.load %arg12[%get3A_57, %get3A_58] : memref<64x2xf32, #tpu.memory_space<vmem>>, vector<64x2xf32>
    %dot_general3A_60 = arith.constant dense<0.000000e+00> : vector<1000x2xf32>
    %dot_general3A_61 = tpu.matmul %max3A_56, %get3A_59, %dot_general3A_60 {dimension_numbers = #tpu.dot_dimension_numbers<[1], [0], [0], [1], [0, 0, 1, 1], [], []>, transpose_lhs_hint = false} : vector<1000x64xf32>, vector<64x2xf32>, vector<1000x2xf32> -> vector<1000x2xf32>
    %get3A_62 = arith.constant 0 : index
    %get3A_63 = arith.constant 0 : index
    %get3A_64 = vector.load %arg13[%get3A_62, %get3A_63] : memref<1x2xf32, #tpu.memory_space<vmem>>, vector<1x2xf32>
    %add3A_65 = vector.broadcast %get3A_64 : vector<1x2xf32> to vector<1000x2xf32>
    %add3A_66 = arith.addf %dot_general3A_61, %add3A_65 : vector<1000x2xf32>
    %swap3A_67 = arith.constant 0 : index
    %swap3A_68 = arith.constant 0 : index
    %swap3A_69 = vector.load %arg20[%swap3A_67, %swap3A_68] : memref<1000x2xf32, #tpu.memory_space<vmem>>, vector<1000x2xf32>
    tpu.vector_store %arg20[%swap3A_67, %swap3A_68], %add3A_66 {strides = array<i32>} : memref<1000x2xf32, #tpu.memory_space<vmem>>, vector<1000x2xf32>,
    %get3A_70 = arith.constant 0 : index
    %get3A_71 = arith.constant 0 : index
    %get3A_72 = vector.load %arg14[%get3A_70, %get3A_71] : memref<128x32xf32, #tpu.memory_space<vmem>>, vector<128x32xf32>
    %dot_general3A_73 = arith.constant dense<0.000000e+00> : vector<1000x32xf32>
    %dot_general3A_74 = tpu.matmul %max3A_28, %get3A_72, %dot_general3A_73 {dimension_numbers = #tpu.dot_dimension_numbers<[1], [0], [0], [1], [0, 0, 1, 1], [], []>, transpose_lhs_hint = false} : vector<1000x128xf32>, vector<128x32xf32>, vector<1000x32xf32> -> vector<1000x32xf32>
    %get3A_75 = arith.constant 0 : index
    %get3A_76 = arith.constant 0 : index
    %get3A_77 = vector.load %arg15[%get3A_75, %get3A_76] : memref<1x32xf32, #tpu.memory_space<vmem>>, vector<1x32xf32>
    %add3A_78 = vector.broadcast %get3A_77 : vector<1x32xf32> to vector<1000x32xf32>
    %add3A_79 = arith.addf %dot_general3A_74, %add3A_78 : vector<1000x32xf32>
    %max3A_80 = arith.constant 0.000000e+00 : f32
    %max3A_81 = vector.broadcast %max3A_80 : f32 to vector<1000x32xf32>
    %max3A_82 = arith.maximumf %add3A_79, %max3A_81 : vector<1000x32xf32>
    %get3A_83 = arith.constant 0 : index
    %get3A_84 = arith.constant 0 : index
    %get3A_85 = vector.load %arg16[%get3A_83, %get3A_84] : memref<32x1xf32, #tpu.memory_space<vmem>>, vector<32x1xf32>
    %dot_general3A_86 = arith.constant dense<0.000000e+00> : vector<1000x1xf32>
    %dot_general3A_87 = tpu.matmul %max3A_82, %get3A_85, %dot_general3A_86 {dimension_numbers = #tpu.dot_dimension_numbers<[1], [0], [0], [1], [0, 0, 1, 1], [], []>, transpose_lhs_hint = false} : vector<1000x32xf32>, vector<32x1xf32>, vector<1000x1xf32> -> vector<1000x1xf32>
    %get3A_88 = arith.constant 0 : index
    %get3A_89 = arith.constant 0 : index
    %get3A_90 = vector.load %arg17[%get3A_88, %get3A_89] : memref<1x1xf32, #tpu.memory_space<vmem>>, vector<1x1xf32>
    %add3A_91 = vector.broadcast %get3A_90 : vector<1x1xf32> to vector<1000x1xf32>
    %add3A_92 = arith.addf %dot_general3A_87, %add3A_91 : vector<1000x1xf32>
    %logistic3A = arith.negf %add3A_92 : vector<1000x1xf32>
    %logistic3A_93 = math.exp %logistic3A : vector<1000x1xf32>
    %logistic3A_94 = arith.constant 1.000000e+00 : f32
    %logistic3A_95 = vector.broadcast %logistic3A_94 : f32 to vector<1000x1xf32>
    %logistic3A_96 = arith.addf %logistic3A_95, %logistic3A_93 : vector<1000x1xf32>
    %logistic3A_97 = arith.divf %logistic3A_95, %logistic3A_96 : vector<1000x1xf32>
    %mul3A = arith.constant 7.000000e+00 : f32
    %mul3A_98 = vector.broadcast %mul3A : f32 to vector<1000x1xf32>
    %mul3A_99 = arith.mulf %mul3A_98, %logistic3A_97 : vector<1000x1xf32>
    %add3A_100 = arith.constant 1.000000e+00 : f32
    %add3A_101 = vector.broadcast %add3A_100 : f32 to vector<1000x1xf32>
    %add3A_102 = arith.addf %add3A_101, %mul3A_99 : vector<1000x1xf32>
    %round3A = math.roundeven %add3A_102 : vector<1000x1xf32>
    %jit3A = arith.constant 1.000000e+00 : f32
    %jit3A_103 = arith.constant 8.000000e+00 : f32
    %max3A_104 = vector.broadcast %jit3A : f32 to vector<1000x1xf32>
    %max3A_105 = arith.maximumf %max3A_104, %round3A : vector<1000x1xf32>
    %min3A = vector.broadcast %jit3A_103 : f32 to vector<1000x1xf32>
    %min3A_106 = arith.minimumf %min3A, %max3A_105 : vector<1000x1xf32>
    %swap3A_107 = arith.constant 0 : index
    %swap3A_108 = arith.constant 0 : index
    %swap3A_109 = vector.load %arg21[%swap3A_107, %swap3A_108] : memref<1000x1xf32, #tpu.memory_space<vmem>>, vector<1000x1xf32>
    tpu.vector_store %arg21[%swap3A_107, %swap3A_108], %add3A_102 {strides = array<i32>} : memref<1000x1xf32, #tpu.memory_space<vmem>>, vector<1000x1xf32>,
    %sub3A = arith.subf %min3A_106, %add3A_102 : vector<1000x1xf32>
    %add3A_110 = arith.addf %add3A_102, %sub3A : vector<1000x1xf32>
    %swap3A_111 = arith.constant 0 : index
    %swap3A_112 = arith.constant 0 : index
    %swap3A_113 = vector.load %arg22[%swap3A_111, %swap3A_112] : memref<1000x1xf32, #tpu.memory_space<vmem>>, vector<1000x1xf32>
    tpu.vector_store %arg22[%swap3A_111, %swap3A_112], %add3A_110 {strides = array<i32>} : memref<1000x1xf32, #tpu.memory_space<vmem>>, vector<1000x1xf32>,
    return
  }
  func.func @transform_0(%arg0: i32) -> (i32, i32) {
    %c0_i32 = arith.constant 0 : i32
    %c0_i32_0 = arith.constant 0 : i32
    return %arg0, %c0_i32 : i32, i32
  }
  func.func @transform_1(%arg0: i32) -> (i32, i32) {
    %c0_i32 = arith.constant 0 : i32
    %c0_i32_0 = arith.constant 0 : i32
    return %arg0, %c0_i32 : i32, i32
  }
  func.func @transform_2(%arg0: i32) -> (i32, i32) {
    %c0_i32 = arith.constant 0 : i32
    %c0_i32_0 = arith.constant 0 : i32
    return %arg0, %c0_i32 : i32, i32
  }
  func.func @transform_3(%arg0: i32) -> (i32, i32) {
    %c0_i32 = arith.constant 0 : i32
    %c0_i32_0 = arith.constant 0 : i32
    return %arg0, %c0_i32 : i32, i32
  }
  func.func @transform_4(%arg0: i32) -> (i32, i32) {
    %c0_i32 = arith.constant 0 : i32
    %c0_i32_0 = arith.constant 0 : i32
    %c0_i32_1 = arith.constant 0 : i32
    return %c0_i32, %c0_i32_0 : i32, i32
  }
  func.func @transform_5(%arg0: i32) -> (i32, i32) {
    %c0_i32 = arith.constant 0 : i32
    %c0_i32_0 = arith.constant 0 : i32
    %c0_i32_1 = arith.constant 0 : i32
    return %c0_i32, %c0_i32_0 : i32, i32
  }
  func.func @transform_6(%arg0: i32) -> (i32, i32) {
    %c0_i32 = arith.constant 0 : i32
    %c0_i32_0 = arith.constant 0 : i32
    %c0_i32_1 = arith.constant 0 : i32
    return %c0_i32, %c0_i32_0 : i32, i32
  }
  func.func @transform_7(%arg0: i32) -> (i32, i32) {
    %c0_i32 = arith.constant 0 : i32
    %c0_i32_0 = arith.constant 0 : i32
    %c0_i32_1 = arith.constant 0 : i32
    return %c0_i32, %c0_i32_0 : i32, i32
  }
  func.func @transform_8(%arg0: i32) -> (i32, i32) {
    %c0_i32 = arith.constant 0 : i32
    %c0_i32_0 = arith.constant 0 : i32
    %c0_i32_1 = arith.constant 0 : i32
    return %c0_i32, %c0_i32_0 : i32, i32
  }
  func.func @transform_9(%arg0: i32) -> (i32, i32) {
    %c0_i32 = arith.constant 0 : i32
    %c0_i32_0 = arith.constant 0 : i32
    %c0_i32_1 = arith.constant 0 : i32
    return %c0_i32, %c0_i32_0 : i32, i32
  }
  func.func @transform_10(%arg0: i32) -> (i32, i32) {
    %c0_i32 = arith.constant 0 : i32
    %c0_i32_0 = arith.constant 0 : i32
    %c0_i32_1 = arith.constant 0 : i32
    return %c0_i32, %c0_i32_0 : i32, i32
  }
  func.func @transform_11(%arg0: i32) -> (i32, i32) {
    %c0_i32 = arith.constant 0 : i32
    %c0_i32_0 = arith.constant 0 : i32
    %c0_i32_1 = arith.constant 0 : i32
    return %c0_i32, %c0_i32_0 : i32, i32
  }
  func.func @transform_12(%arg0: i32) -> (i32, i32) {
    %c0_i32 = arith.constant 0 : i32
    %c0_i32_0 = arith.constant 0 : i32
    %c0_i32_1 = arith.constant 0 : i32
    return %c0_i32, %c0_i32_0 : i32, i32
  }
  func.func @transform_13(%arg0: i32) -> (i32, i32) {
    %c0_i32 = arith.constant 0 : i32
    %c0_i32_0 = arith.constant 0 : i32
    %c0_i32_1 = arith.constant 0 : i32
    return %c0_i32, %c0_i32_0 : i32, i32
  }
  func.func @transform_14(%arg0: i32) -> (i32, i32) {
    %c0_i32 = arith.constant 0 : i32
    %c0_i32_0 = arith.constant 0 : i32
    %c0_i32_1 = arith.constant 0 : i32
    return %c0_i32, %c0_i32_0 : i32, i32
  }
  func.func @transform_15(%arg0: i32) -> (i32, i32) {
    %c0_i32 = arith.constant 0 : i32
    %c0_i32_0 = arith.constant 0 : i32
    %c0_i32_1 = arith.constant 0 : i32
    return %c0_i32, %c0_i32_0 : i32, i32
  }
  func.func @transform_16(%arg0: i32) -> (i32, i32) {
    %c0_i32 = arith.constant 0 : i32
    %c0_i32_0 = arith.constant 0 : i32
    %c0_i32_1 = arith.constant 0 : i32
    return %c0_i32, %c0_i32_0 : i32, i32
  }
  func.func @transform_17(%arg0: i32) -> (i32, i32) {
    %c0_i32 = arith.constant 0 : i32
    %c0_i32_0 = arith.constant 0 : i32
    return %arg0, %c0_i32 : i32, i32
  }
  func.func @transform_18(%arg0: i32) -> (i32, i32) {
    %c0_i32 = arith.constant 0 : i32
    %c0_i32_0 = arith.constant 0 : i32
    return %arg0, %c0_i32 : i32, i32
  }
  func.func @transform_19(%arg0: i32) -> (i32, i32) {
    %c0_i32 = arith.constant 0 : i32
    %c0_i32_0 = arith.constant 0 : i32
    return %arg0, %c0_i32 : i32, i32
  }
  func.func @transform_20(%arg0: i32) -> (i32, i32) {
    %c0_i32 = arith.constant 0 : i32
    %c0_i32_0 = arith.constant 0 : i32
    return %arg0, %c0_i32 : i32, i32
  }
  func.func @transform_21(%arg0: i32) -> (i32, i32) {
    %c0_i32 = arith.constant 0 : i32
    %c0_i32_0 = arith.constant 0 : i32
    return %arg0, %c0_i32 : i32, i32
  }
}

</mosaic_0001>

<sc_bundles>
// kernel: kernel.10.cloned.1.call-start
scs
__scs_entry_jumppad:
0x0: {  	(pc) =	sbr.rel $0x88, $3  }
0x1: {  	(tag) =	ssettag $0x0;
	lr =	simm.s32 $0x1  }
0x2: {  	[smem:$0x3F8C] =	sst lr;
	_ =	strace $0xD0000000  }
0x3: {  	_ = 	snop  }
0x4: {  	_ = 	snop  }
0x5: {  	_ = 	snop  }
0x6: {  	_ = 	snop  }
0x7: {  	_ = 	snop  }
__scs_overlays_trampoline_lowered:
0x8: {  	[smem:$0x3F9B] =	sst s0  }
0x9: {  	[smem:$0x3F9C] =	sst s1  }
0xa: {  	[smem:$0x3F9D] =	sst s2  }
0xb: {  	[smem:$0x3F9E] =	sst s3  }
0xc: {  	[smem:$0x3F9F] =	sst s4  }
0xd: {  	[smem:$0x3FA0] =	sst s5  }
0xe: {  	[smem:$0x3FA1] =	sst s6  }
0xf: {  	[smem:$0x3FA2] =	sst s7  }
0x10: {  	[smem:$0x3FA3] =	sst s8  }
0x11: {  	[smem:$0x3FA4] =	sst s9;
	s0 =	simm.s32 @!p0 $0x0  }
0x12: {  	s1 =	sld [smem:$0x3F8A];
	s0 =	simm.s32 @p0 $0x1  }
0x13: {  	[smem:$0x3FA5] =	sst s0;
	s0 =	simm.s32 @!p1 $0x0  }
0x14: {  	s2 =	sld [smem:$0x3F89];
	s0 =	simm.s32 @p1 $0x1  }
0x15: {  	[smem:$0x3FA6] =	sst s0;
	s0 =	simm.s32 @!p2 $0x0  }
0x16: {  	s3 =	sld [smem:$0x3FDB];
	s0 =	simm.s32 @p2 $0x1  }
0x17: {  	s4 =	simm.s32 $0x1BF5;
	[smem:$0x3FA8] =	sst s0  }
0x18: {  	s0 =	sld [smem:$0x3F8B];
	_ =	swait.ge [sflag:s4], $0x0  }
0x19: {  	s7 =	sld [smem:$0x3F8C]  }
0x1a: {  	s8 =	sadd.s32 $0xFFFFE003, lr  }
0x1b: {  	s9 =	sadd.s32 $0xFFFFFEF7, lr;
	s5 =	simm.s32 $0xFFFFFFFF;
	p2 =	slt.u32 s8, $0xFFFFF086  }
0x1c: {  	p1 =	slt.u32 s9, $0xF7A;
	s5 =	simm.s32 @!p2 $0x0  }
0x1d: {  	s5 =	simm.s32 @p1 $0x1;
	p0 =	seq.s32 s7, s2  }
0x1e: {  	s7 =	smul.u32 @!p0 $0xF7A, s2;
	p2 =	seq.s32 @!p0 s5, $0x0  }
0x1f: {  	s9 =	smul.u32 $0xF7A, s1;
	s8 =	simm.s32 @!p0 $0x1BF5;
	p2 =	por !p2, p0  }
0x20: {  	[sflag:s8] =	ssyncset.s32 @!p0 $0xFFFFF086;
	s6 =	sadd.s32 @!p0 s3, s7;
	s7 =	simm.s32 @!p0 $0x108  }
0x21: {  	s3 =	sadd.s32 s3, s9;
	s6 =	sadd.s32 @!p0 $0x88, s6;
	s7 =	simm.s32 @p2 $0x1082  }
0x22: {  	[simem:s7], [sflag:s8] =	dma.local @!p0 [hbm:s6], $0xF7A  }
0x23: {  	s9 =	sor.u32 $0xD0000000, s2;
	s6 =	simm.s32 $0x108;
	_ =	swait.ge @!p0 [sflag:s8], $0x0  }
0x24: {  	s3 =	sadd.s32 $0x88, s3;
	s6 =	simm.s32 @!p1 $0x1082;
	[sflag:s4] =	ssyncset.s32 $0xFFFFF086  }
0x25: {  	[simem:s6], [sflag:s4] =	dma.local [hbm:s3], $0xF7A  }
0x26: {  	[smem:$0x3F8C] =	sst s1;
	(tag) =	ssettag s2;
	_ =	strace s9  }
0x27: {  	s1 =	sld [smem:$0x3F9C]  }
0x28: {  	s2 =	sld [smem:$0x3F9D]  }
0x29: {  	s4 =	sld [smem:$0x3F9F]  }
0x2a: {  	p0 =	seq.s32 s5, $0x0;
	s5 =	sld [smem:$0x3FA0]  }
0x2b: {  	s6 =	sld [smem:$0x3FA1]  }
0x2c: {  	s7 =	sld [smem:$0x3FA2]  }
0x2d: {  	s3 =	simm.s32 $0x108;
	s8 =	sld [smem:$0x3FA3]  }
0x2e: {  	s3 =	simm.s32 @!p0 $0x1082;
	s9 =	sld [smem:$0x3FA4]  }
0x2f: {  	lr =	sadd.s32 s0, s3;
	s0 =	sld [smem:$0x3F9B]  }
0x30: {  	s3 =	sld [smem:$0x3F9E]  }
0x31: {  	[smem:$0x3FA7] =	sst s10  }
0x32: {  	s10 =	sld [smem:$0x3FA5];
	_ =	sdelay $0x3  }
0x33: {  	p0 =	seq.s32 s10, $0x1;
	s10 =	sld [smem:$0x3FA7];
	_ =	sdelay $0x3  }
0x34: {  	[smem:$0x3FA7] =	sst s10  }
0x35: {  	s10 =	sld [smem:$0x3FA6];
	_ =	sdelay $0x3  }
0x36: {  	p1 =	seq.s32 s10, $0x1;
	s10 =	sld [smem:$0x3FA7];
	_ =	sdelay $0x3  }
0x37: {  	[smem:$0x3FA7] =	sst s10  }
0x38: {  	s10 =	sld [smem:$0x3FA8]  }
0x39: {  	_ = 	snop;
	(pc) =	sbr.ind lr, $3  }
0x3a: {  	_ = 	snop  }
0x3b: {  	_ = 	snop  }
0x3c: {  	p2 =	seq.s32 s10, $0x1;
	s10 =	sld [smem:$0x3FA7]  }
0x3d: {  	_ =	shalt  }
0x3e: {  	_ =	shalt  }
0x3f: {  	_ =	shalt  }
0x40: {  	_ =	shalt  }
0x41: {  	_ =	shalt  }
0x42: {  	_ =	shalt  }
0x43: {  	_ =	shalt  }
0x44: {  	_ =	shalt  }
0x45: {  	_ =	shalt  }
0x46: {  	_ =	shalt  }
0x47: {  	_ =	shalt  }
0x48: {  	_ =	shalt  }
0x49: {  	_ =	shalt  }
0x4a: {  	_ =	shalt  }
0x4b: {  	_ =	shalt  }
0x4c: {  	_ =	shalt  }
0x4d: {  	_ =	shalt  }
0x4e: {  	_ =	shalt  }
0x4f: {  	_ =	shalt  }
0x50: {  	_ =	shalt  }
0x51: {  	_ =	shalt  }
0x52: {  	_ =	shalt  }
0x53: {  	_ =	shalt  }
0x54: {  	_ =	shalt  }
0x55: {  	_ =	shalt  }
0x56: {  	_ =	shalt  }
0x57: {  	_ =	shalt  }
0x58: {  	_ =	shalt  }
0x59: {  	_ =	shalt  }
0x5a: {  	_ =	shalt  }
0x5b: {  	_ =	shalt  }
0x5c: {  	_ =	shalt  }
0x5d: {  	_ =	shalt  }
0x5e: {  	_ =	shalt  }
0x5f: {  	_ =	shalt  }
0x60: {  	_ =	shalt  }
0x61: {  	_ =	shalt  }
0x62: {  	_ =	shalt  }
0x63: {  	_ =	shalt  }
0x64: {  	_ =	shalt  }
0x65: {  	_ =	shalt  }
0x66: {  	_ =	shalt  }
0x67: {  	_ =	shalt  }
0x68: {  	_ =	shalt  }
0x69: {  	_ =	shalt  }
0x6a: {  	_ =	shalt  }
0x6b: {  	_ =	shalt  }
0x6c: {  	_ =	shalt  }
0x6d: {  	_ =	shalt  }
0x6e: {  	_ =	shalt  }
0x6f: {  	_ =	shalt  }
0x70: {  	_ =	shalt  }
0x71: {  	_ =	shalt  }
0x72: {  	_ =	shalt  }
0x73: {  	_ =	shalt  }
0x74: {  	_ =	shalt  }
0x75: {  	_ =	shalt  }
0x76: {  	_ =	shalt  }
0x77: {  	_ =	shalt  }
0x78: {  	_ =	shalt  }
0x79: {  	_ =	shalt  }
0x7a: {  	_ =	shalt  }
0x7b: {  	_ =	shalt  }
0x7c: {  	_ =	shalt  }
0x7d: {  	_ =	shalt  }
0x7e: {  	_ =	shalt  }
0x7f: {  	_ =	shalt  }
0x80: {  	_ =	shalt  }
0x81: {  	_ =	shalt  }
0x82: {  	_ =	shalt  }
0x83: {  	_ =	shalt  }
0x84: {  	_ =	shalt  }
0x85: {  	_ =	shalt  }
0x86: {  	_ =	shalt  }
0x87: {  	_ =	shalt  }
.Lfunc_end0:
.L_simem_size_0:
called_computation.1_lowered:
.L_overlay_start_0:
0x88: {  	s2 =	sld [smem:$0x3FD9]  }
0x89: {  	s3 =	sld [smem:$0x3FFE];
	_ =	sdelay $0x1  }
0x8a: {  	s1 =	srdreg.scid  }
0x8b: {  	s0 =	sand.u32 $0x1, s1  }
0x8c: {  	s16 =	sshll.u32 s0, $0xA;
	s2 =	sadd.s32 s3, s2  }
0x8d: {  	s2 =	sadd.s32 s2, s16  }
0x8e: {  	[smem:$0x3FB3] =	sst s2  }
0x8f: {  	_ = 	snop  }
0x90: {  	(tm) =	ssettm $0x1  }
0x91: {  	s17 =	sld [smem:$0x3FFB];
	_ =	sdelay $0x3  }
0x92: {  	_ =	strace s17  }
0x93: {  	s2 =	sld [smem:$0x3FFC];
	_ =	sdelay $0x3  }
0x94: {  	_ =	strace s2  }
0x95: {  	s2 =	sld [smem:$0x3FFD];
	_ =	sdelay $0x3  }
0x96: {  	_ =	strace s2  }
0x97: {  	_ =	strace $0x8FFFFFFF  }
0x98: {  	s18 =	sld [smem:$0x3FDB];
	_ =	sdelay $0x1  }
0x99: {  	s19 =	simm.s32 $_scs_section_size  }
0x9a: {  	s4 =	simm.s32 $_size__tile_overlayer_lowered;
	s5 =	simm.s32 $_tile_overlayer_lowered  }
0x9b: {  	s22 =	simm.s32 $0x1BFF;
	s21 =	sshll.u32 s5, $0x1;
	s2 =	sadd.s32 s19, s18  }
0x9c: {  	s6 =	simm.s32 $0x0;
	s20 =	sshll.u32 s4, $0x1;
	s4 =	sadd.s32 s21, s2  }
0x9d: {  	[timem:s6], [sflag:s22] =	dma.local [hbm:s4], s20  }
0x9e: {  	_ =	swait.ge [sflag:s22], s20  }
0x9f: {  	s3 =	ssub.s32 $0x0, s20;
	[sflag:s22] =	ssyncset.done $0x0  }
0xa0: {  	[sflag:s22] =	ssyncadd.s32 s3;
	_ =	sdelay $0x1  }
0xa1: {  	s23 =	simm.s32 $0x1B8B  }
0xa2: {  	_ =	swait.ge [sflag:s23], $0x1  }
0xa3: {  	[sflag:s23] =	ssyncset.done $0x0  }
0xa4: {  	s25 =	simm.s32 $0x1B8E;
	s24 =	sld [smem:$0x3FFE];
	[sflag:s23] =	ssyncadd.s32 $0xFFFFFFFF  }
0xa5: {  	s26 =	simm.s32 $execute0_lowered;
	[smem:$0x3FD2] =	sst s25  }
0xa6: {  	s4 =	sshll.u32 s26, $0x1;
	_ =	strace $0x80000049;
	[dreg:$0x1] =	wrdreg $0xFFFFFFFF  }
0xa7: {  	s28 =	simm.s32 $_size_execute0_lowered;
	s2 =	sadd.s32 s2, s4;
	[dreg:$0x0] =	wrdreg $0x0  }
0xa8: {  	s4 =	sshll.u32 s28, $0x1;
	[dreg:$0x2] =	wrdreg s2  }
0xa9: {  	[dreg:$0x3] =	wrdreg s4  }
0xaa: {  	[dreg:$0x4] =	wrdreg $0xC0  }
0xab: {  	_ =	task [dreg:s6], $0x5FFFF  }
0xac: {  	[dreg:$0x1] =	wrdreg $0xFFFFFFFF  }
0xad: {  	[dreg:$0x0] =	wrdreg $0x60  }
0xae: {  	[dreg:$0x2] =	wrdreg s24  }
0xaf: {  	[dreg:$0x3] =	wrdreg $0x8E200  }
0xb0: {  	[dreg:$0x4] =	wrdreg $0x9  }
0xb1: {  	_ =	task.clear_ibuf [dreg:s6], $0x5FFFF;
	_ =	strace $0x90000049  }
0xb2: {  	s29 =	simm.s32 $0x9;
	_ =	strace $0x8000004B  }
0xb3: {  	_ =	swait.ge [sflag:s29], $0x1  }
0xb4: {  	[sflag:s29] =	ssyncadd.s32 $0xFFFFFFFF  }
0xb5: {  	_ =	strace $0x9000004B  }
0xb6: {  	_ =	sfence  }
0xb7: {  	s30 =	sld [smem:$0x0];
	_ =	sdelay $0x2  }
0xb8: {  	s31 =	sshll.u32 s1, $0xD;
	s1 =	sshrl.u32 s1, $0x2  }
0xb9: {  	s3 =	sand.u32 $0x4000, s31;
	s1 =	sadd.s32 s1, s30  }
0xba: {  	s0 =	sor.u32 s3, s0;
	s1 =	sshll.u32 s1, $0x11  }
0xbb: {  	s0 =	sor.u32 s1, s0  }
0xbc: {  	s0 =	sadd.s32 $0x8F2B, s0  }
0xbd: {  	[sflag:s0] =	ssyncadd.remote.s32 $0x1  }
0xbe: {  	_ =	sfence.sel $0xFFFF  }
0xbf: {  	[dreg:$0x0] =	wrdreg $0xFFFFFFFF;
	(pc) =	sbr.abs _section_cstart, $3  }
0xc0: {  	[dreg:$0x1] =	wrdreg $0xFFFFFFFF  }
0xc1: {  	_ =	task.clear_ibuf [dreg:s6], $0x2FFFF;
	_ =	strace $0x9FFFFFFF  }
0xc2: {  	(tm) =	ssettm $0x7FFFFFFF  }
0xc3: {  	_ =	shalt  }
tec
execute0_lowered:
.L_overlay_start_1:
0x0: {  	(tag) =	ssettag $0x1  }
0x1: {  	s1 =	rddreg [dreg:$0x0]  }
0x2: {  	s0 =	srdreg.scid;
	s2 =	rddreg [dreg:$0x1]  }
0x3: {  	s8 =	stileid.u32;
	s3 =	simm.s32 $0x0;
	s20 =	simm.s32 $0x5  }
0x4: {  	s21 =	simm.s32 $0x2710;
	s22 =	simm.s32 $0x40;
	s23 =	simm.s32 $0x1  }
0x5: {  	s24 =	simm.s32 $0x6E20;
	s25 =	simm.s32 $0x2;
	s26 =	simm.s32 $0x3  }
0x6: {  	s30 =	simm.s32 $0x4;
	s31 =	simm.s32 $0x10;
	s28 =	simm.s32 $0x0  }
0x7: {  	s0 =	sand.u32 $0x1, s0;
	[smem:$0x7FF] =	sst s3;
	s6 =	smul.u32 $0x4E200, s8  }
0x8: {  	s16 =	smul.u32 $0x13880, s8;
	s4 =	sshll.u32 s0, $0x4;
	_ =	strace $0x8000004A  }
0x9: {  	s7 =	ssub.s32 $0x2, s0;
	p0 =	seq.s32 s0, $0x1;
	s0 =	simm.s32 $0x8C200  }
0xa: {  	s4 =	sor.u32 s8, s4;
	s29 =	sshrl.u32 s7, $0x1;
	s6 =	sshrl.u32 s6, $0x2  }
0xb: {  	s0 =	simm.s32 @!p0 $0x65000;
	s19 =	sshrl.u32 s16, $0x3;
	s5 =	smul.u32 $0x4E2, s4  }
0xc: {  	s4 =	sadd.s32 $0x16C00, s1;
	s18 =	ssub.s32 s7, s29;
	s14 =	sadd.s32 s6, s2  }
0xd: {  	s0 =	sadd.s32 s0, s1;
	s6 =	sadd.s32 $0x2000, s14;
	s7 =	sadd.s32 $0x4000, s14  }
.Ltmp0:
0xe: {  	s8 =	sadd.s32 $0x6000, s14;
	s9 =	sadd.s32 $0x8000, s14;
	(pc) =	sbr.rel .LBB2_1-.Ltmp0, $4  }
0xf: {  	s10 =	sadd.s32 $0xA000, s14;
	s11 =	sadd.s32 $0xC000, s14;
	s12 =	sadd.s32 $0xE000, s14  }
0x10: {  	s13 =	sadd.s32 $0x10000, s14;
	s14 =	sadd.s32 $0x12000, s14;
	s17 =	sadd.s32 s5, s1  }
0x11: {  	s5 =	sadd.s32 s16, s2;
	s15 =	sadd.s32 $0xCE00, s17;
	s16 =	sadd.s32 $0x3000, s17  }
0x12: {  	v0 =	vimm.f32 $0.0e+00;
	s17 =	smax.u32 s18, $0x1;
	s18 =	sadd.s32 s0, s19;
	s19 =	simm.s32 $0x4E20  }
.LBB2_6:
0x13: {  	[spmem:s2] =	stream.indirect.scatter.add.f32 [tilespmem:s24], [sflag:$0x4], $0x80, s1, s22, $0xb8;
	[tilespmem:$0x1C6A0] =	vst v63  }
0x14: {  	s0 =	simm.s32 $0x2700  }
0x15: {  	[tilespmem:s19], [sflag:$0x5] =	stream.indirect.gather [hbm4b:s4+s31], $0x80, s0, s31, $0xb8;
	[tilespmem:$0x1C6A0] =	vst v63  }
0x16: {  	_ =	swait.ge [sflag:s20], $0x800  }
0x17: {  	[sflag:s20] =	ssyncset.done $0x0  }
0x18: {  	s29 =	simm.s32 $0x4E10;
	[sflag:s20] =	ssyncadd.s32 $0xFFFFF800  }
0x19: {  	[spmem:s2] =	stream.indirect.scatter.add.f32 [tilespmem:s19], [sflag:$0x5], $0x80, s29, s31, $0xb8;
	[tilespmem:$0x1C6A0] =	vst v63  }
0x1a: {  	_ =	swait.ge [sflag:s20], $0x800  }
0x1b: {  	[sflag:s20] =	ssyncset.done $0x0  }
0x1c: {  	[sflag:s20] =	ssyncadd.s32 $0xFFFFF800  }
0x1d: {  	s1 =	stileid.u32;
	_ =	swait.ge [sflag:s30], $0x2000  }
0x1e: {  	s28 =	sadd.s32 $0x1, s28;
	s0 =	sshll.u32 s1, $0x6;
	[sflag:s30] =	ssyncset.done $0x0  }
0x1f: {  	p0 =	sne.s32 s28, s17;
	s0 =	sor.u32 $0x1C05, s0;
	[sflag:s30] =	ssyncadd.s32 $0xFFFFE000  }
.Ltmp1:
0x20: {  	s29 =	sshrl.u32 s5, $0x3;
	[bflag:$0x0] =	sbarrier.arrive $0xFFFF;
	(pc) =	sbr.rel @!p0 .LBB2_7-.Ltmp1, $4  }
0x21: {  	[hbm:s18], [sflag:s0] =	dma.local [spmem:s29], $0x2710  }
0x22: {  	_ =	swait.ge [sflag:s20], $0x2710  }
0x23: {  	[sflag:s20] =	ssyncset.done $0x0  }
0x24: {  	[sflag:s20] =	ssyncadd.s32 $0xFFFFD8F0  }
.LBB2_1:
0x25: {  	s29 =	simm.s32 $0x0;
	s0 =	simm.s32 $0x200  }
.LBB2_2:
0x26: {  	p0 =	sne.s32 s0, $0x7E00;
	[tilespmem:s29+$0x4E90] =	vst v0  }
0x27: {  	[tilespmem:s29+$0x4E20] =	vst v0  }
0x28: {  	[tilespmem:s29+$0x4E30] =	vst v0  }
.Ltmp2:
0x29: {  	[tilespmem:s29+$0x4E40] =	vst v0;
	(pc) =	sbr.rel @p0 .LBB2_2-.Ltmp2, $4  }
0x2a: {  	[tilespmem:s29+$0x4E50] =	vst v0  }
0x2b: {  	[tilespmem:s29+$0x4E60] =	vst v0  }
0x2c: {  	[tilespmem:s29+$0x4E70] =	vst v0  }
0x2d: {  	[tilespmem:s29+$0x4E80] =	vst v0;
	s29 =	sshra.s32 s0, $0x2;
	s0 =	sadd.s32 $0x200, s0  }
0x2e: {  	[tilespmem:s29+$0x4E90] =	vst v0  }
0x2f: {  	[tilespmem:s29+$0x4E20] =	vst v0  }
0x30: {  	[tilespmem:s29+$0x4E30] =	vst v0  }
0x31: {  	[tilespmem:s29+$0x4E40] =	vst v0  }
0x32: {  	[tilespmem:s29+$0x4E50] =	vst v0  }
0x33: {  	[tilespmem:s29+$0x4E60] =	vst v0  }
0x34: {  	[tilespmem:s29+$0x4E70] =	vst v0  }
0x35: {  	[tilespmem:s29+$0x4E80] =	vst v0  }
0x36: {  	[spmem:s5] =	stream.linear.scatter [tilespmem:s19], [sflag:$0x5], $0x2000, $0x38;
	[tilespmem:$0x1C6A0] =	vst v63  }
0x37: {  	_ =	swait.ge [sflag:s20], $0x2000  }
0x38: {  	[sflag:s20] =	ssyncset.done $0x0  }
0x39: {  	[sflag:s20] =	ssyncadd.s32 $0xFFFFE000  }
0x3a: {  	[spmem:s6] =	stream.linear.scatter [tilespmem:s19], [sflag:$0x5], $0x2000, $0x38;
	[tilespmem:$0x1C6A0] =	vst v63  }
0x3b: {  	_ =	swait.ge [sflag:s20], $0x2000  }
0x3c: {  	[sflag:s20] =	ssyncset.done $0x0  }
0x3d: {  	[sflag:s20] =	ssyncadd.s32 $0xFFFFE000  }
0x3e: {  	[spmem:s7] =	stream.linear.scatter [tilespmem:s19], [sflag:$0x5], $0x2000, $0x38;
	[tilespmem:$0x1C6A0] =	vst v63  }
0x3f: {  	_ =	swait.ge [sflag:s20], $0x2000  }
0x40: {  	[sflag:s20] =	ssyncset.done $0x0  }
0x41: {  	[sflag:s20] =	ssyncadd.s32 $0xFFFFE000  }
0x42: {  	[spmem:s8] =	stream.linear.scatter [tilespmem:s19], [sflag:$0x5], $0x2000, $0x38;
	[tilespmem:$0x1C6A0] =	vst v63  }
0x43: {  	_ =	swait.ge [sflag:s20], $0x2000  }
0x44: {  	[sflag:s20] =	ssyncset.done $0x0  }
0x45: {  	[sflag:s20] =	ssyncadd.s32 $0xFFFFE000  }
0x46: {  	[spmem:s9] =	stream.linear.scatter [tilespmem:s19], [sflag:$0x5], $0x2000, $0x38;
	[tilespmem:$0x1C6A0] =	vst v63  }
0x47: {  	_ =	swait.ge [sflag:s20], $0x2000  }
0x48: {  	[sflag:s20] =	ssyncset.done $0x0  }
0x49: {  	[sflag:s20] =	ssyncadd.s32 $0xFFFFE000  }
0x4a: {  	[spmem:s10] =	stream.linear.scatter [tilespmem:s19], [sflag:$0x5], $0x2000, $0x38;
	[tilespmem:$0x1C6A0] =	vst v63  }
0x4b: {  	_ =	swait.ge [sflag:s20], $0x2000  }
0x4c: {  	[sflag:s20] =	ssyncset.done $0x0  }
0x4d: {  	[sflag:s20] =	ssyncadd.s32 $0xFFFFE000  }
0x4e: {  	[spmem:s11] =	stream.linear.scatter [tilespmem:s19], [sflag:$0x5], $0x2000, $0x38;
	[tilespmem:$0x1C6A0] =	vst v63  }
0x4f: {  	_ =	swait.ge [sflag:s20], $0x2000  }
0x50: {  	[sflag:s20] =	ssyncset.done $0x0  }
0x51: {  	[sflag:s20] =	ssyncadd.s32 $0xFFFFE000  }
0x52: {  	[spmem:s12] =	stream.linear.scatter [tilespmem:s19], [sflag:$0x5], $0x2000, $0x38;
	[tilespmem:$0x1C6A0] =	vst v63  }
0x53: {  	_ =	swait.ge [sflag:s20], $0x2000  }
0x54: {  	[sflag:s20] =	ssyncset.done $0x0  }
0x55: {  	[sflag:s20] =	ssyncadd.s32 $0xFFFFE000  }
0x56: {  	[spmem:s13] =	stream.linear.scatter [tilespmem:s19], [sflag:$0x5], $0x2000, $0x38;
	[tilespmem:$0x1C6A0] =	vst v63  }
0x57: {  	_ =	swait.ge [sflag:s20], $0x2000  }
0x58: {  	[sflag:s20] =	ssyncset.done $0x0  }
0x59: {  	[sflag:s20] =	ssyncadd.s32 $0xFFFFE000  }
0x5a: {  	[spmem:s14] =	stream.linear.scatter [tilespmem:s19], [sflag:$0x5], $0x1880, $0x38;
	[tilespmem:$0x1C6A0] =	vst v63  }
0x5b: {  	_ =	swait.ge [sflag:s20], $0x1880  }
0x5c: {  	[sflag:s20] =	ssyncset.done $0x0  }
0x5d: {  	[sflag:s20] =	ssyncadd.s32 $0xFFFFE780  }
0x5e: {  	[tilespmem:s3], [sflag:$0x5] =	stream.linear.gather [hbm4b:s15+s3], $0x2710, $0x38;
	[tilespmem:$0x1C6A0] =	vst v63  }
0x5f: {  	_ =	swait.ge [sflag:s20], $0x2710  }
0x60: {  	[sflag:s20] =	ssyncset.done $0x0  }
0x61: {  	[sflag:s20] =	ssyncadd.s32 $0xFFFFD8F0  }
0x62: {  	[tilespmem:s21], [sflag:$0x5] =	stream.linear.gather [hbm4b:s16+s3], $0x2710, $0x38;
	[tilespmem:$0x1C6A0] =	vst v63  }
0x63: {  	_ =	swait.ge [sflag:s20], $0x2710  }
0x64: {  	[sflag:s20] =	ssyncset.done $0x0  }
0x65: {  	[sflag:s20] =	ssyncadd.s32 $0xFFFFD8F0  }
0x66: {  	[bflag:$0x0] =	sbarrier.arrive $0xFFFF  }
0x67: {  	[tilespmem:s19], [sflag:$0x1] =	stream.indirect.gather [hbm4b:s4+s22], $0x80, s3, s22, $0xb8;
	[tilespmem:$0x1C6A0] =	vst v63  }
0x68: {  	_ =	swait.ge [sflag:s23], $0x2000  }
0x69: {  	[sflag:s23] =	ssyncset.done $0x0  }
0x6a: {  	[sflag:s23] =	ssyncadd.s32 $0xFFFFE000  }
0x6b: {  	[tilespmem:s24], [sflag:$0x2] =	stream.indirect.gather [hbm4b:s4+s22], $0x80, s22, s22, $0xb8;
	[tilespmem:$0x1C6A0] =	vst v63  }
0x6c: {  	_ = 	snop  }
0x6d: {  	[spmem:s2] =	stream.indirect.scatter.add.f32 [tilespmem:s19], [sflag:$0x3], $0x80, s21, s22, $0xb8;
	[tilespmem:$0x1C6A0] =	vst v63  }
0x6e: {  	_ =	swait.ge [sflag:s25], $0x2000  }
0x6f: {  	[sflag:s25] =	ssyncset.done $0x0  }
0x70: {  	[sflag:s25] =	ssyncadd.s32 $0xFFFFE000  }
0x71: {  	_ =	swait.ge [sflag:s26], $0x2000  }
0x72: {  	[sflag:s26] =	ssyncset.done $0x0  }
0x73: {  	s0 =	simm.s32 $0x80;
	[sflag:s26] =	ssyncadd.s32 $0xFFFFE000  }
0x74: {  	[tilespmem:s19], [sflag:$0x1] =	stream.indirect.gather [hbm4b:s4+s22], $0x80, s0, s22, $0xb8;
	[tilespmem:$0x1C6A0] =	vst v63  }
0x75: {  	s1 =	simm.s32 $0x2750;
	s29 =	simm.s32 $0xFFFF6800  }
0x76: {  	[spmem:s2] =	stream.indirect.scatter.add.f32 [tilespmem:s24], [sflag:$0x4], $0x80, s1, s22, $0xb8;
	[tilespmem:$0x1C6A0] =	vst v63  }
.LBB2_4:
0x77: {  	_ =	swait.ge [sflag:s23], $0x2000  }
0x78: {  	[sflag:s23] =	ssyncset.done $0x0  }
0x79: {  	[sflag:s23] =	ssyncadd.s32 $0xFFFFE000  }
0x7a: {  	_ =	swait.ge [sflag:s30], $0x2000  }
0x7b: {  	s0 =	sshra.s32 s29, $0x2;
	[sflag:s30] =	ssyncset.done $0x0  }
0x7c: {  	s1 =	sadd.s32 $0x26C0, s0;
	[sflag:s30] =	ssyncadd.s32 $0xFFFFE000  }
0x7d: {  	[tilespmem:s24], [sflag:$0x2] =	stream.indirect.gather [hbm4b:s4+s22], $0x80, s1, s22, $0xb8;
	[tilespmem:$0x1C6A0] =	vst v63  }
0x7e: {  	s1 =	sadd.s32 $0x4D90, s0  }
0x7f: {  	[spmem:s2] =	stream.indirect.scatter.add.f32 [tilespmem:s19], [sflag:$0x3], $0x80, s1, s22, $0xb8;
	[tilespmem:$0x1C6A0] =	vst v63  }
0x80: {  	p0 =	seq.s32 s29, $0x0;
	_ =	swait.ge [sflag:s25], $0x2000  }
.Ltmp3:
0x81: {  	[sflag:s25] =	ssyncset.done $0x0;
	(pc) =	sbr.rel @p0 .LBB2_6-.Ltmp3, $4  }
0x82: {  	[sflag:s25] =	ssyncadd.s32 $0xFFFFE000  }
0x83: {  	_ =	swait.ge [sflag:s26], $0x2000  }
0x84: {  	[sflag:s26] =	ssyncset.done $0x0  }
0x85: {  	s1 =	sadd.s32 $0x4DD0, s0;
	[sflag:s26] =	ssyncadd.s32 $0xFFFFE000  }
.Ltmp4:
0x86: {  	(pc) =	sbr.rel .LBB2_4-.Ltmp4, $4  }
0x87: {  	s0 =	sadd.s32 $0x2700, s0  }
0x88: {  	[tilespmem:s19], [sflag:$0x1] =	stream.indirect.gather [hbm4b:s4+s22], $0x80, s0, s22, $0xb8;
	[tilespmem:$0x1C6A0] =	vst v63  }
0x89: {  	s29 =	sadd.s32 $0x200, s29  }
0x8a: {  	[spmem:s2] =	stream.indirect.scatter.add.f32 [tilespmem:s24], [sflag:$0x4], $0x80, s1, s22, $0xb8;
	[tilespmem:$0x1C6A0] =	vst v63  }
.LBB2_7:
0x8b: {  	_ =	sfence.sel $0x180000  }
0x8c: {  	[bflag:$0x0] =	sbarrier.arrive $0xFFFF  }
0x8d: {  	_ =	strace $0x9000004A  }
0x8e: {  	s0 =	stileid.u32;
	[bflag:$0x2] =	sbarrier.arrive $0xFFFF  }
0x8f: {  	p0 =	sne.s32 s0, $0x0;
	s0 =	rddreg [dreg:$0x2]  }
0x90: {  	s0 =	sadd.s32 @!p0 $0x100000, s0  }
0x91: {  	[sflag:s0] =	ssyncadd.tile.s32 @!p0 $0x1;
	_ =	shalt  }
.Lfunc_end2:
_tile_overlayer_lowered:
.L_overlay_start_2:
0x92: {  	(tag) =	ssettag $0x2  }
0x93: {  	s0 =	rddreg [dreg:$0x0];
	s2 =	stileid.u32  }
0x94: {  	s1 =	rddreg [dreg:$0x1];
	p0 =	sne.s32 s2, $0x0  }
0x95: {  	s3 =	rddreg [dreg:$0x2];
	[bflag:$0x3] =	sbarrier.arrive $0xFFFF;
	s2 =	simm.s32 @!p0 $0x1C05  }
0x96: {  	[timem:s3], [sflag:s2] =	dma.local @!p0 [hbm:s0], s1  }
0x97: {  	s0 =	simm.s32 @!p0 $0x5  }
0x98: {  	_ =	swait.ge @!p0 [sflag:s0], s1  }
0x99: {  	s1 =	ssub.s32 @!p0 $0x0, s1;
	[sflag:s0] =	ssyncset.done @!p0 $0x0  }
0x9a: {  	[sflag:s0] =	ssyncadd.s32 @!p0 s1  }
0x9b: {  	[bflag:$0x3] =	sbarrier.arrive $0xFFFF  }
0x9c: {  	_ =	shalt  }

// kernel: kernel.13.cloned.1.call-start
scs
__scs_entry_jumppad:
0x0: {  	(pc) =	sbr.rel $0x88, $3  }
0x1: {  	(tag) =	ssettag $0x0;
	lr =	simm.s32 $0x1  }
0x2: {  	[smem:$0x3F8C] =	sst lr;
	_ =	strace $0xD0000000  }
0x3: {  	_ = 	snop  }
0x4: {  	_ = 	snop  }
0x5: {  	_ = 	snop  }
0x6: {  	_ = 	snop  }
0x7: {  	_ = 	snop  }
__scs_overlays_trampoline_lowered:
0x8: {  	[smem:$0x3F9B] =	sst s0  }
0x9: {  	[smem:$0x3F9C] =	sst s1  }
0xa: {  	[smem:$0x3F9D] =	sst s2  }
0xb: {  	[smem:$0x3F9E] =	sst s3  }
0xc: {  	[smem:$0x3F9F] =	sst s4  }
0xd: {  	[smem:$0x3FA0] =	sst s5  }
0xe: {  	[smem:$0x3FA1] =	sst s6  }
0xf: {  	[smem:$0x3FA2] =	sst s7  }
0x10: {  	[smem:$0x3FA3] =	sst s8  }
0x11: {  	[smem:$0x3FA4] =	sst s9;
	s0 =	simm.s32 @!p0 $0x0  }
0x12: {  	s1 =	sld [smem:$0x3F8A];
	s0 =	simm.s32 @p0 $0x1  }
0x13: {  	[smem:$0x3FA5] =	sst s0;
	s0 =	simm.s32 @!p1 $0x0  }
0x14: {  	s2 =	sld [smem:$0x3F89];
	s0 =	simm.s32 @p1 $0x1  }
0x15: {  	[smem:$0x3FA6] =	sst s0;
	s0 =	simm.s32 @!p2 $0x0  }
0x16: {  	s3 =	sld [smem:$0x3FDB];
	s0 =	simm.s32 @p2 $0x1  }
0x17: {  	s4 =	simm.s32 $0x1BF5;
	[smem:$0x3FA8] =	sst s0  }
0x18: {  	s0 =	sld [smem:$0x3F8B];
	_ =	swait.ge [sflag:s4], $0x0  }
0x19: {  	s7 =	sld [smem:$0x3F8C]  }
0x1a: {  	s8 =	sadd.s32 $0xFFFFE003, lr  }
0x1b: {  	s9 =	sadd.s32 $0xFFFFFEF7, lr;
	s5 =	simm.s32 $0xFFFFFFFF;
	p2 =	slt.u32 s8, $0xFFFFF086  }
0x1c: {  	p1 =	slt.u32 s9, $0xF7A;
	s5 =	simm.s32 @!p2 $0x0  }
0x1d: {  	s5 =	simm.s32 @p1 $0x1;
	p0 =	seq.s32 s7, s2  }
0x1e: {  	s7 =	smul.u32 @!p0 $0xF7A, s2;
	p2 =	seq.s32 @!p0 s5, $0x0  }
0x1f: {  	s9 =	smul.u32 $0xF7A, s1;
	s8 =	simm.s32 @!p0 $0x1BF5;
	p2 =	por !p2, p0  }
0x20: {  	[sflag:s8] =	ssyncset.s32 @!p0 $0xFFFFF086;
	s6 =	sadd.s32 @!p0 s3, s7;
	s7 =	simm.s32 @!p0 $0x108  }
0x21: {  	s3 =	sadd.s32 s3, s9;
	s6 =	sadd.s32 @!p0 $0x88, s6;
	s7 =	simm.s32 @p2 $0x1082  }
0x22: {  	[simem:s7], [sflag:s8] =	dma.local @!p0 [hbm:s6], $0xF7A  }
0x23: {  	s9 =	sor.u32 $0xD0000000, s2;
	s6 =	simm.s32 $0x108;
	_ =	swait.ge @!p0 [sflag:s8], $0x0  }
0x24: {  	s3 =	sadd.s32 $0x88, s3;
	s6 =	simm.s32 @!p1 $0x1082;
	[sflag:s4] =	ssyncset.s32 $0xFFFFF086  }
0x25: {  	[simem:s6], [sflag:s4] =	dma.local [hbm:s3], $0xF7A  }
0x26: {  	[smem:$0x3F8C] =	sst s1;
	(tag) =	ssettag s2;
	_ =	strace s9  }
0x27: {  	s1 =	sld [smem:$0x3F9C]  }
0x28: {  	s2 =	sld [smem:$0x3F9D]  }
0x29: {  	s4 =	sld [smem:$0x3F9F]  }
0x2a: {  	p0 =	seq.s32 s5, $0x0;
	s5 =	sld [smem:$0x3FA0]  }
0x2b: {  	s6 =	sld [smem:$0x3FA1]  }
0x2c: {  	s7 =	sld [smem:$0x3FA2]  }
0x2d: {  	s3 =	simm.s32 $0x108;
	s8 =	sld [smem:$0x3FA3]  }
0x2e: {  	s3 =	simm.s32 @!p0 $0x1082;
	s9 =	sld [smem:$0x3FA4]  }
0x2f: {  	lr =	sadd.s32 s0, s3;
	s0 =	sld [smem:$0x3F9B]  }
0x30: {  	s3 =	sld [smem:$0x3F9E]  }
0x31: {  	[smem:$0x3FA7] =	sst s10  }
0x32: {  	s10 =	sld [smem:$0x3FA5];
	_ =	sdelay $0x3  }
0x33: {  	p0 =	seq.s32 s10, $0x1;
	s10 =	sld [smem:$0x3FA7];
	_ =	sdelay $0x3  }
0x34: {  	[smem:$0x3FA7] =	sst s10  }
0x35: {  	s10 =	sld [smem:$0x3FA6];
	_ =	sdelay $0x3  }
0x36: {  	p1 =	seq.s32 s10, $0x1;
	s10 =	sld [smem:$0x3FA7];
	_ =	sdelay $0x3  }
0x37: {  	[smem:$0x3FA7] =	sst s10  }
0x38: {  	s10 =	sld [smem:$0x3FA8]  }
0x39: {  	_ = 	snop;
	(pc) =	sbr.ind lr, $3  }
0x3a: {  	_ = 	snop  }
0x3b: {  	_ = 	snop  }
0x3c: {  	p2 =	seq.s32 s10, $0x1;
	s10 =	sld [smem:$0x3FA7]  }
0x3d: {  	_ =	shalt  }
0x3e: {  	_ =	shalt  }
0x3f: {  	_ =	shalt  }
0x40: {  	_ =	shalt  }
0x41: {  	_ =	shalt  }
0x42: {  	_ =	shalt  }
0x43: {  	_ =	shalt  }
0x44: {  	_ =	shalt  }
0x45: {  	_ =	shalt  }
0x46: {  	_ =	shalt  }
0x47: {  	_ =	shalt  }
0x48: {  	_ =	shalt  }
0x49: {  	_ =	shalt  }
0x4a: {  	_ =	shalt  }
0x4b: {  	_ =	shalt  }
0x4c: {  	_ =	shalt  }
0x4d: {  	_ =	shalt  }
0x4e: {  	_ =	shalt  }
0x4f: {  	_ =	shalt  }
0x50: {  	_ =	shalt  }
0x51: {  	_ =	shalt  }
0x52: {  	_ =	shalt  }
0x53: {  	_ =	shalt  }
0x54: {  	_ =	shalt  }
0x55: {  	_ =	shalt  }
0x56: {  	_ =	shalt  }
0x57: {  	_ =	shalt  }
0x58: {  	_ =	shalt  }
0x59: {  	_ =	shalt  }
0x5a: {  	_ =	shalt  }
0x5b: {  	_ =	shalt  }
0x5c: {  	_ =	shalt  }
0x5d: {  	_ =	shalt  }
0x5e: {  	_ =	shalt  }
0x5f: {  	_ =	shalt  }
0x60: {  	_ =	shalt  }
0x61: {  	_ =	shalt  }
0x62: {  	_ =	shalt  }
0x63: {  	_ =	shalt  }
0x64: {  	_ =	shalt  }
0x65: {  	_ =	shalt  }
0x66: {  	_ =	shalt  }
0x67: {  	_ =	shalt  }
0x68: {  	_ =	shalt  }
0x69: {  	_ =	shalt  }
0x6a: {  	_ =	shalt  }
0x6b: {  	_ =	shalt  }
0x6c: {  	_ =	shalt  }
0x6d: {  	_ =	shalt  }
0x6e: {  	_ =	shalt  }
0x6f: {  	_ =	shalt  }
0x70: {  	_ =	shalt  }
0x71: {  	_ =	shalt  }
0x72: {  	_ =	shalt  }
0x73: {  	_ =	shalt  }
0x74: {  	_ =	shalt  }
0x75: {  	_ =	shalt  }
0x76: {  	_ =	shalt  }
0x77: {  	_ =	shalt  }
0x78: {  	_ =	shalt  }
0x79: {  	_ =	shalt  }
0x7a: {  	_ =	shalt  }
0x7b: {  	_ =	shalt  }
0x7c: {  	_ =	shalt  }
0x7d: {  	_ =	shalt  }
0x7e: {  	_ =	shalt  }
0x7f: {  	_ =	shalt  }
0x80: {  	_ =	shalt  }
0x81: {  	_ =	shalt  }
0x82: {  	_ =	shalt  }
0x83: {  	_ =	shalt  }
0x84: {  	_ =	shalt  }
0x85: {  	_ =	shalt  }
0x86: {  	_ =	shalt  }
0x87: {  	_ =	shalt  }
.Lfunc_end0:
.L_simem_size_0:
called_computation.2_lowered:
.L_overlay_start_0:
0x88: {  	s2 =	sld [smem:$0x3FD9]  }
0x89: {  	s3 =	sld [smem:$0x3FFE];
	_ =	sdelay $0x1  }
0x8a: {  	s1 =	srdreg.scid  }
0x8b: {  	s0 =	sand.u32 $0x1, s1  }
0x8c: {  	s14 =	sshll.u32 s0, $0xA;
	s2 =	sadd.s32 s3, s2  }
0x8d: {  	s2 =	sadd.s32 s2, s14  }
0x8e: {  	[smem:$0x3FB3] =	sst s2  }
0x8f: {  	_ = 	snop  }
0x90: {  	s2 =	sld [smem:$0x3FD0];
	_ =	sdelay $0x2  }
0x91: {  	s4 =	simm.s32 $0xA;
	s5 =	simm.s32 $0x10;
	s15 =	sld [smem:$0x3FC7]  }
0x92: {  	[smem:s5], [sflag:s4] =	dma.local [hbm:s2], $0x1  }
0x93: {  	_ =	swait.eq [sflag:s4], $0x1  }
0x94: {  	[sflag:s4] =	ssyncset.done $0x0  }
0x95: {  	[sflag:s4] =	ssyncadd.s32 $0xFFFFFFFF  }
0x96: {  	s16 =	sld [smem:$0x10];
	(tm) =	ssettm $0x1  }
0x97: {  	s17 =	sld [smem:$0x3FFB];
	_ =	sdelay $0x3  }
0x98: {  	_ =	strace s17  }
0x99: {  	s4 =	sld [smem:$0x3FFC];
	_ =	sdelay $0x3  }
0x9a: {  	_ =	strace s4  }
0x9b: {  	s4 =	sld [smem:$0x3FFD];
	_ =	sdelay $0x3  }
0x9c: {  	_ =	strace s4  }
0x9d: {  	_ =	strace $0x8FFFFFFF  }
0x9e: {  	s18 =	sld [smem:$0x3FDB];
	_ =	sdelay $0x1  }
0x9f: {  	s19 =	simm.s32 $_scs_section_size  }
0xa0: {  	s6 =	simm.s32 $_size__tile_overlayer_lowered;
	s7 =	simm.s32 $_tile_overlayer_lowered  }
0xa1: {  	s22 =	simm.s32 $0x1BFF;
	s21 =	sshll.u32 s7, $0x1;
	s4 =	sadd.s32 s19, s18  }
0xa2: {  	s8 =	simm.s32 $0x0;
	s20 =	sshll.u32 s6, $0x1;
	s6 =	sadd.s32 s21, s4  }
0xa3: {  	[timem:s8], [sflag:s22] =	dma.local [hbm:s6], s20  }
0xa4: {  	_ =	swait.ge [sflag:s22], s20  }
0xa5: {  	s5 =	ssub.s32 $0x0, s20;
	[sflag:s22] =	ssyncset.done $0x0  }
0xa6: {  	[sflag:s22] =	ssyncadd.s32 s5;
	_ =	sdelay $0x1  }
0xa7: {  	s23 =	simm.s32 $0x1B8B  }
0xa8: {  	_ =	swait.ge [sflag:s23], $0x1  }
0xa9: {  	[sflag:s23] =	ssyncset.done $0x0  }
0xaa: {  	s25 =	simm.s32 $0x1B8E;
	s24 =	sld [smem:$0x3FFE];
	[sflag:s23] =	ssyncadd.s32 $0xFFFFFFFF  }
0xab: {  	s26 =	simm.s32 $execute0_lowered;
	[smem:$0x3FD2] =	sst s25  }
0xac: {  	s6 =	sshll.u32 s26, $0x1;
	_ =	strace $0x8000004C;
	[dreg:$0x1] =	wrdreg $0xFFFFFFFF  }
0xad: {  	s28 =	simm.s32 $_size_execute0_lowered;
	s4 =	sadd.s32 s4, s6;
	[dreg:$0x0] =	wrdreg $0x0  }
0xae: {  	s6 =	sshll.u32 s28, $0x1;
	[dreg:$0x2] =	wrdreg s4  }
0xaf: {  	[dreg:$0x3] =	wrdreg s6  }
0xb0: {  	[dreg:$0x4] =	wrdreg $0xC0  }
0xb1: {  	_ =	task [dreg:s8], $0x5FFFF  }
0xb2: {  	[dreg:$0x1] =	wrdreg $0xFFFFFFFF  }
0xb3: {  	[dreg:$0x0] =	wrdreg $0x60  }
0xb4: {  	[dreg:$0x2] =	wrdreg s24  }
0xb5: {  	[dreg:$0x3] =	wrdreg s15  }
0xb6: {  	[dreg:$0x4] =	wrdreg s16  }
0xb7: {  	[dreg:$0x5] =	wrdreg $0x9  }
0xb8: {  	_ =	task.clear_ibuf [dreg:s8], $0x6FFFF;
	_ =	strace $0x9000004C  }
0xb9: {  	s29 =	simm.s32 $0x9;
	_ =	strace $0x8000004E  }
0xba: {  	_ =	swait.ge [sflag:s29], $0x1  }
0xbb: {  	[sflag:s29] =	ssyncadd.s32 $0xFFFFFFFF  }
0xbc: {  	_ =	strace $0x9000004E  }
0xbd: {  	_ =	sfence  }
0xbe: {  	s30 =	sld [smem:$0x0];
	_ =	sdelay $0x2  }
0xbf: {  	s31 =	sshll.u32 s1, $0xD;
	s1 =	sshrl.u32 s1, $0x2  }
0xc0: {  	s3 =	sand.u32 $0x4000, s31;
	s1 =	sadd.s32 s1, s30  }
0xc1: {  	s0 =	sor.u32 s3, s0;
	s1 =	sshll.u32 s1, $0x11  }
0xc2: {  	s0 =	sor.u32 s1, s0  }
0xc3: {  	s0 =	sadd.s32 $0x8F2B, s0  }
0xc4: {  	[sflag:s0] =	ssyncadd.remote.s32 $0x1  }
0xc5: {  	_ =	sfence.sel $0xFFFF  }
0xc6: {  	[dreg:$0x0] =	wrdreg $0xFFFFFFFF;
	(pc) =	sbr.abs _section_cstart, $3  }
0xc7: {  	[dreg:$0x1] =	wrdreg $0xFFFFFFFF  }
0xc8: {  	_ =	task.clear_ibuf [dreg:s8], $0x2FFFF;
	_ =	strace $0x9FFFFFFF  }
0xc9: {  	(tm) =	ssettm $0x7FFFFFFF  }
tec
execute0_lowered:
.L_overlay_start_1:
0x0: {  	(tag) =	ssettag $0x1  }
0x1: {  	v0 =	vimm.s32 $0xFEDCBA98;
	v1 =	vimm.s32 $0x76543210  }
0x2: {  	s0 =	rddreg [dreg:$0x0];
	v2 =	vimm.s32 $0xBA98FEDC;
	v3 =	vimm.s32 $0x32107654;
	v4 =	vimm.s32 $0xDCFE98BA  }
0x3: {  	s1 =	srdreg.scid;
	s7 =	rddreg [dreg:$0x1];
	v5 =	vimm.s32 $0x54761032;
	v6 =	vimm.s32 $0xEFCDAB89;
	v7 =	vimm.s32 $0x67452301  }
0x4: {  	s2 =	rddreg [dreg:$0x2];
	s5 =	stileid.u32;
	vm0 =	vmmov $0x1;
	vm1 =	vmmov $0x3;
	vm2 =	vmmov $0x7  }
0x5: {  	s3 =	simm.s32 $0x0;
	s13 =	simm.s32 $0x7;
	vm3 =	vmmov $0xf;
	vm4 =	vmmov $0x1f;
	vm5 =	vmmov $0x3f;
	s1 =	sand.u32 $0x1, s1  }
0x6: {  	s16 =	simm.s32 $0x1;
	s17 =	simm.s32 $0x3;
	vm6 =	vmmov $0x7f;
	vm7 =	vmmov $0xff;
	vm8 =	vmmov $0x1ff;
	s4 =	sshll.u32 s1, $0x4  }
0x7: {  	s18 =	simm.s32 $0x100;
	s19 =	simm.s32 $0xB530;
	vm9 =	vmmov $0x3ff;
	vm10 =	vmmov $0x7ff;
	vm11 =	vmmov $0xfff;
	s4 =	sor.u32 s5, s4  }
0x8: {  	s20 =	simm.s32 $0x13530;
	s21 =	simm.s32 $0x17630;
	v0 =	vunpack.c.l.s4.s8 v0;
	v1 =	vunpack.c.l.s4.s8 v1;
	v2 =	vunpack.c.l.s4.s8 v2;
	s4 =	smul.u32 $0x2710, s4  }
0x9: {  	s22 =	simm.s32 $0x2;
	s23 =	simm.s32 $0x4;
	v3 =	vunpack.c.l.s4.s8 v3;
	v4 =	vunpack.c.l.s4.s8 v4;
	v5 =	vunpack.c.l.s4.s8 v5;
	[smem:$0x7FF] =	sst s3  }
0xa: {  	v6 =	vunpack.c.l.s4.s8 v6;
	v7 =	vunpack.c.l.s4.s8 v7;
	s6 =	sadd.s32 $0x16C00, s0;
	_ =	strace $0x8000004D;
	v0 =	vunpack.c.0.s8.s32 v0;
	s8 =	sshrl.u32 s4, $0x3  }
0xb: {  	v2 =	vunpack.c.0.s8.s32 v2;
	v3 =	vunpack.c.0.s8.s32 v3;
	v4 =	vunpack.c.0.s8.s32 v4;
	s5 =	sadd.s32 $0x2A600, s0;
	s9 =	sadd.s32 s8, s0;
	s0 =	sadd.s32 $0xB3400, s0  }
0xc: {  	s1 =	ssub.s32 $0x2, s1;
	v5 =	vunpack.c.0.s8.s32 v5;
	v6 =	vunpack.c.0.s8.s32 v6;
	v7 =	vunpack.c.0.s8.s32 v7;
	s31 =	sadd.s32 s7, s8;
	[dreg:$0x4] =	wrdreg s0  }
0xd: {  	vm12 =	vmmov $0x1fff;
	v1 =	vunpack.c.0.s8.s32 v1;
	s26 =	sshrl.u32 s1, $0x1;
	v2 =	vcombine.low v3, v2;
	s29 =	sadd.s32 $0xCE00, s9;
	[dreg:$0x7] =	wrdreg s31  }
0xe: {  	v3 =	vcombine.low v5, v4;
	v4 =	vcombine.low v7, v6;
	v0 =	vand.u32 $0xF, v0;
	s0 =	ssub.s32 s1, s26;
	s30 =	sadd.s32 $0x3000, s9;
	[dreg:$0x5] =	wrdreg s29  }
0xf: {  	s24 =	simm.s32 $0x17730;
	vm13 =	vmmov $0x3fff;
	vm14 =	vmmov $0x7fff;
	v0 =	vcombine.low v0, v1;
	[dreg:$0x6] =	wrdreg s30;
	s0 =	smax.u32 s0, $0x1  }
0x10: {  	s28 =	simm.s32 $0x0;
	v1 =	vand.u32 $0xF, v2;
	v2 =	vand.u32 $0xF, v3;
	v3 =	vand.u32 $0xF, v4;
	s26 =	simm.s32 $0x6;
	[dreg:$0x8] =	wrdreg s0  }
.LBB2_1:
0x11: {  	s0 =	rddreg [dreg:$0x4];
	s1 =	simm.s32 $0x17530  }
0x12: {  	[tilespmem:s1], [sflag:$0x7] =	stream.linear.gather [hbm4b:s0+s3], $0x100, $0x38;
	[tilespmem:$0x17830] =	vst v63  }
0x13: {  	_ =	swait.ge [sflag:s13], $0x100  }
0x14: {  	[sflag:s13] =	ssyncset.done $0x0  }
0x15: {  	s11 =	rddreg [dreg:$0x5];
	[sflag:s13] =	ssyncadd.s32 $0xFFFFFF00  }
0x16: {  	[tilespmem:s3], [sflag:$0x7] =	stream.linear.gather [hbm4b:s11+s3], $0x2710, $0x38;
	[tilespmem:$0x17830] =	vst v63  }
0x17: {  	_ =	swait.ge [sflag:s13], $0x2710  }
0x18: {  	[sflag:s13] =	ssyncset.done $0x0  }
0x19: {  	s29 =	simm.s32 $0x2710;
	s12 =	rddreg [dreg:$0x6];
	[sflag:s13] =	ssyncadd.s32 $0xFFFFD8F0  }
0x1a: {  	[tilespmem:s29], [sflag:$0x7] =	stream.linear.gather [hbm4b:s12+s3], $0x2710, $0x38;
	[tilespmem:$0x17830] =	vst v63  }
0x1b: {  	_ =	swait.ge [sflag:s13], $0x2710  }
0x1c: {  	[sflag:s13] =	ssyncset.done $0x0  }
0x1d: {  	s30 =	simm.s32 $0x4E20;
	s14 =	rddreg [dreg:$0x7];
	[sflag:s13] =	ssyncadd.s32 $0xFFFFD8F0  }
0x1e: {  	[tilespmem:s30], [sflag:$0x7] =	stream.linear.gather [hbm4b:s14+s3], $0x2710, $0x38;
	[tilespmem:$0x17830] =	vst v63  }
0x1f: {  	_ =	swait.ge [sflag:s13], $0x2710  }
0x20: {  	[sflag:s13] =	ssyncset.done $0x0  }
0x21: {  	[sflag:s13] =	ssyncadd.s32 $0xFFFFD8F0  }
0x22: {  	v4 =	vld [tilespmem:$0x17530]  }
0x23: {  	v5 =	vld [tilespmem:$0x17540]  }
0x24: {  	v6 =	vld [tilespmem:$0x17550]  }
0x25: {  	v7 =	vld [tilespmem:$0x17560]  }
0x26: {  	v8 =	vld [tilespmem:$0x17570]  }
0x27: {  	v9 =	vld [tilespmem:$0x17580]  }
0x28: {  	v10 =	vld [tilespmem:$0x17590]  }
0x29: {  	v11 =	vld [tilespmem:$0x175A0]  }
0x2a: {  	v12 =	vld [tilespmem:$0x175B0]  }
0x2b: {  	v13 =	vld [tilespmem:$0x175C0]  }
0x2c: {  	s15 =	simm.s32 $0x7530;
	s25 =	simm.s32 $0xF530;
	v14 =	vld [tilespmem:$0x175D0]  }
0x2d: {  	v15 =	vld [tilespmem:$0x175E0];
	[tilespmem:s15], [sflag:$0x1] =	stream.indirect.gather [hbm4b:s5+s18], $0x40, s3, s18, $0xb8  }
0x2e: {  	s31 =	simm.s32 $0x100;
	s1 =	simm.s32 $0x0;
	s0 =	simm.s32 $0x0  }
0x2f: {  	[tilespmem:s25], [sflag:$0x3] =	stream.indirect.gather [hbm4b:s6+s18], $0x40, s29, s18, $0xb8;
	[tilespmem:$0x17830] =	vst v63  }
.LBB2_2:
0x30: {  	_ =	swait.ge [sflag:s16], $0x4000  }
0x31: {  	[sflag:s16] =	ssyncset.done $0x0  }
0x32: {  	[sflag:s16] =	ssyncadd.s32 $0xFFFFC000  }
0x33: {  	s8 =	sshll.u32 s0, $0x9;
	_ =	swait.ge [sflag:s17], $0x4000  }
0x34: {  	s7 =	sor.u32 $0x100, s8;
	[sflag:s17] =	ssyncset.done $0x0  }
0x35: {  	p0 =	seq.s32 s0, $0x0;
	s12 =	smin.u32 s7, $0x2610;
	[sflag:s17] =	ssyncadd.s32 $0xFFFFC000  }
0x36: {  	[tilespmem:s19], [sflag:$0x2] =	stream.indirect.gather [hbm4b:s5+s18], $0x40, s12, s18, $0xb8;
	[tilespmem:$0x17830] =	vst v63  }
0x37: {  	s9 =	simm.s32 @!p0 $0x5;
	s7 =	sadd.s32 $0x2710, s12  }
0x38: {  	[tilespmem:s20], [sflag:$0x4] =	stream.indirect.gather [hbm4b:s6+s18], $0x40, s7, s18, $0xb8;
	[tilespmem:$0x17830] =	vst v63  }
0x39: {  	s14 =	smin.u32 s31, $0x2610;
	s10 =	simm.s32 $0x7730;
	_ =	swait.ge @!p0 [sflag:s9], $0x100  }
0x3a: {  	s11 =	simm.s32 $0xF730;
	s15 =	sadd.s32 $0x2710, s14;
	[sflag:s9] =	ssyncset.done @!p0 $0x0  }
0x3b: {  	v16 =	vmov s30;
	v17 =	vmov s1;
	v18 =	vmov s29;
	s7 =	sadd.s32 $0x4E20, s14;
	[sflag:s9] =	ssyncadd.s32 @!p0 $0xFFFFFF00;
	s9 =	simm.s32 $0x0  }
.LBB2_3:
0x3c: {  	v20 =	vld [tilespmem:s10+$0xFFFFFE00]  }
0x3d: {  	v21 =	vld [tilespmem:s11+$0xFFFFFE00]  }
0x3e: {  	v22 =	vld [tilespmem:s10+$0xFFFFFE10]  }
0x3f: {  	v24 =	vld [tilespmem:s11+$0xFFFFFE10]  }
0x40: {  	v48 =	vld [tilespmem:s10+$0xFFFFFE30]  }
0x41: {  	v49 =	vld [tilespmem:s11+$0xFFFFFE30]  }
0x42: {  	v50 =	vld [tilespmem:s10+$0xFFFFFE40]  }
0x43: {  	v29 =	vld [tilespmem:s11+$0xFFFFFE40]  }
0x44: {  	s25 =	sshra.s32 s9, $0x2;
	v30 =	vld [tilespmem:s10+$0xFFFFFE50]  }
0x45: {  	v19 =	vld.idx.msk [tilespmem:v16+s25+$0x0 ss:$0x1], $0xffff  }
0x46: {  	v31 =	vld [tilespmem:s11+$0xFFFFFE50]  }
0x47: {  	v32 =	vld [tilespmem:s10+$0xFFFFFE90]  }
0x48: {  	v33 =	vld [tilespmem:s11+$0xFFFFFE90]  }
0x49: {  	v27 =	vld [tilespmem:s10+$0xFFFFFE20]  }
0x4a: {  	v46 =	vld [tilespmem:s11+$0xFFFFFE20];
	v20 =	vadd.f32 v21, v20;
	v22 =	vadd.f32 v24, v22;
	v23 =	vbroadcast v19, $0x0  }
0x4b: {  	v21 =	vadd.f32 v49, v48;
	v24 =	vadd.f32 v29, v50;
	v52 =	vbroadcast v19, $0x1  }
0x4c: {  	v41 =	vld [tilespmem:s10+$0xFFFFFEA0];
	v57 =	vadd.f32 v31, v30;
	v36 =	vbroadcast v19, $0x2;
	v25 =	vmul.f32 v23, v4  }
0x4d: {  	v42 =	vld [tilespmem:s11+$0xFFFFFEA0];
	v43 =	vadd.f32 v33, v32;
	v26 =	vmul.f32 v23, v5;
	v28 =	vmul.f32 v23, v6  }
0x4e: {  	v55 =	vld [tilespmem:s10+$0xFFFFFE60];
	v23 =	vmul.f32 v23, v7;
	v53 =	vmul.f32 v52, v4;
	v45 =	vadd.f32 v25, v8  }
0x4f: {  	v56 =	vld [tilespmem:s11+$0xFFFFFE60];
	v61 =	vmul.f32 v52, v6;
	v47 =	vadd.f32 v26, v9;
	v25 =	vadd.f32 v46, v27  }
0x50: {  	v58 =	vld [tilespmem:s10+$0xFFFFFE70];
	v50 =	vmul.f32 v36, v6;
	v51 =	vadd.f32 v28, v10;
	v23 =	vadd.f32 v23, v11  }
0x51: {  	v59 =	vld [tilespmem:s11+$0xFFFFFE70];
	v54 =	vmul.f32 v52, v5;
	v26 =	vadd.f32 v53, v8;
	v63 =	vadd.f32 v61, v10  }
0x52: {  	v28 =	vmul.f32 v52, v7;
	v27 =	vadd.f32 v42, v41;
	v52 =	vadd.f32 v50, v10  }
0x53: {  	v34 =	vbroadcast v19, $0x3;
	v20 =	vadd.f32 v20, v45;
	v22 =	vadd.f32 v22, v47  }
0x54: {  	v38 =	vmul.f32 v36, v4;
	v25 =	vadd.f32 v25, v51;
	v21 =	vadd.f32 v21, v23  }
0x55: {  	v40 =	vmul.f32 v36, v5;
	v24 =	vadd.f32 v24, v26;
	v23 =	vadd.f32 v56, v55  }
0x56: {  	v61 =	vmul.f32 v34, v6;
	v26 =	vadd.f32 v59, v58;
	v28 =	vadd.f32 v28, v11  }
0x57: {  	v35 =	vld [tilespmem:s10+$0xFFFFFED0];
	v56 =	vadd.f32 v27, v52;
	v58 =	vmul.f32 v36, v7;
	v59 =	vmul.f32 v34, v5  }
0x58: {  	v53 =	vld [tilespmem:s11+$0xFFFFFED0];
	v52 =	vbroadcast v19, $0x4;
	v20 =	vmax.f32 v20, $0.0e+00;
	v22 =	vmax.f32 v22, $0.0e+00  }
0x59: {  	v49 =	vld [tilespmem:s10+$0xFFFFFEC0];
	v25 =	vmax.f32 v25, $0.0e+00;
	v21 =	vmax.f32 v21, $0.0e+00;
	v37 =	vadd.f32 v23, v63  }
0x5a: {  	v51 =	vld [tilespmem:s11+$0xFFFFFEC0];
	v24 =	vmax.f32 v24, $0.0e+00;
	v39 =	vadd.f32 v26, v28;
	v23 =	vadd.f32 v38, v8  }
0x5b: {  	v60 =	vld [tilespmem:s10+$0xFFFFFE80];
	v26 =	vadd.f32 v40, v9;
	v28 =	vadd.f32 v58, v11;
	v20 =	vmul.f32 v20, v12  }
0x5c: {  	v62 =	vld [tilespmem:s11+$0xFFFFFE80];
	v29 =	vadd.f32 v59, v9;
	v22 =	vmul.f32 v22, v13;
	v25 =	vmul.f32 v25, v14  }
0x5d: {  	v44 =	vld [tilespmem:s10+$0xFFFFFEB0];
	v21 =	vmul.f32 v21, v15;
	v30 =	vadd.f32 v53, v35;
	v48 =	vadd.f32 v43, v26  }
0x5e: {  	v46 =	vld [tilespmem:s11+$0xFFFFFEB0];
	v24 =	vmul.f32 v24, v12;
	v20 =	vadd.f32 v22, v20;
	v22 =	vadd.f32 v54, v9  }
0x5f: {  	v47 =	vmax.f32 v39, $0.0e+00;
	v26 =	vadd.f32 v51, v49;
	v32 =	vadd.f32 v30, v29  }
0x60: {  	v55 =	vld [tilespmem:s10+$0xFFFFFEE0];
	v54 =	vmul.f32 v34, v4;
	v20 =	vadd.f32 v25, v20;
	v22 =	vadd.f32 v57, v22  }
0x61: {  	v34 =	vmul.f32 v34, v7;
	v29 =	vmul.f32 v52, v7;
	v25 =	vadd.f32 v62, v60;
	v57 =	vld [tilespmem:s11+$0xFFFFFEE0]  }
0x62: {  	v22 =	vmax.f32 v22, $0.0e+00;
	v20 =	vadd.f32 v21, v20;
	v21 =	vmax.f32 v37, $0.0e+00  }
0x63: {  	v23 =	vadd.f32 v25, v23;
	v25 =	vadd.f32 v46, v44;
	v22 =	vmul.f32 v22, v13  }
0x64: {  	v29 =	vadd.f32 v29, v11;
	v21 =	vmul.f32 v21, v14;
	v45 =	vperm.xlane v20, v0  }
0x65: {  	v23 =	vmax.f32 v23, $0.0e+00;
	v25 =	vadd.f32 v25, v28;
	v22 =	vadd.f32 v22, v24  }
0x66: {  	v23 =	vmul.f32 v23, v12;
	v24 =	vmax.f32 v48, $0.0e+00;
	v27 =	vadd.f32 v57, v55  }
0x67: {  	v57 =	vmul.f32 v52, v5;
	v24 =	vmul.f32 v24, v13;
	v20 =	vadd.f32 v20, v45  }
0x68: {  	v60 =	vld [tilespmem:s10+$0xFFFFFEF0];
	v25 =	vmax.f32 v25, $0.0e+00;
	v21 =	vadd.f32 v21, v22;
	v22 =	vmul.f32 v47, v15  }
0x69: {  	v62 =	vld [tilespmem:s11+$0xFFFFFEF0];
	v25 =	vmul.f32 v25, v15;
	v23 =	vadd.f32 v24, v23;
	v24 =	vmax.f32 v56, $0.0e+00  }
0x6a: {  	v38 =	vperm.xlane v20, v1;
	v21 =	vadd.f32 v22, v21;
	v22 =	vadd.f32 v54, v8  }
0x6b: {  	v37 =	vadd.f32 v34, v11;
	v56 =	vmul.f32 v52, v4;
	v24 =	vmul.f32 v24, v14  }
0x6c: {  	v50 =	vld [tilespmem:s10+$0xFFFFFF10];
	v20 =	vadd.f32 v20, v38;
	v22 =	vadd.f32 v26, v22;
	v63 =	vperm.xlane v21, v0  }
0x6d: {  	v58 =	vld [tilespmem:s10+$0xFFFFFF20];
	v26 =	vadd.f32 v61, v10;
	v23 =	vadd.f32 v24, v23;
	v24 =	vmax.f32 v32, $0.0e+00  }
0x6e: {  	v36 =	vadd.f32 v62, v60;
	v60 =	vld [tilespmem:s11+$0xFFFFFF20];
	v24 =	vmul.f32 v24, v13;
	v44 =	vperm.xlane v20, v2  }
0x6f: {  	v48 =	vld [tilespmem:s11+$0xFFFFFF00];
	v22 =	vmax.f32 v22, $0.0e+00;
	v26 =	vadd.f32 v27, v26;
	v21 =	vadd.f32 v21, v63  }
0x70: {  	v47 =	vld [tilespmem:s10+$0xFFFFFF00];
	v27 =	vadd.f32 v36, v37;
	v23 =	vadd.f32 v25, v23;
	v22 =	vmul.f32 v22, v12  }
0x71: {  	v53 =	vld [tilespmem:s11+$0xFFFFFF10];
	v20 =	vadd.f32 v20, v44;
	v26 =	vmax.f32 v26, $0.0e+00;
	v42 =	vperm.xlane v21, v1  }
0x72: {  	v43 =	vperm.xlane v23, v0;
	v22 =	vadd.f32 v24, v22;
	v39 =	vmul.f32 v26, v14  }
0x73: {  	v40 =	vmax.f32 v27, $0.0e+00;
	v27 =	vadd.f32 v60, v58;
	v58 =	vld [tilespmem:s10+$0xFFFFFF90];
	v21 =	vadd.f32 v21, v42  }
0x74: {  	v60 =	vld [tilespmem:s11+$0xFFFFFF90];
	v41 =	vmul.f32 v40, v15;
	v23 =	vadd.f32 v23, v43;
	v22 =	vadd.f32 v39, v22  }
0x75: {  	v25 =	vadd.f32 v48, v47;
	v49 =	vperm.xlane v20, v3;
	v40 =	vld [tilespmem:s10+$0xFFFFFF40];
	v46 =	vperm.xlane v21, v2  }
0x76: {  	v24 =	vadd.f32 v53, v50;
	v42 =	vld [tilespmem:s11+$0xFFFFFF40];
	v26 =	vperm.xlane v23, v1;
	v22 =	vadd.f32 v41, v22  }
0x77: {  	v28 =	vadd.f32 v20, v49;
	v41 =	vmul.f32 v52, v6;
	v21 =	vadd.f32 v21, v46  }
0x78: {  	v23 =	vadd.f32 v23, v26;
	v26 =	vadd.f32 v57, v9;
	v45 =	vperm.xlane v22, v0  }
0x79: {  	v62 =	vld [tilespmem:s10+$0xFFFFFF30];
	v39 =	vadd.f32 v60, v58;
	v44 =	vadd.f32 v41, v10;
	v54 =	vperm.xlane v21, v3  }
0x7a: {  	v63 =	vld [tilespmem:s11+$0xFFFFFF30];
	v55 =	vperm.xlane v23, v2;
	v24 =	vadd.f32 v24, v26;
	v22 =	vadd.f32 v22, v45  }
0x7b: {  	v36 =	vld [tilespmem:s11+$0xFFFFFF50];
	v26 =	vadd.f32 v42, v40;
	v45 =	vbroadcast v19, $0x5;
	v27 =	vadd.f32 v27, v44  }
0x7c: {  	v43 =	vld [tilespmem:s10+$0xFFFFFF50];
	v21 =	vadd.f32 v21, v54;
	v24 =	vmax.f32 v24, $0.0e+00;
	v51 =	vperm.xlane v22, v1  }
0x7d: {  	v52 =	vld [tilespmem:s10+$0xFFFFFF70];
	v23 =	vadd.f32 v23, v55;
	v24 =	vmul.f32 v24, v13;
	v46 =	vmul.f32 v45, v4  }
0x7e: {  	v54 =	vld [tilespmem:s11+$0xFFFFFF70];
	v49 =	vmul.f32 v45, v5;
	v27 =	vmax.f32 v27, $0.0e+00;
	v53 =	vmul.f32 v45, v6  }
0x7f: {  	v57 =	vmul.f32 v45, v7;
	v20 =	vadd.f32 v22, v51;
	v22 =	vadd.f32 v56, v8  }
0x80: {  	v47 =	vld [tilespmem:s10+$0xFFFFFF60];
	v61 =	vperm.xlane v23, v3;
	v27 =	vmul.f32 v27, v14;
	v30 =	vadd.f32 v46, v8  }
0x81: {  	v50 =	vld [tilespmem:s11+$0xFFFFFF60];
	v21 =	vsel vm0, v28, v21;
	v51 =	vadd.f32 v36, v43;
	v22 =	vadd.f32 v25, v22  }
0x82: {  	v59 =	vperm.xlane v20, v2;
	v25 =	vadd.f32 v63, v62;
	v26 =	vadd.f32 v26, v30  }
0x83: {  	v41 =	vld [tilespmem:s10+$0xFFFFFFB0];
	v30 =	vadd.f32 v53, v10;
	v34 =	vadd.f32 v54, v52;
	v54 =	vbroadcast v19, $0x7  }
0x84: {  	v44 =	vld [tilespmem:s11+$0xFFFFFFB0];
	v20 =	vadd.f32 v20, v59;
	v22 =	vmax.f32 v22, $0.0e+00;
	v48 =	vadd.f32 v25, v29  }
0x85: {  	v25 =	vadd.f32 v49, v9;
	v26 =	vmax.f32 v26, $0.0e+00;
	v59 =	vbroadcast v19, $0x6  }
0x86: {  	v29 =	vadd.f32 v50, v47;
	v35 =	vmul.f32 v54, v7;
	v22 =	vmul.f32 v22, v12  }
0x87: {  	v55 =	vld [tilespmem:s10+$0xFFFFFF80];
	v23 =	vadd.f32 v23, v61;
	v26 =	vmul.f32 v26, v12;
	v32 =	vperm.xlane v20, v3  }
0x88: {  	v56 =	vld [tilespmem:s11+$0xFFFFFF80];
	v25 =	vadd.f32 v51, v25;
	v29 =	vadd.f32 v29, v30;
	v62 =	vmul.f32 v59, v4  }
0x89: {  	v49 =	vld [tilespmem:s10+$0xFFFFFFC0];
	v37 =	vmul.f32 v59, v5;
	v43 =	vmul.f32 v59, v6;
	v51 =	vadd.f32 v44, v41  }
0x8a: {  	v50 =	vld [tilespmem:s11+$0xFFFFFFC0];
	v35 =	vadd.f32 v35, v11;
	v22 =	vadd.f32 v24, v22;
	v24 =	vmax.f32 v48, $0.0e+00  }
0x8b: {  	v48 =	vmul.f32 v59, v7;
	v59 =	vmul.f32 v54, v5;
	v20 =	vadd.f32 v20, v32  }
0x8c: {  	v38 =	vld [tilespmem:s11+$0xFFFFFFA0];
	v24 =	vmul.f32 v24, v15;
	v25 =	vmax.f32 v25, $0.0e+00;
	v32 =	vadd.f32 v57, v11  }
0x8d: {  	v63 =	vld [tilespmem:s10+$0xFFFFFFA0];
	v29 =	vmax.f32 v29, $0.0e+00;
	v40 =	vadd.f32 v37, v9;
	v47 =	vadd.f32 v43, v10  }
0x8e: {  	v22 =	vadd.f32 v27, v22;
	v25 =	vmul.f32 v25, v13;
	v27 =	vadd.f32 v56, v55  }
0x8f: {  	v52 =	vld [tilespmem:s10+$0xFFFFFFD0];
	v57 =	vmul.f32 v54, v4;
	v30 =	vadd.f32 v50, v49;
	v32 =	vadd.f32 v34, v32  }
0x90: {  	v29 =	vmul.f32 v29, v14;
	v55 =	vld [tilespmem:s11+$0xFFFFFFD0];
	v45 =	vadd.f32 v39, v40;
	v61 =	vadd.f32 v25, v26  }
0x91: {  	v50 =	vbroadcast v19, $0x8;
	v22 =	vadd.f32 v24, v22;
	v25 =	vadd.f32 v62, v8  }
0x92: {  	v26 =	vadd.f32 v38, v63;
	v42 =	vmax.f32 v32, $0.0e+00;
	v24 =	vadd.f32 v29, v61  }
0x93: {  	v60 =	vld [tilespmem:s10+$0xFFFFFFE0];
	v29 =	vmul.f32 v42, v15;
	v25 =	vadd.f32 v27, v25;
	v46 =	vperm.xlane v22, v0  }
0x94: {  	v37 =	vld [tilespmem:s10+$0x10];
	v27 =	vmax.f32 v45, $0.0e+00;
	v26 =	vadd.f32 v26, v47;
	v61 =	vadd.f32 v57, v8  }
0x95: {  	v62 =	vld [tilespmem:s11+$0xFFFFFFE0];
	v47 =	vmul.f32 v54, v6;
	v27 =	vmul.f32 v27, v13;
	v33 =	vadd.f32 v55, v52  }
0x96: {  	v38 =	vld [tilespmem:s11+$0x10];
	v24 =	vadd.f32 v29, v24;
	v25 =	vmax.f32 v25, $0.0e+00;
	v29 =	vadd.f32 v48, v11  }
0x97: {  	v54 =	vld [tilespmem:s11+$0x20];
	v26 =	vmax.f32 v26, $0.0e+00;
	v28 =	vadd.f32 v22, v46;
	v22 =	vsel vm1, v21, v23  }
0x98: {  	v57 =	vld [tilespmem:s11+$0x30];
	v42 =	vadd.f32 v30, v61;
	v49 =	vadd.f32 v47, v10;
	v61 =	vmul.f32 v50, v6  }
0x99: {  	v52 =	vld [tilespmem:s10+$0x20];
	v25 =	vmul.f32 v25, v12;
	v26 =	vmul.f32 v26, v14;
	v22 =	vsel vm2, v22, v20  }
0x9a: {  	v55 =	vld [tilespmem:s10+$0x30];
	v53 =	vperm.xlane v24, v0;
	v56 =	vadd.f32 v51, v29;
	v63 =	vperm.xlane v28, v1  }
0x9b: {  	v45 =	vld [tilespmem:s10+$0x0];
	v23 =	vmax.f32 v42, $0.0e+00;
	v29 =	vadd.f32 v62, v60;
	v51 =	vmul.f32 v50, v4  }
0x9c: {  	v48 =	vld [tilespmem:s11+$0x0];
	v62 =	vbroadcast v19, $0x9;
	v25 =	vadd.f32 v27, v25;
	v27 =	vadd.f32 v59, v9  }
0x9d: {  	v43 =	vld [tilespmem:s11+$0xFFFFFFF0];
	v23 =	vmul.f32 v23, v12;
	v24 =	vadd.f32 v24, v53;
	v29 =	vadd.f32 v29, v49  }
0x9e: {  	v40 =	vld [tilespmem:s10+$0xFFFFFFF0];
	v58 =	vmax.f32 v56, $0.0e+00;
	v31 =	vadd.f32 v51, v8;
	v56 =	vadd.f32 v38, v37  }
0x9f: {  	v53 =	vmul.f32 v50, v5;
	v32 =	vadd.f32 v54, v52;
	v34 =	vadd.f32 v57, v55  }
0xa0: {  	v25 =	vadd.f32 v26, v25;
	v26 =	vmul.f32 v58, v15;
	v27 =	vadd.f32 v33, v27  }
0xa1: {  	v30 =	vadd.f32 v48, v45;
	v33 =	vmul.f32 v50, v7;
	v48 =	vmul.f32 v62, v5  }
0xa2: {  	v50 =	vmul.f32 v62, v6;
	v44 =	vperm.xlane v24, v1;
	v41 =	vadd.f32 v26, v25  }
0xa3: {  	v49 =	vld [tilespmem:s10+$0x70];
	v29 =	vmax.f32 v29, $0.0e+00;
	v26 =	vadd.f32 v28, v63;
	v25 =	vadd.f32 v43, v40  }
0xa4: {  	v51 =	vld [tilespmem:s11+$0x70];
	v27 =	vmax.f32 v27, $0.0e+00;
	v30 =	vadd.f32 v30, v31;
	v63 =	vadd.f32 v61, v10  }
0xa5: {  	v29 =	vmul.f32 v29, v14;
	v33 =	vadd.f32 v33, v11;
	v31 =	vadd.f32 v50, v10  }
0xa6: {  	v39 =	vld [tilespmem:s10+$0x50];
	v27 =	vmul.f32 v27, v13;
	v24 =	vadd.f32 v24, v44;
	v44 =	vmul.f32 v62, v4  }
0xa7: {  	v60 =	vld [tilespmem:s11+$0x40];
	v46 =	vperm.xlane v41, v0;
	v25 =	vadd.f32 v25, v35;
	v47 =	vadd.f32 v32, v63  }
0xa8: {  	v59 =	vld [tilespmem:s10+$0x40];
	v30 =	vmax.f32 v30, $0.0e+00;
	v33 =	vadd.f32 v34, v33;
	v32 =	vadd.f32 v48, v9  }
0xa9: {  	v40 =	vld [tilespmem:s11+$0x50];
	v34 =	vadd.f32 v51, v49;
	v23 =	vadd.f32 v27, v23;
	v30 =	vmul.f32 v30, v12  }
0xaa: {  	v27 =	vadd.f32 v53, v9;
	v53 =	vmul.f32 v62, v7;
	v62 =	vperm.xlane v26, v2  }
0xab: {  	v63 =	vperm.xlane v24, v2;
	v21 =	vadd.f32 v41, v46;
	v25 =	vmax.f32 v25, $0.0e+00  }
0xac: {  	v45 =	vld [tilespmem:s11+$0x60];
	v46 =	vadd.f32 v44, v8;
	v33 =	vmax.f32 v33, $0.0e+00;
	v23 =	vadd.f32 v29, v23  }
0xad: {  	v41 =	vld [tilespmem:s10+$0x60];
	v27 =	vadd.f32 v56, v27;
	v25 =	vmul.f32 v25, v15;
	v29 =	vadd.f32 v60, v59  }
0xae: {  	v52 =	vadd.f32 v40, v39;
	v33 =	vmul.f32 v33, v15;
	v54 =	vadd.f32 v53, v11  }
0xaf: {  	v26 =	vadd.f32 v26, v62;
	v24 =	vadd.f32 v24, v63;
	v58 =	vperm.xlane v21, v1  }
0xb0: {  	v27 =	vmax.f32 v27, $0.0e+00;
	v29 =	vadd.f32 v29, v46;
	v32 =	vadd.f32 v52, v32  }
0xb1: {  	v23 =	vadd.f32 v25, v23;
	v57 =	vadd.f32 v34, v54;
	v42 =	vperm.xlane v24, v3  }
0xb2: {  	v27 =	vmul.f32 v27, v13;
	v21 =	vadd.f32 v21, v58;
	v37 =	vadd.f32 v45, v41  }
0xb3: {  	v29 =	vmax.f32 v29, $0.0e+00;
	v32 =	vmax.f32 v32, $0.0e+00;
	v58 =	vperm.xlane v23, v0  }
0xb4: {  	v59 =	vmax.f32 v57, $0.0e+00;
	v41 =	vperm.xlane v26, v3;
	v24 =	vadd.f32 v24, v42  }
0xb5: {  	v42 =	vbroadcast v19, $0xB;
	v27 =	vadd.f32 v27, v30;
	v29 =	vmul.f32 v29, v12  }
0xb6: {  	v48 =	vld [tilespmem:s11+$0x90];
	v30 =	vmax.f32 v47, $0.0e+00;
	v55 =	vmul.f32 v32, v13;
	v61 =	vmul.f32 v59, v15  }
0xb7: {  	v45 =	vld [tilespmem:s10+$0x90];
	v36 =	vperm.xlane v21, v2;
	v47 =	vbroadcast v19, $0xA;
	v31 =	vadd.f32 v37, v31  }
0xb8: {  	v30 =	vmul.f32 v30, v14;
	v23 =	vadd.f32 v23, v58;
	v26 =	vadd.f32 v26, v41  }
0xb9: {  	v43 =	vld [tilespmem:s11+$0x80];
	v29 =	vadd.f32 v55, v29;
	v52 =	vmul.f32 v47, v4;
	v53 =	vmul.f32 v47, v5  }
0xba: {  	v40 =	vld [tilespmem:s10+$0x80];
	v21 =	vadd.f32 v21, v36;
	v63 =	vmul.f32 v47, v6;
	v32 =	vmul.f32 v47, v7  }
0xbb: {  	v27 =	vadd.f32 v30, v27;
	v56 =	vmax.f32 v31, $0.0e+00;
	v37 =	vperm.xlane v23, v1  }
0xbc: {  	v25 =	vmul.f32 v56, v14;
	v28 =	vadd.f32 v48, v45;
	v30 =	vadd.f32 v53, v9  }
0xbd: {  	v54 =	vld [tilespmem:s10+$0xA0];
	v44 =	vperm.xlane v21, v3;
	v32 =	vadd.f32 v32, v11;
	v27 =	vadd.f32 v33, v27  }
0xbe: {  	v36 =	vbroadcast v19, $0xC;
	v56 =	vld [tilespmem:s11+$0xA0];
	v23 =	vadd.f32 v23, v37;
	v25 =	vadd.f32 v25, v29  }
0xbf: {  	v62 =	vld [tilespmem:s10+$0xC0];
	v26 =	vsel vm3, v22, v26;
	v34 =	vadd.f32 v21, v44;
	v29 =	vadd.f32 v43, v40  }
0xc0: {  	v41 =	vld [tilespmem:s10+$0xD0];
	v60 =	vperm.xlane v27, v0;
	v46 =	vperm.xlane v23, v2;
	v25 =	vadd.f32 v61, v25  }
0xc1: {  	v45 =	vmul.f32 v42, v4;
	v40 =	vld [tilespmem:s11+$0xC0];
	v61 =	vadd.f32 v28, v30;
	v30 =	vadd.f32 v63, v10  }
0xc2: {  	v24 =	vsel vm4, v26, v24;
	v43 =	vld [tilespmem:s11+$0xD0];
	v27 =	vadd.f32 v27, v60;
	v51 =	vadd.f32 v23, v46  }
0xc3: {  	v23 =	vadd.f32 v52, v8;
	v31 =	vadd.f32 v56, v54;
	v46 =	vmul.f32 v42, v5  }
0xc4: {  	v24 =	vsel vm5, v24, v34;
	v56 =	vmul.f32 v42, v6;
	v39 =	vperm.xlane v25, v0  }
0xc5: {  	v58 =	vld [tilespmem:s10+$0xB0];
	v38 =	vperm.xlane v27, v1;
	v23 =	vadd.f32 v29, v23;
	v30 =	vadd.f32 v31, v30  }
0xc6: {  	v60 =	vld [tilespmem:s11+$0xB0];
	v55 =	vperm.xlane v51, v3;
	v28 =	vadd.f32 v40, v62;
	v31 =	vadd.f32 v45, v8  }
0xc7: {  	v37 =	vadd.f32 v43, v41;
	v40 =	vbroadcast v19, $0xE;
	v25 =	vadd.f32 v25, v39  }
0xc8: {  	v47 =	vld [tilespmem:s10+$0xE0];
	v27 =	vadd.f32 v27, v38;
	v21 =	vadd.f32 v51, v55;
	v23 =	vmax.f32 v23, $0.0e+00  }
0xc9: {  	v48 =	vld [tilespmem:s11+$0xE0];
	v30 =	vmax.f32 v30, $0.0e+00;
	v51 =	vadd.f32 v28, v31;
	v50 =	vperm.xlane v25, v1  }
0xca: {  	v31 =	vadd.f32 v56, v10;
	v23 =	vmul.f32 v23, v12;
	v49 =	vperm.xlane v27, v2  }
0xcb: {  	v52 =	vld [tilespmem:s11+$0xF0];
	v29 =	vadd.f32 v60, v58;
	v30 =	vmul.f32 v30, v14;
	v60 =	vmul.f32 v42, v7  }
0xcc: {  	v62 =	vld [tilespmem:s11+$0x110];
	v22 =	vmax.f32 v51, $0.0e+00;
	v25 =	vadd.f32 v25, v50;
	v27 =	vadd.f32 v27, v49  }
0xcd: {  	v45 =	vld [tilespmem:s10+$0x120];
	v51 =	vmul.f32 v36, v6;
	v29 =	vadd.f32 v29, v32;
	v49 =	vadd.f32 v46, v9  }
0xce: {  	v32 =	vadd.f32 v48, v47;
	v48 =	vld [tilespmem:s11+$0x120];
	v59 =	vperm.xlane v25, v2;
	v57 =	vperm.xlane v27, v3  }
0xcf: {  	v21 =	vsel vm6, v24, v21;
	v50 =	vld [tilespmem:s10+$0xF0];
	v58 =	vmul.f32 v22, v12;
	v54 =	vadd.f32 v37, v49  }
0xd0: {  	v55 =	vld [tilespmem:s10+$0x100];
	v25 =	vadd.f32 v25, v59;
	v20 =	vadd.f32 v27, v57;
	v27 =	vmax.f32 v61, $0.0e+00  }
0xd1: {  	v53 =	vmax.f32 v29, $0.0e+00;
	v29 =	vadd.f32 v60, v11;
	v57 =	vld [tilespmem:s11+$0x100];
	v27 =	vmul.f32 v27, v13  }
0xd2: {  	v43 =	vadd.f32 v32, v31;
	v59 =	vmax.f32 v54, $0.0e+00;
	v61 =	vld [tilespmem:s10+$0x110];
	v44 =	vperm.xlane v25, v3  }
0xd3: {  	v49 =	vld [tilespmem:s10+$0x140];
	v31 =	vadd.f32 v48, v45;
	v63 =	vmul.f32 v59, v13;
	v27 =	vadd.f32 v27, v23  }
0xd4: {  	v28 =	vmul.f32 v53, v15;
	v53 =	vld [tilespmem:s11+$0x150];
	v23 =	vadd.f32 v25, v44;
	v25 =	vadd.f32 v52, v50  }
0xd5: {  	v47 =	vmul.f32 v36, v5;
	v46 =	vadd.f32 v63, v58;
	v50 =	vld [tilespmem:s11+$0x140];
	v27 =	vadd.f32 v30, v27  }
0xd6: {  	v20 =	vsel vm7, v21, v20;
	v52 =	vld [tilespmem:s10+$0x150];
	v25 =	vadd.f32 v25, v29;
	v30 =	vadd.f32 v57, v55  }
0xd7: {  	v44 =	vmul.f32 v36, v4;
	v33 =	vadd.f32 v62, v61;
	v29 =	vadd.f32 v47, v9  }
0xd8: {  	v20 =	vsel vm8, v20, v23;
	v22 =	vadd.f32 v28, v27;
	v27 =	vmax.f32 v43, $0.0e+00  }
0xd9: {  	v58 =	vld [tilespmem:s10+$0x160];
	v28 =	vadd.f32 v44, v8;
	v29 =	vadd.f32 v33, v29;
	v33 =	vbroadcast v19, $0xD  }
0xda: {  	v61 =	vld [tilespmem:s11+$0x160];
	v25 =	vmax.f32 v25, $0.0e+00;
	v19 =	vbroadcast v19, $0xF;
	v27 =	vmul.f32 v27, v14  }
0xdb: {  	v56 =	vld [tilespmem:s11+$0x130];
	v25 =	vmul.f32 v25, v15;
	v35 =	vadd.f32 v50, v49;
	v59 =	vadd.f32 v53, v52  }
0xdc: {  	v54 =	vld [tilespmem:s10+$0x130];
	v28 =	vadd.f32 v30, v28;
	v30 =	vadd.f32 v51, v10;
	v55 =	vmul.f32 v33, v4  }
0xdd: {  	v29 =	vmax.f32 v29, $0.0e+00;
	v57 =	vmul.f32 v33, v5;
	v48 =	vmul.f32 v33, v6  }
0xde: {  	v47 =	vld [tilespmem:s10+$0x180];
	v53 =	vmul.f32 v33, v7;
	v39 =	vperm.xlane v22, v0;
	v27 =	vadd.f32 v27, v46  }
0xdf: {  	v49 =	vld [tilespmem:s11+$0x180];
	v29 =	vmul.f32 v29, v13;
	v38 =	vadd.f32 v61, v58;
	v30 =	vadd.f32 v31, v30  }
0xe0: {  	v45 =	vld [tilespmem:s11+$0x170];
	v46 =	vmul.f32 v36, v7;
	v37 =	vadd.f32 v55, v8;
	v60 =	vadd.f32 v57, v9  }
0xe1: {  	v63 =	vld [tilespmem:s10+$0x170];
	v28 =	vmax.f32 v28, $0.0e+00;
	v31 =	vadd.f32 v56, v54;
	v36 =	vadd.f32 v48, v10  }
0xe2: {  	v50 =	vld [tilespmem:s10+$0x190];
	v57 =	vmul.f32 v40, v5;
	v25 =	vadd.f32 v25, v27;
	v32 =	vadd.f32 v46, v11  }
0xe3: {  	v51 =	vld [tilespmem:s11+$0x190];
	v28 =	vmul.f32 v28, v12;
	v44 =	vadd.f32 v35, v37;
	v26 =	vadd.f32 v59, v60  }
0xe4: {  	v58 =	vld [tilespmem:s11+$0x1A0];
	v55 =	vmul.f32 v40, v4;
	v54 =	vadd.f32 v38, v36;
	v35 =	vadd.f32 v49, v47  }
0xe5: {  	v61 =	vld [tilespmem:s11+$0x1B0];
	v43 =	vmax.f32 v30, $0.0e+00;
	v34 =	vadd.f32 v57, v9;
	v62 =	vadd.f32 v29, v28  }
0xe6: {  	v56 =	vld [tilespmem:s10+$0x1A0];
	v57 =	vmul.f32 v19, v6;
	v52 =	vadd.f32 v31, v32;
	v28 =	vadd.f32 v45, v63  }
0xe7: {  	v48 =	vld [tilespmem:s10+$0x1E0];
	v29 =	vmul.f32 v43, v14;
	v31 =	vadd.f32 v53, v11;
	v32 =	vadd.f32 v55, v8  }
0xe8: {  	v46 =	vld [tilespmem:s10+$0x1D0];
	v60 =	vadd.f32 v51, v50;
	v45 =	vmul.f32 v40, v6;
	v30 =	vmax.f32 v44, $0.0e+00  }
0xe9: {  	v59 =	vld [tilespmem:s10+$0x1B0];
	v53 =	vmul.f32 v19, v4;
	v26 =	vmax.f32 v26, $0.0e+00;
	v30 =	vmul.f32 v30, v12  }
0xea: {  	v47 =	vld [tilespmem:s11+$0x1D0];
	v26 =	vmul.f32 v26, v13;
	v27 =	vadd.f32 v29, v62;
	v28 =	vadd.f32 v28, v31  }
0xeb: {  	v49 =	vld [tilespmem:s11+$0x1E0];
	v29 =	vmax.f32 v52, $0.0e+00;
	v62 =	vadd.f32 v35, v32;
	v43 =	vadd.f32 v60, v34  }
0xec: {  	v63 =	vld [tilespmem:s10+$0x1C0];
	v33 =	vadd.f32 v58, v56;
	v35 =	vadd.f32 v45, v10;
	v29 =	vmul.f32 v29, v15  }
0xed: {  	v44 =	vld [tilespmem:s11+$0x1C0];
	v26 =	vadd.f32 v26, v30;
	v30 =	vmax.f32 v54, $0.0e+00;
	v28 =	vmax.f32 v28, $0.0e+00  }
0xee: {  	v31 =	vmax.f32 v62, $0.0e+00;
	v51 =	vadd.f32 v33, v35;
	v52 =	vadd.f32 v61, v59  }
0xef: {  	v54 =	vmul.f32 v19, v5;
	v56 =	vadd.f32 v47, v46;
	v59 =	vadd.f32 v53, v8  }
0xf0: {  	v55 =	vld [tilespmem:s10+$0x1F0];
	v61 =	vadd.f32 v49, v48;
	v62 =	vadd.f32 v57, v10;
	v30 =	vmul.f32 v30, v14  }
0xf1: {  	v58 =	vld [tilespmem:s11+$0x1F0];
	v19 =	vmul.f32 v19, v7;
	v31 =	vmul.f32 v31, v12;
	v27 =	vadd.f32 v29, v27  }
0xf2: {  	v32 =	vadd.f32 v44, v63;
	v26 =	vadd.f32 v30, v26;
	v30 =	vmax.f32 v43, $0.0e+00  }
0xf3: {  	v60 =	vadd.f32 v54, v9;
	v23 =	vadd.f32 v61, v62;
	v30 =	vmul.f32 v30, v13  }
0xf4: {  	v63 =	vmul.f32 v40, v7;
	v19 =	vadd.f32 v19, v11;
	v21 =	vadd.f32 v32, v59  }
0xf5: {  	v28 =	vmul.f32 v28, v15;
	v50 =	vadd.f32 v30, v31;
	v31 =	vadd.f32 v56, v60  }
0xf6: {  	v36 =	vmax.f32 v51, $0.0e+00;
	v37 =	vadd.f32 v58, v55;
	v32 =	vadd.f32 v63, v11  }
0xf7: {  	v23 =	vmax.f32 v23, $0.0e+00;
	v21 =	vmax.f32 v21, $0.0e+00;
	v31 =	vmax.f32 v31, $0.0e+00  }
0xf8: {  	v30 =	vadd.f32 v52, v32;
	v21 =	vmul.f32 v21, v12;
	v31 =	vmul.f32 v31, v13  }
0xf9: {  	v26 =	vadd.f32 v28, v26;
	v28 =	vmul.f32 v36, v14;
	v19 =	vadd.f32 v37, v19  }
0xfa: {  	v23 =	vmul.f32 v23, v14;
	v38 =	vmax.f32 v30, $0.0e+00;
	v21 =	vadd.f32 v31, v21  }
0xfb: {  	v19 =	vmax.f32 v19, $0.0e+00;
	v24 =	vadd.f32 v28, v50;
	v28 =	vmul.f32 v38, v15  }
0xfc: {  	v40 =	vperm.xlane v25, v0;
	v19 =	vmul.f32 v19, v15;
	v21 =	vadd.f32 v23, v21  }
0xfd: {  	v22 =	vadd.f32 v22, v39;
	v41 =	vperm.xlane v27, v0;
	v24 =	vadd.f32 v28, v24  }
0xfe: {  	v42 =	vperm.xlane v26, v0;
	v23 =	vadd.f32 v25, v40;
	v19 =	vadd.f32 v19, v21  }
0xff: {  	v43 =	vperm.xlane v22, v1;
	v27 =	vadd.f32 v27, v41;
	v28 =	vperm.xlane v24, v0  }
0x100: {  	v25 =	vadd.f32 v26, v42;
	v44 =	vperm.xlane v23, v1;
	v45 =	vperm.xlane v19, v0  }
0x101: {  	v46 =	vperm.xlane v27, v1;
	v21 =	vadd.f32 v22, v43;
	v24 =	vadd.f32 v24, v28  }
0x102: {  	v47 =	vperm.xlane v25, v1;
	v23 =	vadd.f32 v23, v44;
	v19 =	vadd.f32 v19, v45  }
0x103: {  	v22 =	vadd.f32 v27, v46;
	v48 =	vperm.xlane v21, v2;
	v49 =	vperm.xlane v24, v1  }
0x104: {  	v25 =	vadd.f32 v25, v47;
	v29 =	vperm.xlane v23, v2;
	v50 =	vperm.xlane v19, v1  }
0x105: {  	v51 =	vperm.xlane v22, v2;
	v21 =	vadd.f32 v21, v48;
	v24 =	vadd.f32 v24, v49  }
0x106: {  	v52 =	vperm.xlane v25, v2;
	v23 =	vadd.f32 v23, v29;
	v19 =	vadd.f32 v19, v50  }
0x107: {  	v22 =	vadd.f32 v22, v51;
	v53 =	vperm.xlane v21, v3;
	v54 =	vperm.xlane v24, v2  }
0x108: {  	v25 =	vadd.f32 v25, v52;
	v29 =	vperm.xlane v23, v3;
	v55 =	vperm.xlane v19, v2  }
0x109: {  	v56 =	vperm.xlane v22, v3;
	v21 =	vadd.f32 v21, v53;
	v24 =	vadd.f32 v24, v54  }
0x10a: {  	v57 =	vld.idx.msk [tilespmem:v17+s25+$0x0 ss:$0x1], $0xffff;
	v58 =	vperm.xlane v25, v3;
	v23 =	vadd.f32 v23, v29;
	v19 =	vadd.f32 v19, v55  }
0x10b: {  	v59 =	vld.idx.msk [tilespmem:v18+s25+$0x0 ss:$0x1], $0xffff;
	v22 =	vadd.f32 v22, v56;
	v20 =	vsel vm9, v20, v21;
	v60 =	vperm.xlane v24, v3  }
0x10c: {  	v61 =	vadd.f32 v25, v58;
	v20 =	vsel vm10, v20, v23;
	v62 =	vperm.xlane v19, v3  }
0x10d: {  	p0 =	sne.s32 s9, $0x3C0;
	v63 =	vadd.f32 v24, v60;
	v20 =	vsel vm11, v20, v22  }
.Ltmp0:
0x10e: {  	v20 =	vsel vm12, v20, v61;
	v19 =	vadd.f32 v19, v62;
	(pc) =	sbr.rel @p0 .LBB2_3-.Ltmp0, $4  }
0x10f: {  	v20 =	vsel vm13, v20, v63  }
0x110: {  	vm15 =	veq.s32 v57, v59;
	v19 =	vsel vm14, v20, v19  }
0x111: {  	v19 =	vsel vm15, $0xCE6E6B28, v19  }
0x112: {  	s9 =	sadd.s32 $0x40, s9;
	s10 =	sadd.s32 $0x400, s10;
	s11 =	sadd.s32 $0x400, s11;
	[tilespmem:s25+$0x17630] =	vst v19  }
0x113: {  	s9 =	sadd.s32 s4, s8  }
0x114: {  	s9 =	sshrl.u32 s9, $0x3  }
0x115: {  	s9 =	sadd.s32 s2, s9  }
0x116: {  	[hbm4b:s9+s3] =	stream.linear.scatter [tilespmem:s21], [sflag:$0x5], $0x100, $0x38;
	[tilespmem:$0x17830] =	vst v63  }
0x117: {  	_ =	swait.ge [sflag:s22], $0x4000  }
0x118: {  	[sflag:s22] =	ssyncset.done $0x0  }
0x119: {  	[sflag:s22] =	ssyncadd.s32 $0xFFFFC000  }
0x11a: {  	p0 =	seq.s32 s0, $0x13;
	_ =	swait.ge [sflag:s23], $0x4000  }
0x11b: {  	s8 =	smin.u32 @!p0 s8, $0x2410;
	s10 =	simm.s32 @!p0 $0x100;
	[sflag:s23] =	ssyncset.done $0x0  }
0x11c: {  	s11 =	simm.s32 @!p0 $0x7530;
	s9 =	sadd.s32 @!p0 $0x200, s8;
	[sflag:s23] =	ssyncadd.s32 $0xFFFFC000  }
0x11d: {  	[tilespmem:s11], [sflag:$0x1] =	stream.indirect.gather @!p0 [hbm4b:s5+s10], $0x40, s9, s10, $0xb8;
	[tilespmem:$0x17830] =	vst v63  }
0x11e: {  	p1 =	seq.s32 @!p0 s0, $0x0;
	s8 =	sadd.s32 @!p0 $0x2910, s8;
	s9 =	simm.s32 @!p0 $0xF530  }
0x11f: {  	[tilespmem:s9], [sflag:$0x3] =	stream.indirect.gather @!p0 [hbm4b:s6+s10], $0x40, s8, s10, $0xb8;
	[tilespmem:$0x17830] =	vst v63  }
0x120: {  	p0 =	por p0, !p1  }
0x121: {  	_ =	swait.ge @p0 [sflag:s26], $0x100  }
0x122: {  	s8 =	simm.s32 $0x0;
	[sflag:s26] =	ssyncset.done @p0 $0x0  }
0x123: {  	v16 =	vmov s7;
	v17 =	vmov s14;
	v18 =	vmov s15;
	s9 =	simm.s32 $0xB730;
	s10 =	simm.s32 $0x13730;
	[sflag:s26] =	ssyncadd.s32 @p0 $0xFFFFFF00  }
.LBB2_5:
0x124: {  	v20 =	vld [tilespmem:s9+$0xFFFFFE00]  }
0x125: {  	v21 =	vld [tilespmem:s10+$0xFFFFFE00]  }
0x126: {  	v22 =	vld [tilespmem:s9+$0xFFFFFE10]  }
0x127: {  	v24 =	vld [tilespmem:s10+$0xFFFFFE10]  }
0x128: {  	v48 =	vld [tilespmem:s9+$0xFFFFFE30]  }
0x129: {  	v49 =	vld [tilespmem:s10+$0xFFFFFE30]  }
0x12a: {  	v50 =	vld [tilespmem:s9+$0xFFFFFE40]  }
0x12b: {  	v29 =	vld [tilespmem:s10+$0xFFFFFE40]  }
0x12c: {  	s7 =	sshra.s32 s8, $0x2;
	v30 =	vld [tilespmem:s9+$0xFFFFFE50]  }
0x12d: {  	v19 =	vld.idx.msk [tilespmem:v16+s7+$0x0 ss:$0x1], $0xffff  }
0x12e: {  	v31 =	vld [tilespmem:s10+$0xFFFFFE50]  }
0x12f: {  	v32 =	vld [tilespmem:s9+$0xFFFFFE90]  }
0x130: {  	v33 =	vld [tilespmem:s10+$0xFFFFFE90]  }
0x131: {  	v27 =	vld [tilespmem:s9+$0xFFFFFE20]  }
0x132: {  	v46 =	vld [tilespmem:s10+$0xFFFFFE20];
	v20 =	vadd.f32 v21, v20;
	v22 =	vadd.f32 v24, v22;
	v23 =	vbroadcast v19, $0x0  }
0x133: {  	v21 =	vadd.f32 v49, v48;
	v24 =	vadd.f32 v29, v50;
	v52 =	vbroadcast v19, $0x1  }
0x134: {  	v41 =	vld [tilespmem:s9+$0xFFFFFEA0];
	v57 =	vadd.f32 v31, v30;
	v36 =	vbroadcast v19, $0x2;
	v25 =	vmul.f32 v23, v4  }
0x135: {  	v42 =	vld [tilespmem:s10+$0xFFFFFEA0];
	v43 =	vadd.f32 v33, v32;
	v26 =	vmul.f32 v23, v5;
	v28 =	vmul.f32 v23, v6  }
0x136: {  	v55 =	vld [tilespmem:s9+$0xFFFFFE60];
	v23 =	vmul.f32 v23, v7;
	v53 =	vmul.f32 v52, v4;
	v45 =	vadd.f32 v25, v8  }
0x137: {  	v56 =	vld [tilespmem:s10+$0xFFFFFE60];
	v61 =	vmul.f32 v52, v6;
	v47 =	vadd.f32 v26, v9;
	v25 =	vadd.f32 v46, v27  }
0x138: {  	v58 =	vld [tilespmem:s9+$0xFFFFFE70];
	v50 =	vmul.f32 v36, v6;
	v51 =	vadd.f32 v28, v10;
	v23 =	vadd.f32 v23, v11  }
0x139: {  	v59 =	vld [tilespmem:s10+$0xFFFFFE70];
	v54 =	vmul.f32 v52, v5;
	v26 =	vadd.f32 v53, v8;
	v63 =	vadd.f32 v61, v10  }
0x13a: {  	v28 =	vmul.f32 v52, v7;
	v27 =	vadd.f32 v42, v41;
	v52 =	vadd.f32 v50, v10  }
0x13b: {  	v34 =	vbroadcast v19, $0x3;
	v20 =	vadd.f32 v20, v45;
	v22 =	vadd.f32 v22, v47  }
0x13c: {  	v38 =	vmul.f32 v36, v4;
	v25 =	vadd.f32 v25, v51;
	v21 =	vadd.f32 v21, v23  }
0x13d: {  	v40 =	vmul.f32 v36, v5;
	v24 =	vadd.f32 v24, v26;
	v23 =	vadd.f32 v56, v55  }
0x13e: {  	v61 =	vmul.f32 v34, v6;
	v26 =	vadd.f32 v59, v58;
	v28 =	vadd.f32 v28, v11  }
0x13f: {  	v35 =	vld [tilespmem:s9+$0xFFFFFED0];
	v56 =	vadd.f32 v27, v52;
	v58 =	vmul.f32 v36, v7;
	v59 =	vmul.f32 v34, v5  }
0x140: {  	v53 =	vld [tilespmem:s10+$0xFFFFFED0];
	v52 =	vbroadcast v19, $0x4;
	v20 =	vmax.f32 v20, $0.0e+00;
	v22 =	vmax.f32 v22, $0.0e+00  }
0x141: {  	v49 =	vld [tilespmem:s9+$0xFFFFFEC0];
	v25 =	vmax.f32 v25, $0.0e+00;
	v21 =	vmax.f32 v21, $0.0e+00;
	v37 =	vadd.f32 v23, v63  }
0x142: {  	v51 =	vld [tilespmem:s10+$0xFFFFFEC0];
	v24 =	vmax.f32 v24, $0.0e+00;
	v39 =	vadd.f32 v26, v28;
	v23 =	vadd.f32 v38, v8  }
0x143: {  	v60 =	vld [tilespmem:s9+$0xFFFFFE80];
	v26 =	vadd.f32 v40, v9;
	v28 =	vadd.f32 v58, v11;
	v20 =	vmul.f32 v20, v12  }
0x144: {  	v62 =	vld [tilespmem:s10+$0xFFFFFE80];
	v29 =	vadd.f32 v59, v9;
	v22 =	vmul.f32 v22, v13;
	v25 =	vmul.f32 v25, v14  }
0x145: {  	v44 =	vld [tilespmem:s9+$0xFFFFFEB0];
	v21 =	vmul.f32 v21, v15;
	v30 =	vadd.f32 v53, v35;
	v48 =	vadd.f32 v43, v26  }
0x146: {  	v46 =	vld [tilespmem:s10+$0xFFFFFEB0];
	v24 =	vmul.f32 v24, v12;
	v20 =	vadd.f32 v22, v20;
	v22 =	vadd.f32 v54, v9  }
0x147: {  	v47 =	vmax.f32 v39, $0.0e+00;
	v26 =	vadd.f32 v51, v49;
	v32 =	vadd.f32 v30, v29  }
0x148: {  	v55 =	vld [tilespmem:s9+$0xFFFFFEE0];
	v54 =	vmul.f32 v34, v4;
	v20 =	vadd.f32 v25, v20;
	v22 =	vadd.f32 v57, v22  }
0x149: {  	v34 =	vmul.f32 v34, v7;
	v29 =	vmul.f32 v52, v7;
	v25 =	vadd.f32 v62, v60;
	v57 =	vld [tilespmem:s10+$0xFFFFFEE0]  }
0x14a: {  	v22 =	vmax.f32 v22, $0.0e+00;
	v20 =	vadd.f32 v21, v20;
	v21 =	vmax.f32 v37, $0.0e+00  }
0x14b: {  	v23 =	vadd.f32 v25, v23;
	v25 =	vadd.f32 v46, v44;
	v22 =	vmul.f32 v22, v13  }
0x14c: {  	v29 =	vadd.f32 v29, v11;
	v21 =	vmul.f32 v21, v14;
	v45 =	vperm.xlane v20, v0  }
0x14d: {  	v23 =	vmax.f32 v23, $0.0e+00;
	v25 =	vadd.f32 v25, v28;
	v22 =	vadd.f32 v22, v24  }
0x14e: {  	v23 =	vmul.f32 v23, v12;
	v24 =	vmax.f32 v48, $0.0e+00;
	v27 =	vadd.f32 v57, v55  }
0x14f: {  	v57 =	vmul.f32 v52, v5;
	v24 =	vmul.f32 v24, v13;
	v20 =	vadd.f32 v20, v45  }
0x150: {  	v60 =	vld [tilespmem:s9+$0xFFFFFEF0];
	v25 =	vmax.f32 v25, $0.0e+00;
	v21 =	vadd.f32 v21, v22;
	v22 =	vmul.f32 v47, v15  }
0x151: {  	v62 =	vld [tilespmem:s10+$0xFFFFFEF0];
	v25 =	vmul.f32 v25, v15;
	v23 =	vadd.f32 v24, v23;
	v24 =	vmax.f32 v56, $0.0e+00  }
0x152: {  	v38 =	vperm.xlane v20, v1;
	v21 =	vadd.f32 v22, v21;
	v22 =	vadd.f32 v54, v8  }
0x153: {  	v37 =	vadd.f32 v34, v11;
	v56 =	vmul.f32 v52, v4;
	v24 =	vmul.f32 v24, v14  }
0x154: {  	v50 =	vld [tilespmem:s9+$0xFFFFFF10];
	v20 =	vadd.f32 v20, v38;
	v22 =	vadd.f32 v26, v22;
	v63 =	vperm.xlane v21, v0  }
0x155: {  	v58 =	vld [tilespmem:s9+$0xFFFFFF20];
	v26 =	vadd.f32 v61, v10;
	v23 =	vadd.f32 v24, v23;
	v24 =	vmax.f32 v32, $0.0e+00  }
0x156: {  	v36 =	vadd.f32 v62, v60;
	v60 =	vld [tilespmem:s10+$0xFFFFFF20];
	v24 =	vmul.f32 v24, v13;
	v44 =	vperm.xlane v20, v2  }
0x157: {  	v48 =	vld [tilespmem:s10+$0xFFFFFF00];
	v22 =	vmax.f32 v22, $0.0e+00;
	v26 =	vadd.f32 v27, v26;
	v21 =	vadd.f32 v21, v63  }
0x158: {  	v47 =	vld [tilespmem:s9+$0xFFFFFF00];
	v27 =	vadd.f32 v36, v37;
	v23 =	vadd.f32 v25, v23;
	v22 =	vmul.f32 v22, v12  }
0x159: {  	v53 =	vld [tilespmem:s10+$0xFFFFFF10];
	v20 =	vadd.f32 v20, v44;
	v26 =	vmax.f32 v26, $0.0e+00;
	v42 =	vperm.xlane v21, v1  }
0x15a: {  	v43 =	vperm.xlane v23, v0;
	v22 =	vadd.f32 v24, v22;
	v39 =	vmul.f32 v26, v14  }
0x15b: {  	v40 =	vmax.f32 v27, $0.0e+00;
	v27 =	vadd.f32 v60, v58;
	v58 =	vld [tilespmem:s9+$0xFFFFFF90];
	v21 =	vadd.f32 v21, v42  }
0x15c: {  	v60 =	vld [tilespmem:s10+$0xFFFFFF90];
	v41 =	vmul.f32 v40, v15;
	v23 =	vadd.f32 v23, v43;
	v22 =	vadd.f32 v39, v22  }
0x15d: {  	v25 =	vadd.f32 v48, v47;
	v49 =	vperm.xlane v20, v3;
	v40 =	vld [tilespmem:s9+$0xFFFFFF40];
	v46 =	vperm.xlane v21, v2  }
0x15e: {  	v24 =	vadd.f32 v53, v50;
	v42 =	vld [tilespmem:s10+$0xFFFFFF40];
	v26 =	vperm.xlane v23, v1;
	v22 =	vadd.f32 v41, v22  }
0x15f: {  	v28 =	vadd.f32 v20, v49;
	v41 =	vmul.f32 v52, v6;
	v21 =	vadd.f32 v21, v46  }
0x160: {  	v23 =	vadd.f32 v23, v26;
	v26 =	vadd.f32 v57, v9;
	v45 =	vperm.xlane v22, v0  }
0x161: {  	v62 =	vld [tilespmem:s9+$0xFFFFFF30];
	v39 =	vadd.f32 v60, v58;
	v44 =	vadd.f32 v41, v10;
	v54 =	vperm.xlane v21, v3  }
0x162: {  	v63 =	vld [tilespmem:s10+$0xFFFFFF30];
	v55 =	vperm.xlane v23, v2;
	v24 =	vadd.f32 v24, v26;
	v22 =	vadd.f32 v22, v45  }
0x163: {  	v36 =	vld [tilespmem:s10+$0xFFFFFF50];
	v26 =	vadd.f32 v42, v40;
	v45 =	vbroadcast v19, $0x5;
	v27 =	vadd.f32 v27, v44  }
0x164: {  	v43 =	vld [tilespmem:s9+$0xFFFFFF50];
	v21 =	vadd.f32 v21, v54;
	v24 =	vmax.f32 v24, $0.0e+00;
	v51 =	vperm.xlane v22, v1  }
0x165: {  	v52 =	vld [tilespmem:s9+$0xFFFFFF70];
	v23 =	vadd.f32 v23, v55;
	v24 =	vmul.f32 v24, v13;
	v46 =	vmul.f32 v45, v4  }
0x166: {  	v54 =	vld [tilespmem:s10+$0xFFFFFF70];
	v49 =	vmul.f32 v45, v5;
	v27 =	vmax.f32 v27, $0.0e+00;
	v53 =	vmul.f32 v45, v6  }
0x167: {  	v57 =	vmul.f32 v45, v7;
	v20 =	vadd.f32 v22, v51;
	v22 =	vadd.f32 v56, v8  }
0x168: {  	v47 =	vld [tilespmem:s9+$0xFFFFFF60];
	v61 =	vperm.xlane v23, v3;
	v27 =	vmul.f32 v27, v14;
	v30 =	vadd.f32 v46, v8  }
0x169: {  	v50 =	vld [tilespmem:s10+$0xFFFFFF60];
	v21 =	vsel vm0, v28, v21;
	v51 =	vadd.f32 v36, v43;
	v22 =	vadd.f32 v25, v22  }
0x16a: {  	v59 =	vperm.xlane v20, v2;
	v25 =	vadd.f32 v63, v62;
	v26 =	vadd.f32 v26, v30  }
0x16b: {  	v41 =	vld [tilespmem:s9+$0xFFFFFFB0];
	v30 =	vadd.f32 v53, v10;
	v34 =	vadd.f32 v54, v52;
	v54 =	vbroadcast v19, $0x7  }
0x16c: {  	v44 =	vld [tilespmem:s10+$0xFFFFFFB0];
	v20 =	vadd.f32 v20, v59;
	v22 =	vmax.f32 v22, $0.0e+00;
	v48 =	vadd.f32 v25, v29  }
0x16d: {  	v25 =	vadd.f32 v49, v9;
	v26 =	vmax.f32 v26, $0.0e+00;
	v59 =	vbroadcast v19, $0x6  }
0x16e: {  	v29 =	vadd.f32 v50, v47;
	v35 =	vmul.f32 v54, v7;
	v22 =	vmul.f32 v22, v12  }
0x16f: {  	v55 =	vld [tilespmem:s9+$0xFFFFFF80];
	v23 =	vadd.f32 v23, v61;
	v26 =	vmul.f32 v26, v12;
	v32 =	vperm.xlane v20, v3  }
0x170: {  	v56 =	vld [tilespmem:s10+$0xFFFFFF80];
	v25 =	vadd.f32 v51, v25;
	v29 =	vadd.f32 v29, v30;
	v62 =	vmul.f32 v59, v4  }
0x171: {  	v49 =	vld [tilespmem:s9+$0xFFFFFFC0];
	v37 =	vmul.f32 v59, v5;
	v43 =	vmul.f32 v59, v6;
	v51 =	vadd.f32 v44, v41  }
0x172: {  	v50 =	vld [tilespmem:s10+$0xFFFFFFC0];
	v35 =	vadd.f32 v35, v11;
	v22 =	vadd.f32 v24, v22;
	v24 =	vmax.f32 v48, $0.0e+00  }
0x173: {  	v48 =	vmul.f32 v59, v7;
	v59 =	vmul.f32 v54, v5;
	v20 =	vadd.f32 v20, v32  }
0x174: {  	v38 =	vld [tilespmem:s10+$0xFFFFFFA0];
	v24 =	vmul.f32 v24, v15;
	v25 =	vmax.f32 v25, $0.0e+00;
	v32 =	vadd.f32 v57, v11  }
0x175: {  	v63 =	vld [tilespmem:s9+$0xFFFFFFA0];
	v29 =	vmax.f32 v29, $0.0e+00;
	v40 =	vadd.f32 v37, v9;
	v47 =	vadd.f32 v43, v10  }
0x176: {  	v22 =	vadd.f32 v27, v22;
	v25 =	vmul.f32 v25, v13;
	v27 =	vadd.f32 v56, v55  }
0x177: {  	v52 =	vld [tilespmem:s9+$0xFFFFFFD0];
	v57 =	vmul.f32 v54, v4;
	v30 =	vadd.f32 v50, v49;
	v32 =	vadd.f32 v34, v32  }
0x178: {  	v29 =	vmul.f32 v29, v14;
	v55 =	vld [tilespmem:s10+$0xFFFFFFD0];
	v45 =	vadd.f32 v39, v40;
	v61 =	vadd.f32 v25, v26  }
0x179: {  	v50 =	vbroadcast v19, $0x8;
	v22 =	vadd.f32 v24, v22;
	v25 =	vadd.f32 v62, v8  }
0x17a: {  	v26 =	vadd.f32 v38, v63;
	v42 =	vmax.f32 v32, $0.0e+00;
	v24 =	vadd.f32 v29, v61  }
0x17b: {  	v60 =	vld [tilespmem:s9+$0xFFFFFFE0];
	v29 =	vmul.f32 v42, v15;
	v25 =	vadd.f32 v27, v25;
	v46 =	vperm.xlane v22, v0  }
0x17c: {  	v37 =	vld [tilespmem:s9+$0x10];
	v27 =	vmax.f32 v45, $0.0e+00;
	v26 =	vadd.f32 v26, v47;
	v61 =	vadd.f32 v57, v8  }
0x17d: {  	v62 =	vld [tilespmem:s10+$0xFFFFFFE0];
	v47 =	vmul.f32 v54, v6;
	v27 =	vmul.f32 v27, v13;
	v33 =	vadd.f32 v55, v52  }
0x17e: {  	v38 =	vld [tilespmem:s10+$0x10];
	v24 =	vadd.f32 v29, v24;
	v25 =	vmax.f32 v25, $0.0e+00;
	v29 =	vadd.f32 v48, v11  }
0x17f: {  	v54 =	vld [tilespmem:s10+$0x20];
	v26 =	vmax.f32 v26, $0.0e+00;
	v28 =	vadd.f32 v22, v46;
	v22 =	vsel vm1, v21, v23  }
0x180: {  	v57 =	vld [tilespmem:s10+$0x30];
	v42 =	vadd.f32 v30, v61;
	v49 =	vadd.f32 v47, v10;
	v61 =	vmul.f32 v50, v6  }
0x181: {  	v52 =	vld [tilespmem:s9+$0x20];
	v25 =	vmul.f32 v25, v12;
	v26 =	vmul.f32 v26, v14;
	v22 =	vsel vm2, v22, v20  }
0x182: {  	v55 =	vld [tilespmem:s9+$0x30];
	v53 =	vperm.xlane v24, v0;
	v56 =	vadd.f32 v51, v29;
	v63 =	vperm.xlane v28, v1  }
0x183: {  	v45 =	vld [tilespmem:s9+$0x0];
	v23 =	vmax.f32 v42, $0.0e+00;
	v29 =	vadd.f32 v62, v60;
	v51 =	vmul.f32 v50, v4  }
0x184: {  	v48 =	vld [tilespmem:s10+$0x0];
	v62 =	vbroadcast v19, $0x9;
	v25 =	vadd.f32 v27, v25;
	v27 =	vadd.f32 v59, v9  }
0x185: {  	v43 =	vld [tilespmem:s10+$0xFFFFFFF0];
	v23 =	vmul.f32 v23, v12;
	v24 =	vadd.f32 v24, v53;
	v29 =	vadd.f32 v29, v49  }
0x186: {  	v40 =	vld [tilespmem:s9+$0xFFFFFFF0];
	v58 =	vmax.f32 v56, $0.0e+00;
	v31 =	vadd.f32 v51, v8;
	v56 =	vadd.f32 v38, v37  }
0x187: {  	v53 =	vmul.f32 v50, v5;
	v32 =	vadd.f32 v54, v52;
	v34 =	vadd.f32 v57, v55  }
0x188: {  	v25 =	vadd.f32 v26, v25;
	v26 =	vmul.f32 v58, v15;
	v27 =	vadd.f32 v33, v27  }
0x189: {  	v30 =	vadd.f32 v48, v45;
	v33 =	vmul.f32 v50, v7;
	v48 =	vmul.f32 v62, v5  }
0x18a: {  	v50 =	vmul.f32 v62, v6;
	v44 =	vperm.xlane v24, v1;
	v41 =	vadd.f32 v26, v25  }
0x18b: {  	v49 =	vld [tilespmem:s9+$0x70];
	v29 =	vmax.f32 v29, $0.0e+00;
	v26 =	vadd.f32 v28, v63;
	v25 =	vadd.f32 v43, v40  }
0x18c: {  	v51 =	vld [tilespmem:s10+$0x70];
	v27 =	vmax.f32 v27, $0.0e+00;
	v30 =	vadd.f32 v30, v31;
	v63 =	vadd.f32 v61, v10  }
0x18d: {  	v29 =	vmul.f32 v29, v14;
	v33 =	vadd.f32 v33, v11;
	v31 =	vadd.f32 v50, v10  }
0x18e: {  	v39 =	vld [tilespmem:s9+$0x50];
	v27 =	vmul.f32 v27, v13;
	v24 =	vadd.f32 v24, v44;
	v44 =	vmul.f32 v62, v4  }
0x18f: {  	v60 =	vld [tilespmem:s10+$0x40];
	v46 =	vperm.xlane v41, v0;
	v25 =	vadd.f32 v25, v35;
	v47 =	vadd.f32 v32, v63  }
0x190: {  	v59 =	vld [tilespmem:s9+$0x40];
	v30 =	vmax.f32 v30, $0.0e+00;
	v33 =	vadd.f32 v34, v33;
	v32 =	vadd.f32 v48, v9  }
0x191: {  	v40 =	vld [tilespmem:s10+$0x50];
	v34 =	vadd.f32 v51, v49;
	v23 =	vadd.f32 v27, v23;
	v30 =	vmul.f32 v30, v12  }
0x192: {  	v27 =	vadd.f32 v53, v9;
	v53 =	vmul.f32 v62, v7;
	v62 =	vperm.xlane v26, v2  }
0x193: {  	v63 =	vperm.xlane v24, v2;
	v21 =	vadd.f32 v41, v46;
	v25 =	vmax.f32 v25, $0.0e+00  }
0x194: {  	v45 =	vld [tilespmem:s10+$0x60];
	v46 =	vadd.f32 v44, v8;
	v33 =	vmax.f32 v33, $0.0e+00;
	v23 =	vadd.f32 v29, v23  }
0x195: {  	v41 =	vld [tilespmem:s9+$0x60];
	v27 =	vadd.f32 v56, v27;
	v25 =	vmul.f32 v25, v15;
	v29 =	vadd.f32 v60, v59  }
0x196: {  	v52 =	vadd.f32 v40, v39;
	v33 =	vmul.f32 v33, v15;
	v54 =	vadd.f32 v53, v11  }
0x197: {  	v26 =	vadd.f32 v26, v62;
	v24 =	vadd.f32 v24, v63;
	v58 =	vperm.xlane v21, v1  }
0x198: {  	v27 =	vmax.f32 v27, $0.0e+00;
	v29 =	vadd.f32 v29, v46;
	v32 =	vadd.f32 v52, v32  }
0x199: {  	v23 =	vadd.f32 v25, v23;
	v57 =	vadd.f32 v34, v54;
	v42 =	vperm.xlane v24, v3  }
0x19a: {  	v27 =	vmul.f32 v27, v13;
	v21 =	vadd.f32 v21, v58;
	v37 =	vadd.f32 v45, v41  }
0x19b: {  	v29 =	vmax.f32 v29, $0.0e+00;
	v32 =	vmax.f32 v32, $0.0e+00;
	v58 =	vperm.xlane v23, v0  }
0x19c: {  	v59 =	vmax.f32 v57, $0.0e+00;
	v41 =	vperm.xlane v26, v3;
	v24 =	vadd.f32 v24, v42  }
0x19d: {  	v42 =	vbroadcast v19, $0xB;
	v27 =	vadd.f32 v27, v30;
	v29 =	vmul.f32 v29, v12  }
0x19e: {  	v48 =	vld [tilespmem:s10+$0x90];
	v30 =	vmax.f32 v47, $0.0e+00;
	v55 =	vmul.f32 v32, v13;
	v61 =	vmul.f32 v59, v15  }
0x19f: {  	v45 =	vld [tilespmem:s9+$0x90];
	v36 =	vperm.xlane v21, v2;
	v47 =	vbroadcast v19, $0xA;
	v31 =	vadd.f32 v37, v31  }
0x1a0: {  	v30 =	vmul.f32 v30, v14;
	v23 =	vadd.f32 v23, v58;
	v26 =	vadd.f32 v26, v41  }
0x1a1: {  	v43 =	vld [tilespmem:s10+$0x80];
	v29 =	vadd.f32 v55, v29;
	v52 =	vmul.f32 v47, v4;
	v53 =	vmul.f32 v47, v5  }
0x1a2: {  	v40 =	vld [tilespmem:s9+$0x80];
	v21 =	vadd.f32 v21, v36;
	v63 =	vmul.f32 v47, v6;
	v32 =	vmul.f32 v47, v7  }
0x1a3: {  	v27 =	vadd.f32 v30, v27;
	v56 =	vmax.f32 v31, $0.0e+00;
	v37 =	vperm.xlane v23, v1  }
0x1a4: {  	v25 =	vmul.f32 v56, v14;
	v28 =	vadd.f32 v48, v45;
	v30 =	vadd.f32 v53, v9  }
0x1a5: {  	v54 =	vld [tilespmem:s9+$0xA0];
	v44 =	vperm.xlane v21, v3;
	v32 =	vadd.f32 v32, v11;
	v27 =	vadd.f32 v33, v27  }
0x1a6: {  	v36 =	vbroadcast v19, $0xC;
	v56 =	vld [tilespmem:s10+$0xA0];
	v23 =	vadd.f32 v23, v37;
	v25 =	vadd.f32 v25, v29  }
0x1a7: {  	v62 =	vld [tilespmem:s9+$0xC0];
	v26 =	vsel vm3, v22, v26;
	v34 =	vadd.f32 v21, v44;
	v29 =	vadd.f32 v43, v40  }
0x1a8: {  	v41 =	vld [tilespmem:s9+$0xD0];
	v60 =	vperm.xlane v27, v0;
	v46 =	vperm.xlane v23, v2;
	v25 =	vadd.f32 v61, v25  }
0x1a9: {  	v45 =	vmul.f32 v42, v4;
	v40 =	vld [tilespmem:s10+$0xC0];
	v61 =	vadd.f32 v28, v30;
	v30 =	vadd.f32 v63, v10  }
0x1aa: {  	v24 =	vsel vm4, v26, v24;
	v43 =	vld [tilespmem:s10+$0xD0];
	v27 =	vadd.f32 v27, v60;
	v51 =	vadd.f32 v23, v46  }
0x1ab: {  	v23 =	vadd.f32 v52, v8;
	v31 =	vadd.f32 v56, v54;
	v46 =	vmul.f32 v42, v5  }
0x1ac: {  	v24 =	vsel vm5, v24, v34;
	v56 =	vmul.f32 v42, v6;
	v39 =	vperm.xlane v25, v0  }
0x1ad: {  	v58 =	vld [tilespmem:s9+$0xB0];
	v38 =	vperm.xlane v27, v1;
	v23 =	vadd.f32 v29, v23;
	v30 =	vadd.f32 v31, v30  }
0x1ae: {  	v60 =	vld [tilespmem:s10+$0xB0];
	v55 =	vperm.xlane v51, v3;
	v28 =	vadd.f32 v40, v62;
	v31 =	vadd.f32 v45, v8  }
0x1af: {  	v37 =	vadd.f32 v43, v41;
	v40 =	vbroadcast v19, $0xE;
	v25 =	vadd.f32 v25, v39  }
0x1b0: {  	v47 =	vld [tilespmem:s9+$0xE0];
	v27 =	vadd.f32 v27, v38;
	v21 =	vadd.f32 v51, v55;
	v23 =	vmax.f32 v23, $0.0e+00  }
0x1b1: {  	v48 =	vld [tilespmem:s10+$0xE0];
	v30 =	vmax.f32 v30, $0.0e+00;
	v51 =	vadd.f32 v28, v31;
	v50 =	vperm.xlane v25, v1  }
0x1b2: {  	v31 =	vadd.f32 v56, v10;
	v23 =	vmul.f32 v23, v12;
	v49 =	vperm.xlane v27, v2  }
0x1b3: {  	v52 =	vld [tilespmem:s10+$0xF0];
	v29 =	vadd.f32 v60, v58;
	v30 =	vmul.f32 v30, v14;
	v60 =	vmul.f32 v42, v7  }
0x1b4: {  	v62 =	vld [tilespmem:s10+$0x110];
	v22 =	vmax.f32 v51, $0.0e+00;
	v25 =	vadd.f32 v25, v50;
	v27 =	vadd.f32 v27, v49  }
0x1b5: {  	v45 =	vld [tilespmem:s9+$0x120];
	v51 =	vmul.f32 v36, v6;
	v29 =	vadd.f32 v29, v32;
	v49 =	vadd.f32 v46, v9  }
0x1b6: {  	v32 =	vadd.f32 v48, v47;
	v48 =	vld [tilespmem:s10+$0x120];
	v59 =	vperm.xlane v25, v2;
	v57 =	vperm.xlane v27, v3  }
0x1b7: {  	v21 =	vsel vm6, v24, v21;
	v50 =	vld [tilespmem:s9+$0xF0];
	v58 =	vmul.f32 v22, v12;
	v54 =	vadd.f32 v37, v49  }
0x1b8: {  	v55 =	vld [tilespmem:s9+$0x100];
	v25 =	vadd.f32 v25, v59;
	v20 =	vadd.f32 v27, v57;
	v27 =	vmax.f32 v61, $0.0e+00  }
0x1b9: {  	v53 =	vmax.f32 v29, $0.0e+00;
	v29 =	vadd.f32 v60, v11;
	v57 =	vld [tilespmem:s10+$0x100];
	v27 =	vmul.f32 v27, v13  }
0x1ba: {  	v43 =	vadd.f32 v32, v31;
	v59 =	vmax.f32 v54, $0.0e+00;
	v61 =	vld [tilespmem:s9+$0x110];
	v44 =	vperm.xlane v25, v3  }
0x1bb: {  	v49 =	vld [tilespmem:s9+$0x140];
	v31 =	vadd.f32 v48, v45;
	v63 =	vmul.f32 v59, v13;
	v27 =	vadd.f32 v27, v23  }
0x1bc: {  	v28 =	vmul.f32 v53, v15;
	v53 =	vld [tilespmem:s10+$0x150];
	v23 =	vadd.f32 v25, v44;
	v25 =	vadd.f32 v52, v50  }
0x1bd: {  	v47 =	vmul.f32 v36, v5;
	v46 =	vadd.f32 v63, v58;
	v50 =	vld [tilespmem:s10+$0x140];
	v27 =	vadd.f32 v30, v27  }
0x1be: {  	v20 =	vsel vm7, v21, v20;
	v52 =	vld [tilespmem:s9+$0x150];
	v25 =	vadd.f32 v25, v29;
	v30 =	vadd.f32 v57, v55  }
0x1bf: {  	v44 =	vmul.f32 v36, v4;
	v33 =	vadd.f32 v62, v61;
	v29 =	vadd.f32 v47, v9  }
0x1c0: {  	v20 =	vsel vm8, v20, v23;
	v22 =	vadd.f32 v28, v27;
	v27 =	vmax.f32 v43, $0.0e+00  }
0x1c1: {  	v58 =	vld [tilespmem:s9+$0x160];
	v28 =	vadd.f32 v44, v8;
	v29 =	vadd.f32 v33, v29;
	v33 =	vbroadcast v19, $0xD  }
0x1c2: {  	v61 =	vld [tilespmem:s10+$0x160];
	v25 =	vmax.f32 v25, $0.0e+00;
	v19 =	vbroadcast v19, $0xF;
	v27 =	vmul.f32 v27, v14  }
0x1c3: {  	v56 =	vld [tilespmem:s10+$0x130];
	v25 =	vmul.f32 v25, v15;
	v35 =	vadd.f32 v50, v49;
	v59 =	vadd.f32 v53, v52  }
0x1c4: {  	v54 =	vld [tilespmem:s9+$0x130];
	v28 =	vadd.f32 v30, v28;
	v30 =	vadd.f32 v51, v10;
	v55 =	vmul.f32 v33, v4  }
0x1c5: {  	v29 =	vmax.f32 v29, $0.0e+00;
	v57 =	vmul.f32 v33, v5;
	v48 =	vmul.f32 v33, v6  }
0x1c6: {  	v47 =	vld [tilespmem:s9+$0x180];
	v53 =	vmul.f32 v33, v7;
	v39 =	vperm.xlane v22, v0;
	v27 =	vadd.f32 v27, v46  }
0x1c7: {  	v49 =	vld [tilespmem:s10+$0x180];
	v29 =	vmul.f32 v29, v13;
	v38 =	vadd.f32 v61, v58;
	v30 =	vadd.f32 v31, v30  }
0x1c8: {  	v45 =	vld [tilespmem:s10+$0x170];
	v46 =	vmul.f32 v36, v7;
	v37 =	vadd.f32 v55, v8;
	v60 =	vadd.f32 v57, v9  }
0x1c9: {  	v63 =	vld [tilespmem:s9+$0x170];
	v28 =	vmax.f32 v28, $0.0e+00;
	v31 =	vadd.f32 v56, v54;
	v36 =	vadd.f32 v48, v10  }
0x1ca: {  	v50 =	vld [tilespmem:s9+$0x190];
	v57 =	vmul.f32 v40, v5;
	v25 =	vadd.f32 v25, v27;
	v32 =	vadd.f32 v46, v11  }
0x1cb: {  	v51 =	vld [tilespmem:s10+$0x190];
	v28 =	vmul.f32 v28, v12;
	v44 =	vadd.f32 v35, v37;
	v26 =	vadd.f32 v59, v60  }
0x1cc: {  	v58 =	vld [tilespmem:s10+$0x1A0];
	v55 =	vmul.f32 v40, v4;
	v54 =	vadd.f32 v38, v36;
	v35 =	vadd.f32 v49, v47  }
0x1cd: {  	v61 =	vld [tilespmem:s10+$0x1B0];
	v43 =	vmax.f32 v30, $0.0e+00;
	v34 =	vadd.f32 v57, v9;
	v62 =	vadd.f32 v29, v28  }
0x1ce: {  	v56 =	vld [tilespmem:s9+$0x1A0];
	v57 =	vmul.f32 v19, v6;
	v52 =	vadd.f32 v31, v32;
	v28 =	vadd.f32 v45, v63  }
0x1cf: {  	v48 =	vld [tilespmem:s9+$0x1E0];
	v29 =	vmul.f32 v43, v14;
	v31 =	vadd.f32 v53, v11;
	v32 =	vadd.f32 v55, v8  }
0x1d0: {  	v46 =	vld [tilespmem:s9+$0x1D0];
	v60 =	vadd.f32 v51, v50;
	v45 =	vmul.f32 v40, v6;
	v30 =	vmax.f32 v44, $0.0e+00  }
0x1d1: {  	v59 =	vld [tilespmem:s9+$0x1B0];
	v53 =	vmul.f32 v19, v4;
	v26 =	vmax.f32 v26, $0.0e+00;
	v30 =	vmul.f32 v30, v12  }
0x1d2: {  	v47 =	vld [tilespmem:s10+$0x1D0];
	v26 =	vmul.f32 v26, v13;
	v27 =	vadd.f32 v29, v62;
	v28 =	vadd.f32 v28, v31  }
0x1d3: {  	v49 =	vld [tilespmem:s10+$0x1E0];
	v29 =	vmax.f32 v52, $0.0e+00;
	v62 =	vadd.f32 v35, v32;
	v43 =	vadd.f32 v60, v34  }
0x1d4: {  	v63 =	vld [tilespmem:s9+$0x1C0];
	v33 =	vadd.f32 v58, v56;
	v35 =	vadd.f32 v45, v10;
	v29 =	vmul.f32 v29, v15  }
0x1d5: {  	v44 =	vld [tilespmem:s10+$0x1C0];
	v26 =	vadd.f32 v26, v30;
	v30 =	vmax.f32 v54, $0.0e+00;
	v28 =	vmax.f32 v28, $0.0e+00  }
0x1d6: {  	v31 =	vmax.f32 v62, $0.0e+00;
	v51 =	vadd.f32 v33, v35;
	v52 =	vadd.f32 v61, v59  }
0x1d7: {  	v54 =	vmul.f32 v19, v5;
	v56 =	vadd.f32 v47, v46;
	v59 =	vadd.f32 v53, v8  }
0x1d8: {  	v55 =	vld [tilespmem:s9+$0x1F0];
	v61 =	vadd.f32 v49, v48;
	v62 =	vadd.f32 v57, v10;
	v30 =	vmul.f32 v30, v14  }
0x1d9: {  	v58 =	vld [tilespmem:s10+$0x1F0];
	v19 =	vmul.f32 v19, v7;
	v31 =	vmul.f32 v31, v12;
	v27 =	vadd.f32 v29, v27  }
0x1da: {  	v32 =	vadd.f32 v44, v63;
	v26 =	vadd.f32 v30, v26;
	v30 =	vmax.f32 v43, $0.0e+00  }
0x1db: {  	v60 =	vadd.f32 v54, v9;
	v23 =	vadd.f32 v61, v62;
	v30 =	vmul.f32 v30, v13  }
0x1dc: {  	v63 =	vmul.f32 v40, v7;
	v19 =	vadd.f32 v19, v11;
	v21 =	vadd.f32 v32, v59  }
0x1dd: {  	v28 =	vmul.f32 v28, v15;
	v50 =	vadd.f32 v30, v31;
	v31 =	vadd.f32 v56, v60  }
0x1de: {  	v36 =	vmax.f32 v51, $0.0e+00;
	v37 =	vadd.f32 v58, v55;
	v32 =	vadd.f32 v63, v11  }
0x1df: {  	v23 =	vmax.f32 v23, $0.0e+00;
	v21 =	vmax.f32 v21, $0.0e+00;
	v31 =	vmax.f32 v31, $0.0e+00  }
0x1e0: {  	v30 =	vadd.f32 v52, v32;
	v21 =	vmul.f32 v21, v12;
	v31 =	vmul.f32 v31, v13  }
0x1e1: {  	v26 =	vadd.f32 v28, v26;
	v28 =	vmul.f32 v36, v14;
	v19 =	vadd.f32 v37, v19  }
0x1e2: {  	v23 =	vmul.f32 v23, v14;
	v38 =	vmax.f32 v30, $0.0e+00;
	v21 =	vadd.f32 v31, v21  }
0x1e3: {  	v19 =	vmax.f32 v19, $0.0e+00;
	v24 =	vadd.f32 v28, v50;
	v28 =	vmul.f32 v38, v15  }
0x1e4: {  	v40 =	vperm.xlane v25, v0;
	v19 =	vmul.f32 v19, v15;
	v21 =	vadd.f32 v23, v21  }
0x1e5: {  	v22 =	vadd.f32 v22, v39;
	v41 =	vperm.xlane v27, v0;
	v24 =	vadd.f32 v28, v24  }
0x1e6: {  	v42 =	vperm.xlane v26, v0;
	v23 =	vadd.f32 v25, v40;
	v19 =	vadd.f32 v19, v21  }
0x1e7: {  	v43 =	vperm.xlane v22, v1;
	v27 =	vadd.f32 v27, v41;
	v28 =	vperm.xlane v24, v0  }
0x1e8: {  	v25 =	vadd.f32 v26, v42;
	v44 =	vperm.xlane v23, v1;
	v45 =	vperm.xlane v19, v0  }
0x1e9: {  	v46 =	vperm.xlane v27, v1;
	v21 =	vadd.f32 v22, v43;
	v24 =	vadd.f32 v24, v28  }
0x1ea: {  	v47 =	vperm.xlane v25, v1;
	v23 =	vadd.f32 v23, v44;
	v19 =	vadd.f32 v19, v45  }
0x1eb: {  	v22 =	vadd.f32 v27, v46;
	v48 =	vperm.xlane v21, v2;
	v49 =	vperm.xlane v24, v1  }
0x1ec: {  	v25 =	vadd.f32 v25, v47;
	v29 =	vperm.xlane v23, v2;
	v50 =	vperm.xlane v19, v1  }
0x1ed: {  	v51 =	vperm.xlane v22, v2;
	v21 =	vadd.f32 v21, v48;
	v24 =	vadd.f32 v24, v49  }
0x1ee: {  	v52 =	vperm.xlane v25, v2;
	v23 =	vadd.f32 v23, v29;
	v19 =	vadd.f32 v19, v50  }
0x1ef: {  	v22 =	vadd.f32 v22, v51;
	v53 =	vperm.xlane v21, v3;
	v54 =	vperm.xlane v24, v2  }
0x1f0: {  	v25 =	vadd.f32 v25, v52;
	v29 =	vperm.xlane v23, v3;
	v55 =	vperm.xlane v19, v2  }
0x1f1: {  	v56 =	vperm.xlane v22, v3;
	v21 =	vadd.f32 v21, v53;
	v24 =	vadd.f32 v24, v54  }
0x1f2: {  	v57 =	vld.idx.msk [tilespmem:v17+s7+$0x0 ss:$0x1], $0xffff;
	v58 =	vperm.xlane v25, v3;
	v23 =	vadd.f32 v23, v29;
	v19 =	vadd.f32 v19, v55  }
0x1f3: {  	v59 =	vld.idx.msk [tilespmem:v18+s7+$0x0 ss:$0x1], $0xffff;
	v22 =	vadd.f32 v22, v56;
	v20 =	vsel vm9, v20, v21;
	v60 =	vperm.xlane v24, v3  }
0x1f4: {  	v61 =	vadd.f32 v25, v58;
	v20 =	vsel vm10, v20, v23;
	v62 =	vperm.xlane v19, v3  }
0x1f5: {  	p0 =	sne.s32 s8, $0x3C0;
	v63 =	vadd.f32 v24, v60;
	v20 =	vsel vm11, v20, v22  }
.Ltmp1:
0x1f6: {  	v20 =	vsel vm12, v20, v61;
	v19 =	vadd.f32 v19, v62;
	(pc) =	sbr.rel @p0 .LBB2_5-.Ltmp1, $4  }
0x1f7: {  	v20 =	vsel vm13, v20, v63  }
0x1f8: {  	vm15 =	veq.s32 v57, v59;
	v19 =	vsel vm14, v20, v19  }
0x1f9: {  	v19 =	vsel vm15, $0xCE6E6B28, v19  }
0x1fa: {  	s8 =	sadd.s32 $0x40, s8;
	s9 =	sadd.s32 $0x400, s9;
	s10 =	sadd.s32 $0x400, s10;
	[tilespmem:s7+$0x17730] =	vst v19  }
0x1fb: {  	s0 =	sadd.s32 $0x1, s0  }
0x1fc: {  	p0 =	sne.s32 s0, $0x14  }
.Ltmp2:
0x1fd: {  	_ = 	snop;
	(pc) =	sbr.rel @p0 .LBB2_2-.Ltmp2, $4  }
0x1fe: {  	s7 =	sadd.s32 s4, s12  }
0x1ff: {  	s30 =	sadd.s32 $0x200, s30;
	s1 =	sadd.s32 $0x200, s1;
	s7 =	sshrl.u32 s7, $0x3  }
0x200: {  	s29 =	sadd.s32 $0x200, s29;
	s31 =	sadd.s32 $0x200, s31;
	s7 =	sadd.s32 s2, s7  }
0x201: {  	[hbm4b:s7+s3] =	stream.linear.scatter [tilespmem:s24], [sflag:$0x6], $0x100, $0x38;
	[tilespmem:$0x17830] =	vst v63  }
0x202: {  	s0 =	simm.s32 $0x5  }
0x203: {  	_ =	swait.ge [sflag:s0], $0x100  }
0x204: {  	[sflag:s0] =	ssyncset.done $0x0  }
0x205: {  	[sflag:s0] =	ssyncadd.s32 $0xFFFFFF00  }
0x206: {  	_ =	swait.ge [sflag:s26], $0x100  }
0x207: {  	s28 =	sadd.s32 $0x1, s28;
	s31 =	rddreg [dreg:$0x8]  }
0x208: {  	p0 =	sne.s32 s28, s31  }
.Ltmp3:
0x209: {  	_ = 	snop;
	(pc) =	sbr.rel @p0 .LBB2_1-.Ltmp3, $3  }
0x20a: {  	_ =	sdelay $0x1  }
0x20b: {  	[sflag:s26] =	ssyncset.done $0x0  }
0x20c: {  	[sflag:s26] =	ssyncadd.s32 $0xFFFFFF00  }
0x20d: {  	_ =	sfence.sel $0x180000  }
0x20e: {  	[bflag:$0x0] =	sbarrier.arrive $0xFFFF  }
0x20f: {  	_ =	strace $0x9000004D  }
0x210: {  	s0 =	stileid.u32;
	[bflag:$0x2] =	sbarrier.arrive $0xFFFF  }
0x211: {  	p0 =	sne.s32 s0, $0x0;
	s0 =	rddreg [dreg:$0x3]  }
0x212: {  	s0 =	sadd.s32 @!p0 $0x100000, s0  }
0x213: {  	[sflag:s0] =	ssyncadd.tile.s32 @!p0 $0x1;
	_ =	shalt  }
.Lfunc_end2:
_tile_overlayer_lowered:
.L_overlay_start_2:
0x214: {  	(tag) =	ssettag $0x2  }
0x215: {  	s0 =	rddreg [dreg:$0x0];
	s2 =	stileid.u32  }
0x216: {  	s1 =	rddreg [dreg:$0x1];
	p0 =	sne.s32 s2, $0x0  }
0x217: {  	s3 =	rddreg [dreg:$0x2];
	[bflag:$0x3] =	sbarrier.arrive $0xFFFF;
	s2 =	simm.s32 @!p0 $0x1C07  }
0x218: {  	[timem:s3], [sflag:s2] =	dma.local @!p0 [hbm:s0], s1  }
0x219: {  	s0 =	simm.s32 @!p0 $0x7  }
0x21a: {  	_ =	swait.ge @!p0 [sflag:s0], s1  }
0x21b: {  	s1 =	ssub.s32 @!p0 $0x0, s1;
	[sflag:s0] =	ssyncset.done @!p0 $0x0  }
0x21c: {  	[sflag:s0] =	ssyncadd.s32 @!p0 s1  }
0x21d: {  	[bflag:$0x3] =	sbarrier.arrive $0xFFFF  }
0x21e: {  	_ =	shalt  }

// kernel: kernel.7.cloned.1.call-start
scs
__scs_entry_jumppad:
0x0: {  	(pc) =	sbr.rel $0x88, $3  }
0x1: {  	(tag) =	ssettag $0x0;
	lr =	simm.s32 $0x1  }
0x2: {  	[smem:$0x3F8C] =	sst lr;
	_ =	strace $0xD0000000  }
0x3: {  	_ = 	snop  }
0x4: {  	_ = 	snop  }
0x5: {  	_ = 	snop  }
0x6: {  	_ = 	snop  }
0x7: {  	_ = 	snop  }
__scs_overlays_trampoline_lowered:
0x8: {  	[smem:$0x3F9B] =	sst s0  }
0x9: {  	[smem:$0x3F9C] =	sst s1  }
0xa: {  	[smem:$0x3F9D] =	sst s2  }
0xb: {  	[smem:$0x3F9E] =	sst s3  }
0xc: {  	[smem:$0x3F9F] =	sst s4  }
0xd: {  	[smem:$0x3FA0] =	sst s5  }
0xe: {  	[smem:$0x3FA1] =	sst s6  }
0xf: {  	[smem:$0x3FA2] =	sst s7  }
0x10: {  	[smem:$0x3FA3] =	sst s8  }
0x11: {  	[smem:$0x3FA4] =	sst s9;
	s0 =	simm.s32 @!p0 $0x0  }
0x12: {  	s1 =	sld [smem:$0x3F8A];
	s0 =	simm.s32 @p0 $0x1  }
0x13: {  	[smem:$0x3FA5] =	sst s0;
	s0 =	simm.s32 @!p1 $0x0  }
0x14: {  	s2 =	sld [smem:$0x3F89];
	s0 =	simm.s32 @p1 $0x1  }
0x15: {  	[smem:$0x3FA6] =	sst s0;
	s0 =	simm.s32 @!p2 $0x0  }
0x16: {  	s3 =	sld [smem:$0x3FDB];
	s0 =	simm.s32 @p2 $0x1  }
0x17: {  	s4 =	simm.s32 $0x1BF5;
	[smem:$0x3FA8] =	sst s0  }
0x18: {  	s0 =	sld [smem:$0x3F8B];
	_ =	swait.ge [sflag:s4], $0x0  }
0x19: {  	s7 =	sld [smem:$0x3F8C]  }
0x1a: {  	s8 =	sadd.s32 $0xFFFFE003, lr  }
0x1b: {  	s9 =	sadd.s32 $0xFFFFFEF7, lr;
	s5 =	simm.s32 $0xFFFFFFFF;
	p2 =	slt.u32 s8, $0xFFFFF086  }
0x1c: {  	p1 =	slt.u32 s9, $0xF7A;
	s5 =	simm.s32 @!p2 $0x0  }
0x1d: {  	s5 =	simm.s32 @p1 $0x1;
	p0 =	seq.s32 s7, s2  }
0x1e: {  	s7 =	smul.u32 @!p0 $0xF7A, s2;
	p2 =	seq.s32 @!p0 s5, $0x0  }
0x1f: {  	s9 =	smul.u32 $0xF7A, s1;
	s8 =	simm.s32 @!p0 $0x1BF5;
	p2 =	por !p2, p0  }
0x20: {  	[sflag:s8] =	ssyncset.s32 @!p0 $0xFFFFF086;
	s6 =	sadd.s32 @!p0 s3, s7;
	s7 =	simm.s32 @!p0 $0x108  }
0x21: {  	s3 =	sadd.s32 s3, s9;
	s6 =	sadd.s32 @!p0 $0x88, s6;
	s7 =	simm.s32 @p2 $0x1082  }
0x22: {  	[simem:s7], [sflag:s8] =	dma.local @!p0 [hbm:s6], $0xF7A  }
0x23: {  	s9 =	sor.u32 $0xD0000000, s2;
	s6 =	simm.s32 $0x108;
	_ =	swait.ge @!p0 [sflag:s8], $0x0  }
0x24: {  	s3 =	sadd.s32 $0x88, s3;
	s6 =	simm.s32 @!p1 $0x1082;
	[sflag:s4] =	ssyncset.s32 $0xFFFFF086  }
0x25: {  	[simem:s6], [sflag:s4] =	dma.local [hbm:s3], $0xF7A  }
0x26: {  	[smem:$0x3F8C] =	sst s1;
	(tag) =	ssettag s2;
	_ =	strace s9  }
0x27: {  	s1 =	sld [smem:$0x3F9C]  }
0x28: {  	s2 =	sld [smem:$0x3F9D]  }
0x29: {  	s4 =	sld [smem:$0x3F9F]  }
0x2a: {  	p0 =	seq.s32 s5, $0x0;
	s5 =	sld [smem:$0x3FA0]  }
0x2b: {  	s6 =	sld [smem:$0x3FA1]  }
0x2c: {  	s7 =	sld [smem:$0x3FA2]  }
0x2d: {  	s3 =	simm.s32 $0x108;
	s8 =	sld [smem:$0x3FA3]  }
0x2e: {  	s3 =	simm.s32 @!p0 $0x1082;
	s9 =	sld [smem:$0x3FA4]  }
0x2f: {  	lr =	sadd.s32 s0, s3;
	s0 =	sld [smem:$0x3F9B]  }
0x30: {  	s3 =	sld [smem:$0x3F9E]  }
0x31: {  	[smem:$0x3FA7] =	sst s10  }
0x32: {  	s10 =	sld [smem:$0x3FA5];
	_ =	sdelay $0x3  }
0x33: {  	p0 =	seq.s32 s10, $0x1;
	s10 =	sld [smem:$0x3FA7];
	_ =	sdelay $0x3  }
0x34: {  	[smem:$0x3FA7] =	sst s10  }
0x35: {  	s10 =	sld [smem:$0x3FA6];
	_ =	sdelay $0x3  }
0x36: {  	p1 =	seq.s32 s10, $0x1;
	s10 =	sld [smem:$0x3FA7];
	_ =	sdelay $0x3  }
0x37: {  	[smem:$0x3FA7] =	sst s10  }
0x38: {  	s10 =	sld [smem:$0x3FA8]  }
0x39: {  	_ = 	snop;
	(pc) =	sbr.ind lr, $3  }
0x3a: {  	_ = 	snop  }
0x3b: {  	_ = 	snop  }
0x3c: {  	p2 =	seq.s32 s10, $0x1;
	s10 =	sld [smem:$0x3FA7]  }
0x3d: {  	_ =	shalt  }
0x3e: {  	_ =	shalt  }
0x3f: {  	_ =	shalt  }
0x40: {  	_ =	shalt  }
0x41: {  	_ =	shalt  }
0x42: {  	_ =	shalt  }
0x43: {  	_ =	shalt  }
0x44: {  	_ =	shalt  }
0x45: {  	_ =	shalt  }
0x46: {  	_ =	shalt  }
0x47: {  	_ =	shalt  }
0x48: {  	_ =	shalt  }
0x49: {  	_ =	shalt  }
0x4a: {  	_ =	shalt  }
0x4b: {  	_ =	shalt  }
0x4c: {  	_ =	shalt  }
0x4d: {  	_ =	shalt  }
0x4e: {  	_ =	shalt  }
0x4f: {  	_ =	shalt  }
0x50: {  	_ =	shalt  }
0x51: {  	_ =	shalt  }
0x52: {  	_ =	shalt  }
0x53: {  	_ =	shalt  }
0x54: {  	_ =	shalt  }
0x55: {  	_ =	shalt  }
0x56: {  	_ =	shalt  }
0x57: {  	_ =	shalt  }
0x58: {  	_ =	shalt  }
0x59: {  	_ =	shalt  }
0x5a: {  	_ =	shalt  }
0x5b: {  	_ =	shalt  }
0x5c: {  	_ =	shalt  }
0x5d: {  	_ =	shalt  }
0x5e: {  	_ =	shalt  }
0x5f: {  	_ =	shalt  }
0x60: {  	_ =	shalt  }
0x61: {  	_ =	shalt  }
0x62: {  	_ =	shalt  }
0x63: {  	_ =	shalt  }
0x64: {  	_ =	shalt  }
0x65: {  	_ =	shalt  }
0x66: {  	_ =	shalt  }
0x67: {  	_ =	shalt  }
0x68: {  	_ =	shalt  }
0x69: {  	_ =	shalt  }
0x6a: {  	_ =	shalt  }
0x6b: {  	_ =	shalt  }
0x6c: {  	_ =	shalt  }
0x6d: {  	_ =	shalt  }
0x6e: {  	_ =	shalt  }
0x6f: {  	_ =	shalt  }
0x70: {  	_ =	shalt  }
0x71: {  	_ =	shalt  }
0x72: {  	_ =	shalt  }
0x73: {  	_ =	shalt  }
0x74: {  	_ =	shalt  }
0x75: {  	_ =	shalt  }
0x76: {  	_ =	shalt  }
0x77: {  	_ =	shalt  }
0x78: {  	_ =	shalt  }
0x79: {  	_ =	shalt  }
0x7a: {  	_ =	shalt  }
0x7b: {  	_ =	shalt  }
0x7c: {  	_ =	shalt  }
0x7d: {  	_ =	shalt  }
0x7e: {  	_ =	shalt  }
0x7f: {  	_ =	shalt  }
0x80: {  	_ =	shalt  }
0x81: {  	_ =	shalt  }
0x82: {  	_ =	shalt  }
0x83: {  	_ =	shalt  }
0x84: {  	_ =	shalt  }
0x85: {  	_ =	shalt  }
0x86: {  	_ =	shalt  }
0x87: {  	_ =	shalt  }
.Lfunc_end0:
.L_simem_size_0:
called_computation_lowered:
.L_overlay_start_0:
0x88: {  	s2 =	sld [smem:$0x3FD9]  }
0x89: {  	s3 =	sld [smem:$0x3FFE];
	_ =	sdelay $0x1  }
0x8a: {  	s1 =	srdreg.scid  }
0x8b: {  	s0 =	sand.u32 $0x1, s1  }
0x8c: {  	s16 =	sshll.u32 s0, $0xA;
	s2 =	sadd.s32 s3, s2  }
0x8d: {  	s2 =	sadd.s32 s2, s16  }
0x8e: {  	[smem:$0x3FB3] =	sst s2  }
0x8f: {  	_ = 	snop  }
0x90: {  	(tm) =	ssettm $0x1  }
0x91: {  	s17 =	sld [smem:$0x3FFB];
	_ =	sdelay $0x3  }
0x92: {  	_ =	strace s17  }
0x93: {  	s2 =	sld [smem:$0x3FFC];
	_ =	sdelay $0x3  }
0x94: {  	_ =	strace s2  }
0x95: {  	s2 =	sld [smem:$0x3FFD];
	_ =	sdelay $0x3  }
0x96: {  	_ =	strace s2  }
0x97: {  	_ =	strace $0x8FFFFFFF  }
0x98: {  	s18 =	sld [smem:$0x3FDB];
	_ =	sdelay $0x1  }
0x99: {  	s19 =	simm.s32 $_scs_section_size  }
0x9a: {  	s4 =	simm.s32 $_size__tile_overlayer_lowered;
	s5 =	simm.s32 $_tile_overlayer_lowered  }
0x9b: {  	s22 =	simm.s32 $0x1BFF;
	s21 =	sshll.u32 s5, $0x1;
	s2 =	sadd.s32 s19, s18  }
0x9c: {  	s6 =	simm.s32 $0x0;
	s20 =	sshll.u32 s4, $0x1;
	s4 =	sadd.s32 s21, s2  }
0x9d: {  	[timem:s6], [sflag:s22] =	dma.local [hbm:s4], s20  }
0x9e: {  	_ =	swait.ge [sflag:s22], s20  }
0x9f: {  	s3 =	ssub.s32 $0x0, s20;
	[sflag:s22] =	ssyncset.done $0x0  }
0xa0: {  	[sflag:s22] =	ssyncadd.s32 s3;
	_ =	sdelay $0x1  }
0xa1: {  	s23 =	simm.s32 $0x1B8B  }
0xa2: {  	_ =	swait.ge [sflag:s23], $0x1  }
0xa3: {  	[sflag:s23] =	ssyncset.done $0x0  }
0xa4: {  	s25 =	simm.s32 $0x1B8E;
	s24 =	sld [smem:$0x3FFE];
	[sflag:s23] =	ssyncadd.s32 $0xFFFFFFFF  }
0xa5: {  	s26 =	simm.s32 $execute0_lowered;
	[smem:$0x3FD2] =	sst s25  }
0xa6: {  	s4 =	sshll.u32 s26, $0x1;
	_ =	strace $0x80000046;
	[dreg:$0x1] =	wrdreg $0xFFFFFFFF  }
0xa7: {  	s28 =	simm.s32 $_size_execute0_lowered;
	s2 =	sadd.s32 s2, s4;
	[dreg:$0x0] =	wrdreg $0x0  }
0xa8: {  	s4 =	sshll.u32 s28, $0x1;
	[dreg:$0x2] =	wrdreg s2  }
0xa9: {  	[dreg:$0x3] =	wrdreg s4  }
0xaa: {  	[dreg:$0x4] =	wrdreg $0xC0  }
0xab: {  	_ =	task [dreg:s6], $0x5FFFF  }
0xac: {  	[dreg:$0x1] =	wrdreg $0xFFFFFFFF  }
0xad: {  	[dreg:$0x0] =	wrdreg $0x60  }
0xae: {  	[dreg:$0x2] =	wrdreg s24  }
0xaf: {  	[dreg:$0x3] =	wrdreg $0x96200  }
0xb0: {  	[dreg:$0x4] =	wrdreg $0x9  }
0xb1: {  	_ =	task.clear_ibuf [dreg:s6], $0x5FFFF;
	_ =	strace $0x90000046  }
0xb2: {  	s29 =	simm.s32 $0x9;
	_ =	strace $0x80000048  }
0xb3: {  	_ =	swait.ge [sflag:s29], $0x1  }
0xb4: {  	[sflag:s29] =	ssyncadd.s32 $0xFFFFFFFF  }
0xb5: {  	_ =	strace $0x90000048  }
0xb6: {  	_ =	sfence  }
0xb7: {  	s30 =	sld [smem:$0x0];
	_ =	sdelay $0x2  }
0xb8: {  	s31 =	sshll.u32 s1, $0xD;
	s1 =	sshrl.u32 s1, $0x2  }
0xb9: {  	s3 =	sand.u32 $0x4000, s31;
	s1 =	sadd.s32 s1, s30  }
0xba: {  	s0 =	sor.u32 s3, s0;
	s1 =	sshll.u32 s1, $0x11  }
0xbb: {  	s0 =	sor.u32 s1, s0  }
0xbc: {  	s0 =	sadd.s32 $0x8F2B, s0  }
0xbd: {  	[sflag:s0] =	ssyncadd.remote.s32 $0x1  }
0xbe: {  	_ =	sfence.sel $0xFFFF  }
0xbf: {  	[dreg:$0x0] =	wrdreg $0xFFFFFFFF;
	(pc) =	sbr.abs _section_cstart, $3  }
0xc0: {  	[dreg:$0x1] =	wrdreg $0xFFFFFFFF  }
0xc1: {  	_ =	task.clear_ibuf [dreg:s6], $0x2FFFF;
	_ =	strace $0x9FFFFFFF  }
0xc2: {  	(tm) =	ssettm $0x7FFFFFFF  }
0xc3: {  	_ =	shalt  }
tec
execute0_lowered:
.L_overlay_start_1:
0x0: {  	(tag) =	ssettag $0x1  }
0x1: {  	s1 =	rddreg [dreg:$0x0]  }
0x2: {  	s0 =	srdreg.scid;
	s2 =	rddreg [dreg:$0x1]  }
0x3: {  	s8 =	stileid.u32;
	s3 =	simm.s32 $0x0;
	s20 =	simm.s32 $0x5  }
0x4: {  	s21 =	simm.s32 $0x2710;
	s22 =	simm.s32 $0x40;
	s23 =	simm.s32 $0x1  }
0x5: {  	s24 =	simm.s32 $0x7220;
	s25 =	simm.s32 $0x2;
	s26 =	simm.s32 $0x3  }
0x6: {  	s30 =	simm.s32 $0x4;
	s31 =	simm.s32 $0x10;
	s28 =	simm.s32 $0x0  }
0x7: {  	s0 =	sand.u32 $0x1, s0;
	[smem:$0x7FF] =	sst s3;
	s6 =	smul.u32 $0x57E40, s8  }
0x8: {  	s16 =	smul.u32 $0x15F90, s8;
	s4 =	sshll.u32 s0, $0x4;
	_ =	strace $0x80000047  }
0x9: {  	s7 =	ssub.s32 $0x2, s0;
	p0 =	seq.s32 s0, $0x1;
	s0 =	simm.s32 $0x6EC00  }
0xa: {  	s4 =	sor.u32 s8, s4;
	s29 =	sshrl.u32 s7, $0x1;
	s6 =	sshrl.u32 s6, $0x2  }
0xb: {  	s0 =	simm.s32 @!p0 $0x42C00;
	s19 =	sshrl.u32 s16, $0x3;
	s5 =	smul.u32 $0x4E2, s4  }
0xc: {  	s4 =	sadd.s32 $0x16C00, s1;
	s18 =	ssub.s32 s7, s29;
	s14 =	sadd.s32 s6, s2  }
0xd: {  	s0 =	sadd.s32 s0, s1;
	s6 =	sadd.s32 $0x2400, s14;
	s7 =	sadd.s32 $0x4800, s14  }
.Ltmp0:
0xe: {  	s8 =	sadd.s32 $0x6C00, s14;
	s9 =	sadd.s32 $0x9000, s14;
	(pc) =	sbr.rel .LBB2_1-.Ltmp0, $4  }
0xf: {  	s10 =	sadd.s32 $0xB400, s14;
	s11 =	sadd.s32 $0xD800, s14;
	s12 =	sadd.s32 $0xFC00, s14  }
0x10: {  	s13 =	sadd.s32 $0x12000, s14;
	s14 =	sadd.s32 $0x14400, s14;
	s17 =	sadd.s32 s5, s1  }
0x11: {  	s5 =	sadd.s32 s16, s2;
	s15 =	sadd.s32 $0xCE00, s17;
	s16 =	sadd.s32 $0x3000, s17  }
0x12: {  	v0 =	vimm.f32 $0.0e+00;
	s17 =	smax.u32 s18, $0x1;
	s18 =	sadd.s32 s0, s19;
	s19 =	simm.s32 $0x4E20  }
.LBB2_6:
0x13: {  	[spmem:s2] =	stream.indirect.scatter.add.f32 [tilespmem:s24], [sflag:$0x4], $0x90, s1, s22, $0xb8;
	[tilespmem:$0x1F5B0] =	vst v63  }
0x14: {  	s0 =	simm.s32 $0x2700  }
0x15: {  	[tilespmem:s19], [sflag:$0x5] =	stream.indirect.gather [hbm4b:s4+s31], $0x90, s0, s31, $0xb8;
	[tilespmem:$0x1F5B0] =	vst v63  }
0x16: {  	_ =	swait.ge [sflag:s20], $0x900  }
0x17: {  	[sflag:s20] =	ssyncset.done $0x0  }
0x18: {  	s29 =	simm.s32 $0x4E10;
	[sflag:s20] =	ssyncadd.s32 $0xFFFFF700  }
0x19: {  	[spmem:s2] =	stream.indirect.scatter.add.f32 [tilespmem:s19], [sflag:$0x5], $0x90, s29, s31, $0xb8;
	[tilespmem:$0x1F5B0] =	vst v63  }
0x1a: {  	_ =	swait.ge [sflag:s20], $0x900  }
0x1b: {  	[sflag:s20] =	ssyncset.done $0x0  }
0x1c: {  	[sflag:s20] =	ssyncadd.s32 $0xFFFFF700  }
0x1d: {  	s1 =	stileid.u32;
	_ =	swait.ge [sflag:s30], $0x2400  }
0x1e: {  	s28 =	sadd.s32 $0x1, s28;
	s0 =	sshll.u32 s1, $0x6;
	[sflag:s30] =	ssyncset.done $0x0  }
0x1f: {  	p0 =	sne.s32 s28, s17;
	s0 =	sor.u32 $0x1C05, s0;
	[sflag:s30] =	ssyncadd.s32 $0xFFFFDC00  }
.Ltmp1:
0x20: {  	s29 =	sshrl.u32 s5, $0x3;
	[bflag:$0x0] =	sbarrier.arrive $0xFFFF;
	(pc) =	sbr.rel @!p0 .LBB2_7-.Ltmp1, $4  }
0x21: {  	[hbm:s18], [sflag:s0] =	dma.local [spmem:s29], $0x2BF2  }
0x22: {  	_ =	swait.ge [sflag:s20], $0x2BF2  }
0x23: {  	[sflag:s20] =	ssyncset.done $0x0  }
0x24: {  	[sflag:s20] =	ssyncadd.s32 $0xFFFFD40E  }
.LBB2_1:
0x25: {  	s29 =	simm.s32 $0x0;
	s0 =	simm.s32 $0x240  }
.LBB2_2:
0x26: {  	p0 =	sne.s32 s0, $0x8DC0;
	[tilespmem:s29+$0x4EA0] =	vst v0  }
0x27: {  	[tilespmem:s29+$0x4E20] =	vst v0  }
0x28: {  	[tilespmem:s29+$0x4E30] =	vst v0  }
0x29: {  	[tilespmem:s29+$0x4E40] =	vst v0  }
.Ltmp2:
0x2a: {  	[tilespmem:s29+$0x4E50] =	vst v0;
	(pc) =	sbr.rel @p0 .LBB2_2-.Ltmp2, $4  }
0x2b: {  	[tilespmem:s29+$0x4E60] =	vst v0  }
0x2c: {  	[tilespmem:s29+$0x4E70] =	vst v0  }
0x2d: {  	[tilespmem:s29+$0x4E80] =	vst v0  }
0x2e: {  	[tilespmem:s29+$0x4E90] =	vst v0;
	s29 =	sshra.s32 s0, $0x2;
	s0 =	sadd.s32 $0x240, s0  }
0x2f: {  	[tilespmem:s29+$0x4EA0] =	vst v0  }
0x30: {  	[tilespmem:s29+$0x4E20] =	vst v0  }
0x31: {  	[tilespmem:s29+$0x4E30] =	vst v0  }
0x32: {  	[tilespmem:s29+$0x4E40] =	vst v0  }
0x33: {  	[tilespmem:s29+$0x4E50] =	vst v0  }
0x34: {  	[tilespmem:s29+$0x4E60] =	vst v0  }
0x35: {  	[tilespmem:s29+$0x4E70] =	vst v0  }
0x36: {  	[tilespmem:s29+$0x4E80] =	vst v0  }
0x37: {  	[tilespmem:s29+$0x4E90] =	vst v0  }
0x38: {  	[spmem:s5] =	stream.linear.scatter [tilespmem:s19], [sflag:$0x5], $0x2400, $0x38;
	[tilespmem:$0x1F5B0] =	vst v63  }
0x39: {  	_ =	swait.ge [sflag:s20], $0x2400  }
0x3a: {  	[sflag:s20] =	ssyncset.done $0x0  }
0x3b: {  	[sflag:s20] =	ssyncadd.s32 $0xFFFFDC00  }
0x3c: {  	[spmem:s6] =	stream.linear.scatter [tilespmem:s19], [sflag:$0x5], $0x2400, $0x38;
	[tilespmem:$0x1F5B0] =	vst v63  }
0x3d: {  	_ =	swait.ge [sflag:s20], $0x2400  }
0x3e: {  	[sflag:s20] =	ssyncset.done $0x0  }
0x3f: {  	[sflag:s20] =	ssyncadd.s32 $0xFFFFDC00  }
0x40: {  	[spmem:s7] =	stream.linear.scatter [tilespmem:s19], [sflag:$0x5], $0x2400, $0x38;
	[tilespmem:$0x1F5B0] =	vst v63  }
0x41: {  	_ =	swait.ge [sflag:s20], $0x2400  }
0x42: {  	[sflag:s20] =	ssyncset.done $0x0  }
0x43: {  	[sflag:s20] =	ssyncadd.s32 $0xFFFFDC00  }
0x44: {  	[spmem:s8] =	stream.linear.scatter [tilespmem:s19], [sflag:$0x5], $0x2400, $0x38;
	[tilespmem:$0x1F5B0] =	vst v63  }
0x45: {  	_ =	swait.ge [sflag:s20], $0x2400  }
0x46: {  	[sflag:s20] =	ssyncset.done $0x0  }
0x47: {  	[sflag:s20] =	ssyncadd.s32 $0xFFFFDC00  }
0x48: {  	[spmem:s9] =	stream.linear.scatter [tilespmem:s19], [sflag:$0x5], $0x2400, $0x38;
	[tilespmem:$0x1F5B0] =	vst v63  }
0x49: {  	_ =	swait.ge [sflag:s20], $0x2400  }
0x4a: {  	[sflag:s20] =	ssyncset.done $0x0  }
0x4b: {  	[sflag:s20] =	ssyncadd.s32 $0xFFFFDC00  }
0x4c: {  	[spmem:s10] =	stream.linear.scatter [tilespmem:s19], [sflag:$0x5], $0x2400, $0x38;
	[tilespmem:$0x1F5B0] =	vst v63  }
0x4d: {  	_ =	swait.ge [sflag:s20], $0x2400  }
0x4e: {  	[sflag:s20] =	ssyncset.done $0x0  }
0x4f: {  	[sflag:s20] =	ssyncadd.s32 $0xFFFFDC00  }
0x50: {  	[spmem:s11] =	stream.linear.scatter [tilespmem:s19], [sflag:$0x5], $0x2400, $0x38;
	[tilespmem:$0x1F5B0] =	vst v63  }
0x51: {  	_ =	swait.ge [sflag:s20], $0x2400  }
0x52: {  	[sflag:s20] =	ssyncset.done $0x0  }
0x53: {  	[sflag:s20] =	ssyncadd.s32 $0xFFFFDC00  }
0x54: {  	[spmem:s12] =	stream.linear.scatter [tilespmem:s19], [sflag:$0x5], $0x2400, $0x38;
	[tilespmem:$0x1F5B0] =	vst v63  }
0x55: {  	_ =	swait.ge [sflag:s20], $0x2400  }
0x56: {  	[sflag:s20] =	ssyncset.done $0x0  }
0x57: {  	[sflag:s20] =	ssyncadd.s32 $0xFFFFDC00  }
0x58: {  	[spmem:s13] =	stream.linear.scatter [tilespmem:s19], [sflag:$0x5], $0x2400, $0x38;
	[tilespmem:$0x1F5B0] =	vst v63  }
0x59: {  	_ =	swait.ge [sflag:s20], $0x2400  }
0x5a: {  	[sflag:s20] =	ssyncset.done $0x0  }
0x5b: {  	[sflag:s20] =	ssyncadd.s32 $0xFFFFDC00  }
0x5c: {  	[spmem:s14] =	stream.linear.scatter [tilespmem:s19], [sflag:$0x5], $0x1B90, $0x38;
	[tilespmem:$0x1F5B0] =	vst v63  }
0x5d: {  	_ =	swait.ge [sflag:s20], $0x1B90  }
0x5e: {  	[sflag:s20] =	ssyncset.done $0x0  }
0x5f: {  	[sflag:s20] =	ssyncadd.s32 $0xFFFFE470  }
0x60: {  	[tilespmem:s3], [sflag:$0x5] =	stream.linear.gather [hbm4b:s15+s3], $0x2710, $0x38;
	[tilespmem:$0x1F5B0] =	vst v63  }
0x61: {  	_ =	swait.ge [sflag:s20], $0x2710  }
0x62: {  	[sflag:s20] =	ssyncset.done $0x0  }
0x63: {  	[sflag:s20] =	ssyncadd.s32 $0xFFFFD8F0  }
0x64: {  	[tilespmem:s21], [sflag:$0x5] =	stream.linear.gather [hbm4b:s16+s3], $0x2710, $0x38;
	[tilespmem:$0x1F5B0] =	vst v63  }
0x65: {  	_ =	swait.ge [sflag:s20], $0x2710  }
0x66: {  	[sflag:s20] =	ssyncset.done $0x0  }
0x67: {  	[sflag:s20] =	ssyncadd.s32 $0xFFFFD8F0  }
0x68: {  	[bflag:$0x0] =	sbarrier.arrive $0xFFFF  }
0x69: {  	[tilespmem:s19], [sflag:$0x1] =	stream.indirect.gather [hbm4b:s4+s22], $0x90, s3, s22, $0xb8;
	[tilespmem:$0x1F5B0] =	vst v63  }
0x6a: {  	_ =	swait.ge [sflag:s23], $0x2400  }
0x6b: {  	[sflag:s23] =	ssyncset.done $0x0  }
0x6c: {  	[sflag:s23] =	ssyncadd.s32 $0xFFFFDC00  }
0x6d: {  	[tilespmem:s24], [sflag:$0x2] =	stream.indirect.gather [hbm4b:s4+s22], $0x90, s22, s22, $0xb8;
	[tilespmem:$0x1F5B0] =	vst v63  }
0x6e: {  	_ = 	snop  }
0x6f: {  	[spmem:s2] =	stream.indirect.scatter.add.f32 [tilespmem:s19], [sflag:$0x3], $0x90, s21, s22, $0xb8;
	[tilespmem:$0x1F5B0] =	vst v63  }
0x70: {  	_ =	swait.ge [sflag:s25], $0x2400  }
0x71: {  	[sflag:s25] =	ssyncset.done $0x0  }
0x72: {  	[sflag:s25] =	ssyncadd.s32 $0xFFFFDC00  }
0x73: {  	_ =	swait.ge [sflag:s26], $0x2400  }
0x74: {  	[sflag:s26] =	ssyncset.done $0x0  }
0x75: {  	s0 =	simm.s32 $0x80;
	[sflag:s26] =	ssyncadd.s32 $0xFFFFDC00  }
0x76: {  	[tilespmem:s19], [sflag:$0x1] =	stream.indirect.gather [hbm4b:s4+s22], $0x90, s0, s22, $0xb8;
	[tilespmem:$0x1F5B0] =	vst v63  }
0x77: {  	s1 =	simm.s32 $0x2750;
	s29 =	simm.s32 $0xFFFF6800  }
0x78: {  	[spmem:s2] =	stream.indirect.scatter.add.f32 [tilespmem:s24], [sflag:$0x4], $0x90, s1, s22, $0xb8;
	[tilespmem:$0x1F5B0] =	vst v63  }
.LBB2_4:
0x79: {  	_ =	swait.ge [sflag:s23], $0x2400  }
0x7a: {  	[sflag:s23] =	ssyncset.done $0x0  }
0x7b: {  	[sflag:s23] =	ssyncadd.s32 $0xFFFFDC00  }
0x7c: {  	_ =	swait.ge [sflag:s30], $0x2400  }
0x7d: {  	s0 =	sshra.s32 s29, $0x2;
	[sflag:s30] =	ssyncset.done $0x0  }
0x7e: {  	s1 =	sadd.s32 $0x26C0, s0;
	[sflag:s30] =	ssyncadd.s32 $0xFFFFDC00  }
0x7f: {  	[tilespmem:s24], [sflag:$0x2] =	stream.indirect.gather [hbm4b:s4+s22], $0x90, s1, s22, $0xb8;
	[tilespmem:$0x1F5B0] =	vst v63  }
0x80: {  	s1 =	sadd.s32 $0x4D90, s0  }
0x81: {  	[spmem:s2] =	stream.indirect.scatter.add.f32 [tilespmem:s19], [sflag:$0x3], $0x90, s1, s22, $0xb8;
	[tilespmem:$0x1F5B0] =	vst v63  }
0x82: {  	p0 =	seq.s32 s29, $0x0;
	_ =	swait.ge [sflag:s25], $0x2400  }
.Ltmp3:
0x83: {  	[sflag:s25] =	ssyncset.done $0x0;
	(pc) =	sbr.rel @p0 .LBB2_6-.Ltmp3, $4  }
0x84: {  	[sflag:s25] =	ssyncadd.s32 $0xFFFFDC00  }
0x85: {  	_ =	swait.ge [sflag:s26], $0x2400  }
0x86: {  	[sflag:s26] =	ssyncset.done $0x0  }
0x87: {  	s1 =	sadd.s32 $0x4DD0, s0;
	[sflag:s26] =	ssyncadd.s32 $0xFFFFDC00  }
.Ltmp4:
0x88: {  	(pc) =	sbr.rel .LBB2_4-.Ltmp4, $4  }
0x89: {  	s0 =	sadd.s32 $0x2700, s0  }
0x8a: {  	[tilespmem:s19], [sflag:$0x1] =	stream.indirect.gather [hbm4b:s4+s22], $0x90, s0, s22, $0xb8;
	[tilespmem:$0x1F5B0] =	vst v63  }
0x8b: {  	s29 =	sadd.s32 $0x200, s29  }
0x8c: {  	[spmem:s2] =	stream.indirect.scatter.add.f32 [tilespmem:s24], [sflag:$0x4], $0x90, s1, s22, $0xb8;
	[tilespmem:$0x1F5B0] =	vst v63  }
.LBB2_7:
0x8d: {  	_ =	sfence.sel $0x180000  }
0x8e: {  	[bflag:$0x0] =	sbarrier.arrive $0xFFFF  }
0x8f: {  	_ =	strace $0x90000047  }
0x90: {  	s0 =	stileid.u32;
	[bflag:$0x2] =	sbarrier.arrive $0xFFFF  }
0x91: {  	p0 =	sne.s32 s0, $0x0;
	s0 =	rddreg [dreg:$0x2]  }
0x92: {  	s0 =	sadd.s32 @!p0 $0x100000, s0  }
0x93: {  	[sflag:s0] =	ssyncadd.tile.s32 @!p0 $0x1;
	_ =	shalt  }
.Lfunc_end2:
_tile_overlayer_lowered:
.L_overlay_start_2:
0x94: {  	(tag) =	ssettag $0x2  }
0x95: {  	s0 =	rddreg [dreg:$0x0];
	s2 =	stileid.u32  }
0x96: {  	s1 =	rddreg [dreg:$0x1];
	p0 =	sne.s32 s2, $0x0  }
0x97: {  	s3 =	rddreg [dreg:$0x2];
	[bflag:$0x3] =	sbarrier.arrive $0xFFFF;
	s2 =	simm.s32 @!p0 $0x1C05  }
0x98: {  	[timem:s3], [sflag:s2] =	dma.local @!p0 [hbm:s0], s1  }
0x99: {  	s0 =	simm.s32 @!p0 $0x5  }
0x9a: {  	_ =	swait.ge @!p0 [sflag:s0], s1  }
0x9b: {  	s1 =	ssub.s32 @!p0 $0x0, s1;
	[sflag:s0] =	ssyncset.done @!p0 $0x0  }
0x9c: {  	[sflag:s0] =	ssyncadd.s32 @!p0 s1  }
0x9d: {  	[bflag:$0x3] =	sbarrier.arrive $0xFFFF  }
0x9e: {  	_ =	shalt  }

</sc_bundles>
